<compile_context>
chip_gen: v7x
topology: tpu7x:2x2x1
jax: 0.10.2.dev20260603
libtpu: 0.0.44.dev20260713+nightly
codegen_flags: <defaults>
</compile_context>

<pallas_src>
import functools

import jax
import jax.numpy as jnp
from jax import lax
from jax.experimental import pallas as pl
from jax.experimental.pallas import tpu as pltpu
from jax.experimental.pallas import tpu_sc as plsc

_B = 16384
_NBINS = 30
_SC_BLOCKS = 31
_CHUNK = 256
_NW = 32



def _sc_body(s_rows, c, x_hbm, lab_hbm, out_hbm,
             buf0, buf1, lbuf0, lbuf1, staging, hist,
             sem0, sem1, lsem0, lsem1):
    cid = lax.axis_index("c")
    sid = lax.axis_index("s")
    wid = sid * 2 + cid
    w_rows = s_rows // _NW
    n_chunks = w_rows // _CHUNK
    row0 = wid * w_rows

    iota = lax.iota(jnp.int32, 16)
    zeros16 = jnp.zeros((16,), jnp.float32)
    for r in range(96):
        hist[pl.ds(16 * r, 16)] = zeros16

    bufs = (buf0, buf1)
    lbufs = (lbuf0, lbuf1)
    sems = (sem0, sem1)
    lsems = (lsem0, lsem1)

    def start_copy(t, par):
        base = row0 + t * _CHUNK
        pltpu.async_copy(x_hbm.at[pl.ds(base, _CHUNK), :], bufs[par],
                         sems[par])
        pltpu.async_copy(lab_hbm.at[pl.ds(base, _CHUNK)], lbufs[par],
                         lsems[par])

    def wait_copy(par):
        pltpu.make_async_copy(x_hbm.at[pl.ds(0, _CHUNK), :], bufs[par],
                              sems[par]).wait()
        pltpu.make_async_copy(lab_hbm.at[pl.ds(0, _CHUNK)], lbufs[par],
                              lsems[par]).wait()

    sbases = [16 * j for j in range(c // 16)]
    if c % 16:
        sbases.append(c - 16)
    iota16x = iota * 16

    def process(par):
        buf = bufs[par]
        lbuf = lbufs[par]

        def group16(g, carry):
            for r in range(16):
                row = 16 * g + r
                for b in sbases:
                    vj = buf[row, pl.ds(b, 16)]
                    plsc.store_scatter(staging, [iota16x + (16 * b + r)], vj)
            m = staging[pl.ds(0, 16)]
            am = jnp.zeros((16,), jnp.int32)
            for cls in range(1, c):
                w = staging[pl.ds(16 * cls, 16)]
                upd = w > m
                am = jnp.where(upd, cls, am)
                m = jnp.maximum(m, w)
            lab16 = lbuf[pl.ds(16 * g, 16)]
            acc16 = (am == lab16).astype(jnp.float32)
            y30 = m * 30.0
            tr = y30.astype(jnp.int32)
            bin16 = tr + jnp.where(tr.astype(jnp.float32) < y30, 1, 0) - 1
            bin16 = jnp.clip(bin16, 0, _NBINS - 1)
            base16 = iota * 96 + bin16
            plsc.addupdate_scatter(hist, [base16],
                                   jnp.full((16,), 1.0, jnp.float32))
            plsc.addupdate_scatter(hist, [base16 + 32], m)
            plsc.addupdate_scatter(hist, [base16 + 64], acc16)
            return carry

        lax.fori_loop(0, _CHUNK // 16, group16, 0)

    start_copy(0, 0)
    if n_chunks > 1:
        start_copy(1, 1)

    def chunk_pair(k, carry):
        t = k * 2
        wait_copy(0)

        @pl.when(t + 2 < n_chunks)
        def _s0():
            start_copy(t + 2, 0)

        process(0)
        wait_copy(1)

        @pl.when(t + 3 < n_chunks)
        def _s1():
            start_copy(t + 3, 1)

        process(1)
        return carry

    lax.fori_loop(0, n_chunks // 2, chunk_pair, 0)

    if n_chunks % 2:
        wait_copy((n_chunks - 1) % 2)
        process((n_chunks - 1) % 2)

    pltpu.sync_copy(hist, out_hbm.at[wid])


def _sc_partials(softmaxes, labels, s_rows, c):
    mesh = plsc.VectorSubcoreMesh(core_axis_name="c", subcore_axis_name="s")
    run = pl.kernel(
        functools.partial(_sc_body, s_rows, c),
        mesh=mesh,
        compiler_params=pltpu.CompilerParams(needs_layout_passes=False),
        out_type=jax.ShapeDtypeStruct((_NW, 1536), jnp.float32),
        scratch_types=[
            pltpu.VMEM((_CHUNK, c), jnp.float32),
            pltpu.VMEM((_CHUNK, c), jnp.float32),
            pltpu.VMEM((_CHUNK,), jnp.int32),
            pltpu.VMEM((_CHUNK,), jnp.int32),
            pltpu.VMEM((16 * c,), jnp.float32),
            pltpu.VMEM((1536,), jnp.float32),
            pltpu.SemaphoreType.DMA,
            pltpu.SemaphoreType.DMA,
            pltpu.SemaphoreType.DMA,
            pltpu.SemaphoreType.DMA,
        ],
    )
    return run(softmaxes, labels)



def _tc_body(nb, n, c, off, x_ref, lab_ref, out_ref, acc_ref):
    i = pl.program_id(0)

    @pl.when(i == 0)
    def _init():
        acc_ref[...] = jnp.zeros((3, 32), jnp.float32)

    x = x_ref[...]
    xt = x.T

    conf = jnp.max(xt, axis=0, keepdims=True)
    sub_iota = lax.broadcasted_iota(jnp.int32, (c, _B), 0)
    pred = jnp.min(jnp.where(xt == conf, sub_iota, c), axis=0,
                   keepdims=True)
    lab = lab_ref[0]
    accv = (pred == lab).astype(jnp.float32)
    binv = jnp.clip(jnp.ceil(conf * _NBINS).astype(jnp.int32) - 1,
                    0, _NBINS - 1)
    rows = lax.broadcasted_iota(jnp.int32, (1, _B), 1) + (i + off) * _B
    valid = rows < n

    bin_iota = lax.broadcasted_iota(jnp.int32, (32, _B), 0)
    m = ((binv == bin_iota) & valid).astype(jnp.float32)
    y = jnp.concatenate(
        [valid.astype(jnp.float32),
         jnp.where(valid, conf, 0.0),
         jnp.where(valid, accv, 0.0)], axis=0)
    s = lax.dot_general(y, m, (((1,), (1,)), ((), ())),
                        preferred_element_type=jnp.float32)
    acc_ref[...] += s

    @pl.when(i == nb - 1)
    def _fin():
        out_ref[...] = acc_ref[...]


def _tc_partials(softmaxes, lab_p, nb_tc, n, c, off):
    return pl.pallas_call(
        functools.partial(_tc_body, nb_tc, n, c, off),
        grid=(nb_tc,),
        in_specs=[
            pl.BlockSpec((_B, c), lambda i: (i + off, 0)),
            pl.BlockSpec((1, 1, _B), lambda i: (i + off, 0, 0)),
        ],
        out_specs=pl.BlockSpec((3, 32), lambda i: (0, 0)),
        out_shape=jax.ShapeDtypeStruct((3, 32), jnp.float32),
        scratch_shapes=[pltpu.VMEM((3, 32), jnp.float32)],
    )(softmaxes, lab_p)



def _fin_body(n, tc_ref, sc_ref, out_ref):
    sc = sc_ref[...]
    s = jnp.sum(sc, axis=0)
    tcm = tc_ref[...]
    cnt = s[0:32] + tcm[0, :]
    cs = s[32:64] + tcm[1, :]
    asum = s[64:96] + tcm[2, :]
    safe = jnp.maximum(cnt, 1.0)
    gap = jnp.abs(cs / safe - asum / safe)
    gap = jnp.where(cnt > 0.0, gap, 0.0)
    ece = jnp.sum(gap * cnt) / n
    out_ref[...] = jnp.broadcast_to(ece, (1, 1))



def kernel(softmaxes, labels):
    n, c = softmaxes.shape
    nb = pl.cdiv(n, _B)
    npad = nb * _B
    lab_p = jnp.pad(labels, (0, npad - n)).reshape(nb, 1, _B)

    s_rows = _SC_BLOCKS * _B
    sc_part = _sc_partials(softmaxes, labels, s_rows, c)
    tc_part = _tc_partials(softmaxes, lab_p, nb - _SC_BLOCKS, n, c,
                           _SC_BLOCKS)

    out = pl.pallas_call(
        functools.partial(_fin_body, n),
        grid=(1,),
        in_specs=[
            pl.BlockSpec((3, 32), lambda i: (0, 0)),
            pl.BlockSpec((_NW * 16, 96), lambda i: (0, 0)),
        ],
        out_specs=pl.BlockSpec((1, 1), lambda i: (0, 0)),
        out_shape=jax.ShapeDtypeStruct((1, 1), jnp.float32),
    )(tc_part, sc_part.reshape(_NW * 16, 96))
    return out.reshape(1)

# --- scband reference (transcript-rebuilt; emitter-appended) ---
"""Pipeline reference for scband-eceloss-80865644249832 (READ-ONLY COPY).

The authoritative reference and input builder live on the scoring server;
editing this copy changes nothing except your own understanding.
"""

import jax, jax.numpy as jnp
import numpy as np

N = 1000000
C = 100
N_BINS = 30

def setup_inputs(seed: int = 0) -> dict:
    key = jax.random.key(seed)
    k1, k2 = jax.random.split(key)
    logits = jax.random.normal(k1, (N, C), dtype=jnp.float32) * 2.0
    # module asserts rows sum to 1, so provide proper softmax outputs
    softmaxes = jax.nn.softmax(logits, axis=1)
    labels = jax.random.randint(k2, (N,), 0, C, dtype=jnp.int32)
    return {"softmaxes": softmaxes, "labels": labels}

def reference(softmaxes, labels):
    n_bins = N_BINS
    confidences = jnp.max(softmaxes, axis=1)
    predictions = jnp.argmax(softmaxes, axis=1)
    accuracies = (predictions == labels).astype(jnp.float32)
    # bin i covers (i/n_bins, (i+1)/n_bins]; ceil(c*n_bins)-1 reproduces gt(lower)&le(upper)
    bin_id = jnp.clip(jnp.ceil(confidences * n_bins).astype(jnp.int32) - 1, 0, n_bins - 1)
    n = confidences.shape[0]
    counts = jnp.zeros((n_bins,), jnp.float32).at[bin_id].add(1.0)
    conf_sum = jnp.zeros((n_bins,), jnp.float32).at[bin_id].add(confidences)
    acc_sum = jnp.zeros((n_bins,), jnp.float32).at[bin_id].add(accuracies)
    prop_in_bin = counts / n
    safe_counts = jnp.maximum(counts, 1.0)
    avg_conf = conf_sum / safe_counts
    avg_acc = acc_sum / safe_counts
    gap = jnp.where(counts > 0, jnp.abs(avg_conf - avg_acc), 0.0)
    ece = jnp.sum(gap * prop_in_bin)
    return ece.reshape(1)

if __name__ == "__main__":
    import jax
    _d = setup_inputs()
    print(jax.jit(kernel)(*tuple(_d.values())))

</pallas_src>

<mosaic_0001>
#map = affine_map<(d0, d1) -> (0, 0)>
#map1 = affine_map<(d0, d1) -> (0)>
module attributes {stable_mosaic.version = 14 : i64} {
  func.func @_sc_body(%arg0: i32, %arg1: i32, %arg2: memref<1000000x100xf32, #tpu.memory_space<hbm>>, %arg3: memref<1000000xi32, #tpu.memory_space<hbm>>, %arg4: memref<32x1536xf32, #tpu.memory_space<hbm>>, %arg5: memref<256x100xf32, #tpu.memory_space<vmem>>, %arg6: memref<256x100xf32, #tpu.memory_space<vmem>>, %arg7: memref<256xi32, #tpu.memory_space<vmem>>, %arg8: memref<256xi32, #tpu.memory_space<vmem>>, %arg9: memref<1600xf32, #tpu.memory_space<vmem>>, %arg10: memref<1536xf32, #tpu.memory_space<vmem>>, %arg11: memref<!tpu.dma_semaphore, #tpu.memory_space<semaphore_mem>>, %arg12: memref<!tpu.dma_semaphore, #tpu.memory_space<semaphore_mem>>, %arg13: memref<!tpu.dma_semaphore, #tpu.memory_space<semaphore_mem>>, %arg14: memref<!tpu.dma_semaphore, #tpu.memory_space<semaphore_mem>>) attributes {dimension_semantics = [#tpu.dimension_semantics<core_parallel>, #tpu.dimension_semantics<subcore_parallel>], iteration_bounds = array<i64: 2, 16>, scalar_prefetch = 0 : i64, scratch_operands = 10 : i64, tpu.core_type = #tpu.core_type<sc_vector_subcore>, window_params = [{transform_indices = #map}, {transform_indices = #map1}, {transform_indices = #map}]} {
    %mul3A = arith.constant 2 : i32
    %mul3A_0 = arith.muli %arg1, %mul3A : i32
    %add3A = arith.addi %mul3A_0, %arg0 : i32
    %mul3A_1 = arith.constant 15872 : i32
    %mul3A_2 = arith.muli %add3A, %mul3A_1 : i32
    %iota3A = tpu.iota {dimensions = array<i32: 0>} : vector<16xi32>
    %broadcast_in_dim3A = arith.constant 0.000000e+00 : f32
    %broadcast_in_dim3A_3 = vector.broadcast %broadcast_in_dim3A : f32 to vector<16xf32>
    %swap3A = arith.constant 0 : index
    %swap3A_4 = tpu.vector_load %arg10[%swap3A] {strides = array<i32>} : memref<1536xf32, #tpu.memory_space<vmem>>, vector<16xf32>,
    tpu.vector_store %arg10[%swap3A], %broadcast_in_dim3A_3 {strides = array<i32>} : memref<1536xf32, #tpu.memory_space<vmem>>, vector<16xf32>,
    %swap3A_5 = arith.constant 16 : index
    %swap3A_6 = tpu.vector_load %arg10[%swap3A_5] {strides = array<i32>} : memref<1536xf32, #tpu.memory_space<vmem>>, vector<16xf32>,
    tpu.vector_store %arg10[%swap3A_5], %broadcast_in_dim3A_3 {strides = array<i32>} : memref<1536xf32, #tpu.memory_space<vmem>>, vector<16xf32>,
    %swap3A_7 = arith.constant 32 : index
    %swap3A_8 = tpu.vector_load %arg10[%swap3A_7] {strides = array<i32>} : memref<1536xf32, #tpu.memory_space<vmem>>, vector<16xf32>,
    tpu.vector_store %arg10[%swap3A_7], %broadcast_in_dim3A_3 {strides = array<i32>} : memref<1536xf32, #tpu.memory_space<vmem>>, vector<16xf32>,
    %swap3A_9 = arith.constant 48 : index
    %swap3A_10 = tpu.vector_load %arg10[%swap3A_9] {strides = array<i32>} : memref<1536xf32, #tpu.memory_space<vmem>>, vector<16xf32>,
    tpu.vector_store %arg10[%swap3A_9], %broadcast_in_dim3A_3 {strides = array<i32>} : memref<1536xf32, #tpu.memory_space<vmem>>, vector<16xf32>,
    %swap3A_11 = arith.constant 64 : index
    %swap3A_12 = tpu.vector_load %arg10[%swap3A_11] {strides = array<i32>} : memref<1536xf32, #tpu.memory_space<vmem>>, vector<16xf32>,
    tpu.vector_store %arg10[%swap3A_11], %broadcast_in_dim3A_3 {strides = array<i32>} : memref<1536xf32, #tpu.memory_space<vmem>>, vector<16xf32>,
    %swap3A_13 = arith.constant 80 : index
    %swap3A_14 = tpu.vector_load %arg10[%swap3A_13] {strides = array<i32>} : memref<1536xf32, #tpu.memory_space<vmem>>, vector<16xf32>,
    tpu.vector_store %arg10[%swap3A_13], %broadcast_in_dim3A_3 {strides = array<i32>} : memref<1536xf32, #tpu.memory_space<vmem>>, vector<16xf32>,
    %swap3A_15 = arith.constant 96 : index
    %swap3A_16 = tpu.vector_load %arg10[%swap3A_15] {strides = array<i32>} : memref<1536xf32, #tpu.memory_space<vmem>>, vector<16xf32>,
    tpu.vector_store %arg10[%swap3A_15], %broadcast_in_dim3A_3 {strides = array<i32>} : memref<1536xf32, #tpu.memory_space<vmem>>, vector<16xf32>,
    %swap3A_17 = arith.constant 112 : index
    %swap3A_18 = tpu.vector_load %arg10[%swap3A_17] {strides = array<i32>} : memref<1536xf32, #tpu.memory_space<vmem>>, vector<16xf32>,
    tpu.vector_store %arg10[%swap3A_17], %broadcast_in_dim3A_3 {strides = array<i32>} : memref<1536xf32, #tpu.memory_space<vmem>>, vector<16xf32>,
    %swap3A_19 = arith.constant 128 : index
    %swap3A_20 = tpu.vector_load %arg10[%swap3A_19] {strides = array<i32>} : memref<1536xf32, #tpu.memory_space<vmem>>, vector<16xf32>,
    tpu.vector_store %arg10[%swap3A_19], %broadcast_in_dim3A_3 {strides = array<i32>} : memref<1536xf32, #tpu.memory_space<vmem>>, vector<16xf32>,
    %swap3A_21 = arith.constant 144 : index
    %swap3A_22 = tpu.vector_load %arg10[%swap3A_21] {strides = array<i32>} : memref<1536xf32, #tpu.memory_space<vmem>>, vector<16xf32>,
    tpu.vector_store %arg10[%swap3A_21], %broadcast_in_dim3A_3 {strides = array<i32>} : memref<1536xf32, #tpu.memory_space<vmem>>, vector<16xf32>,
    %swap3A_23 = arith.constant 160 : index
    %swap3A_24 = tpu.vector_load %arg10[%swap3A_23] {strides = array<i32>} : memref<1536xf32, #tpu.memory_space<vmem>>, vector<16xf32>,
    tpu.vector_store %arg10[%swap3A_23], %broadcast_in_dim3A_3 {strides = array<i32>} : memref<1536xf32, #tpu.memory_space<vmem>>, vector<16xf32>,
    %swap3A_25 = arith.constant 176 : index
    %swap3A_26 = tpu.vector_load %arg10[%swap3A_25] {strides = array<i32>} : memref<1536xf32, #tpu.memory_space<vmem>>, vector<16xf32>,
    tpu.vector_store %arg10[%swap3A_25], %broadcast_in_dim3A_3 {strides = array<i32>} : memref<1536xf32, #tpu.memory_space<vmem>>, vector<16xf32>,
    %swap3A_27 = arith.constant 192 : index
    %swap3A_28 = tpu.vector_load %arg10[%swap3A_27] {strides = array<i32>} : memref<1536xf32, #tpu.memory_space<vmem>>, vector<16xf32>,
    tpu.vector_store %arg10[%swap3A_27], %broadcast_in_dim3A_3 {strides = array<i32>} : memref<1536xf32, #tpu.memory_space<vmem>>, vector<16xf32>,
    %swap3A_29 = arith.constant 208 : index
    %swap3A_30 = tpu.vector_load %arg10[%swap3A_29] {strides = array<i32>} : memref<1536xf32, #tpu.memory_space<vmem>>, vector<16xf32>,
    tpu.vector_store %arg10[%swap3A_29], %broadcast_in_dim3A_3 {strides = array<i32>} : memref<1536xf32, #tpu.memory_space<vmem>>, vector<16xf32>,
    %swap3A_31 = arith.constant 224 : index
    %swap3A_32 = tpu.vector_load %arg10[%swap3A_31] {strides = array<i32>} : memref<1536xf32, #tpu.memory_space<vmem>>, vector<16xf32>,
    tpu.vector_store %arg10[%swap3A_31], %broadcast_in_dim3A_3 {strides = array<i32>} : memref<1536xf32, #tpu.memory_space<vmem>>, vector<16xf32>,
    %swap3A_33 = arith.constant 240 : index
    %swap3A_34 = tpu.vector_load %arg10[%swap3A_33] {strides = array<i32>} : memref<1536xf32, #tpu.memory_space<vmem>>, vector<16xf32>,
    tpu.vector_store %arg10[%swap3A_33], %broadcast_in_dim3A_3 {strides = array<i32>} : memref<1536xf32, #tpu.memory_space<vmem>>, vector<16xf32>,
    %swap3A_35 = arith.constant 256 : index
    %swap3A_36 = tpu.vector_load %arg10[%swap3A_35] {strides = array<i32>} : memref<1536xf32, #tpu.memory_space<vmem>>, vector<16xf32>,
    tpu.vector_store %arg10[%swap3A_35], %broadcast_in_dim3A_3 {strides = array<i32>} : memref<1536xf32, #tpu.memory_space<vmem>>, vector<16xf32>,
    %swap3A_37 = arith.constant 272 : index
    %swap3A_38 = tpu.vector_load %arg10[%swap3A_37] {strides = array<i32>} : memref<1536xf32, #tpu.memory_space<vmem>>, vector<16xf32>,
    tpu.vector_store %arg10[%swap3A_37], %broadcast_in_dim3A_3 {strides = array<i32>} : memref<1536xf32, #tpu.memory_space<vmem>>, vector<16xf32>,
    %swap3A_39 = arith.constant 288 : index
    %swap3A_40 = tpu.vector_load %arg10[%swap3A_39] {strides = array<i32>} : memref<1536xf32, #tpu.memory_space<vmem>>, vector<16xf32>,
    tpu.vector_store %arg10[%swap3A_39], %broadcast_in_dim3A_3 {strides = array<i32>} : memref<1536xf32, #tpu.memory_space<vmem>>, vector<16xf32>,
    %swap3A_41 = arith.constant 304 : index
    %swap3A_42 = tpu.vector_load %arg10[%swap3A_41] {strides = array<i32>} : memref<1536xf32, #tpu.memory_space<vmem>>, vector<16xf32>,
    tpu.vector_store %arg10[%swap3A_41], %broadcast_in_dim3A_3 {strides = array<i32>} : memref<1536xf32, #tpu.memory_space<vmem>>, vector<16xf32>,
    %swap3A_43 = arith.constant 320 : index
    %swap3A_44 = tpu.vector_load %arg10[%swap3A_43] {strides = array<i32>} : memref<1536xf32, #tpu.memory_space<vmem>>, vector<16xf32>,
    tpu.vector_store %arg10[%swap3A_43], %broadcast_in_dim3A_3 {strides = array<i32>} : memref<1536xf32, #tpu.memory_space<vmem>>, vector<16xf32>,
    %swap3A_45 = arith.constant 336 : index
    %swap3A_46 = tpu.vector_load %arg10[%swap3A_45] {strides = array<i32>} : memref<1536xf32, #tpu.memory_space<vmem>>, vector<16xf32>,
    tpu.vector_store %arg10[%swap3A_45], %broadcast_in_dim3A_3 {strides = array<i32>} : memref<1536xf32, #tpu.memory_space<vmem>>, vector<16xf32>,
    %swap3A_47 = arith.constant 352 : index
    %swap3A_48 = tpu.vector_load %arg10[%swap3A_47] {strides = array<i32>} : memref<1536xf32, #tpu.memory_space<vmem>>, vector<16xf32>,
    tpu.vector_store %arg10[%swap3A_47], %broadcast_in_dim3A_3 {strides = array<i32>} : memref<1536xf32, #tpu.memory_space<vmem>>, vector<16xf32>,
    %swap3A_49 = arith.constant 368 : index
    %swap3A_50 = tpu.vector_load %arg10[%swap3A_49] {strides = array<i32>} : memref<1536xf32, #tpu.memory_space<vmem>>, vector<16xf32>,
    tpu.vector_store %arg10[%swap3A_49], %broadcast_in_dim3A_3 {strides = array<i32>} : memref<1536xf32, #tpu.memory_space<vmem>>, vector<16xf32>,
    %swap3A_51 = arith.constant 384 : index
    %swap3A_52 = tpu.vector_load %arg10[%swap3A_51] {strides = array<i32>} : memref<1536xf32, #tpu.memory_space<vmem>>, vector<16xf32>,
    tpu.vector_store %arg10[%swap3A_51], %broadcast_in_dim3A_3 {strides = array<i32>} : memref<1536xf32, #tpu.memory_space<vmem>>, vector<16xf32>,
    %swap3A_53 = arith.constant 400 : index
    %swap3A_54 = tpu.vector_load %arg10[%swap3A_53] {strides = array<i32>} : memref<1536xf32, #tpu.memory_space<vmem>>, vector<16xf32>,
    tpu.vector_store %arg10[%swap3A_53], %broadcast_in_dim3A_3 {strides = array<i32>} : memref<1536xf32, #tpu.memory_space<vmem>>, vector<16xf32>,
    %swap3A_55 = arith.constant 416 : index
    %swap3A_56 = tpu.vector_load %arg10[%swap3A_55] {strides = array<i32>} : memref<1536xf32, #tpu.memory_space<vmem>>, vector<16xf32>,
    tpu.vector_store %arg10[%swap3A_55], %broadcast_in_dim3A_3 {strides = array<i32>} : memref<1536xf32, #tpu.memory_space<vmem>>, vector<16xf32>,
    %swap3A_57 = arith.constant 432 : index
    %swap3A_58 = tpu.vector_load %arg10[%swap3A_57] {strides = array<i32>} : memref<1536xf32, #tpu.memory_space<vmem>>, vector<16xf32>,
    tpu.vector_store %arg10[%swap3A_57], %broadcast_in_dim3A_3 {strides = array<i32>} : memref<1536xf32, #tpu.memory_space<vmem>>, vector<16xf32>,
    %swap3A_59 = arith.constant 448 : index
    %swap3A_60 = tpu.vector_load %arg10[%swap3A_59] {strides = array<i32>} : memref<1536xf32, #tpu.memory_space<vmem>>, vector<16xf32>,
    tpu.vector_store %arg10[%swap3A_59], %broadcast_in_dim3A_3 {strides = array<i32>} : memref<1536xf32, #tpu.memory_space<vmem>>, vector<16xf32>,
    %swap3A_61 = arith.constant 464 : index
    %swap3A_62 = tpu.vector_load %arg10[%swap3A_61] {strides = array<i32>} : memref<1536xf32, #tpu.memory_space<vmem>>, vector<16xf32>,
    tpu.vector_store %arg10[%swap3A_61], %broadcast_in_dim3A_3 {strides = array<i32>} : memref<1536xf32, #tpu.memory_space<vmem>>, vector<16xf32>,
    %swap3A_63 = arith.constant 480 : index
    %swap3A_64 = tpu.vector_load %arg10[%swap3A_63] {strides = array<i32>} : memref<1536xf32, #tpu.memory_space<vmem>>, vector<16xf32>,
    tpu.vector_store %arg10[%swap3A_63], %broadcast_in_dim3A_3 {strides = array<i32>} : memref<1536xf32, #tpu.memory_space<vmem>>, vector<16xf32>,
    %swap3A_65 = arith.constant 496 : index
    %swap3A_66 = tpu.vector_load %arg10[%swap3A_65] {strides = array<i32>} : memref<1536xf32, #tpu.memory_space<vmem>>, vector<16xf32>,
    tpu.vector_store %arg10[%swap3A_65], %broadcast_in_dim3A_3 {strides = array<i32>} : memref<1536xf32, #tpu.memory_space<vmem>>, vector<16xf32>,
    %swap3A_67 = arith.constant 512 : index
    %swap3A_68 = tpu.vector_load %arg10[%swap3A_67] {strides = array<i32>} : memref<1536xf32, #tpu.memory_space<vmem>>, vector<16xf32>,
    tpu.vector_store %arg10[%swap3A_67], %broadcast_in_dim3A_3 {strides = array<i32>} : memref<1536xf32, #tpu.memory_space<vmem>>, vector<16xf32>,
    %swap3A_69 = arith.constant 528 : index
    %swap3A_70 = tpu.vector_load %arg10[%swap3A_69] {strides = array<i32>} : memref<1536xf32, #tpu.memory_space<vmem>>, vector<16xf32>,
    tpu.vector_store %arg10[%swap3A_69], %broadcast_in_dim3A_3 {strides = array<i32>} : memref<1536xf32, #tpu.memory_space<vmem>>, vector<16xf32>,
    %swap3A_71 = arith.constant 544 : index
    %swap3A_72 = tpu.vector_load %arg10[%swap3A_71] {strides = array<i32>} : memref<1536xf32, #tpu.memory_space<vmem>>, vector<16xf32>,
    tpu.vector_store %arg10[%swap3A_71], %broadcast_in_dim3A_3 {strides = array<i32>} : memref<1536xf32, #tpu.memory_space<vmem>>, vector<16xf32>,
    %swap3A_73 = arith.constant 560 : index
    %swap3A_74 = tpu.vector_load %arg10[%swap3A_73] {strides = array<i32>} : memref<1536xf32, #tpu.memory_space<vmem>>, vector<16xf32>,
    tpu.vector_store %arg10[%swap3A_73], %broadcast_in_dim3A_3 {strides = array<i32>} : memref<1536xf32, #tpu.memory_space<vmem>>, vector<16xf32>,
    %swap3A_75 = arith.constant 576 : index
    %swap3A_76 = tpu.vector_load %arg10[%swap3A_75] {strides = array<i32>} : memref<1536xf32, #tpu.memory_space<vmem>>, vector<16xf32>,
    tpu.vector_store %arg10[%swap3A_75], %broadcast_in_dim3A_3 {strides = array<i32>} : memref<1536xf32, #tpu.memory_space<vmem>>, vector<16xf32>,
    %swap3A_77 = arith.constant 592 : index
    %swap3A_78 = tpu.vector_load %arg10[%swap3A_77] {strides = array<i32>} : memref<1536xf32, #tpu.memory_space<vmem>>, vector<16xf32>,
    tpu.vector_store %arg10[%swap3A_77], %broadcast_in_dim3A_3 {strides = array<i32>} : memref<1536xf32, #tpu.memory_space<vmem>>, vector<16xf32>,
    %swap3A_79 = arith.constant 608 : index
    %swap3A_80 = tpu.vector_load %arg10[%swap3A_79] {strides = array<i32>} : memref<1536xf32, #tpu.memory_space<vmem>>, vector<16xf32>,
    tpu.vector_store %arg10[%swap3A_79], %broadcast_in_dim3A_3 {strides = array<i32>} : memref<1536xf32, #tpu.memory_space<vmem>>, vector<16xf32>,
    %swap3A_81 = arith.constant 624 : index
    %swap3A_82 = tpu.vector_load %arg10[%swap3A_81] {strides = array<i32>} : memref<1536xf32, #tpu.memory_space<vmem>>, vector<16xf32>,
    tpu.vector_store %arg10[%swap3A_81], %broadcast_in_dim3A_3 {strides = array<i32>} : memref<1536xf32, #tpu.memory_space<vmem>>, vector<16xf32>,
    %swap3A_83 = arith.constant 640 : index
    %swap3A_84 = tpu.vector_load %arg10[%swap3A_83] {strides = array<i32>} : memref<1536xf32, #tpu.memory_space<vmem>>, vector<16xf32>,
    tpu.vector_store %arg10[%swap3A_83], %broadcast_in_dim3A_3 {strides = array<i32>} : memref<1536xf32, #tpu.memory_space<vmem>>, vector<16xf32>,
    %swap3A_85 = arith.constant 656 : index
    %swap3A_86 = tpu.vector_load %arg10[%swap3A_85] {strides = array<i32>} : memref<1536xf32, #tpu.memory_space<vmem>>, vector<16xf32>,
    tpu.vector_store %arg10[%swap3A_85], %broadcast_in_dim3A_3 {strides = array<i32>} : memref<1536xf32, #tpu.memory_space<vmem>>, vector<16xf32>,
    %swap3A_87 = arith.constant 672 : index
    %swap3A_88 = tpu.vector_load %arg10[%swap3A_87] {strides = array<i32>} : memref<1536xf32, #tpu.memory_space<vmem>>, vector<16xf32>,
    tpu.vector_store %arg10[%swap3A_87], %broadcast_in_dim3A_3 {strides = array<i32>} : memref<1536xf32, #tpu.memory_space<vmem>>, vector<16xf32>,
    %swap3A_89 = arith.constant 688 : index
    %swap3A_90 = tpu.vector_load %arg10[%swap3A_89] {strides = array<i32>} : memref<1536xf32, #tpu.memory_space<vmem>>, vector<16xf32>,
    tpu.vector_store %arg10[%swap3A_89], %broadcast_in_dim3A_3 {strides = array<i32>} : memref<1536xf32, #tpu.memory_space<vmem>>, vector<16xf32>,
    %swap3A_91 = arith.constant 704 : index
    %swap3A_92 = tpu.vector_load %arg10[%swap3A_91] {strides = array<i32>} : memref<1536xf32, #tpu.memory_space<vmem>>, vector<16xf32>,
    tpu.vector_store %arg10[%swap3A_91], %broadcast_in_dim3A_3 {strides = array<i32>} : memref<1536xf32, #tpu.memory_space<vmem>>, vector<16xf32>,
    %swap3A_93 = arith.constant 720 : index
    %swap3A_94 = tpu.vector_load %arg10[%swap3A_93] {strides = array<i32>} : memref<1536xf32, #tpu.memory_space<vmem>>, vector<16xf32>,
    tpu.vector_store %arg10[%swap3A_93], %broadcast_in_dim3A_3 {strides = array<i32>} : memref<1536xf32, #tpu.memory_space<vmem>>, vector<16xf32>,
    %swap3A_95 = arith.constant 736 : index
    %swap3A_96 = tpu.vector_load %arg10[%swap3A_95] {strides = array<i32>} : memref<1536xf32, #tpu.memory_space<vmem>>, vector<16xf32>,
    tpu.vector_store %arg10[%swap3A_95], %broadcast_in_dim3A_3 {strides = array<i32>} : memref<1536xf32, #tpu.memory_space<vmem>>, vector<16xf32>,
    %swap3A_97 = arith.constant 752 : index
    %swap3A_98 = tpu.vector_load %arg10[%swap3A_97] {strides = array<i32>} : memref<1536xf32, #tpu.memory_space<vmem>>, vector<16xf32>,
    tpu.vector_store %arg10[%swap3A_97], %broadcast_in_dim3A_3 {strides = array<i32>} : memref<1536xf32, #tpu.memory_space<vmem>>, vector<16xf32>,
    %swap3A_99 = arith.constant 768 : index
    %swap3A_100 = tpu.vector_load %arg10[%swap3A_99] {strides = array<i32>} : memref<1536xf32, #tpu.memory_space<vmem>>, vector<16xf32>,
    tpu.vector_store %arg10[%swap3A_99], %broadcast_in_dim3A_3 {strides = array<i32>} : memref<1536xf32, #tpu.memory_space<vmem>>, vector<16xf32>,
    %swap3A_101 = arith.constant 784 : index
    %swap3A_102 = tpu.vector_load %arg10[%swap3A_101] {strides = array<i32>} : memref<1536xf32, #tpu.memory_space<vmem>>, vector<16xf32>,
    tpu.vector_store %arg10[%swap3A_101], %broadcast_in_dim3A_3 {strides = array<i32>} : memref<1536xf32, #tpu.memory_space<vmem>>, vector<16xf32>,
    %swap3A_103 = arith.constant 800 : index
    %swap3A_104 = tpu.vector_load %arg10[%swap3A_103] {strides = array<i32>} : memref<1536xf32, #tpu.memory_space<vmem>>, vector<16xf32>,
    tpu.vector_store %arg10[%swap3A_103], %broadcast_in_dim3A_3 {strides = array<i32>} : memref<1536xf32, #tpu.memory_space<vmem>>, vector<16xf32>,
    %swap3A_105 = arith.constant 816 : index
    %swap3A_106 = tpu.vector_load %arg10[%swap3A_105] {strides = array<i32>} : memref<1536xf32, #tpu.memory_space<vmem>>, vector<16xf32>,
    tpu.vector_store %arg10[%swap3A_105], %broadcast_in_dim3A_3 {strides = array<i32>} : memref<1536xf32, #tpu.memory_space<vmem>>, vector<16xf32>,
    %swap3A_107 = arith.constant 832 : index
    %swap3A_108 = tpu.vector_load %arg10[%swap3A_107] {strides = array<i32>} : memref<1536xf32, #tpu.memory_space<vmem>>, vector<16xf32>,
    tpu.vector_store %arg10[%swap3A_107], %broadcast_in_dim3A_3 {strides = array<i32>} : memref<1536xf32, #tpu.memory_space<vmem>>, vector<16xf32>,
    %swap3A_109 = arith.constant 848 : index
    %swap3A_110 = tpu.vector_load %arg10[%swap3A_109] {strides = array<i32>} : memref<1536xf32, #tpu.memory_space<vmem>>, vector<16xf32>,
    tpu.vector_store %arg10[%swap3A_109], %broadcast_in_dim3A_3 {strides = array<i32>} : memref<1536xf32, #tpu.memory_space<vmem>>, vector<16xf32>,
    %swap3A_111 = arith.constant 864 : index
    %swap3A_112 = tpu.vector_load %arg10[%swap3A_111] {strides = array<i32>} : memref<1536xf32, #tpu.memory_space<vmem>>, vector<16xf32>,
    tpu.vector_store %arg10[%swap3A_111], %broadcast_in_dim3A_3 {strides = array<i32>} : memref<1536xf32, #tpu.memory_space<vmem>>, vector<16xf32>,
    %swap3A_113 = arith.constant 880 : index
    %swap3A_114 = tpu.vector_load %arg10[%swap3A_113] {strides = array<i32>} : memref<1536xf32, #tpu.memory_space<vmem>>, vector<16xf32>,
    tpu.vector_store %arg10[%swap3A_113], %broadcast_in_dim3A_3 {strides = array<i32>} : memref<1536xf32, #tpu.memory_space<vmem>>, vector<16xf32>,
    %swap3A_115 = arith.constant 896 : index
    %swap3A_116 = tpu.vector_load %arg10[%swap3A_115] {strides = array<i32>} : memref<1536xf32, #tpu.memory_space<vmem>>, vector<16xf32>,
    tpu.vector_store %arg10[%swap3A_115], %broadcast_in_dim3A_3 {strides = array<i32>} : memref<1536xf32, #tpu.memory_space<vmem>>, vector<16xf32>,
    %swap3A_117 = arith.constant 912 : index
    %swap3A_118 = tpu.vector_load %arg10[%swap3A_117] {strides = array<i32>} : memref<1536xf32, #tpu.memory_space<vmem>>, vector<16xf32>,
    tpu.vector_store %arg10[%swap3A_117], %broadcast_in_dim3A_3 {strides = array<i32>} : memref<1536xf32, #tpu.memory_space<vmem>>, vector<16xf32>,
    %swap3A_119 = arith.constant 928 : index
    %swap3A_120 = tpu.vector_load %arg10[%swap3A_119] {strides = array<i32>} : memref<1536xf32, #tpu.memory_space<vmem>>, vector<16xf32>,
    tpu.vector_store %arg10[%swap3A_119], %broadcast_in_dim3A_3 {strides = array<i32>} : memref<1536xf32, #tpu.memory_space<vmem>>, vector<16xf32>,
    %swap3A_121 = arith.constant 944 : index
    %swap3A_122 = tpu.vector_load %arg10[%swap3A_121] {strides = array<i32>} : memref<1536xf32, #tpu.memory_space<vmem>>, vector<16xf32>,
    tpu.vector_store %arg10[%swap3A_121], %broadcast_in_dim3A_3 {strides = array<i32>} : memref<1536xf32, #tpu.memory_space<vmem>>, vector<16xf32>,
    %swap3A_123 = arith.constant 960 : index
    %swap3A_124 = tpu.vector_load %arg10[%swap3A_123] {strides = array<i32>} : memref<1536xf32, #tpu.memory_space<vmem>>, vector<16xf32>,
    tpu.vector_store %arg10[%swap3A_123], %broadcast_in_dim3A_3 {strides = array<i32>} : memref<1536xf32, #tpu.memory_space<vmem>>, vector<16xf32>,
    %swap3A_125 = arith.constant 976 : index
    %swap3A_126 = tpu.vector_load %arg10[%swap3A_125] {strides = array<i32>} : memref<1536xf32, #tpu.memory_space<vmem>>, vector<16xf32>,
    tpu.vector_store %arg10[%swap3A_125], %broadcast_in_dim3A_3 {strides = array<i32>} : memref<1536xf32, #tpu.memory_space<vmem>>, vector<16xf32>,
    %swap3A_127 = arith.constant 992 : index
    %swap3A_128 = tpu.vector_load %arg10[%swap3A_127] {strides = array<i32>} : memref<1536xf32, #tpu.memory_space<vmem>>, vector<16xf32>,
    tpu.vector_store %arg10[%swap3A_127], %broadcast_in_dim3A_3 {strides = array<i32>} : memref<1536xf32, #tpu.memory_space<vmem>>, vector<16xf32>,
    %swap3A_129 = arith.constant 1008 : index
    %swap3A_130 = tpu.vector_load %arg10[%swap3A_129] {strides = array<i32>} : memref<1536xf32, #tpu.memory_space<vmem>>, vector<16xf32>,
    tpu.vector_store %arg10[%swap3A_129], %broadcast_in_dim3A_3 {strides = array<i32>} : memref<1536xf32, #tpu.memory_space<vmem>>, vector<16xf32>,
    %swap3A_131 = arith.constant 1024 : index
    %swap3A_132 = tpu.vector_load %arg10[%swap3A_131] {strides = array<i32>} : memref<1536xf32, #tpu.memory_space<vmem>>, vector<16xf32>,
    tpu.vector_store %arg10[%swap3A_131], %broadcast_in_dim3A_3 {strides = array<i32>} : memref<1536xf32, #tpu.memory_space<vmem>>, vector<16xf32>,
    %swap3A_133 = arith.constant 1040 : index
    %swap3A_134 = tpu.vector_load %arg10[%swap3A_133] {strides = array<i32>} : memref<1536xf32, #tpu.memory_space<vmem>>, vector<16xf32>,
    tpu.vector_store %arg10[%swap3A_133], %broadcast_in_dim3A_3 {strides = array<i32>} : memref<1536xf32, #tpu.memory_space<vmem>>, vector<16xf32>,
    %swap3A_135 = arith.constant 1056 : index
    %swap3A_136 = tpu.vector_load %arg10[%swap3A_135] {strides = array<i32>} : memref<1536xf32, #tpu.memory_space<vmem>>, vector<16xf32>,
    tpu.vector_store %arg10[%swap3A_135], %broadcast_in_dim3A_3 {strides = array<i32>} : memref<1536xf32, #tpu.memory_space<vmem>>, vector<16xf32>,
    %swap3A_137 = arith.constant 1072 : index
    %swap3A_138 = tpu.vector_load %arg10[%swap3A_137] {strides = array<i32>} : memref<1536xf32, #tpu.memory_space<vmem>>, vector<16xf32>,
    tpu.vector_store %arg10[%swap3A_137], %broadcast_in_dim3A_3 {strides = array<i32>} : memref<1536xf32, #tpu.memory_space<vmem>>, vector<16xf32>,
    %swap3A_139 = arith.constant 1088 : index
    %swap3A_140 = tpu.vector_load %arg10[%swap3A_139] {strides = array<i32>} : memref<1536xf32, #tpu.memory_space<vmem>>, vector<16xf32>,
    tpu.vector_store %arg10[%swap3A_139], %broadcast_in_dim3A_3 {strides = array<i32>} : memref<1536xf32, #tpu.memory_space<vmem>>, vector<16xf32>,
    %swap3A_141 = arith.constant 1104 : index
    %swap3A_142 = tpu.vector_load %arg10[%swap3A_141] {strides = array<i32>} : memref<1536xf32, #tpu.memory_space<vmem>>, vector<16xf32>,
    tpu.vector_store %arg10[%swap3A_141], %broadcast_in_dim3A_3 {strides = array<i32>} : memref<1536xf32, #tpu.memory_space<vmem>>, vector<16xf32>,
    %swap3A_143 = arith.constant 1120 : index
    %swap3A_144 = tpu.vector_load %arg10[%swap3A_143] {strides = array<i32>} : memref<1536xf32, #tpu.memory_space<vmem>>, vector<16xf32>,
    tpu.vector_store %arg10[%swap3A_143], %broadcast_in_dim3A_3 {strides = array<i32>} : memref<1536xf32, #tpu.memory_space<vmem>>, vector<16xf32>,
    %swap3A_145 = arith.constant 1136 : index
    %swap3A_146 = tpu.vector_load %arg10[%swap3A_145] {strides = array<i32>} : memref<1536xf32, #tpu.memory_space<vmem>>, vector<16xf32>,
    tpu.vector_store %arg10[%swap3A_145], %broadcast_in_dim3A_3 {strides = array<i32>} : memref<1536xf32, #tpu.memory_space<vmem>>, vector<16xf32>,
    %swap3A_147 = arith.constant 1152 : index
    %swap3A_148 = tpu.vector_load %arg10[%swap3A_147] {strides = array<i32>} : memref<1536xf32, #tpu.memory_space<vmem>>, vector<16xf32>,
    tpu.vector_store %arg10[%swap3A_147], %broadcast_in_dim3A_3 {strides = array<i32>} : memref<1536xf32, #tpu.memory_space<vmem>>, vector<16xf32>,
    %swap3A_149 = arith.constant 1168 : index
    %swap3A_150 = tpu.vector_load %arg10[%swap3A_149] {strides = array<i32>} : memref<1536xf32, #tpu.memory_space<vmem>>, vector<16xf32>,
    tpu.vector_store %arg10[%swap3A_149], %broadcast_in_dim3A_3 {strides = array<i32>} : memref<1536xf32, #tpu.memory_space<vmem>>, vector<16xf32>,
    %swap3A_151 = arith.constant 1184 : index
    %swap3A_152 = tpu.vector_load %arg10[%swap3A_151] {strides = array<i32>} : memref<1536xf32, #tpu.memory_space<vmem>>, vector<16xf32>,
    tpu.vector_store %arg10[%swap3A_151], %broadcast_in_dim3A_3 {strides = array<i32>} : memref<1536xf32, #tpu.memory_space<vmem>>, vector<16xf32>,
    %swap3A_153 = arith.constant 1200 : index
    %swap3A_154 = tpu.vector_load %arg10[%swap3A_153] {strides = array<i32>} : memref<1536xf32, #tpu.memory_space<vmem>>, vector<16xf32>,
    tpu.vector_store %arg10[%swap3A_153], %broadcast_in_dim3A_3 {strides = array<i32>} : memref<1536xf32, #tpu.memory_space<vmem>>, vector<16xf32>,
    %swap3A_155 = arith.constant 1216 : index
    %swap3A_156 = tpu.vector_load %arg10[%swap3A_155] {strides = array<i32>} : memref<1536xf32, #tpu.memory_space<vmem>>, vector<16xf32>,
    tpu.vector_store %arg10[%swap3A_155], %broadcast_in_dim3A_3 {strides = array<i32>} : memref<1536xf32, #tpu.memory_space<vmem>>, vector<16xf32>,
    %swap3A_157 = arith.constant 1232 : index
    %swap3A_158 = tpu.vector_load %arg10[%swap3A_157] {strides = array<i32>} : memref<1536xf32, #tpu.memory_space<vmem>>, vector<16xf32>,
    tpu.vector_store %arg10[%swap3A_157], %broadcast_in_dim3A_3 {strides = array<i32>} : memref<1536xf32, #tpu.memory_space<vmem>>, vector<16xf32>,
    %swap3A_159 = arith.constant 1248 : index
    %swap3A_160 = tpu.vector_load %arg10[%swap3A_159] {strides = array<i32>} : memref<1536xf32, #tpu.memory_space<vmem>>, vector<16xf32>,
    tpu.vector_store %arg10[%swap3A_159], %broadcast_in_dim3A_3 {strides = array<i32>} : memref<1536xf32, #tpu.memory_space<vmem>>, vector<16xf32>,
    %swap3A_161 = arith.constant 1264 : index
    %swap3A_162 = tpu.vector_load %arg10[%swap3A_161] {strides = array<i32>} : memref<1536xf32, #tpu.memory_space<vmem>>, vector<16xf32>,
    tpu.vector_store %arg10[%swap3A_161], %broadcast_in_dim3A_3 {strides = array<i32>} : memref<1536xf32, #tpu.memory_space<vmem>>, vector<16xf32>,
    %swap3A_163 = arith.constant 1280 : index
    %swap3A_164 = tpu.vector_load %arg10[%swap3A_163] {strides = array<i32>} : memref<1536xf32, #tpu.memory_space<vmem>>, vector<16xf32>,
    tpu.vector_store %arg10[%swap3A_163], %broadcast_in_dim3A_3 {strides = array<i32>} : memref<1536xf32, #tpu.memory_space<vmem>>, vector<16xf32>,
    %swap3A_165 = arith.constant 1296 : index
    %swap3A_166 = tpu.vector_load %arg10[%swap3A_165] {strides = array<i32>} : memref<1536xf32, #tpu.memory_space<vmem>>, vector<16xf32>,
    tpu.vector_store %arg10[%swap3A_165], %broadcast_in_dim3A_3 {strides = array<i32>} : memref<1536xf32, #tpu.memory_space<vmem>>, vector<16xf32>,
    %swap3A_167 = arith.constant 1312 : index
    %swap3A_168 = tpu.vector_load %arg10[%swap3A_167] {strides = array<i32>} : memref<1536xf32, #tpu.memory_space<vmem>>, vector<16xf32>,
    tpu.vector_store %arg10[%swap3A_167], %broadcast_in_dim3A_3 {strides = array<i32>} : memref<1536xf32, #tpu.memory_space<vmem>>, vector<16xf32>,
    %swap3A_169 = arith.constant 1328 : index
    %swap3A_170 = tpu.vector_load %arg10[%swap3A_169] {strides = array<i32>} : memref<1536xf32, #tpu.memory_space<vmem>>, vector<16xf32>,
    tpu.vector_store %arg10[%swap3A_169], %broadcast_in_dim3A_3 {strides = array<i32>} : memref<1536xf32, #tpu.memory_space<vmem>>, vector<16xf32>,
    %swap3A_171 = arith.constant 1344 : index
    %swap3A_172 = tpu.vector_load %arg10[%swap3A_171] {strides = array<i32>} : memref<1536xf32, #tpu.memory_space<vmem>>, vector<16xf32>,
    tpu.vector_store %arg10[%swap3A_171], %broadcast_in_dim3A_3 {strides = array<i32>} : memref<1536xf32, #tpu.memory_space<vmem>>, vector<16xf32>,
    %swap3A_173 = arith.constant 1360 : index
    %swap3A_174 = tpu.vector_load %arg10[%swap3A_173] {strides = array<i32>} : memref<1536xf32, #tpu.memory_space<vmem>>, vector<16xf32>,
    tpu.vector_store %arg10[%swap3A_173], %broadcast_in_dim3A_3 {strides = array<i32>} : memref<1536xf32, #tpu.memory_space<vmem>>, vector<16xf32>,
    %swap3A_175 = arith.constant 1376 : index
    %swap3A_176 = tpu.vector_load %arg10[%swap3A_175] {strides = array<i32>} : memref<1536xf32, #tpu.memory_space<vmem>>, vector<16xf32>,
    tpu.vector_store %arg10[%swap3A_175], %broadcast_in_dim3A_3 {strides = array<i32>} : memref<1536xf32, #tpu.memory_space<vmem>>, vector<16xf32>,
    %swap3A_177 = arith.constant 1392 : index
    %swap3A_178 = tpu.vector_load %arg10[%swap3A_177] {strides = array<i32>} : memref<1536xf32, #tpu.memory_space<vmem>>, vector<16xf32>,
    tpu.vector_store %arg10[%swap3A_177], %broadcast_in_dim3A_3 {strides = array<i32>} : memref<1536xf32, #tpu.memory_space<vmem>>, vector<16xf32>,
    %swap3A_179 = arith.constant 1408 : index
    %swap3A_180 = tpu.vector_load %arg10[%swap3A_179] {strides = array<i32>} : memref<1536xf32, #tpu.memory_space<vmem>>, vector<16xf32>,
    tpu.vector_store %arg10[%swap3A_179], %broadcast_in_dim3A_3 {strides = array<i32>} : memref<1536xf32, #tpu.memory_space<vmem>>, vector<16xf32>,
    %swap3A_181 = arith.constant 1424 : index
    %swap3A_182 = tpu.vector_load %arg10[%swap3A_181] {strides = array<i32>} : memref<1536xf32, #tpu.memory_space<vmem>>, vector<16xf32>,
    tpu.vector_store %arg10[%swap3A_181], %broadcast_in_dim3A_3 {strides = array<i32>} : memref<1536xf32, #tpu.memory_space<vmem>>, vector<16xf32>,
    %swap3A_183 = arith.constant 1440 : index
    %swap3A_184 = tpu.vector_load %arg10[%swap3A_183] {strides = array<i32>} : memref<1536xf32, #tpu.memory_space<vmem>>, vector<16xf32>,
    tpu.vector_store %arg10[%swap3A_183], %broadcast_in_dim3A_3 {strides = array<i32>} : memref<1536xf32, #tpu.memory_space<vmem>>, vector<16xf32>,
    %swap3A_185 = arith.constant 1456 : index
    %swap3A_186 = tpu.vector_load %arg10[%swap3A_185] {strides = array<i32>} : memref<1536xf32, #tpu.memory_space<vmem>>, vector<16xf32>,
    tpu.vector_store %arg10[%swap3A_185], %broadcast_in_dim3A_3 {strides = array<i32>} : memref<1536xf32, #tpu.memory_space<vmem>>, vector<16xf32>,
    %swap3A_187 = arith.constant 1472 : index
    %swap3A_188 = tpu.vector_load %arg10[%swap3A_187] {strides = array<i32>} : memref<1536xf32, #tpu.memory_space<vmem>>, vector<16xf32>,
    tpu.vector_store %arg10[%swap3A_187], %broadcast_in_dim3A_3 {strides = array<i32>} : memref<1536xf32, #tpu.memory_space<vmem>>, vector<16xf32>,
    %swap3A_189 = arith.constant 1488 : index
    %swap3A_190 = tpu.vector_load %arg10[%swap3A_189] {strides = array<i32>} : memref<1536xf32, #tpu.memory_space<vmem>>, vector<16xf32>,
    tpu.vector_store %arg10[%swap3A_189], %broadcast_in_dim3A_3 {strides = array<i32>} : memref<1536xf32, #tpu.memory_space<vmem>>, vector<16xf32>,
    %swap3A_191 = arith.constant 1504 : index
    %swap3A_192 = tpu.vector_load %arg10[%swap3A_191] {strides = array<i32>} : memref<1536xf32, #tpu.memory_space<vmem>>, vector<16xf32>,
    tpu.vector_store %arg10[%swap3A_191], %broadcast_in_dim3A_3 {strides = array<i32>} : memref<1536xf32, #tpu.memory_space<vmem>>, vector<16xf32>,
    %swap3A_193 = arith.constant 1520 : index
    %swap3A_194 = tpu.vector_load %arg10[%swap3A_193] {strides = array<i32>} : memref<1536xf32, #tpu.memory_space<vmem>>, vector<16xf32>,
    tpu.vector_store %arg10[%swap3A_193], %broadcast_in_dim3A_3 {strides = array<i32>} : memref<1536xf32, #tpu.memory_space<vmem>>, vector<16xf32>,
    %mul3A_195 = arith.constant 16 : i32
    %mul3A_196 = vector.broadcast %mul3A_195 : i32 to vector<16xi32>
    %mul3A_197 = arith.muli %iota3A, %mul3A_196 : vector<16xi32>
    %add3A_198 = arith.constant 0 : i32
    %add3A_199 = arith.addi %mul3A_2, %add3A_198 : i32
    %dma_start3A = arith.constant 0 : i32
    %dma_start3A_200 = tpu.memref_slice %arg2[%add3A_199, %dma_start3A] : memref<1000000x100xf32, #tpu.memory_space<hbm>> -> memref<256x100xf32, #tpu.memory_space<hbm>>
    %dma_start3A_201 = arith.constant 0 : i32
    %dma_start3A_202 = tpu.memref_slice %arg2[%add3A_199, %dma_start3A_201] : memref<1000000x100xf32, #tpu.memory_space<hbm>> -> memref<256x100xf32, #tpu.memory_space<hbm>>
    tpu.enqueue_dma source(%dma_start3A_202 : memref<256x100xf32, #tpu.memory_space<hbm>>) target(%arg5 : memref<256x100xf32, #tpu.memory_space<vmem>>) target_semaphore(%arg11 : memref<!tpu.dma_semaphore, #tpu.memory_space<semaphore_mem>>)
    %dma_start3A_203 = tpu.memref_slice %arg3[%add3A_199] : memref<1000000xi32, #tpu.memory_space<hbm>> -> memref<256xi32, #tpu.memory_space<hbm>>
    %dma_start3A_204 = tpu.memref_slice %arg3[%add3A_199] : memref<1000000xi32, #tpu.memory_space<hbm>> -> memref<256xi32, #tpu.memory_space<hbm>>
    tpu.enqueue_dma source(%dma_start3A_204 : memref<256xi32, #tpu.memory_space<hbm>>) target(%arg7 : memref<256xi32, #tpu.memory_space<vmem>>) target_semaphore(%arg13 : memref<!tpu.dma_semaphore, #tpu.memory_space<semaphore_mem>>)
    %add3A_205 = arith.constant 256 : i32
    %add3A_206 = arith.addi %mul3A_2, %add3A_205 : i32
    %dma_start3A_207 = arith.constant 0 : i32
    %dma_start3A_208 = tpu.memref_slice %arg2[%add3A_206, %dma_start3A_207] : memref<1000000x100xf32, #tpu.memory_space<hbm>> -> memref<256x100xf32, #tpu.memory_space<hbm>>
    %dma_start3A_209 = arith.constant 0 : i32
    %dma_start3A_210 = tpu.memref_slice %arg2[%add3A_206, %dma_start3A_209] : memref<1000000x100xf32, #tpu.memory_space<hbm>> -> memref<256x100xf32, #tpu.memory_space<hbm>>
    tpu.enqueue_dma source(%dma_start3A_210 : memref<256x100xf32, #tpu.memory_space<hbm>>) target(%arg6 : memref<256x100xf32, #tpu.memory_space<vmem>>) target_semaphore(%arg12 : memref<!tpu.dma_semaphore, #tpu.memory_space<semaphore_mem>>)
    %dma_start3A_211 = tpu.memref_slice %arg3[%add3A_206] : memref<1000000xi32, #tpu.memory_space<hbm>> -> memref<256xi32, #tpu.memory_space<hbm>>
    %dma_start3A_212 = tpu.memref_slice %arg3[%add3A_206] : memref<1000000xi32, #tpu.memory_space<hbm>> -> memref<256xi32, #tpu.memory_space<hbm>>
    tpu.enqueue_dma source(%dma_start3A_212 : memref<256xi32, #tpu.memory_space<hbm>>) target(%arg8 : memref<256xi32, #tpu.memory_space<vmem>>) target_semaphore(%arg14 : memref<!tpu.dma_semaphore, #tpu.memory_space<semaphore_mem>>)
    %scan3A = arith.constant 0 : i32
    %scan3A_213 = arith.constant 0 : i32
    %scan3A_214 = arith.constant 31 : i32
    %scan3A_215 = arith.addi %scan3A_213, %scan3A_214 : i32
    %scan3A_216 = arith.constant 1 : i32
    scf.for %scan3A_218 = %scan3A_213 to %scan3A_215 step %scan3A_216  : i32 {
      %mul3A_219 = arith.constant 2 : i32
      %mul3A_220 = arith.muli %scan3A_218, %mul3A_219 : i32
      %dma_wait3A = arith.constant 0 : i32
      %dma_wait3A_221 = arith.constant 0 : i32
      %dma_wait3A_222 = tpu.memref_slice %arg2[%dma_wait3A, %dma_wait3A_221] : memref<1000000x100xf32, #tpu.memory_space<hbm>> -> memref<256x100xf32, #tpu.memory_space<hbm>>
      %dma_wait3A_223 = arith.constant 0 : i32
      %dma_wait3A_224 = arith.constant 0 : i32
      %dma_wait3A_225 = tpu.memref_slice %arg2[%dma_wait3A_223, %dma_wait3A_224] : memref<1000000x100xf32, #tpu.memory_space<hbm>> -> memref<256x100xf32, #tpu.memory_space<hbm>>
      tpu.wait_dma2 semaphore(%arg11 : memref<!tpu.dma_semaphore, #tpu.memory_space<semaphore_mem>>) src(%dma_wait3A_225 : memref<256x100xf32, #tpu.memory_space<hbm>>) dst(%arg5 : memref<256x100xf32, #tpu.memory_space<vmem>>)
      %dma_wait3A_226 = arith.constant 0 : i32
      %dma_wait3A_227 = tpu.memref_slice %arg3[%dma_wait3A_226] : memref<1000000xi32, #tpu.memory_space<hbm>> -> memref<256xi32, #tpu.memory_space<hbm>>
      %dma_wait3A_228 = arith.constant 0 : i32
      %dma_wait3A_229 = tpu.memref_slice %arg3[%dma_wait3A_228] : memref<1000000xi32, #tpu.memory_space<hbm>> -> memref<256xi32, #tpu.memory_space<hbm>>
      tpu.wait_dma2 semaphore(%arg13 : memref<!tpu.dma_semaphore, #tpu.memory_space<semaphore_mem>>) src(%dma_wait3A_229 : memref<256xi32, #tpu.memory_space<hbm>>) dst(%arg7 : memref<256xi32, #tpu.memory_space<vmem>>)
      %add3A_230 = arith.constant 2 : i32
      %add3A_231 = arith.addi %mul3A_220, %add3A_230 : i32
      %lt3A = arith.constant 62 : i32
      %lt3A_232 = arith.cmpi slt, %add3A_231, %lt3A : i32
      %convert_element_type3A = arith.extui %lt3A_232 : i1 to i32
      %cond3A = arith.constant 0 : i32
      %cond3A_233 = arith.cmpi ne, %convert_element_type3A, %cond3A : i32
      scf.if %cond3A_233 {
        %add3A_263 = arith.constant 2 : i32
        %add3A_264 = arith.addi %mul3A_220, %add3A_263 : i32
        %mul3A_265 = arith.constant 256 : i32
        %mul3A_266 = arith.muli %add3A_264, %mul3A_265 : i32
        %add3A_267 = arith.addi %mul3A_2, %mul3A_266 : i32
        %dma_start3A_268 = arith.constant 0 : i32
        %dma_start3A_269 = tpu.memref_slice %arg2[%add3A_267, %dma_start3A_268] : memref<1000000x100xf32, #tpu.memory_space<hbm>> -> memref<256x100xf32, #tpu.memory_space<hbm>>
        %dma_start3A_270 = arith.constant 0 : i32
        %dma_start3A_271 = tpu.memref_slice %arg2[%add3A_267, %dma_start3A_270] : memref<1000000x100xf32, #tpu.memory_space<hbm>> -> memref<256x100xf32, #tpu.memory_space<hbm>>
        tpu.enqueue_dma source(%dma_start3A_271 : memref<256x100xf32, #tpu.memory_space<hbm>>) target(%arg5 : memref<256x100xf32, #tpu.memory_space<vmem>>) target_semaphore(%arg11 : memref<!tpu.dma_semaphore, #tpu.memory_space<semaphore_mem>>)
        %dma_start3A_272 = tpu.memref_slice %arg3[%add3A_267] : memref<1000000xi32, #tpu.memory_space<hbm>> -> memref<256xi32, #tpu.memory_space<hbm>>
        %dma_start3A_273 = tpu.memref_slice %arg3[%add3A_267] : memref<1000000xi32, #tpu.memory_space<hbm>> -> memref<256xi32, #tpu.memory_space<hbm>>
        tpu.enqueue_dma source(%dma_start3A_273 : memref<256xi32, #tpu.memory_space<hbm>>) target(%arg7 : memref<256xi32, #tpu.memory_space<vmem>>) target_semaphore(%arg13 : memref<!tpu.dma_semaphore, #tpu.memory_space<semaphore_mem>>)
      } else {
      }
      %scan3A_234 = arith.constant 0 : i32
      %scan3A_235 = arith.constant 0 : i32
      %scan3A_236 = arith.constant 16 : i32
      %scan3A_237 = arith.addi %scan3A_235, %scan3A_236 : i32
      %scan3A_238 = arith.constant 1 : i32
      scf.for %scan3A_263 = %scan3A_235 to %scan3A_237 step %scan3A_238  : i32 {
        %mul3A_264 = arith.constant 16 : i32
        %mul3A_265 = arith.muli %mul3A_264, %scan3A_263 : i32
        %add3A_266 = arith.constant 0 : i32
        %add3A_267 = arith.addi %mul3A_265, %add3A_266 : i32
        %get3A = arith.index_cast %add3A_267 : i32 to index
        %get3A_268 = arith.constant 0 : index
        %get3A_269 = tpu.vector_load %arg5[%get3A, %get3A_268] {strides = array<i32>} : memref<256x100xf32, #tpu.memory_space<vmem>>, vector<16xf32>,
        %add3A_270 = arith.constant 0 : i32
        %add3A_271 = vector.broadcast %add3A_270 : i32 to vector<16xi32>
        %add3A_272 = arith.addi %mul3A_197, %add3A_271 : vector<16xi32>
        tpu.vector_store_idx %arg9[%add3A_272], %get3A_269 : memref<1600xf32, #tpu.memory_space<vmem>>[vector<16xi32>], vector<16xf32>,
        %get3A_273 = arith.index_cast %add3A_267 : i32 to index
        %get3A_274 = arith.constant 16 : index
        %get3A_275 = tpu.vector_load %arg5[%get3A_273, %get3A_274] {strides = array<i32>} : memref<256x100xf32, #tpu.memory_space<vmem>>, vector<16xf32>,
        %add3A_276 = arith.constant 256 : i32
        %add3A_277 = vector.broadcast %add3A_276 : i32 to vector<16xi32>
        %add3A_278 = arith.addi %mul3A_197, %add3A_277 : vector<16xi32>
        tpu.vector_store_idx %arg9[%add3A_278], %get3A_275 : memref<1600xf32, #tpu.memory_space<vmem>>[vector<16xi32>], vector<16xf32>,
        %get3A_279 = arith.index_cast %add3A_267 : i32 to index
        %get3A_280 = arith.constant 32 : index
        %get3A_281 = tpu.vector_load %arg5[%get3A_279, %get3A_280] {strides = array<i32>} : memref<256x100xf32, #tpu.memory_space<vmem>>, vector<16xf32>,
        %add3A_282 = arith.constant 512 : i32
        %add3A_283 = vector.broadcast %add3A_282 : i32 to vector<16xi32>
        %add3A_284 = arith.addi %mul3A_197, %add3A_283 : vector<16xi32>
        tpu.vector_store_idx %arg9[%add3A_284], %get3A_281 : memref<1600xf32, #tpu.memory_space<vmem>>[vector<16xi32>], vector<16xf32>,
        %get3A_285 = arith.index_cast %add3A_267 : i32 to index
        %get3A_286 = arith.constant 48 : index
        %get3A_287 = tpu.vector_load %arg5[%get3A_285, %get3A_286] {strides = array<i32>} : memref<256x100xf32, #tpu.memory_space<vmem>>, vector<16xf32>,
        %add3A_288 = arith.constant 768 : i32
        %add3A_289 = vector.broadcast %add3A_288 : i32 to vector<16xi32>
        %add3A_290 = arith.addi %mul3A_197, %add3A_289 : vector<16xi32>
        tpu.vector_store_idx %arg9[%add3A_290], %get3A_287 : memref<1600xf32, #tpu.memory_space<vmem>>[vector<16xi32>], vector<16xf32>,
        %get3A_291 = arith.index_cast %add3A_267 : i32 to index
        %get3A_292 = arith.constant 64 : index
        %get3A_293 = tpu.vector_load %arg5[%get3A_291, %get3A_292] {strides = array<i32>} : memref<256x100xf32, #tpu.memory_space<vmem>>, vector<16xf32>,
        %add3A_294 = arith.constant 1024 : i32
        %add3A_295 = vector.broadcast %add3A_294 : i32 to vector<16xi32>
        %add3A_296 = arith.addi %mul3A_197, %add3A_295 : vector<16xi32>
        tpu.vector_store_idx %arg9[%add3A_296], %get3A_293 : memref<1600xf32, #tpu.memory_space<vmem>>[vector<16xi32>], vector<16xf32>,
        %get3A_297 = arith.index_cast %add3A_267 : i32 to index
        %get3A_298 = arith.constant 80 : index
        %get3A_299 = tpu.vector_load %arg5[%get3A_297, %get3A_298] {strides = array<i32>} : memref<256x100xf32, #tpu.memory_space<vmem>>, vector<16xf32>,
        %add3A_300 = arith.constant 1280 : i32
        %add3A_301 = vector.broadcast %add3A_300 : i32 to vector<16xi32>
        %add3A_302 = arith.addi %mul3A_197, %add3A_301 : vector<16xi32>
        tpu.vector_store_idx %arg9[%add3A_302], %get3A_299 : memref<1600xf32, #tpu.memory_space<vmem>>[vector<16xi32>], vector<16xf32>,
        %get3A_303 = arith.index_cast %add3A_267 : i32 to index
        %get3A_304 = arith.constant 84 : index
        %get3A_305 = tpu.vector_load %arg5[%get3A_303, %get3A_304] {strides = array<i32>} : memref<256x100xf32, #tpu.memory_space<vmem>>, vector<16xf32>,
        %add3A_306 = arith.constant 1344 : i32
        %add3A_307 = vector.broadcast %add3A_306 : i32 to vector<16xi32>
        %add3A_308 = arith.addi %mul3A_197, %add3A_307 : vector<16xi32>
        tpu.vector_store_idx %arg9[%add3A_308], %get3A_305 : memref<1600xf32, #tpu.memory_space<vmem>>[vector<16xi32>], vector<16xf32>,
        %mul3A_309 = arith.constant 16 : i32
        %mul3A_310 = arith.muli %mul3A_309, %scan3A_263 : i32
        %add3A_311 = arith.constant 1 : i32
        %add3A_312 = arith.addi %mul3A_310, %add3A_311 : i32
        %get3A_313 = arith.index_cast %add3A_312 : i32 to index
        %get3A_314 = arith.constant 0 : index
        %get3A_315 = tpu.vector_load %arg5[%get3A_313, %get3A_314] {strides = array<i32>} : memref<256x100xf32, #tpu.memory_space<vmem>>, vector<16xf32>,
        %add3A_316 = arith.constant 1 : i32
        %add3A_317 = vector.broadcast %add3A_316 : i32 to vector<16xi32>
        %add3A_318 = arith.addi %mul3A_197, %add3A_317 : vector<16xi32>
        tpu.vector_store_idx %arg9[%add3A_318], %get3A_315 : memref<1600xf32, #tpu.memory_space<vmem>>[vector<16xi32>], vector<16xf32>,
        %get3A_319 = arith.index_cast %add3A_312 : i32 to index
        %get3A_320 = arith.constant 16 : index
        %get3A_321 = tpu.vector_load %arg5[%get3A_319, %get3A_320] {strides = array<i32>} : memref<256x100xf32, #tpu.memory_space<vmem>>, vector<16xf32>,
        %add3A_322 = arith.constant 257 : i32
        %add3A_323 = vector.broadcast %add3A_322 : i32 to vector<16xi32>
        %add3A_324 = arith.addi %mul3A_197, %add3A_323 : vector<16xi32>
        tpu.vector_store_idx %arg9[%add3A_324], %get3A_321 : memref<1600xf32, #tpu.memory_space<vmem>>[vector<16xi32>], vector<16xf32>,
        %get3A_325 = arith.index_cast %add3A_312 : i32 to index
        %get3A_326 = arith.constant 32 : index
        %get3A_327 = tpu.vector_load %arg5[%get3A_325, %get3A_326] {strides = array<i32>} : memref<256x100xf32, #tpu.memory_space<vmem>>, vector<16xf32>,
        %add3A_328 = arith.constant 513 : i32
        %add3A_329 = vector.broadcast %add3A_328 : i32 to vector<16xi32>
        %add3A_330 = arith.addi %mul3A_197, %add3A_329 : vector<16xi32>
        tpu.vector_store_idx %arg9[%add3A_330], %get3A_327 : memref<1600xf32, #tpu.memory_space<vmem>>[vector<16xi32>], vector<16xf32>,
        %get3A_331 = arith.index_cast %add3A_312 : i32 to index
        %get3A_332 = arith.constant 48 : index
        %get3A_333 = tpu.vector_load %arg5[%get3A_331, %get3A_332] {strides = array<i32>} : memref<256x100xf32, #tpu.memory_space<vmem>>, vector<16xf32>,
        %add3A_334 = arith.constant 769 : i32
        %add3A_335 = vector.broadcast %add3A_334 : i32 to vector<16xi32>
        %add3A_336 = arith.addi %mul3A_197, %add3A_335 : vector<16xi32>
        tpu.vector_store_idx %arg9[%add3A_336], %get3A_333 : memref<1600xf32, #tpu.memory_space<vmem>>[vector<16xi32>], vector<16xf32>,
        %get3A_337 = arith.index_cast %add3A_312 : i32 to index
        %get3A_338 = arith.constant 64 : index
        %get3A_339 = tpu.vector_load %arg5[%get3A_337, %get3A_338] {strides = array<i32>} : memref<256x100xf32, #tpu.memory_space<vmem>>, vector<16xf32>,
        %add3A_340 = arith.constant 1025 : i32
        %add3A_341 = vector.broadcast %add3A_340 : i32 to vector<16xi32>
        %add3A_342 = arith.addi %mul3A_197, %add3A_341 : vector<16xi32>
        tpu.vector_store_idx %arg9[%add3A_342], %get3A_339 : memref<1600xf32, #tpu.memory_space<vmem>>[vector<16xi32>], vector<16xf32>,
        %get3A_343 = arith.index_cast %add3A_312 : i32 to index
        %get3A_344 = arith.constant 80 : index
        %get3A_345 = tpu.vector_load %arg5[%get3A_343, %get3A_344] {strides = array<i32>} : memref<256x100xf32, #tpu.memory_space<vmem>>, vector<16xf32>,
        %add3A_346 = arith.constant 1281 : i32
        %add3A_347 = vector.broadcast %add3A_346 : i32 to vector<16xi32>
        %add3A_348 = arith.addi %mul3A_197, %add3A_347 : vector<16xi32>
        tpu.vector_store_idx %arg9[%add3A_348], %get3A_345 : memref<1600xf32, #tpu.memory_space<vmem>>[vector<16xi32>], vector<16xf32>,
        %get3A_349 = arith.index_cast %add3A_312 : i32 to index
        %get3A_350 = arith.constant 84 : index
        %get3A_351 = tpu.vector_load %arg5[%get3A_349, %get3A_350] {strides = array<i32>} : memref<256x100xf32, #tpu.memory_space<vmem>>, vector<16xf32>,
        %add3A_352 = arith.constant 1345 : i32
        %add3A_353 = vector.broadcast %add3A_352 : i32 to vector<16xi32>
        %add3A_354 = arith.addi %mul3A_197, %add3A_353 : vector<16xi32>
        tpu.vector_store_idx %arg9[%add3A_354], %get3A_351 : memref<1600xf32, #tpu.memory_space<vmem>>[vector<16xi32>], vector<16xf32>,
        %mul3A_355 = arith.constant 16 : i32
        %mul3A_356 = arith.muli %mul3A_355, %scan3A_263 : i32
        %add3A_357 = arith.constant 2 : i32
        %add3A_358 = arith.addi %mul3A_356, %add3A_357 : i32
        %get3A_359 = arith.index_cast %add3A_358 : i32 to index
        %get3A_360 = arith.constant 0 : index
        %get3A_361 = tpu.vector_load %arg5[%get3A_359, %get3A_360] {strides = array<i32>} : memref<256x100xf32, #tpu.memory_space<vmem>>, vector<16xf32>,
        %add3A_362 = arith.constant 2 : i32
        %add3A_363 = vector.broadcast %add3A_362 : i32 to vector<16xi32>
        %add3A_364 = arith.addi %mul3A_197, %add3A_363 : vector<16xi32>
        tpu.vector_store_idx %arg9[%add3A_364], %get3A_361 : memref<1600xf32, #tpu.memory_space<vmem>>[vector<16xi32>], vector<16xf32>,
        %get3A_365 = arith.index_cast %add3A_358 : i32 to index
        %get3A_366 = arith.constant 16 : index
        %get3A_367 = tpu.vector_load %arg5[%get3A_365, %get3A_366] {strides = array<i32>} : memref<256x100xf32, #tpu.memory_space<vmem>>, vector<16xf32>,
        %add3A_368 = arith.constant 258 : i32
        %add3A_369 = vector.broadcast %add3A_368 : i32 to vector<16xi32>
        %add3A_370 = arith.addi %mul3A_197, %add3A_369 : vector<16xi32>
        tpu.vector_store_idx %arg9[%add3A_370], %get3A_367 : memref<1600xf32, #tpu.memory_space<vmem>>[vector<16xi32>], vector<16xf32>,
        %get3A_371 = arith.index_cast %add3A_358 : i32 to index
        %get3A_372 = arith.constant 32 : index
        %get3A_373 = tpu.vector_load %arg5[%get3A_371, %get3A_372] {strides = array<i32>} : memref<256x100xf32, #tpu.memory_space<vmem>>, vector<16xf32>,
        %add3A_374 = arith.constant 514 : i32
        %add3A_375 = vector.broadcast %add3A_374 : i32 to vector<16xi32>
        %add3A_376 = arith.addi %mul3A_197, %add3A_375 : vector<16xi32>
        tpu.vector_store_idx %arg9[%add3A_376], %get3A_373 : memref<1600xf32, #tpu.memory_space<vmem>>[vector<16xi32>], vector<16xf32>,
        %get3A_377 = arith.index_cast %add3A_358 : i32 to index
        %get3A_378 = arith.constant 48 : index
        %get3A_379 = tpu.vector_load %arg5[%get3A_377, %get3A_378] {strides = array<i32>} : memref<256x100xf32, #tpu.memory_space<vmem>>, vector<16xf32>,
        %add3A_380 = arith.constant 770 : i32
        %add3A_381 = vector.broadcast %add3A_380 : i32 to vector<16xi32>
        %add3A_382 = arith.addi %mul3A_197, %add3A_381 : vector<16xi32>
        tpu.vector_store_idx %arg9[%add3A_382], %get3A_379 : memref<1600xf32, #tpu.memory_space<vmem>>[vector<16xi32>], vector<16xf32>,
        %get3A_383 = arith.index_cast %add3A_358 : i32 to index
        %get3A_384 = arith.constant 64 : index
        %get3A_385 = tpu.vector_load %arg5[%get3A_383, %get3A_384] {strides = array<i32>} : memref<256x100xf32, #tpu.memory_space<vmem>>, vector<16xf32>,
        %add3A_386 = arith.constant 1026 : i32
        %add3A_387 = vector.broadcast %add3A_386 : i32 to vector<16xi32>
        %add3A_388 = arith.addi %mul3A_197, %add3A_387 : vector<16xi32>
        tpu.vector_store_idx %arg9[%add3A_388], %get3A_385 : memref<1600xf32, #tpu.memory_space<vmem>>[vector<16xi32>], vector<16xf32>,
        %get3A_389 = arith.index_cast %add3A_358 : i32 to index
        %get3A_390 = arith.constant 80 : index
        %get3A_391 = tpu.vector_load %arg5[%get3A_389, %get3A_390] {strides = array<i32>} : memref<256x100xf32, #tpu.memory_space<vmem>>, vector<16xf32>,
        %add3A_392 = arith.constant 1282 : i32
        %add3A_393 = vector.broadcast %add3A_392 : i32 to vector<16xi32>
        %add3A_394 = arith.addi %mul3A_197, %add3A_393 : vector<16xi32>
        tpu.vector_store_idx %arg9[%add3A_394], %get3A_391 : memref<1600xf32, #tpu.memory_space<vmem>>[vector<16xi32>], vector<16xf32>,
        %get3A_395 = arith.index_cast %add3A_358 : i32 to index
        %get3A_396 = arith.constant 84 : index
        %get3A_397 = tpu.vector_load %arg5[%get3A_395, %get3A_396] {strides = array<i32>} : memref<256x100xf32, #tpu.memory_space<vmem>>, vector<16xf32>,
        %add3A_398 = arith.constant 1346 : i32
        %add3A_399 = vector.broadcast %add3A_398 : i32 to vector<16xi32>
        %add3A_400 = arith.addi %mul3A_197, %add3A_399 : vector<16xi32>
        tpu.vector_store_idx %arg9[%add3A_400], %get3A_397 : memref<1600xf32, #tpu.memory_space<vmem>>[vector<16xi32>], vector<16xf32>,
        %mul3A_401 = arith.constant 16 : i32
        %mul3A_402 = arith.muli %mul3A_401, %scan3A_263 : i32
        %add3A_403 = arith.constant 3 : i32
        %add3A_404 = arith.addi %mul3A_402, %add3A_403 : i32
        %get3A_405 = arith.index_cast %add3A_404 : i32 to index
        %get3A_406 = arith.constant 0 : index
        %get3A_407 = tpu.vector_load %arg5[%get3A_405, %get3A_406] {strides = array<i32>} : memref<256x100xf32, #tpu.memory_space<vmem>>, vector<16xf32>,
        %add3A_408 = arith.constant 3 : i32
        %add3A_409 = vector.broadcast %add3A_408 : i32 to vector<16xi32>
        %add3A_410 = arith.addi %mul3A_197, %add3A_409 : vector<16xi32>
        tpu.vector_store_idx %arg9[%add3A_410], %get3A_407 : memref<1600xf32, #tpu.memory_space<vmem>>[vector<16xi32>], vector<16xf32>,
        %get3A_411 = arith.index_cast %add3A_404 : i32 to index
        %get3A_412 = arith.constant 16 : index
        %get3A_413 = tpu.vector_load %arg5[%get3A_411, %get3A_412] {strides = array<i32>} : memref<256x100xf32, #tpu.memory_space<vmem>>, vector<16xf32>,
        %add3A_414 = arith.constant 259 : i32
        %add3A_415 = vector.broadcast %add3A_414 : i32 to vector<16xi32>
        %add3A_416 = arith.addi %mul3A_197, %add3A_415 : vector<16xi32>
        tpu.vector_store_idx %arg9[%add3A_416], %get3A_413 : memref<1600xf32, #tpu.memory_space<vmem>>[vector<16xi32>], vector<16xf32>,
        %get3A_417 = arith.index_cast %add3A_404 : i32 to index
        %get3A_418 = arith.constant 32 : index
        %get3A_419 = tpu.vector_load %arg5[%get3A_417, %get3A_418] {strides = array<i32>} : memref<256x100xf32, #tpu.memory_space<vmem>>, vector<16xf32>,
        %add3A_420 = arith.constant 515 : i32
        %add3A_421 = vector.broadcast %add3A_420 : i32 to vector<16xi32>
        %add3A_422 = arith.addi %mul3A_197, %add3A_421 : vector<16xi32>
        tpu.vector_store_idx %arg9[%add3A_422], %get3A_419 : memref<1600xf32, #tpu.memory_space<vmem>>[vector<16xi32>], vector<16xf32>,
        %get3A_423 = arith.index_cast %add3A_404 : i32 to index
        %get3A_424 = arith.constant 48 : index
        %get3A_425 = tpu.vector_load %arg5[%get3A_423, %get3A_424] {strides = array<i32>} : memref<256x100xf32, #tpu.memory_space<vmem>>, vector<16xf32>,
        %add3A_426 = arith.constant 771 : i32
        %add3A_427 = vector.broadcast %add3A_426 : i32 to vector<16xi32>
        %add3A_428 = arith.addi %mul3A_197, %add3A_427 : vector<16xi32>
        tpu.vector_store_idx %arg9[%add3A_428], %get3A_425 : memref<1600xf32, #tpu.memory_space<vmem>>[vector<16xi32>], vector<16xf32>,
        %get3A_429 = arith.index_cast %add3A_404 : i32 to index
        %get3A_430 = arith.constant 64 : index
        %get3A_431 = tpu.vector_load %arg5[%get3A_429, %get3A_430] {strides = array<i32>} : memref<256x100xf32, #tpu.memory_space<vmem>>, vector<16xf32>,
        %add3A_432 = arith.constant 1027 : i32
        %add3A_433 = vector.broadcast %add3A_432 : i32 to vector<16xi32>
        %add3A_434 = arith.addi %mul3A_197, %add3A_433 : vector<16xi32>
        tpu.vector_store_idx %arg9[%add3A_434], %get3A_431 : memref<1600xf32, #tpu.memory_space<vmem>>[vector<16xi32>], vector<16xf32>,
        %get3A_435 = arith.index_cast %add3A_404 : i32 to index
        %get3A_436 = arith.constant 80 : index
        %get3A_437 = tpu.vector_load %arg5[%get3A_435, %get3A_436] {strides = array<i32>} : memref<256x100xf32, #tpu.memory_space<vmem>>, vector<16xf32>,
        %add3A_438 = arith.constant 1283 : i32
        %add3A_439 = vector.broadcast %add3A_438 : i32 to vector<16xi32>
        %add3A_440 = arith.addi %mul3A_197, %add3A_439 : vector<16xi32>
        tpu.vector_store_idx %arg9[%add3A_440], %get3A_437 : memref<1600xf32, #tpu.memory_space<vmem>>[vector<16xi32>], vector<16xf32>,
        %get3A_441 = arith.index_cast %add3A_404 : i32 to index
        %get3A_442 = arith.constant 84 : index
        %get3A_443 = tpu.vector_load %arg5[%get3A_441, %get3A_442] {strides = array<i32>} : memref<256x100xf32, #tpu.memory_space<vmem>>, vector<16xf32>,
        %add3A_444 = arith.constant 1347 : i32
        %add3A_445 = vector.broadcast %add3A_444 : i32 to vector<16xi32>
        %add3A_446 = arith.addi %mul3A_197, %add3A_445 : vector<16xi32>
        tpu.vector_store_idx %arg9[%add3A_446], %get3A_443 : memref<1600xf32, #tpu.memory_space<vmem>>[vector<16xi32>], vector<16xf32>,
        %mul3A_447 = arith.constant 16 : i32
        %mul3A_448 = arith.muli %mul3A_447, %scan3A_263 : i32
        %add3A_449 = arith.constant 4 : i32
        %add3A_450 = arith.addi %mul3A_448, %add3A_449 : i32
        %get3A_451 = arith.index_cast %add3A_450 : i32 to index
        %get3A_452 = arith.constant 0 : index
        %get3A_453 = tpu.vector_load %arg5[%get3A_451, %get3A_452] {strides = array<i32>} : memref<256x100xf32, #tpu.memory_space<vmem>>, vector<16xf32>,
        %add3A_454 = arith.constant 4 : i32
        %add3A_455 = vector.broadcast %add3A_454 : i32 to vector<16xi32>
        %add3A_456 = arith.addi %mul3A_197, %add3A_455 : vector<16xi32>
        tpu.vector_store_idx %arg9[%add3A_456], %get3A_453 : memref<1600xf32, #tpu.memory_space<vmem>>[vector<16xi32>], vector<16xf32>,
        %get3A_457 = arith.index_cast %add3A_450 : i32 to index
        %get3A_458 = arith.constant 16 : index
        %get3A_459 = tpu.vector_load %arg5[%get3A_457, %get3A_458] {strides = array<i32>} : memref<256x100xf32, #tpu.memory_space<vmem>>, vector<16xf32>,
        %add3A_460 = arith.constant 260 : i32
        %add3A_461 = vector.broadcast %add3A_460 : i32 to vector<16xi32>
        %add3A_462 = arith.addi %mul3A_197, %add3A_461 : vector<16xi32>
        tpu.vector_store_idx %arg9[%add3A_462], %get3A_459 : memref<1600xf32, #tpu.memory_space<vmem>>[vector<16xi32>], vector<16xf32>,
        %get3A_463 = arith.index_cast %add3A_450 : i32 to index
        %get3A_464 = arith.constant 32 : index
        %get3A_465 = tpu.vector_load %arg5[%get3A_463, %get3A_464] {strides = array<i32>} : memref<256x100xf32, #tpu.memory_space<vmem>>, vector<16xf32>,
        %add3A_466 = arith.constant 516 : i32
        %add3A_467 = vector.broadcast %add3A_466 : i32 to vector<16xi32>
        %add3A_468 = arith.addi %mul3A_197, %add3A_467 : vector<16xi32>
        tpu.vector_store_idx %arg9[%add3A_468], %get3A_465 : memref<1600xf32, #tpu.memory_space<vmem>>[vector<16xi32>], vector<16xf32>,
        %get3A_469 = arith.index_cast %add3A_450 : i32 to index
        %get3A_470 = arith.constant 48 : index
        %get3A_471 = tpu.vector_load %arg5[%get3A_469, %get3A_470] {strides = array<i32>} : memref<256x100xf32, #tpu.memory_space<vmem>>, vector<16xf32>,
        %add3A_472 = arith.constant 772 : i32
        %add3A_473 = vector.broadcast %add3A_472 : i32 to vector<16xi32>
        %add3A_474 = arith.addi %mul3A_197, %add3A_473 : vector<16xi32>
        tpu.vector_store_idx %arg9[%add3A_474], %get3A_471 : memref<1600xf32, #tpu.memory_space<vmem>>[vector<16xi32>], vector<16xf32>,
        %get3A_475 = arith.index_cast %add3A_450 : i32 to index
        %get3A_476 = arith.constant 64 : index
        %get3A_477 = tpu.vector_load %arg5[%get3A_475, %get3A_476] {strides = array<i32>} : memref<256x100xf32, #tpu.memory_space<vmem>>, vector<16xf32>,
        %add3A_478 = arith.constant 1028 : i32
        %add3A_479 = vector.broadcast %add3A_478 : i32 to vector<16xi32>
        %add3A_480 = arith.addi %mul3A_197, %add3A_479 : vector<16xi32>
        tpu.vector_store_idx %arg9[%add3A_480], %get3A_477 : memref<1600xf32, #tpu.memory_space<vmem>>[vector<16xi32>], vector<16xf32>,
        %get3A_481 = arith.index_cast %add3A_450 : i32 to index
        %get3A_482 = arith.constant 80 : index
        %get3A_483 = tpu.vector_load %arg5[%get3A_481, %get3A_482] {strides = array<i32>} : memref<256x100xf32, #tpu.memory_space<vmem>>, vector<16xf32>,
        %add3A_484 = arith.constant 1284 : i32
        %add3A_485 = vector.broadcast %add3A_484 : i32 to vector<16xi32>
        %add3A_486 = arith.addi %mul3A_197, %add3A_485 : vector<16xi32>
        tpu.vector_store_idx %arg9[%add3A_486], %get3A_483 : memref<1600xf32, #tpu.memory_space<vmem>>[vector<16xi32>], vector<16xf32>,
        %get3A_487 = arith.index_cast %add3A_450 : i32 to index
        %get3A_488 = arith.constant 84 : index
        %get3A_489 = tpu.vector_load %arg5[%get3A_487, %get3A_488] {strides = array<i32>} : memref<256x100xf32, #tpu.memory_space<vmem>>, vector<16xf32>,
        %add3A_490 = arith.constant 1348 : i32
        %add3A_491 = vector.broadcast %add3A_490 : i32 to vector<16xi32>
        %add3A_492 = arith.addi %mul3A_197, %add3A_491 : vector<16xi32>
        tpu.vector_store_idx %arg9[%add3A_492], %get3A_489 : memref<1600xf32, #tpu.memory_space<vmem>>[vector<16xi32>], vector<16xf32>,
        %mul3A_493 = arith.constant 16 : i32
        %mul3A_494 = arith.muli %mul3A_493, %scan3A_263 : i32
        %add3A_495 = arith.constant 5 : i32
        %add3A_496 = arith.addi %mul3A_494, %add3A_495 : i32
        %get3A_497 = arith.index_cast %add3A_496 : i32 to index
        %get3A_498 = arith.constant 0 : index
        %get3A_499 = tpu.vector_load %arg5[%get3A_497, %get3A_498] {strides = array<i32>} : memref<256x100xf32, #tpu.memory_space<vmem>>, vector<16xf32>,
        %add3A_500 = arith.constant 5 : i32
        %add3A_501 = vector.broadcast %add3A_500 : i32 to vector<16xi32>
        %add3A_502 = arith.addi %mul3A_197, %add3A_501 : vector<16xi32>
        tpu.vector_store_idx %arg9[%add3A_502], %get3A_499 : memref<1600xf32, #tpu.memory_space<vmem>>[vector<16xi32>], vector<16xf32>,
        %get3A_503 = arith.index_cast %add3A_496 : i32 to index
        %get3A_504 = arith.constant 16 : index
        %get3A_505 = tpu.vector_load %arg5[%get3A_503, %get3A_504] {strides = array<i32>} : memref<256x100xf32, #tpu.memory_space<vmem>>, vector<16xf32>,
        %add3A_506 = arith.constant 261 : i32
        %add3A_507 = vector.broadcast %add3A_506 : i32 to vector<16xi32>
        %add3A_508 = arith.addi %mul3A_197, %add3A_507 : vector<16xi32>
        tpu.vector_store_idx %arg9[%add3A_508], %get3A_505 : memref<1600xf32, #tpu.memory_space<vmem>>[vector<16xi32>], vector<16xf32>,
        %get3A_509 = arith.index_cast %add3A_496 : i32 to index
        %get3A_510 = arith.constant 32 : index
        %get3A_511 = tpu.vector_load %arg5[%get3A_509, %get3A_510] {strides = array<i32>} : memref<256x100xf32, #tpu.memory_space<vmem>>, vector<16xf32>,
        %add3A_512 = arith.constant 517 : i32
        %add3A_513 = vector.broadcast %add3A_512 : i32 to vector<16xi32>
        %add3A_514 = arith.addi %mul3A_197, %add3A_513 : vector<16xi32>
        tpu.vector_store_idx %arg9[%add3A_514], %get3A_511 : memref<1600xf32, #tpu.memory_space<vmem>>[vector<16xi32>], vector<16xf32>,
        %get3A_515 = arith.index_cast %add3A_496 : i32 to index
        %get3A_516 = arith.constant 48 : index
        %get3A_517 = tpu.vector_load %arg5[%get3A_515, %get3A_516] {strides = array<i32>} : memref<256x100xf32, #tpu.memory_space<vmem>>, vector<16xf32>,
        %add3A_518 = arith.constant 773 : i32
        %add3A_519 = vector.broadcast %add3A_518 : i32 to vector<16xi32>
        %add3A_520 = arith.addi %mul3A_197, %add3A_519 : vector<16xi32>
        tpu.vector_store_idx %arg9[%add3A_520], %get3A_517 : memref<1600xf32, #tpu.memory_space<vmem>>[vector<16xi32>], vector<16xf32>,
        %get3A_521 = arith.index_cast %add3A_496 : i32 to index
        %get3A_522 = arith.constant 64 : index
        %get3A_523 = tpu.vector_load %arg5[%get3A_521, %get3A_522] {strides = array<i32>} : memref<256x100xf32, #tpu.memory_space<vmem>>, vector<16xf32>,
        %add3A_524 = arith.constant 1029 : i32
        %add3A_525 = vector.broadcast %add3A_524 : i32 to vector<16xi32>
        %add3A_526 = arith.addi %mul3A_197, %add3A_525 : vector<16xi32>
        tpu.vector_store_idx %arg9[%add3A_526], %get3A_523 : memref<1600xf32, #tpu.memory_space<vmem>>[vector<16xi32>], vector<16xf32>,
        %get3A_527 = arith.index_cast %add3A_496 : i32 to index
        %get3A_528 = arith.constant 80 : index
        %get3A_529 = tpu.vector_load %arg5[%get3A_527, %get3A_528] {strides = array<i32>} : memref<256x100xf32, #tpu.memory_space<vmem>>, vector<16xf32>,
        %add3A_530 = arith.constant 1285 : i32
        %add3A_531 = vector.broadcast %add3A_530 : i32 to vector<16xi32>
        %add3A_532 = arith.addi %mul3A_197, %add3A_531 : vector<16xi32>
        tpu.vector_store_idx %arg9[%add3A_532], %get3A_529 : memref<1600xf32, #tpu.memory_space<vmem>>[vector<16xi32>], vector<16xf32>,
        %get3A_533 = arith.index_cast %add3A_496 : i32 to index
        %get3A_534 = arith.constant 84 : index
        %get3A_535 = tpu.vector_load %arg5[%get3A_533, %get3A_534] {strides = array<i32>} : memref<256x100xf32, #tpu.memory_space<vmem>>, vector<16xf32>,
        %add3A_536 = arith.constant 1349 : i32
        %add3A_537 = vector.broadcast %add3A_536 : i32 to vector<16xi32>
        %add3A_538 = arith.addi %mul3A_197, %add3A_537 : vector<16xi32>
        tpu.vector_store_idx %arg9[%add3A_538], %get3A_535 : memref<1600xf32, #tpu.memory_space<vmem>>[vector<16xi32>], vector<16xf32>,
        %mul3A_539 = arith.constant 16 : i32
        %mul3A_540 = arith.muli %mul3A_539, %scan3A_263 : i32
        %add3A_541 = arith.constant 6 : i32
        %add3A_542 = arith.addi %mul3A_540, %add3A_541 : i32
        %get3A_543 = arith.index_cast %add3A_542 : i32 to index
        %get3A_544 = arith.constant 0 : index
        %get3A_545 = tpu.vector_load %arg5[%get3A_543, %get3A_544] {strides = array<i32>} : memref<256x100xf32, #tpu.memory_space<vmem>>, vector<16xf32>,
        %add3A_546 = arith.constant 6 : i32
        %add3A_547 = vector.broadcast %add3A_546 : i32 to vector<16xi32>
        %add3A_548 = arith.addi %mul3A_197, %add3A_547 : vector<16xi32>
        tpu.vector_store_idx %arg9[%add3A_548], %get3A_545 : memref<1600xf32, #tpu.memory_space<vmem>>[vector<16xi32>], vector<16xf32>,
        %get3A_549 = arith.index_cast %add3A_542 : i32 to index
        %get3A_550 = arith.constant 16 : index
        %get3A_551 = tpu.vector_load %arg5[%get3A_549, %get3A_550] {strides = array<i32>} : memref<256x100xf32, #tpu.memory_space<vmem>>, vector<16xf32>,
        %add3A_552 = arith.constant 262 : i32
        %add3A_553 = vector.broadcast %add3A_552 : i32 to vector<16xi32>
        %add3A_554 = arith.addi %mul3A_197, %add3A_553 : vector<16xi32>
        tpu.vector_store_idx %arg9[%add3A_554], %get3A_551 : memref<1600xf32, #tpu.memory_space<vmem>>[vector<16xi32>], vector<16xf32>,
        %get3A_555 = arith.index_cast %add3A_542 : i32 to index
        %get3A_556 = arith.constant 32 : index
        %get3A_557 = tpu.vector_load %arg5[%get3A_555, %get3A_556] {strides = array<i32>} : memref<256x100xf32, #tpu.memory_space<vmem>>, vector<16xf32>,
        %add3A_558 = arith.constant 518 : i32
        %add3A_559 = vector.broadcast %add3A_558 : i32 to vector<16xi32>
        %add3A_560 = arith.addi %mul3A_197, %add3A_559 : vector<16xi32>
        tpu.vector_store_idx %arg9[%add3A_560], %get3A_557 : memref<1600xf32, #tpu.memory_space<vmem>>[vector<16xi32>], vector<16xf32>,
        %get3A_561 = arith.index_cast %add3A_542 : i32 to index
        %get3A_562 = arith.constant 48 : index
        %get3A_563 = tpu.vector_load %arg5[%get3A_561, %get3A_562] {strides = array<i32>} : memref<256x100xf32, #tpu.memory_space<vmem>>, vector<16xf32>,
        %add3A_564 = arith.constant 774 : i32
        %add3A_565 = vector.broadcast %add3A_564 : i32 to vector<16xi32>
        %add3A_566 = arith.addi %mul3A_197, %add3A_565 : vector<16xi32>
        tpu.vector_store_idx %arg9[%add3A_566], %get3A_563 : memref<1600xf32, #tpu.memory_space<vmem>>[vector<16xi32>], vector<16xf32>,
        %get3A_567 = arith.index_cast %add3A_542 : i32 to index
        %get3A_568 = arith.constant 64 : index
        %get3A_569 = tpu.vector_load %arg5[%get3A_567, %get3A_568] {strides = array<i32>} : memref<256x100xf32, #tpu.memory_space<vmem>>, vector<16xf32>,
        %add3A_570 = arith.constant 1030 : i32
        %add3A_571 = vector.broadcast %add3A_570 : i32 to vector<16xi32>
        %add3A_572 = arith.addi %mul3A_197, %add3A_571 : vector<16xi32>
        tpu.vector_store_idx %arg9[%add3A_572], %get3A_569 : memref<1600xf32, #tpu.memory_space<vmem>>[vector<16xi32>], vector<16xf32>,
        %get3A_573 = arith.index_cast %add3A_542 : i32 to index
        %get3A_574 = arith.constant 80 : index
        %get3A_575 = tpu.vector_load %arg5[%get3A_573, %get3A_574] {strides = array<i32>} : memref<256x100xf32, #tpu.memory_space<vmem>>, vector<16xf32>,
        %add3A_576 = arith.constant 1286 : i32
        %add3A_577 = vector.broadcast %add3A_576 : i32 to vector<16xi32>
        %add3A_578 = arith.addi %mul3A_197, %add3A_577 : vector<16xi32>
        tpu.vector_store_idx %arg9[%add3A_578], %get3A_575 : memref<1600xf32, #tpu.memory_space<vmem>>[vector<16xi32>], vector<16xf32>,
        %get3A_579 = arith.index_cast %add3A_542 : i32 to index
        %get3A_580 = arith.constant 84 : index
        %get3A_581 = tpu.vector_load %arg5[%get3A_579, %get3A_580] {strides = array<i32>} : memref<256x100xf32, #tpu.memory_space<vmem>>, vector<16xf32>,
        %add3A_582 = arith.constant 1350 : i32
        %add3A_583 = vector.broadcast %add3A_582 : i32 to vector<16xi32>
        %add3A_584 = arith.addi %mul3A_197, %add3A_583 : vector<16xi32>
        tpu.vector_store_idx %arg9[%add3A_584], %get3A_581 : memref<1600xf32, #tpu.memory_space<vmem>>[vector<16xi32>], vector<16xf32>,
        %mul3A_585 = arith.constant 16 : i32
        %mul3A_586 = arith.muli %mul3A_585, %scan3A_263 : i32
        %add3A_587 = arith.constant 7 : i32
        %add3A_588 = arith.addi %mul3A_586, %add3A_587 : i32
        %get3A_589 = arith.index_cast %add3A_588 : i32 to index
        %get3A_590 = arith.constant 0 : index
        %get3A_591 = tpu.vector_load %arg5[%get3A_589, %get3A_590] {strides = array<i32>} : memref<256x100xf32, #tpu.memory_space<vmem>>, vector<16xf32>,
        %add3A_592 = arith.constant 7 : i32
        %add3A_593 = vector.broadcast %add3A_592 : i32 to vector<16xi32>
        %add3A_594 = arith.addi %mul3A_197, %add3A_593 : vector<16xi32>
        tpu.vector_store_idx %arg9[%add3A_594], %get3A_591 : memref<1600xf32, #tpu.memory_space<vmem>>[vector<16xi32>], vector<16xf32>,
        %get3A_595 = arith.index_cast %add3A_588 : i32 to index
        %get3A_596 = arith.constant 16 : index
        %get3A_597 = tpu.vector_load %arg5[%get3A_595, %get3A_596] {strides = array<i32>} : memref<256x100xf32, #tpu.memory_space<vmem>>, vector<16xf32>,
        %add3A_598 = arith.constant 263 : i32
        %add3A_599 = vector.broadcast %add3A_598 : i32 to vector<16xi32>
        %add3A_600 = arith.addi %mul3A_197, %add3A_599 : vector<16xi32>
        tpu.vector_store_idx %arg9[%add3A_600], %get3A_597 : memref<1600xf32, #tpu.memory_space<vmem>>[vector<16xi32>], vector<16xf32>,
        %get3A_601 = arith.index_cast %add3A_588 : i32 to index
        %get3A_602 = arith.constant 32 : index
        %get3A_603 = tpu.vector_load %arg5[%get3A_601, %get3A_602] {strides = array<i32>} : memref<256x100xf32, #tpu.memory_space<vmem>>, vector<16xf32>,
        %add3A_604 = arith.constant 519 : i32
        %add3A_605 = vector.broadcast %add3A_604 : i32 to vector<16xi32>
        %add3A_606 = arith.addi %mul3A_197, %add3A_605 : vector<16xi32>
        tpu.vector_store_idx %arg9[%add3A_606], %get3A_603 : memref<1600xf32, #tpu.memory_space<vmem>>[vector<16xi32>], vector<16xf32>,
        %get3A_607 = arith.index_cast %add3A_588 : i32 to index
        %get3A_608 = arith.constant 48 : index
        %get3A_609 = tpu.vector_load %arg5[%get3A_607, %get3A_608] {strides = array<i32>} : memref<256x100xf32, #tpu.memory_space<vmem>>, vector<16xf32>,
        %add3A_610 = arith.constant 775 : i32
        %add3A_611 = vector.broadcast %add3A_610 : i32 to vector<16xi32>
        %add3A_612 = arith.addi %mul3A_197, %add3A_611 : vector<16xi32>
        tpu.vector_store_idx %arg9[%add3A_612], %get3A_609 : memref<1600xf32, #tpu.memory_space<vmem>>[vector<16xi32>], vector<16xf32>,
        %get3A_613 = arith.index_cast %add3A_588 : i32 to index
        %get3A_614 = arith.constant 64 : index
        %get3A_615 = tpu.vector_load %arg5[%get3A_613, %get3A_614] {strides = array<i32>} : memref<256x100xf32, #tpu.memory_space<vmem>>, vector<16xf32>,
        %add3A_616 = arith.constant 1031 : i32
        %add3A_617 = vector.broadcast %add3A_616 : i32 to vector<16xi32>
        %add3A_618 = arith.addi %mul3A_197, %add3A_617 : vector<16xi32>
        tpu.vector_store_idx %arg9[%add3A_618], %get3A_615 : memref<1600xf32, #tpu.memory_space<vmem>>[vector<16xi32>], vector<16xf32>,
        %get3A_619 = arith.index_cast %add3A_588 : i32 to index
        %get3A_620 = arith.constant 80 : index
        %get3A_621 = tpu.vector_load %arg5[%get3A_619, %get3A_620] {strides = array<i32>} : memref<256x100xf32, #tpu.memory_space<vmem>>, vector<16xf32>,
        %add3A_622 = arith.constant 1287 : i32
        %add3A_623 = vector.broadcast %add3A_622 : i32 to vector<16xi32>
        %add3A_624 = arith.addi %mul3A_197, %add3A_623 : vector<16xi32>
        tpu.vector_store_idx %arg9[%add3A_624], %get3A_621 : memref<1600xf32, #tpu.memory_space<vmem>>[vector<16xi32>], vector<16xf32>,
        %get3A_625 = arith.index_cast %add3A_588 : i32 to index
        %get3A_626 = arith.constant 84 : index
        %get3A_627 = tpu.vector_load %arg5[%get3A_625, %get3A_626] {strides = array<i32>} : memref<256x100xf32, #tpu.memory_space<vmem>>, vector<16xf32>,
        %add3A_628 = arith.constant 1351 : i32
        %add3A_629 = vector.broadcast %add3A_628 : i32 to vector<16xi32>
        %add3A_630 = arith.addi %mul3A_197, %add3A_629 : vector<16xi32>
        tpu.vector_store_idx %arg9[%add3A_630], %get3A_627 : memref<1600xf32, #tpu.memory_space<vmem>>[vector<16xi32>], vector<16xf32>,
        %mul3A_631 = arith.constant 16 : i32
        %mul3A_632 = arith.muli %mul3A_631, %scan3A_263 : i32
        %add3A_633 = arith.constant 8 : i32
        %add3A_634 = arith.addi %mul3A_632, %add3A_633 : i32
        %get3A_635 = arith.index_cast %add3A_634 : i32 to index
        %get3A_636 = arith.constant 0 : index
        %get3A_637 = tpu.vector_load %arg5[%get3A_635, %get3A_636] {strides = array<i32>} : memref<256x100xf32, #tpu.memory_space<vmem>>, vector<16xf32>,
        %add3A_638 = arith.constant 8 : i32
        %add3A_639 = vector.broadcast %add3A_638 : i32 to vector<16xi32>
        %add3A_640 = arith.addi %mul3A_197, %add3A_639 : vector<16xi32>
        tpu.vector_store_idx %arg9[%add3A_640], %get3A_637 : memref<1600xf32, #tpu.memory_space<vmem>>[vector<16xi32>], vector<16xf32>,
        %get3A_641 = arith.index_cast %add3A_634 : i32 to index
        %get3A_642 = arith.constant 16 : index
        %get3A_643 = tpu.vector_load %arg5[%get3A_641, %get3A_642] {strides = array<i32>} : memref<256x100xf32, #tpu.memory_space<vmem>>, vector<16xf32>,
        %add3A_644 = arith.constant 264 : i32
        %add3A_645 = vector.broadcast %add3A_644 : i32 to vector<16xi32>
        %add3A_646 = arith.addi %mul3A_197, %add3A_645 : vector<16xi32>
        tpu.vector_store_idx %arg9[%add3A_646], %get3A_643 : memref<1600xf32, #tpu.memory_space<vmem>>[vector<16xi32>], vector<16xf32>,
        %get3A_647 = arith.index_cast %add3A_634 : i32 to index
        %get3A_648 = arith.constant 32 : index
        %get3A_649 = tpu.vector_load %arg5[%get3A_647, %get3A_648] {strides = array<i32>} : memref<256x100xf32, #tpu.memory_space<vmem>>, vector<16xf32>,
        %add3A_650 = arith.constant 520 : i32
        %add3A_651 = vector.broadcast %add3A_650 : i32 to vector<16xi32>
        %add3A_652 = arith.addi %mul3A_197, %add3A_651 : vector<16xi32>
        tpu.vector_store_idx %arg9[%add3A_652], %get3A_649 : memref<1600xf32, #tpu.memory_space<vmem>>[vector<16xi32>], vector<16xf32>,
        %get3A_653 = arith.index_cast %add3A_634 : i32 to index
        %get3A_654 = arith.constant 48 : index
        %get3A_655 = tpu.vector_load %arg5[%get3A_653, %get3A_654] {strides = array<i32>} : memref<256x100xf32, #tpu.memory_space<vmem>>, vector<16xf32>,
        %add3A_656 = arith.constant 776 : i32
        %add3A_657 = vector.broadcast %add3A_656 : i32 to vector<16xi32>
        %add3A_658 = arith.addi %mul3A_197, %add3A_657 : vector<16xi32>
        tpu.vector_store_idx %arg9[%add3A_658], %get3A_655 : memref<1600xf32, #tpu.memory_space<vmem>>[vector<16xi32>], vector<16xf32>,
        %get3A_659 = arith.index_cast %add3A_634 : i32 to index
        %get3A_660 = arith.constant 64 : index
        %get3A_661 = tpu.vector_load %arg5[%get3A_659, %get3A_660] {strides = array<i32>} : memref<256x100xf32, #tpu.memory_space<vmem>>, vector<16xf32>,
        %add3A_662 = arith.constant 1032 : i32
        %add3A_663 = vector.broadcast %add3A_662 : i32 to vector<16xi32>
        %add3A_664 = arith.addi %mul3A_197, %add3A_663 : vector<16xi32>
        tpu.vector_store_idx %arg9[%add3A_664], %get3A_661 : memref<1600xf32, #tpu.memory_space<vmem>>[vector<16xi32>], vector<16xf32>,
        %get3A_665 = arith.index_cast %add3A_634 : i32 to index
        %get3A_666 = arith.constant 80 : index
        %get3A_667 = tpu.vector_load %arg5[%get3A_665, %get3A_666] {strides = array<i32>} : memref<256x100xf32, #tpu.memory_space<vmem>>, vector<16xf32>,
        %add3A_668 = arith.constant 1288 : i32
        %add3A_669 = vector.broadcast %add3A_668 : i32 to vector<16xi32>
        %add3A_670 = arith.addi %mul3A_197, %add3A_669 : vector<16xi32>
        tpu.vector_store_idx %arg9[%add3A_670], %get3A_667 : memref<1600xf32, #tpu.memory_space<vmem>>[vector<16xi32>], vector<16xf32>,
        %get3A_671 = arith.index_cast %add3A_634 : i32 to index
        %get3A_672 = arith.constant 84 : index
        %get3A_673 = tpu.vector_load %arg5[%get3A_671, %get3A_672] {strides = array<i32>} : memref<256x100xf32, #tpu.memory_space<vmem>>, vector<16xf32>,
        %add3A_674 = arith.constant 1352 : i32
        %add3A_675 = vector.broadcast %add3A_674 : i32 to vector<16xi32>
        %add3A_676 = arith.addi %mul3A_197, %add3A_675 : vector<16xi32>
        tpu.vector_store_idx %arg9[%add3A_676], %get3A_673 : memref<1600xf32, #tpu.memory_space<vmem>>[vector<16xi32>], vector<16xf32>,
        %mul3A_677 = arith.constant 16 : i32
        %mul3A_678 = arith.muli %mul3A_677, %scan3A_263 : i32
        %add3A_679 = arith.constant 9 : i32
        %add3A_680 = arith.addi %mul3A_678, %add3A_679 : i32
        %get3A_681 = arith.index_cast %add3A_680 : i32 to index
        %get3A_682 = arith.constant 0 : index
        %get3A_683 = tpu.vector_load %arg5[%get3A_681, %get3A_682] {strides = array<i32>} : memref<256x100xf32, #tpu.memory_space<vmem>>, vector<16xf32>,
        %add3A_684 = arith.constant 9 : i32
        %add3A_685 = vector.broadcast %add3A_684 : i32 to vector<16xi32>
        %add3A_686 = arith.addi %mul3A_197, %add3A_685 : vector<16xi32>
        tpu.vector_store_idx %arg9[%add3A_686], %get3A_683 : memref<1600xf32, #tpu.memory_space<vmem>>[vector<16xi32>], vector<16xf32>,
        %get3A_687 = arith.index_cast %add3A_680 : i32 to index
        %get3A_688 = arith.constant 16 : index
        %get3A_689 = tpu.vector_load %arg5[%get3A_687, %get3A_688] {strides = array<i32>} : memref<256x100xf32, #tpu.memory_space<vmem>>, vector<16xf32>,
        %add3A_690 = arith.constant 265 : i32
        %add3A_691 = vector.broadcast %add3A_690 : i32 to vector<16xi32>
        %add3A_692 = arith.addi %mul3A_197, %add3A_691 : vector<16xi32>
        tpu.vector_store_idx %arg9[%add3A_692], %get3A_689 : memref<1600xf32, #tpu.memory_space<vmem>>[vector<16xi32>], vector<16xf32>,
        %get3A_693 = arith.index_cast %add3A_680 : i32 to index
        %get3A_694 = arith.constant 32 : index
        %get3A_695 = tpu.vector_load %arg5[%get3A_693, %get3A_694] {strides = array<i32>} : memref<256x100xf32, #tpu.memory_space<vmem>>, vector<16xf32>,
        %add3A_696 = arith.constant 521 : i32
        %add3A_697 = vector.broadcast %add3A_696 : i32 to vector<16xi32>
        %add3A_698 = arith.addi %mul3A_197, %add3A_697 : vector<16xi32>
        tpu.vector_store_idx %arg9[%add3A_698], %get3A_695 : memref<1600xf32, #tpu.memory_space<vmem>>[vector<16xi32>], vector<16xf32>,
        %get3A_699 = arith.index_cast %add3A_680 : i32 to index
        %get3A_700 = arith.constant 48 : index
        %get3A_701 = tpu.vector_load %arg5[%get3A_699, %get3A_700] {strides = array<i32>} : memref<256x100xf32, #tpu.memory_space<vmem>>, vector<16xf32>,
        %add3A_702 = arith.constant 777 : i32
        %add3A_703 = vector.broadcast %add3A_702 : i32 to vector<16xi32>
        %add3A_704 = arith.addi %mul3A_197, %add3A_703 : vector<16xi32>
        tpu.vector_store_idx %arg9[%add3A_704], %get3A_701 : memref<1600xf32, #tpu.memory_space<vmem>>[vector<16xi32>], vector<16xf32>,
        %get3A_705 = arith.index_cast %add3A_680 : i32 to index
        %get3A_706 = arith.constant 64 : index
        %get3A_707 = tpu.vector_load %arg5[%get3A_705, %get3A_706] {strides = array<i32>} : memref<256x100xf32, #tpu.memory_space<vmem>>, vector<16xf32>,
        %add3A_708 = arith.constant 1033 : i32
        %add3A_709 = vector.broadcast %add3A_708 : i32 to vector<16xi32>
        %add3A_710 = arith.addi %mul3A_197, %add3A_709 : vector<16xi32>
        tpu.vector_store_idx %arg9[%add3A_710], %get3A_707 : memref<1600xf32, #tpu.memory_space<vmem>>[vector<16xi32>], vector<16xf32>,
        %get3A_711 = arith.index_cast %add3A_680 : i32 to index
        %get3A_712 = arith.constant 80 : index
        %get3A_713 = tpu.vector_load %arg5[%get3A_711, %get3A_712] {strides = array<i32>} : memref<256x100xf32, #tpu.memory_space<vmem>>, vector<16xf32>,
        %add3A_714 = arith.constant 1289 : i32
        %add3A_715 = vector.broadcast %add3A_714 : i32 to vector<16xi32>
        %add3A_716 = arith.addi %mul3A_197, %add3A_715 : vector<16xi32>
        tpu.vector_store_idx %arg9[%add3A_716], %get3A_713 : memref<1600xf32, #tpu.memory_space<vmem>>[vector<16xi32>], vector<16xf32>,
        %get3A_717 = arith.index_cast %add3A_680 : i32 to index
        %get3A_718 = arith.constant 84 : index
        %get3A_719 = tpu.vector_load %arg5[%get3A_717, %get3A_718] {strides = array<i32>} : memref<256x100xf32, #tpu.memory_space<vmem>>, vector<16xf32>,
        %add3A_720 = arith.constant 1353 : i32
        %add3A_721 = vector.broadcast %add3A_720 : i32 to vector<16xi32>
        %add3A_722 = arith.addi %mul3A_197, %add3A_721 : vector<16xi32>
        tpu.vector_store_idx %arg9[%add3A_722], %get3A_719 : memref<1600xf32, #tpu.memory_space<vmem>>[vector<16xi32>], vector<16xf32>,
        %mul3A_723 = arith.constant 16 : i32
        %mul3A_724 = arith.muli %mul3A_723, %scan3A_263 : i32
        %add3A_725 = arith.constant 10 : i32
        %add3A_726 = arith.addi %mul3A_724, %add3A_725 : i32
        %get3A_727 = arith.index_cast %add3A_726 : i32 to index
        %get3A_728 = arith.constant 0 : index
        %get3A_729 = tpu.vector_load %arg5[%get3A_727, %get3A_728] {strides = array<i32>} : memref<256x100xf32, #tpu.memory_space<vmem>>, vector<16xf32>,
        %add3A_730 = arith.constant 10 : i32
        %add3A_731 = vector.broadcast %add3A_730 : i32 to vector<16xi32>
        %add3A_732 = arith.addi %mul3A_197, %add3A_731 : vector<16xi32>
        tpu.vector_store_idx %arg9[%add3A_732], %get3A_729 : memref<1600xf32, #tpu.memory_space<vmem>>[vector<16xi32>], vector<16xf32>,
        %get3A_733 = arith.index_cast %add3A_726 : i32 to index
        %get3A_734 = arith.constant 16 : index
        %get3A_735 = tpu.vector_load %arg5[%get3A_733, %get3A_734] {strides = array<i32>} : memref<256x100xf32, #tpu.memory_space<vmem>>, vector<16xf32>,
        %add3A_736 = arith.constant 266 : i32
        %add3A_737 = vector.broadcast %add3A_736 : i32 to vector<16xi32>
        %add3A_738 = arith.addi %mul3A_197, %add3A_737 : vector<16xi32>
        tpu.vector_store_idx %arg9[%add3A_738], %get3A_735 : memref<1600xf32, #tpu.memory_space<vmem>>[vector<16xi32>], vector<16xf32>,
        %get3A_739 = arith.index_cast %add3A_726 : i32 to index
        %get3A_740 = arith.constant 32 : index
        %get3A_741 = tpu.vector_load %arg5[%get3A_739, %get3A_740] {strides = array<i32>} : memref<256x100xf32, #tpu.memory_space<vmem>>, vector<16xf32>,
        %add3A_742 = arith.constant 522 : i32
        %add3A_743 = vector.broadcast %add3A_742 : i32 to vector<16xi32>
        %add3A_744 = arith.addi %mul3A_197, %add3A_743 : vector<16xi32>
        tpu.vector_store_idx %arg9[%add3A_744], %get3A_741 : memref<1600xf32, #tpu.memory_space<vmem>>[vector<16xi32>], vector<16xf32>,
        %get3A_745 = arith.index_cast %add3A_726 : i32 to index
        %get3A_746 = arith.constant 48 : index
        %get3A_747 = tpu.vector_load %arg5[%get3A_745, %get3A_746] {strides = array<i32>} : memref<256x100xf32, #tpu.memory_space<vmem>>, vector<16xf32>,
        %add3A_748 = arith.constant 778 : i32
        %add3A_749 = vector.broadcast %add3A_748 : i32 to vector<16xi32>
        %add3A_750 = arith.addi %mul3A_197, %add3A_749 : vector<16xi32>
        tpu.vector_store_idx %arg9[%add3A_750], %get3A_747 : memref<1600xf32, #tpu.memory_space<vmem>>[vector<16xi32>], vector<16xf32>,
        %get3A_751 = arith.index_cast %add3A_726 : i32 to index
        %get3A_752 = arith.constant 64 : index
        %get3A_753 = tpu.vector_load %arg5[%get3A_751, %get3A_752] {strides = array<i32>} : memref<256x100xf32, #tpu.memory_space<vmem>>, vector<16xf32>,
        %add3A_754 = arith.constant 1034 : i32
        %add3A_755 = vector.broadcast %add3A_754 : i32 to vector<16xi32>
        %add3A_756 = arith.addi %mul3A_197, %add3A_755 : vector<16xi32>
        tpu.vector_store_idx %arg9[%add3A_756], %get3A_753 : memref<1600xf32, #tpu.memory_space<vmem>>[vector<16xi32>], vector<16xf32>,
        %get3A_757 = arith.index_cast %add3A_726 : i32 to index
        %get3A_758 = arith.constant 80 : index
        %get3A_759 = tpu.vector_load %arg5[%get3A_757, %get3A_758] {strides = array<i32>} : memref<256x100xf32, #tpu.memory_space<vmem>>, vector<16xf32>,
        %add3A_760 = arith.constant 1290 : i32
        %add3A_761 = vector.broadcast %add3A_760 : i32 to vector<16xi32>
        %add3A_762 = arith.addi %mul3A_197, %add3A_761 : vector<16xi32>
        tpu.vector_store_idx %arg9[%add3A_762], %get3A_759 : memref<1600xf32, #tpu.memory_space<vmem>>[vector<16xi32>], vector<16xf32>,
        %get3A_763 = arith.index_cast %add3A_726 : i32 to index
        %get3A_764 = arith.constant 84 : index
        %get3A_765 = tpu.vector_load %arg5[%get3A_763, %get3A_764] {strides = array<i32>} : memref<256x100xf32, #tpu.memory_space<vmem>>, vector<16xf32>,
        %add3A_766 = arith.constant 1354 : i32
        %add3A_767 = vector.broadcast %add3A_766 : i32 to vector<16xi32>
        %add3A_768 = arith.addi %mul3A_197, %add3A_767 : vector<16xi32>
        tpu.vector_store_idx %arg9[%add3A_768], %get3A_765 : memref<1600xf32, #tpu.memory_space<vmem>>[vector<16xi32>], vector<16xf32>,
        %mul3A_769 = arith.constant 16 : i32
        %mul3A_770 = arith.muli %mul3A_769, %scan3A_263 : i32
        %add3A_771 = arith.constant 11 : i32
        %add3A_772 = arith.addi %mul3A_770, %add3A_771 : i32
        %get3A_773 = arith.index_cast %add3A_772 : i32 to index
        %get3A_774 = arith.constant 0 : index
        %get3A_775 = tpu.vector_load %arg5[%get3A_773, %get3A_774] {strides = array<i32>} : memref<256x100xf32, #tpu.memory_space<vmem>>, vector<16xf32>,
        %add3A_776 = arith.constant 11 : i32
        %add3A_777 = vector.broadcast %add3A_776 : i32 to vector<16xi32>
        %add3A_778 = arith.addi %mul3A_197, %add3A_777 : vector<16xi32>
        tpu.vector_store_idx %arg9[%add3A_778], %get3A_775 : memref<1600xf32, #tpu.memory_space<vmem>>[vector<16xi32>], vector<16xf32>,
        %get3A_779 = arith.index_cast %add3A_772 : i32 to index
        %get3A_780 = arith.constant 16 : index
        %get3A_781 = tpu.vector_load %arg5[%get3A_779, %get3A_780] {strides = array<i32>} : memref<256x100xf32, #tpu.memory_space<vmem>>, vector<16xf32>,
        %add3A_782 = arith.constant 267 : i32
        %add3A_783 = vector.broadcast %add3A_782 : i32 to vector<16xi32>
        %add3A_784 = arith.addi %mul3A_197, %add3A_783 : vector<16xi32>
        tpu.vector_store_idx %arg9[%add3A_784], %get3A_781 : memref<1600xf32, #tpu.memory_space<vmem>>[vector<16xi32>], vector<16xf32>,
        %get3A_785 = arith.index_cast %add3A_772 : i32 to index
        %get3A_786 = arith.constant 32 : index
        %get3A_787 = tpu.vector_load %arg5[%get3A_785, %get3A_786] {strides = array<i32>} : memref<256x100xf32, #tpu.memory_space<vmem>>, vector<16xf32>,
        %add3A_788 = arith.constant 523 : i32
        %add3A_789 = vector.broadcast %add3A_788 : i32 to vector<16xi32>
        %add3A_790 = arith.addi %mul3A_197, %add3A_789 : vector<16xi32>
        tpu.vector_store_idx %arg9[%add3A_790], %get3A_787 : memref<1600xf32, #tpu.memory_space<vmem>>[vector<16xi32>], vector<16xf32>,
        %get3A_791 = arith.index_cast %add3A_772 : i32 to index
        %get3A_792 = arith.constant 48 : index
        %get3A_793 = tpu.vector_load %arg5[%get3A_791, %get3A_792] {strides = array<i32>} : memref<256x100xf32, #tpu.memory_space<vmem>>, vector<16xf32>,
        %add3A_794 = arith.constant 779 : i32
        %add3A_795 = vector.broadcast %add3A_794 : i32 to vector<16xi32>
        %add3A_796 = arith.addi %mul3A_197, %add3A_795 : vector<16xi32>
        tpu.vector_store_idx %arg9[%add3A_796], %get3A_793 : memref<1600xf32, #tpu.memory_space<vmem>>[vector<16xi32>], vector<16xf32>,
        %get3A_797 = arith.index_cast %add3A_772 : i32 to index
        %get3A_798 = arith.constant 64 : index
        %get3A_799 = tpu.vector_load %arg5[%get3A_797, %get3A_798] {strides = array<i32>} : memref<256x100xf32, #tpu.memory_space<vmem>>, vector<16xf32>,
        %add3A_800 = arith.constant 1035 : i32
        %add3A_801 = vector.broadcast %add3A_800 : i32 to vector<16xi32>
        %add3A_802 = arith.addi %mul3A_197, %add3A_801 : vector<16xi32>
        tpu.vector_store_idx %arg9[%add3A_802], %get3A_799 : memref<1600xf32, #tpu.memory_space<vmem>>[vector<16xi32>], vector<16xf32>,
        %get3A_803 = arith.index_cast %add3A_772 : i32 to index
        %get3A_804 = arith.constant 80 : index
        %get3A_805 = tpu.vector_load %arg5[%get3A_803, %get3A_804] {strides = array<i32>} : memref<256x100xf32, #tpu.memory_space<vmem>>, vector<16xf32>,
        %add3A_806 = arith.constant 1291 : i32
        %add3A_807 = vector.broadcast %add3A_806 : i32 to vector<16xi32>
        %add3A_808 = arith.addi %mul3A_197, %add3A_807 : vector<16xi32>
        tpu.vector_store_idx %arg9[%add3A_808], %get3A_805 : memref<1600xf32, #tpu.memory_space<vmem>>[vector<16xi32>], vector<16xf32>,
        %get3A_809 = arith.index_cast %add3A_772 : i32 to index
        %get3A_810 = arith.constant 84 : index
        %get3A_811 = tpu.vector_load %arg5[%get3A_809, %get3A_810] {strides = array<i32>} : memref<256x100xf32, #tpu.memory_space<vmem>>, vector<16xf32>,
        %add3A_812 = arith.constant 1355 : i32
        %add3A_813 = vector.broadcast %add3A_812 : i32 to vector<16xi32>
        %add3A_814 = arith.addi %mul3A_197, %add3A_813 : vector<16xi32>
        tpu.vector_store_idx %arg9[%add3A_814], %get3A_811 : memref<1600xf32, #tpu.memory_space<vmem>>[vector<16xi32>], vector<16xf32>,
        %mul3A_815 = arith.constant 16 : i32
        %mul3A_816 = arith.muli %mul3A_815, %scan3A_263 : i32
        %add3A_817 = arith.constant 12 : i32
        %add3A_818 = arith.addi %mul3A_816, %add3A_817 : i32
        %get3A_819 = arith.index_cast %add3A_818 : i32 to index
        %get3A_820 = arith.constant 0 : index
        %get3A_821 = tpu.vector_load %arg5[%get3A_819, %get3A_820] {strides = array<i32>} : memref<256x100xf32, #tpu.memory_space<vmem>>, vector<16xf32>,
        %add3A_822 = arith.constant 12 : i32
        %add3A_823 = vector.broadcast %add3A_822 : i32 to vector<16xi32>
        %add3A_824 = arith.addi %mul3A_197, %add3A_823 : vector<16xi32>
        tpu.vector_store_idx %arg9[%add3A_824], %get3A_821 : memref<1600xf32, #tpu.memory_space<vmem>>[vector<16xi32>], vector<16xf32>,
        %get3A_825 = arith.index_cast %add3A_818 : i32 to index
        %get3A_826 = arith.constant 16 : index
        %get3A_827 = tpu.vector_load %arg5[%get3A_825, %get3A_826] {strides = array<i32>} : memref<256x100xf32, #tpu.memory_space<vmem>>, vector<16xf32>,
        %add3A_828 = arith.constant 268 : i32
        %add3A_829 = vector.broadcast %add3A_828 : i32 to vector<16xi32>
        %add3A_830 = arith.addi %mul3A_197, %add3A_829 : vector<16xi32>
        tpu.vector_store_idx %arg9[%add3A_830], %get3A_827 : memref<1600xf32, #tpu.memory_space<vmem>>[vector<16xi32>], vector<16xf32>,
        %get3A_831 = arith.index_cast %add3A_818 : i32 to index
        %get3A_832 = arith.constant 32 : index
        %get3A_833 = tpu.vector_load %arg5[%get3A_831, %get3A_832] {strides = array<i32>} : memref<256x100xf32, #tpu.memory_space<vmem>>, vector<16xf32>,
        %add3A_834 = arith.constant 524 : i32
        %add3A_835 = vector.broadcast %add3A_834 : i32 to vector<16xi32>
        %add3A_836 = arith.addi %mul3A_197, %add3A_835 : vector<16xi32>
        tpu.vector_store_idx %arg9[%add3A_836], %get3A_833 : memref<1600xf32, #tpu.memory_space<vmem>>[vector<16xi32>], vector<16xf32>,
        %get3A_837 = arith.index_cast %add3A_818 : i32 to index
        %get3A_838 = arith.constant 48 : index
        %get3A_839 = tpu.vector_load %arg5[%get3A_837, %get3A_838] {strides = array<i32>} : memref<256x100xf32, #tpu.memory_space<vmem>>, vector<16xf32>,
        %add3A_840 = arith.constant 780 : i32
        %add3A_841 = vector.broadcast %add3A_840 : i32 to vector<16xi32>
        %add3A_842 = arith.addi %mul3A_197, %add3A_841 : vector<16xi32>
        tpu.vector_store_idx %arg9[%add3A_842], %get3A_839 : memref<1600xf32, #tpu.memory_space<vmem>>[vector<16xi32>], vector<16xf32>,
        %get3A_843 = arith.index_cast %add3A_818 : i32 to index
        %get3A_844 = arith.constant 64 : index
        %get3A_845 = tpu.vector_load %arg5[%get3A_843, %get3A_844] {strides = array<i32>} : memref<256x100xf32, #tpu.memory_space<vmem>>, vector<16xf32>,
        %add3A_846 = arith.constant 1036 : i32
        %add3A_847 = vector.broadcast %add3A_846 : i32 to vector<16xi32>
        %add3A_848 = arith.addi %mul3A_197, %add3A_847 : vector<16xi32>
        tpu.vector_store_idx %arg9[%add3A_848], %get3A_845 : memref<1600xf32, #tpu.memory_space<vmem>>[vector<16xi32>], vector<16xf32>,
        %get3A_849 = arith.index_cast %add3A_818 : i32 to index
        %get3A_850 = arith.constant 80 : index
        %get3A_851 = tpu.vector_load %arg5[%get3A_849, %get3A_850] {strides = array<i32>} : memref<256x100xf32, #tpu.memory_space<vmem>>, vector<16xf32>,
        %add3A_852 = arith.constant 1292 : i32
        %add3A_853 = vector.broadcast %add3A_852 : i32 to vector<16xi32>
        %add3A_854 = arith.addi %mul3A_197, %add3A_853 : vector<16xi32>
        tpu.vector_store_idx %arg9[%add3A_854], %get3A_851 : memref<1600xf32, #tpu.memory_space<vmem>>[vector<16xi32>], vector<16xf32>,
        %get3A_855 = arith.index_cast %add3A_818 : i32 to index
        %get3A_856 = arith.constant 84 : index
        %get3A_857 = tpu.vector_load %arg5[%get3A_855, %get3A_856] {strides = array<i32>} : memref<256x100xf32, #tpu.memory_space<vmem>>, vector<16xf32>,
        %add3A_858 = arith.constant 1356 : i32
        %add3A_859 = vector.broadcast %add3A_858 : i32 to vector<16xi32>
        %add3A_860 = arith.addi %mul3A_197, %add3A_859 : vector<16xi32>
        tpu.vector_store_idx %arg9[%add3A_860], %get3A_857 : memref<1600xf32, #tpu.memory_space<vmem>>[vector<16xi32>], vector<16xf32>,
        %mul3A_861 = arith.constant 16 : i32
        %mul3A_862 = arith.muli %mul3A_861, %scan3A_263 : i32
        %add3A_863 = arith.constant 13 : i32
        %add3A_864 = arith.addi %mul3A_862, %add3A_863 : i32
        %get3A_865 = arith.index_cast %add3A_864 : i32 to index
        %get3A_866 = arith.constant 0 : index
        %get3A_867 = tpu.vector_load %arg5[%get3A_865, %get3A_866] {strides = array<i32>} : memref<256x100xf32, #tpu.memory_space<vmem>>, vector<16xf32>,
        %add3A_868 = arith.constant 13 : i32
        %add3A_869 = vector.broadcast %add3A_868 : i32 to vector<16xi32>
        %add3A_870 = arith.addi %mul3A_197, %add3A_869 : vector<16xi32>
        tpu.vector_store_idx %arg9[%add3A_870], %get3A_867 : memref<1600xf32, #tpu.memory_space<vmem>>[vector<16xi32>], vector<16xf32>,
        %get3A_871 = arith.index_cast %add3A_864 : i32 to index
        %get3A_872 = arith.constant 16 : index
        %get3A_873 = tpu.vector_load %arg5[%get3A_871, %get3A_872] {strides = array<i32>} : memref<256x100xf32, #tpu.memory_space<vmem>>, vector<16xf32>,
        %add3A_874 = arith.constant 269 : i32
        %add3A_875 = vector.broadcast %add3A_874 : i32 to vector<16xi32>
        %add3A_876 = arith.addi %mul3A_197, %add3A_875 : vector<16xi32>
        tpu.vector_store_idx %arg9[%add3A_876], %get3A_873 : memref<1600xf32, #tpu.memory_space<vmem>>[vector<16xi32>], vector<16xf32>,
        %get3A_877 = arith.index_cast %add3A_864 : i32 to index
        %get3A_878 = arith.constant 32 : index
        %get3A_879 = tpu.vector_load %arg5[%get3A_877, %get3A_878] {strides = array<i32>} : memref<256x100xf32, #tpu.memory_space<vmem>>, vector<16xf32>,
        %add3A_880 = arith.constant 525 : i32
        %add3A_881 = vector.broadcast %add3A_880 : i32 to vector<16xi32>
        %add3A_882 = arith.addi %mul3A_197, %add3A_881 : vector<16xi32>
        tpu.vector_store_idx %arg9[%add3A_882], %get3A_879 : memref<1600xf32, #tpu.memory_space<vmem>>[vector<16xi32>], vector<16xf32>,
        %get3A_883 = arith.index_cast %add3A_864 : i32 to index
        %get3A_884 = arith.constant 48 : index
        %get3A_885 = tpu.vector_load %arg5[%get3A_883, %get3A_884] {strides = array<i32>} : memref<256x100xf32, #tpu.memory_space<vmem>>, vector<16xf32>,
        %add3A_886 = arith.constant 781 : i32
        %add3A_887 = vector.broadcast %add3A_886 : i32 to vector<16xi32>
        %add3A_888 = arith.addi %mul3A_197, %add3A_887 : vector<16xi32>
        tpu.vector_store_idx %arg9[%add3A_888], %get3A_885 : memref<1600xf32, #tpu.memory_space<vmem>>[vector<16xi32>], vector<16xf32>,
        %get3A_889 = arith.index_cast %add3A_864 : i32 to index
        %get3A_890 = arith.constant 64 : index
        %get3A_891 = tpu.vector_load %arg5[%get3A_889, %get3A_890] {strides = array<i32>} : memref<256x100xf32, #tpu.memory_space<vmem>>, vector<16xf32>,
        %add3A_892 = arith.constant 1037 : i32
        %add3A_893 = vector.broadcast %add3A_892 : i32 to vector<16xi32>
        %add3A_894 = arith.addi %mul3A_197, %add3A_893 : vector<16xi32>
        tpu.vector_store_idx %arg9[%add3A_894], %get3A_891 : memref<1600xf32, #tpu.memory_space<vmem>>[vector<16xi32>], vector<16xf32>,
        %get3A_895 = arith.index_cast %add3A_864 : i32 to index
        %get3A_896 = arith.constant 80 : index
        %get3A_897 = tpu.vector_load %arg5[%get3A_895, %get3A_896] {strides = array<i32>} : memref<256x100xf32, #tpu.memory_space<vmem>>, vector<16xf32>,
        %add3A_898 = arith.constant 1293 : i32
        %add3A_899 = vector.broadcast %add3A_898 : i32 to vector<16xi32>
        %add3A_900 = arith.addi %mul3A_197, %add3A_899 : vector<16xi32>
        tpu.vector_store_idx %arg9[%add3A_900], %get3A_897 : memref<1600xf32, #tpu.memory_space<vmem>>[vector<16xi32>], vector<16xf32>,
        %get3A_901 = arith.index_cast %add3A_864 : i32 to index
        %get3A_902 = arith.constant 84 : index
        %get3A_903 = tpu.vector_load %arg5[%get3A_901, %get3A_902] {strides = array<i32>} : memref<256x100xf32, #tpu.memory_space<vmem>>, vector<16xf32>,
        %add3A_904 = arith.constant 1357 : i32
        %add3A_905 = vector.broadcast %add3A_904 : i32 to vector<16xi32>
        %add3A_906 = arith.addi %mul3A_197, %add3A_905 : vector<16xi32>
        tpu.vector_store_idx %arg9[%add3A_906], %get3A_903 : memref<1600xf32, #tpu.memory_space<vmem>>[vector<16xi32>], vector<16xf32>,
        %mul3A_907 = arith.constant 16 : i32
        %mul3A_908 = arith.muli %mul3A_907, %scan3A_263 : i32
        %add3A_909 = arith.constant 14 : i32
        %add3A_910 = arith.addi %mul3A_908, %add3A_909 : i32
        %get3A_911 = arith.index_cast %add3A_910 : i32 to index
        %get3A_912 = arith.constant 0 : index
        %get3A_913 = tpu.vector_load %arg5[%get3A_911, %get3A_912] {strides = array<i32>} : memref<256x100xf32, #tpu.memory_space<vmem>>, vector<16xf32>,
        %add3A_914 = arith.constant 14 : i32
        %add3A_915 = vector.broadcast %add3A_914 : i32 to vector<16xi32>
        %add3A_916 = arith.addi %mul3A_197, %add3A_915 : vector<16xi32>
        tpu.vector_store_idx %arg9[%add3A_916], %get3A_913 : memref<1600xf32, #tpu.memory_space<vmem>>[vector<16xi32>], vector<16xf32>,
        %get3A_917 = arith.index_cast %add3A_910 : i32 to index
        %get3A_918 = arith.constant 16 : index
        %get3A_919 = tpu.vector_load %arg5[%get3A_917, %get3A_918] {strides = array<i32>} : memref<256x100xf32, #tpu.memory_space<vmem>>, vector<16xf32>,
        %add3A_920 = arith.constant 270 : i32
        %add3A_921 = vector.broadcast %add3A_920 : i32 to vector<16xi32>
        %add3A_922 = arith.addi %mul3A_197, %add3A_921 : vector<16xi32>
        tpu.vector_store_idx %arg9[%add3A_922], %get3A_919 : memref<1600xf32, #tpu.memory_space<vmem>>[vector<16xi32>], vector<16xf32>,
        %get3A_923 = arith.index_cast %add3A_910 : i32 to index
        %get3A_924 = arith.constant 32 : index
        %get3A_925 = tpu.vector_load %arg5[%get3A_923, %get3A_924] {strides = array<i32>} : memref<256x100xf32, #tpu.memory_space<vmem>>, vector<16xf32>,
        %add3A_926 = arith.constant 526 : i32
        %add3A_927 = vector.broadcast %add3A_926 : i32 to vector<16xi32>
        %add3A_928 = arith.addi %mul3A_197, %add3A_927 : vector<16xi32>
        tpu.vector_store_idx %arg9[%add3A_928], %get3A_925 : memref<1600xf32, #tpu.memory_space<vmem>>[vector<16xi32>], vector<16xf32>,
        %get3A_929 = arith.index_cast %add3A_910 : i32 to index
        %get3A_930 = arith.constant 48 : index
        %get3A_931 = tpu.vector_load %arg5[%get3A_929, %get3A_930] {strides = array<i32>} : memref<256x100xf32, #tpu.memory_space<vmem>>, vector<16xf32>,
        %add3A_932 = arith.constant 782 : i32
        %add3A_933 = vector.broadcast %add3A_932 : i32 to vector<16xi32>
        %add3A_934 = arith.addi %mul3A_197, %add3A_933 : vector<16xi32>
        tpu.vector_store_idx %arg9[%add3A_934], %get3A_931 : memref<1600xf32, #tpu.memory_space<vmem>>[vector<16xi32>], vector<16xf32>,
        %get3A_935 = arith.index_cast %add3A_910 : i32 to index
        %get3A_936 = arith.constant 64 : index
        %get3A_937 = tpu.vector_load %arg5[%get3A_935, %get3A_936] {strides = array<i32>} : memref<256x100xf32, #tpu.memory_space<vmem>>, vector<16xf32>,
        %add3A_938 = arith.constant 1038 : i32
        %add3A_939 = vector.broadcast %add3A_938 : i32 to vector<16xi32>
        %add3A_940 = arith.addi %mul3A_197, %add3A_939 : vector<16xi32>
        tpu.vector_store_idx %arg9[%add3A_940], %get3A_937 : memref<1600xf32, #tpu.memory_space<vmem>>[vector<16xi32>], vector<16xf32>,
        %get3A_941 = arith.index_cast %add3A_910 : i32 to index
        %get3A_942 = arith.constant 80 : index
        %get3A_943 = tpu.vector_load %arg5[%get3A_941, %get3A_942] {strides = array<i32>} : memref<256x100xf32, #tpu.memory_space<vmem>>, vector<16xf32>,
        %add3A_944 = arith.constant 1294 : i32
        %add3A_945 = vector.broadcast %add3A_944 : i32 to vector<16xi32>
        %add3A_946 = arith.addi %mul3A_197, %add3A_945 : vector<16xi32>
        tpu.vector_store_idx %arg9[%add3A_946], %get3A_943 : memref<1600xf32, #tpu.memory_space<vmem>>[vector<16xi32>], vector<16xf32>,
        %get3A_947 = arith.index_cast %add3A_910 : i32 to index
        %get3A_948 = arith.constant 84 : index
        %get3A_949 = tpu.vector_load %arg5[%get3A_947, %get3A_948] {strides = array<i32>} : memref<256x100xf32, #tpu.memory_space<vmem>>, vector<16xf32>,
        %add3A_950 = arith.constant 1358 : i32
        %add3A_951 = vector.broadcast %add3A_950 : i32 to vector<16xi32>
        %add3A_952 = arith.addi %mul3A_197, %add3A_951 : vector<16xi32>
        tpu.vector_store_idx %arg9[%add3A_952], %get3A_949 : memref<1600xf32, #tpu.memory_space<vmem>>[vector<16xi32>], vector<16xf32>,
        %mul3A_953 = arith.constant 16 : i32
        %mul3A_954 = arith.muli %mul3A_953, %scan3A_263 : i32
        %add3A_955 = arith.constant 15 : i32
        %add3A_956 = arith.addi %mul3A_954, %add3A_955 : i32
        %get3A_957 = arith.index_cast %add3A_956 : i32 to index
        %get3A_958 = arith.constant 0 : index
        %get3A_959 = tpu.vector_load %arg5[%get3A_957, %get3A_958] {strides = array<i32>} : memref<256x100xf32, #tpu.memory_space<vmem>>, vector<16xf32>,
        %add3A_960 = arith.constant 15 : i32
        %add3A_961 = vector.broadcast %add3A_960 : i32 to vector<16xi32>
        %add3A_962 = arith.addi %mul3A_197, %add3A_961 : vector<16xi32>
        tpu.vector_store_idx %arg9[%add3A_962], %get3A_959 : memref<1600xf32, #tpu.memory_space<vmem>>[vector<16xi32>], vector<16xf32>,
        %get3A_963 = arith.index_cast %add3A_956 : i32 to index
        %get3A_964 = arith.constant 16 : index
        %get3A_965 = tpu.vector_load %arg5[%get3A_963, %get3A_964] {strides = array<i32>} : memref<256x100xf32, #tpu.memory_space<vmem>>, vector<16xf32>,
        %add3A_966 = arith.constant 271 : i32
        %add3A_967 = vector.broadcast %add3A_966 : i32 to vector<16xi32>
        %add3A_968 = arith.addi %mul3A_197, %add3A_967 : vector<16xi32>
        tpu.vector_store_idx %arg9[%add3A_968], %get3A_965 : memref<1600xf32, #tpu.memory_space<vmem>>[vector<16xi32>], vector<16xf32>,
        %get3A_969 = arith.index_cast %add3A_956 : i32 to index
        %get3A_970 = arith.constant 32 : index
        %get3A_971 = tpu.vector_load %arg5[%get3A_969, %get3A_970] {strides = array<i32>} : memref<256x100xf32, #tpu.memory_space<vmem>>, vector<16xf32>,
        %add3A_972 = arith.constant 527 : i32
        %add3A_973 = vector.broadcast %add3A_972 : i32 to vector<16xi32>
        %add3A_974 = arith.addi %mul3A_197, %add3A_973 : vector<16xi32>
        tpu.vector_store_idx %arg9[%add3A_974], %get3A_971 : memref<1600xf32, #tpu.memory_space<vmem>>[vector<16xi32>], vector<16xf32>,
        %get3A_975 = arith.index_cast %add3A_956 : i32 to index
        %get3A_976 = arith.constant 48 : index
        %get3A_977 = tpu.vector_load %arg5[%get3A_975, %get3A_976] {strides = array<i32>} : memref<256x100xf32, #tpu.memory_space<vmem>>, vector<16xf32>,
        %add3A_978 = arith.constant 783 : i32
        %add3A_979 = vector.broadcast %add3A_978 : i32 to vector<16xi32>
        %add3A_980 = arith.addi %mul3A_197, %add3A_979 : vector<16xi32>
        tpu.vector_store_idx %arg9[%add3A_980], %get3A_977 : memref<1600xf32, #tpu.memory_space<vmem>>[vector<16xi32>], vector<16xf32>,
        %get3A_981 = arith.index_cast %add3A_956 : i32 to index
        %get3A_982 = arith.constant 64 : index
        %get3A_983 = tpu.vector_load %arg5[%get3A_981, %get3A_982] {strides = array<i32>} : memref<256x100xf32, #tpu.memory_space<vmem>>, vector<16xf32>,
        %add3A_984 = arith.constant 1039 : i32
        %add3A_985 = vector.broadcast %add3A_984 : i32 to vector<16xi32>
        %add3A_986 = arith.addi %mul3A_197, %add3A_985 : vector<16xi32>
        tpu.vector_store_idx %arg9[%add3A_986], %get3A_983 : memref<1600xf32, #tpu.memory_space<vmem>>[vector<16xi32>], vector<16xf32>,
        %get3A_987 = arith.index_cast %add3A_956 : i32 to index
        %get3A_988 = arith.constant 80 : index
        %get3A_989 = tpu.vector_load %arg5[%get3A_987, %get3A_988] {strides = array<i32>} : memref<256x100xf32, #tpu.memory_space<vmem>>, vector<16xf32>,
        %add3A_990 = arith.constant 1295 : i32
        %add3A_991 = vector.broadcast %add3A_990 : i32 to vector<16xi32>
        %add3A_992 = arith.addi %mul3A_197, %add3A_991 : vector<16xi32>
        tpu.vector_store_idx %arg9[%add3A_992], %get3A_989 : memref<1600xf32, #tpu.memory_space<vmem>>[vector<16xi32>], vector<16xf32>,
        %get3A_993 = arith.index_cast %add3A_956 : i32 to index
        %get3A_994 = arith.constant 84 : index
        %get3A_995 = tpu.vector_load %arg5[%get3A_993, %get3A_994] {strides = array<i32>} : memref<256x100xf32, #tpu.memory_space<vmem>>, vector<16xf32>,
        %add3A_996 = arith.constant 1359 : i32
        %add3A_997 = vector.broadcast %add3A_996 : i32 to vector<16xi32>
        %add3A_998 = arith.addi %mul3A_197, %add3A_997 : vector<16xi32>
        tpu.vector_store_idx %arg9[%add3A_998], %get3A_995 : memref<1600xf32, #tpu.memory_space<vmem>>[vector<16xi32>], vector<16xf32>,
        %get3A_999 = arith.constant 0 : index
        %get3A_1000 = tpu.vector_load %arg9[%get3A_999] {strides = array<i32>} : memref<1600xf32, #tpu.memory_space<vmem>>, vector<16xf32>,
        %broadcast_in_dim3A_1001 = arith.constant 0 : i32
        %broadcast_in_dim3A_1002 = vector.broadcast %broadcast_in_dim3A_1001 : i32 to vector<16xi32>
        %get3A_1003 = arith.constant 16 : index
        %get3A_1004 = tpu.vector_load %arg9[%get3A_1003] {strides = array<i32>} : memref<1600xf32, #tpu.memory_space<vmem>>, vector<16xf32>,
        %gt3A = arith.cmpf ogt, %get3A_1004, %get3A_1000 : vector<16xf32>
        %jit3A = arith.constant 1 : i32
        %broadcast_in_dim3A_1005 = vector.broadcast %jit3A : i32 to vector<16xi32>
        %select_n3A = arith.select %gt3A, %broadcast_in_dim3A_1005, %broadcast_in_dim3A_1002 : vector<16xi1>, vector<16xi32>
        %max3A = arith.maximumf %get3A_1000, %get3A_1004 : vector<16xf32>
        %get3A_1006 = arith.constant 32 : index
        %get3A_1007 = tpu.vector_load %arg9[%get3A_1006] {strides = array<i32>} : memref<1600xf32, #tpu.memory_space<vmem>>, vector<16xf32>,
        %gt3A_1008 = arith.cmpf ogt, %get3A_1007, %max3A : vector<16xf32>
        %jit3A_1009 = arith.constant 2 : i32
        %broadcast_in_dim3A_1010 = vector.broadcast %jit3A_1009 : i32 to vector<16xi32>
        %select_n3A_1011 = arith.select %gt3A_1008, %broadcast_in_dim3A_1010, %select_n3A : vector<16xi1>, vector<16xi32>
        %max3A_1012 = arith.maximumf %max3A, %get3A_1007 : vector<16xf32>
        %get3A_1013 = arith.constant 48 : index
        %get3A_1014 = tpu.vector_load %arg9[%get3A_1013] {strides = array<i32>} : memref<1600xf32, #tpu.memory_space<vmem>>, vector<16xf32>,
        %gt3A_1015 = arith.cmpf ogt, %get3A_1014, %max3A_1012 : vector<16xf32>
        %jit3A_1016 = arith.constant 3 : i32
        %broadcast_in_dim3A_1017 = vector.broadcast %jit3A_1016 : i32 to vector<16xi32>
        %select_n3A_1018 = arith.select %gt3A_1015, %broadcast_in_dim3A_1017, %select_n3A_1011 : vector<16xi1>, vector<16xi32>
        %max3A_1019 = arith.maximumf %max3A_1012, %get3A_1014 : vector<16xf32>
        %get3A_1020 = arith.constant 64 : index
        %get3A_1021 = tpu.vector_load %arg9[%get3A_1020] {strides = array<i32>} : memref<1600xf32, #tpu.memory_space<vmem>>, vector<16xf32>,
        %gt3A_1022 = arith.cmpf ogt, %get3A_1021, %max3A_1019 : vector<16xf32>
        %jit3A_1023 = arith.constant 4 : i32
        %broadcast_in_dim3A_1024 = vector.broadcast %jit3A_1023 : i32 to vector<16xi32>
        %select_n3A_1025 = arith.select %gt3A_1022, %broadcast_in_dim3A_1024, %select_n3A_1018 : vector<16xi1>, vector<16xi32>
        %max3A_1026 = arith.maximumf %max3A_1019, %get3A_1021 : vector<16xf32>
        %get3A_1027 = arith.constant 80 : index
        %get3A_1028 = tpu.vector_load %arg9[%get3A_1027] {strides = array<i32>} : memref<1600xf32, #tpu.memory_space<vmem>>, vector<16xf32>,
        %gt3A_1029 = arith.cmpf ogt, %get3A_1028, %max3A_1026 : vector<16xf32>
        %jit3A_1030 = arith.constant 5 : i32
        %broadcast_in_dim3A_1031 = vector.broadcast %jit3A_1030 : i32 to vector<16xi32>
        %select_n3A_1032 = arith.select %gt3A_1029, %broadcast_in_dim3A_1031, %select_n3A_1025 : vector<16xi1>, vector<16xi32>
        %max3A_1033 = arith.maximumf %max3A_1026, %get3A_1028 : vector<16xf32>
        %get3A_1034 = arith.constant 96 : index
        %get3A_1035 = tpu.vector_load %arg9[%get3A_1034] {strides = array<i32>} : memref<1600xf32, #tpu.memory_space<vmem>>, vector<16xf32>,
        %gt3A_1036 = arith.cmpf ogt, %get3A_1035, %max3A_1033 : vector<16xf32>
        %jit3A_1037 = arith.constant 6 : i32
        %broadcast_in_dim3A_1038 = vector.broadcast %jit3A_1037 : i32 to vector<16xi32>
        %select_n3A_1039 = arith.select %gt3A_1036, %broadcast_in_dim3A_1038, %select_n3A_1032 : vector<16xi1>, vector<16xi32>
        %max3A_1040 = arith.maximumf %max3A_1033, %get3A_1035 : vector<16xf32>
        %get3A_1041 = arith.constant 112 : index
        %get3A_1042 = tpu.vector_load %arg9[%get3A_1041] {strides = array<i32>} : memref<1600xf32, #tpu.memory_space<vmem>>, vector<16xf32>,
        %gt3A_1043 = arith.cmpf ogt, %get3A_1042, %max3A_1040 : vector<16xf32>
        %jit3A_1044 = arith.constant 7 : i32
        %broadcast_in_dim3A_1045 = vector.broadcast %jit3A_1044 : i32 to vector<16xi32>
        %select_n3A_1046 = arith.select %gt3A_1043, %broadcast_in_dim3A_1045, %select_n3A_1039 : vector<16xi1>, vector<16xi32>
        %max3A_1047 = arith.maximumf %max3A_1040, %get3A_1042 : vector<16xf32>
        %get3A_1048 = arith.constant 128 : index
        %get3A_1049 = tpu.vector_load %arg9[%get3A_1048] {strides = array<i32>} : memref<1600xf32, #tpu.memory_space<vmem>>, vector<16xf32>,
        %gt3A_1050 = arith.cmpf ogt, %get3A_1049, %max3A_1047 : vector<16xf32>
        %jit3A_1051 = arith.constant 8 : i32
        %broadcast_in_dim3A_1052 = vector.broadcast %jit3A_1051 : i32 to vector<16xi32>
        %select_n3A_1053 = arith.select %gt3A_1050, %broadcast_in_dim3A_1052, %select_n3A_1046 : vector<16xi1>, vector<16xi32>
        %max3A_1054 = arith.maximumf %max3A_1047, %get3A_1049 : vector<16xf32>
        %get3A_1055 = arith.constant 144 : index
        %get3A_1056 = tpu.vector_load %arg9[%get3A_1055] {strides = array<i32>} : memref<1600xf32, #tpu.memory_space<vmem>>, vector<16xf32>,
        %gt3A_1057 = arith.cmpf ogt, %get3A_1056, %max3A_1054 : vector<16xf32>
        %jit3A_1058 = arith.constant 9 : i32
        %broadcast_in_dim3A_1059 = vector.broadcast %jit3A_1058 : i32 to vector<16xi32>
        %select_n3A_1060 = arith.select %gt3A_1057, %broadcast_in_dim3A_1059, %select_n3A_1053 : vector<16xi1>, vector<16xi32>
        %max3A_1061 = arith.maximumf %max3A_1054, %get3A_1056 : vector<16xf32>
        %get3A_1062 = arith.constant 160 : index
        %get3A_1063 = tpu.vector_load %arg9[%get3A_1062] {strides = array<i32>} : memref<1600xf32, #tpu.memory_space<vmem>>, vector<16xf32>,
        %gt3A_1064 = arith.cmpf ogt, %get3A_1063, %max3A_1061 : vector<16xf32>
        %jit3A_1065 = arith.constant 10 : i32
        %broadcast_in_dim3A_1066 = vector.broadcast %jit3A_1065 : i32 to vector<16xi32>
        %select_n3A_1067 = arith.select %gt3A_1064, %broadcast_in_dim3A_1066, %select_n3A_1060 : vector<16xi1>, vector<16xi32>
        %max3A_1068 = arith.maximumf %max3A_1061, %get3A_1063 : vector<16xf32>
        %get3A_1069 = arith.constant 176 : index
        %get3A_1070 = tpu.vector_load %arg9[%get3A_1069] {strides = array<i32>} : memref<1600xf32, #tpu.memory_space<vmem>>, vector<16xf32>,
        %gt3A_1071 = arith.cmpf ogt, %get3A_1070, %max3A_1068 : vector<16xf32>
        %jit3A_1072 = arith.constant 11 : i32
        %broadcast_in_dim3A_1073 = vector.broadcast %jit3A_1072 : i32 to vector<16xi32>
        %select_n3A_1074 = arith.select %gt3A_1071, %broadcast_in_dim3A_1073, %select_n3A_1067 : vector<16xi1>, vector<16xi32>
        %max3A_1075 = arith.maximumf %max3A_1068, %get3A_1070 : vector<16xf32>
        %get3A_1076 = arith.constant 192 : index
        %get3A_1077 = tpu.vector_load %arg9[%get3A_1076] {strides = array<i32>} : memref<1600xf32, #tpu.memory_space<vmem>>, vector<16xf32>,
        %gt3A_1078 = arith.cmpf ogt, %get3A_1077, %max3A_1075 : vector<16xf32>
        %jit3A_1079 = arith.constant 12 : i32
        %broadcast_in_dim3A_1080 = vector.broadcast %jit3A_1079 : i32 to vector<16xi32>
        %select_n3A_1081 = arith.select %gt3A_1078, %broadcast_in_dim3A_1080, %select_n3A_1074 : vector<16xi1>, vector<16xi32>
        %max3A_1082 = arith.maximumf %max3A_1075, %get3A_1077 : vector<16xf32>
        %get3A_1083 = arith.constant 208 : index
        %get3A_1084 = tpu.vector_load %arg9[%get3A_1083] {strides = array<i32>} : memref<1600xf32, #tpu.memory_space<vmem>>, vector<16xf32>,
        %gt3A_1085 = arith.cmpf ogt, %get3A_1084, %max3A_1082 : vector<16xf32>
        %jit3A_1086 = arith.constant 13 : i32
        %broadcast_in_dim3A_1087 = vector.broadcast %jit3A_1086 : i32 to vector<16xi32>
        %select_n3A_1088 = arith.select %gt3A_1085, %broadcast_in_dim3A_1087, %select_n3A_1081 : vector<16xi1>, vector<16xi32>
        %max3A_1089 = arith.maximumf %max3A_1082, %get3A_1084 : vector<16xf32>
        %get3A_1090 = arith.constant 224 : index
        %get3A_1091 = tpu.vector_load %arg9[%get3A_1090] {strides = array<i32>} : memref<1600xf32, #tpu.memory_space<vmem>>, vector<16xf32>,
        %gt3A_1092 = arith.cmpf ogt, %get3A_1091, %max3A_1089 : vector<16xf32>
        %jit3A_1093 = arith.constant 14 : i32
        %broadcast_in_dim3A_1094 = vector.broadcast %jit3A_1093 : i32 to vector<16xi32>
        %select_n3A_1095 = arith.select %gt3A_1092, %broadcast_in_dim3A_1094, %select_n3A_1088 : vector<16xi1>, vector<16xi32>
        %max3A_1096 = arith.maximumf %max3A_1089, %get3A_1091 : vector<16xf32>
        %get3A_1097 = arith.constant 240 : index
        %get3A_1098 = tpu.vector_load %arg9[%get3A_1097] {strides = array<i32>} : memref<1600xf32, #tpu.memory_space<vmem>>, vector<16xf32>,
        %gt3A_1099 = arith.cmpf ogt, %get3A_1098, %max3A_1096 : vector<16xf32>
        %jit3A_1100 = arith.constant 15 : i32
        %broadcast_in_dim3A_1101 = vector.broadcast %jit3A_1100 : i32 to vector<16xi32>
        %select_n3A_1102 = arith.select %gt3A_1099, %broadcast_in_dim3A_1101, %select_n3A_1095 : vector<16xi1>, vector<16xi32>
        %max3A_1103 = arith.maximumf %max3A_1096, %get3A_1098 : vector<16xf32>
        %get3A_1104 = arith.constant 256 : index
        %get3A_1105 = tpu.vector_load %arg9[%get3A_1104] {strides = array<i32>} : memref<1600xf32, #tpu.memory_space<vmem>>, vector<16xf32>,
        %gt3A_1106 = arith.cmpf ogt, %get3A_1105, %max3A_1103 : vector<16xf32>
        %jit3A_1107 = arith.constant 16 : i32
        %broadcast_in_dim3A_1108 = vector.broadcast %jit3A_1107 : i32 to vector<16xi32>
        %select_n3A_1109 = arith.select %gt3A_1106, %broadcast_in_dim3A_1108, %select_n3A_1102 : vector<16xi1>, vector<16xi32>
        %max3A_1110 = arith.maximumf %max3A_1103, %get3A_1105 : vector<16xf32>
        %get3A_1111 = arith.constant 272 : index
        %get3A_1112 = tpu.vector_load %arg9[%get3A_1111] {strides = array<i32>} : memref<1600xf32, #tpu.memory_space<vmem>>, vector<16xf32>,
        %gt3A_1113 = arith.cmpf ogt, %get3A_1112, %max3A_1110 : vector<16xf32>
        %jit3A_1114 = arith.constant 17 : i32
        %broadcast_in_dim3A_1115 = vector.broadcast %jit3A_1114 : i32 to vector<16xi32>
        %select_n3A_1116 = arith.select %gt3A_1113, %broadcast_in_dim3A_1115, %select_n3A_1109 : vector<16xi1>, vector<16xi32>
        %max3A_1117 = arith.maximumf %max3A_1110, %get3A_1112 : vector<16xf32>
        %get3A_1118 = arith.constant 288 : index
        %get3A_1119 = tpu.vector_load %arg9[%get3A_1118] {strides = array<i32>} : memref<1600xf32, #tpu.memory_space<vmem>>, vector<16xf32>,
        %gt3A_1120 = arith.cmpf ogt, %get3A_1119, %max3A_1117 : vector<16xf32>
        %jit3A_1121 = arith.constant 18 : i32
        %broadcast_in_dim3A_1122 = vector.broadcast %jit3A_1121 : i32 to vector<16xi32>
        %select_n3A_1123 = arith.select %gt3A_1120, %broadcast_in_dim3A_1122, %select_n3A_1116 : vector<16xi1>, vector<16xi32>
        %max3A_1124 = arith.maximumf %max3A_1117, %get3A_1119 : vector<16xf32>
        %get3A_1125 = arith.constant 304 : index
        %get3A_1126 = tpu.vector_load %arg9[%get3A_1125] {strides = array<i32>} : memref<1600xf32, #tpu.memory_space<vmem>>, vector<16xf32>,
        %gt3A_1127 = arith.cmpf ogt, %get3A_1126, %max3A_1124 : vector<16xf32>
        %jit3A_1128 = arith.constant 19 : i32
        %broadcast_in_dim3A_1129 = vector.broadcast %jit3A_1128 : i32 to vector<16xi32>
        %select_n3A_1130 = arith.select %gt3A_1127, %broadcast_in_dim3A_1129, %select_n3A_1123 : vector<16xi1>, vector<16xi32>
        %max3A_1131 = arith.maximumf %max3A_1124, %get3A_1126 : vector<16xf32>
        %get3A_1132 = arith.constant 320 : index
        %get3A_1133 = tpu.vector_load %arg9[%get3A_1132] {strides = array<i32>} : memref<1600xf32, #tpu.memory_space<vmem>>, vector<16xf32>,
        %gt3A_1134 = arith.cmpf ogt, %get3A_1133, %max3A_1131 : vector<16xf32>
        %jit3A_1135 = arith.constant 20 : i32
        %broadcast_in_dim3A_1136 = vector.broadcast %jit3A_1135 : i32 to vector<16xi32>
        %select_n3A_1137 = arith.select %gt3A_1134, %broadcast_in_dim3A_1136, %select_n3A_1130 : vector<16xi1>, vector<16xi32>
        %max3A_1138 = arith.maximumf %max3A_1131, %get3A_1133 : vector<16xf32>
        %get3A_1139 = arith.constant 336 : index
        %get3A_1140 = tpu.vector_load %arg9[%get3A_1139] {strides = array<i32>} : memref<1600xf32, #tpu.memory_space<vmem>>, vector<16xf32>,
        %gt3A_1141 = arith.cmpf ogt, %get3A_1140, %max3A_1138 : vector<16xf32>
        %jit3A_1142 = arith.constant 21 : i32
        %broadcast_in_dim3A_1143 = vector.broadcast %jit3A_1142 : i32 to vector<16xi32>
        %select_n3A_1144 = arith.select %gt3A_1141, %broadcast_in_dim3A_1143, %select_n3A_1137 : vector<16xi1>, vector<16xi32>
        %max3A_1145 = arith.maximumf %max3A_1138, %get3A_1140 : vector<16xf32>
        %get3A_1146 = arith.constant 352 : index
        %get3A_1147 = tpu.vector_load %arg9[%get3A_1146] {strides = array<i32>} : memref<1600xf32, #tpu.memory_space<vmem>>, vector<16xf32>,
        %gt3A_1148 = arith.cmpf ogt, %get3A_1147, %max3A_1145 : vector<16xf32>
        %jit3A_1149 = arith.constant 22 : i32
        %broadcast_in_dim3A_1150 = vector.broadcast %jit3A_1149 : i32 to vector<16xi32>
        %select_n3A_1151 = arith.select %gt3A_1148, %broadcast_in_dim3A_1150, %select_n3A_1144 : vector<16xi1>, vector<16xi32>
        %max3A_1152 = arith.maximumf %max3A_1145, %get3A_1147 : vector<16xf32>
        %get3A_1153 = arith.constant 368 : index
        %get3A_1154 = tpu.vector_load %arg9[%get3A_1153] {strides = array<i32>} : memref<1600xf32, #tpu.memory_space<vmem>>, vector<16xf32>,
        %gt3A_1155 = arith.cmpf ogt, %get3A_1154, %max3A_1152 : vector<16xf32>
        %jit3A_1156 = arith.constant 23 : i32
        %broadcast_in_dim3A_1157 = vector.broadcast %jit3A_1156 : i32 to vector<16xi32>
        %select_n3A_1158 = arith.select %gt3A_1155, %broadcast_in_dim3A_1157, %select_n3A_1151 : vector<16xi1>, vector<16xi32>
        %max3A_1159 = arith.maximumf %max3A_1152, %get3A_1154 : vector<16xf32>
        %get3A_1160 = arith.constant 384 : index
        %get3A_1161 = tpu.vector_load %arg9[%get3A_1160] {strides = array<i32>} : memref<1600xf32, #tpu.memory_space<vmem>>, vector<16xf32>,
        %gt3A_1162 = arith.cmpf ogt, %get3A_1161, %max3A_1159 : vector<16xf32>
        %jit3A_1163 = arith.constant 24 : i32
        %broadcast_in_dim3A_1164 = vector.broadcast %jit3A_1163 : i32 to vector<16xi32>
        %select_n3A_1165 = arith.select %gt3A_1162, %broadcast_in_dim3A_1164, %select_n3A_1158 : vector<16xi1>, vector<16xi32>
        %max3A_1166 = arith.maximumf %max3A_1159, %get3A_1161 : vector<16xf32>
        %get3A_1167 = arith.constant 400 : index
        %get3A_1168 = tpu.vector_load %arg9[%get3A_1167] {strides = array<i32>} : memref<1600xf32, #tpu.memory_space<vmem>>, vector<16xf32>,
        %gt3A_1169 = arith.cmpf ogt, %get3A_1168, %max3A_1166 : vector<16xf32>
        %jit3A_1170 = arith.constant 25 : i32
        %broadcast_in_dim3A_1171 = vector.broadcast %jit3A_1170 : i32 to vector<16xi32>
        %select_n3A_1172 = arith.select %gt3A_1169, %broadcast_in_dim3A_1171, %select_n3A_1165 : vector<16xi1>, vector<16xi32>
        %max3A_1173 = arith.maximumf %max3A_1166, %get3A_1168 : vector<16xf32>
        %get3A_1174 = arith.constant 416 : index
        %get3A_1175 = tpu.vector_load %arg9[%get3A_1174] {strides = array<i32>} : memref<1600xf32, #tpu.memory_space<vmem>>, vector<16xf32>,
        %gt3A_1176 = arith.cmpf ogt, %get3A_1175, %max3A_1173 : vector<16xf32>
        %jit3A_1177 = arith.constant 26 : i32
        %broadcast_in_dim3A_1178 = vector.broadcast %jit3A_1177 : i32 to vector<16xi32>
        %select_n3A_1179 = arith.select %gt3A_1176, %broadcast_in_dim3A_1178, %select_n3A_1172 : vector<16xi1>, vector<16xi32>
        %max3A_1180 = arith.maximumf %max3A_1173, %get3A_1175 : vector<16xf32>
        %get3A_1181 = arith.constant 432 : index
        %get3A_1182 = tpu.vector_load %arg9[%get3A_1181] {strides = array<i32>} : memref<1600xf32, #tpu.memory_space<vmem>>, vector<16xf32>,
        %gt3A_1183 = arith.cmpf ogt, %get3A_1182, %max3A_1180 : vector<16xf32>
        %jit3A_1184 = arith.constant 27 : i32
        %broadcast_in_dim3A_1185 = vector.broadcast %jit3A_1184 : i32 to vector<16xi32>
        %select_n3A_1186 = arith.select %gt3A_1183, %broadcast_in_dim3A_1185, %select_n3A_1179 : vector<16xi1>, vector<16xi32>
        %max3A_1187 = arith.maximumf %max3A_1180, %get3A_1182 : vector<16xf32>
        %get3A_1188 = arith.constant 448 : index
        %get3A_1189 = tpu.vector_load %arg9[%get3A_1188] {strides = array<i32>} : memref<1600xf32, #tpu.memory_space<vmem>>, vector<16xf32>,
        %gt3A_1190 = arith.cmpf ogt, %get3A_1189, %max3A_1187 : vector<16xf32>
        %jit3A_1191 = arith.constant 28 : i32
        %broadcast_in_dim3A_1192 = vector.broadcast %jit3A_1191 : i32 to vector<16xi32>
        %select_n3A_1193 = arith.select %gt3A_1190, %broadcast_in_dim3A_1192, %select_n3A_1186 : vector<16xi1>, vector<16xi32>
        %max3A_1194 = arith.maximumf %max3A_1187, %get3A_1189 : vector<16xf32>
        %get3A_1195 = arith.constant 464 : index
        %get3A_1196 = tpu.vector_load %arg9[%get3A_1195] {strides = array<i32>} : memref<1600xf32, #tpu.memory_space<vmem>>, vector<16xf32>,
        %gt3A_1197 = arith.cmpf ogt, %get3A_1196, %max3A_1194 : vector<16xf32>
        %jit3A_1198 = arith.constant 29 : i32
        %broadcast_in_dim3A_1199 = vector.broadcast %jit3A_1198 : i32 to vector<16xi32>
        %select_n3A_1200 = arith.select %gt3A_1197, %broadcast_in_dim3A_1199, %select_n3A_1193 : vector<16xi1>, vector<16xi32>
        %max3A_1201 = arith.maximumf %max3A_1194, %get3A_1196 : vector<16xf32>
        %get3A_1202 = arith.constant 480 : index
        %get3A_1203 = tpu.vector_load %arg9[%get3A_1202] {strides = array<i32>} : memref<1600xf32, #tpu.memory_space<vmem>>, vector<16xf32>,
        %gt3A_1204 = arith.cmpf ogt, %get3A_1203, %max3A_1201 : vector<16xf32>
        %jit3A_1205 = arith.constant 30 : i32
        %broadcast_in_dim3A_1206 = vector.broadcast %jit3A_1205 : i32 to vector<16xi32>
        %select_n3A_1207 = arith.select %gt3A_1204, %broadcast_in_dim3A_1206, %select_n3A_1200 : vector<16xi1>, vector<16xi32>
        %max3A_1208 = arith.maximumf %max3A_1201, %get3A_1203 : vector<16xf32>
        %get3A_1209 = arith.constant 496 : index
        %get3A_1210 = tpu.vector_load %arg9[%get3A_1209] {strides = array<i32>} : memref<1600xf32, #tpu.memory_space<vmem>>, vector<16xf32>,
        %gt3A_1211 = arith.cmpf ogt, %get3A_1210, %max3A_1208 : vector<16xf32>
        %jit3A_1212 = arith.constant 31 : i32
        %broadcast_in_dim3A_1213 = vector.broadcast %jit3A_1212 : i32 to vector<16xi32>
        %select_n3A_1214 = arith.select %gt3A_1211, %broadcast_in_dim3A_1213, %select_n3A_1207 : vector<16xi1>, vector<16xi32>
        %max3A_1215 = arith.maximumf %max3A_1208, %get3A_1210 : vector<16xf32>
        %get3A_1216 = arith.constant 512 : index
        %get3A_1217 = tpu.vector_load %arg9[%get3A_1216] {strides = array<i32>} : memref<1600xf32, #tpu.memory_space<vmem>>, vector<16xf32>,
        %gt3A_1218 = arith.cmpf ogt, %get3A_1217, %max3A_1215 : vector<16xf32>
        %jit3A_1219 = arith.constant 32 : i32
        %broadcast_in_dim3A_1220 = vector.broadcast %jit3A_1219 : i32 to vector<16xi32>
        %select_n3A_1221 = arith.select %gt3A_1218, %broadcast_in_dim3A_1220, %select_n3A_1214 : vector<16xi1>, vector<16xi32>
        %max3A_1222 = arith.maximumf %max3A_1215, %get3A_1217 : vector<16xf32>
        %get3A_1223 = arith.constant 528 : index
        %get3A_1224 = tpu.vector_load %arg9[%get3A_1223] {strides = array<i32>} : memref<1600xf32, #tpu.memory_space<vmem>>, vector<16xf32>,
        %gt3A_1225 = arith.cmpf ogt, %get3A_1224, %max3A_1222 : vector<16xf32>
        %jit3A_1226 = arith.constant 33 : i32
        %broadcast_in_dim3A_1227 = vector.broadcast %jit3A_1226 : i32 to vector<16xi32>
        %select_n3A_1228 = arith.select %gt3A_1225, %broadcast_in_dim3A_1227, %select_n3A_1221 : vector<16xi1>, vector<16xi32>
        %max3A_1229 = arith.maximumf %max3A_1222, %get3A_1224 : vector<16xf32>
        %get3A_1230 = arith.constant 544 : index
        %get3A_1231 = tpu.vector_load %arg9[%get3A_1230] {strides = array<i32>} : memref<1600xf32, #tpu.memory_space<vmem>>, vector<16xf32>,
        %gt3A_1232 = arith.cmpf ogt, %get3A_1231, %max3A_1229 : vector<16xf32>
        %jit3A_1233 = arith.constant 34 : i32
        %broadcast_in_dim3A_1234 = vector.broadcast %jit3A_1233 : i32 to vector<16xi32>
        %select_n3A_1235 = arith.select %gt3A_1232, %broadcast_in_dim3A_1234, %select_n3A_1228 : vector<16xi1>, vector<16xi32>
        %max3A_1236 = arith.maximumf %max3A_1229, %get3A_1231 : vector<16xf32>
        %get3A_1237 = arith.constant 560 : index
        %get3A_1238 = tpu.vector_load %arg9[%get3A_1237] {strides = array<i32>} : memref<1600xf32, #tpu.memory_space<vmem>>, vector<16xf32>,
        %gt3A_1239 = arith.cmpf ogt, %get3A_1238, %max3A_1236 : vector<16xf32>
        %jit3A_1240 = arith.constant 35 : i32
        %broadcast_in_dim3A_1241 = vector.broadcast %jit3A_1240 : i32 to vector<16xi32>
        %select_n3A_1242 = arith.select %gt3A_1239, %broadcast_in_dim3A_1241, %select_n3A_1235 : vector<16xi1>, vector<16xi32>
        %max3A_1243 = arith.maximumf %max3A_1236, %get3A_1238 : vector<16xf32>
        %get3A_1244 = arith.constant 576 : index
        %get3A_1245 = tpu.vector_load %arg9[%get3A_1244] {strides = array<i32>} : memref<1600xf32, #tpu.memory_space<vmem>>, vector<16xf32>,
        %gt3A_1246 = arith.cmpf ogt, %get3A_1245, %max3A_1243 : vector<16xf32>
        %jit3A_1247 = arith.constant 36 : i32
        %broadcast_in_dim3A_1248 = vector.broadcast %jit3A_1247 : i32 to vector<16xi32>
        %select_n3A_1249 = arith.select %gt3A_1246, %broadcast_in_dim3A_1248, %select_n3A_1242 : vector<16xi1>, vector<16xi32>
        %max3A_1250 = arith.maximumf %max3A_1243, %get3A_1245 : vector<16xf32>
        %get3A_1251 = arith.constant 592 : index
        %get3A_1252 = tpu.vector_load %arg9[%get3A_1251] {strides = array<i32>} : memref<1600xf32, #tpu.memory_space<vmem>>, vector<16xf32>,
        %gt3A_1253 = arith.cmpf ogt, %get3A_1252, %max3A_1250 : vector<16xf32>
        %jit3A_1254 = arith.constant 37 : i32
        %broadcast_in_dim3A_1255 = vector.broadcast %jit3A_1254 : i32 to vector<16xi32>
        %select_n3A_1256 = arith.select %gt3A_1253, %broadcast_in_dim3A_1255, %select_n3A_1249 : vector<16xi1>, vector<16xi32>
        %max3A_1257 = arith.maximumf %max3A_1250, %get3A_1252 : vector<16xf32>
        %get3A_1258 = arith.constant 608 : index
        %get3A_1259 = tpu.vector_load %arg9[%get3A_1258] {strides = array<i32>} : memref<1600xf32, #tpu.memory_space<vmem>>, vector<16xf32>,
        %gt3A_1260 = arith.cmpf ogt, %get3A_1259, %max3A_1257 : vector<16xf32>
        %jit3A_1261 = arith.constant 38 : i32
        %broadcast_in_dim3A_1262 = vector.broadcast %jit3A_1261 : i32 to vector<16xi32>
        %select_n3A_1263 = arith.select %gt3A_1260, %broadcast_in_dim3A_1262, %select_n3A_1256 : vector<16xi1>, vector<16xi32>
        %max3A_1264 = arith.maximumf %max3A_1257, %get3A_1259 : vector<16xf32>
        %get3A_1265 = arith.constant 624 : index
        %get3A_1266 = tpu.vector_load %arg9[%get3A_1265] {strides = array<i32>} : memref<1600xf32, #tpu.memory_space<vmem>>, vector<16xf32>,
        %gt3A_1267 = arith.cmpf ogt, %get3A_1266, %max3A_1264 : vector<16xf32>
        %jit3A_1268 = arith.constant 39 : i32
        %broadcast_in_dim3A_1269 = vector.broadcast %jit3A_1268 : i32 to vector<16xi32>
        %select_n3A_1270 = arith.select %gt3A_1267, %broadcast_in_dim3A_1269, %select_n3A_1263 : vector<16xi1>, vector<16xi32>
        %max3A_1271 = arith.maximumf %max3A_1264, %get3A_1266 : vector<16xf32>
        %get3A_1272 = arith.constant 640 : index
        %get3A_1273 = tpu.vector_load %arg9[%get3A_1272] {strides = array<i32>} : memref<1600xf32, #tpu.memory_space<vmem>>, vector<16xf32>,
        %gt3A_1274 = arith.cmpf ogt, %get3A_1273, %max3A_1271 : vector<16xf32>
        %jit3A_1275 = arith.constant 40 : i32
        %broadcast_in_dim3A_1276 = vector.broadcast %jit3A_1275 : i32 to vector<16xi32>
        %select_n3A_1277 = arith.select %gt3A_1274, %broadcast_in_dim3A_1276, %select_n3A_1270 : vector<16xi1>, vector<16xi32>
        %max3A_1278 = arith.maximumf %max3A_1271, %get3A_1273 : vector<16xf32>
        %get3A_1279 = arith.constant 656 : index
        %get3A_1280 = tpu.vector_load %arg9[%get3A_1279] {strides = array<i32>} : memref<1600xf32, #tpu.memory_space<vmem>>, vector<16xf32>,
        %gt3A_1281 = arith.cmpf ogt, %get3A_1280, %max3A_1278 : vector<16xf32>
        %jit3A_1282 = arith.constant 41 : i32
        %broadcast_in_dim3A_1283 = vector.broadcast %jit3A_1282 : i32 to vector<16xi32>
        %select_n3A_1284 = arith.select %gt3A_1281, %broadcast_in_dim3A_1283, %select_n3A_1277 : vector<16xi1>, vector<16xi32>
        %max3A_1285 = arith.maximumf %max3A_1278, %get3A_1280 : vector<16xf32>
        %get3A_1286 = arith.constant 672 : index
        %get3A_1287 = tpu.vector_load %arg9[%get3A_1286] {strides = array<i32>} : memref<1600xf32, #tpu.memory_space<vmem>>, vector<16xf32>,
        %gt3A_1288 = arith.cmpf ogt, %get3A_1287, %max3A_1285 : vector<16xf32>
        %jit3A_1289 = arith.constant 42 : i32
        %broadcast_in_dim3A_1290 = vector.broadcast %jit3A_1289 : i32 to vector<16xi32>
        %select_n3A_1291 = arith.select %gt3A_1288, %broadcast_in_dim3A_1290, %select_n3A_1284 : vector<16xi1>, vector<16xi32>
        %max3A_1292 = arith.maximumf %max3A_1285, %get3A_1287 : vector<16xf32>
        %get3A_1293 = arith.constant 688 : index
        %get3A_1294 = tpu.vector_load %arg9[%get3A_1293] {strides = array<i32>} : memref<1600xf32, #tpu.memory_space<vmem>>, vector<16xf32>,
        %gt3A_1295 = arith.cmpf ogt, %get3A_1294, %max3A_1292 : vector<16xf32>
        %jit3A_1296 = arith.constant 43 : i32
        %broadcast_in_dim3A_1297 = vector.broadcast %jit3A_1296 : i32 to vector<16xi32>
        %select_n3A_1298 = arith.select %gt3A_1295, %broadcast_in_dim3A_1297, %select_n3A_1291 : vector<16xi1>, vector<16xi32>
        %max3A_1299 = arith.maximumf %max3A_1292, %get3A_1294 : vector<16xf32>
        %get3A_1300 = arith.constant 704 : index
        %get3A_1301 = tpu.vector_load %arg9[%get3A_1300] {strides = array<i32>} : memref<1600xf32, #tpu.memory_space<vmem>>, vector<16xf32>,
        %gt3A_1302 = arith.cmpf ogt, %get3A_1301, %max3A_1299 : vector<16xf32>
        %jit3A_1303 = arith.constant 44 : i32
        %broadcast_in_dim3A_1304 = vector.broadcast %jit3A_1303 : i32 to vector<16xi32>
        %select_n3A_1305 = arith.select %gt3A_1302, %broadcast_in_dim3A_1304, %select_n3A_1298 : vector<16xi1>, vector<16xi32>
        %max3A_1306 = arith.maximumf %max3A_1299, %get3A_1301 : vector<16xf32>
        %get3A_1307 = arith.constant 720 : index
        %get3A_1308 = tpu.vector_load %arg9[%get3A_1307] {strides = array<i32>} : memref<1600xf32, #tpu.memory_space<vmem>>, vector<16xf32>,
        %gt3A_1309 = arith.cmpf ogt, %get3A_1308, %max3A_1306 : vector<16xf32>
        %jit3A_1310 = arith.constant 45 : i32
        %broadcast_in_dim3A_1311 = vector.broadcast %jit3A_1310 : i32 to vector<16xi32>
        %select_n3A_1312 = arith.select %gt3A_1309, %broadcast_in_dim3A_1311, %select_n3A_1305 : vector<16xi1>, vector<16xi32>
        %max3A_1313 = arith.maximumf %max3A_1306, %get3A_1308 : vector<16xf32>
        %get3A_1314 = arith.constant 736 : index
        %get3A_1315 = tpu.vector_load %arg9[%get3A_1314] {strides = array<i32>} : memref<1600xf32, #tpu.memory_space<vmem>>, vector<16xf32>,
        %gt3A_1316 = arith.cmpf ogt, %get3A_1315, %max3A_1313 : vector<16xf32>
        %jit3A_1317 = arith.constant 46 : i32
        %broadcast_in_dim3A_1318 = vector.broadcast %jit3A_1317 : i32 to vector<16xi32>
        %select_n3A_1319 = arith.select %gt3A_1316, %broadcast_in_dim3A_1318, %select_n3A_1312 : vector<16xi1>, vector<16xi32>
        %max3A_1320 = arith.maximumf %max3A_1313, %get3A_1315 : vector<16xf32>
        %get3A_1321 = arith.constant 752 : index
        %get3A_1322 = tpu.vector_load %arg9[%get3A_1321] {strides = array<i32>} : memref<1600xf32, #tpu.memory_space<vmem>>, vector<16xf32>,
        %gt3A_1323 = arith.cmpf ogt, %get3A_1322, %max3A_1320 : vector<16xf32>
        %jit3A_1324 = arith.constant 47 : i32
        %broadcast_in_dim3A_1325 = vector.broadcast %jit3A_1324 : i32 to vector<16xi32>
        %select_n3A_1326 = arith.select %gt3A_1323, %broadcast_in_dim3A_1325, %select_n3A_1319 : vector<16xi1>, vector<16xi32>
        %max3A_1327 = arith.maximumf %max3A_1320, %get3A_1322 : vector<16xf32>
        %get3A_1328 = arith.constant 768 : index
        %get3A_1329 = tpu.vector_load %arg9[%get3A_1328] {strides = array<i32>} : memref<1600xf32, #tpu.memory_space<vmem>>, vector<16xf32>,
        %gt3A_1330 = arith.cmpf ogt, %get3A_1329, %max3A_1327 : vector<16xf32>
        %jit3A_1331 = arith.constant 48 : i32
        %broadcast_in_dim3A_1332 = vector.broadcast %jit3A_1331 : i32 to vector<16xi32>
        %select_n3A_1333 = arith.select %gt3A_1330, %broadcast_in_dim3A_1332, %select_n3A_1326 : vector<16xi1>, vector<16xi32>
        %max3A_1334 = arith.maximumf %max3A_1327, %get3A_1329 : vector<16xf32>
        %get3A_1335 = arith.constant 784 : index
        %get3A_1336 = tpu.vector_load %arg9[%get3A_1335] {strides = array<i32>} : memref<1600xf32, #tpu.memory_space<vmem>>, vector<16xf32>,
        %gt3A_1337 = arith.cmpf ogt, %get3A_1336, %max3A_1334 : vector<16xf32>
        %jit3A_1338 = arith.constant 49 : i32
        %broadcast_in_dim3A_1339 = vector.broadcast %jit3A_1338 : i32 to vector<16xi32>
        %select_n3A_1340 = arith.select %gt3A_1337, %broadcast_in_dim3A_1339, %select_n3A_1333 : vector<16xi1>, vector<16xi32>
        %max3A_1341 = arith.maximumf %max3A_1334, %get3A_1336 : vector<16xf32>
        %get3A_1342 = arith.constant 800 : index
        %get3A_1343 = tpu.vector_load %arg9[%get3A_1342] {strides = array<i32>} : memref<1600xf32, #tpu.memory_space<vmem>>, vector<16xf32>,
        %gt3A_1344 = arith.cmpf ogt, %get3A_1343, %max3A_1341 : vector<16xf32>
        %jit3A_1345 = arith.constant 50 : i32
        %broadcast_in_dim3A_1346 = vector.broadcast %jit3A_1345 : i32 to vector<16xi32>
        %select_n3A_1347 = arith.select %gt3A_1344, %broadcast_in_dim3A_1346, %select_n3A_1340 : vector<16xi1>, vector<16xi32>
        %max3A_1348 = arith.maximumf %max3A_1341, %get3A_1343 : vector<16xf32>
        %get3A_1349 = arith.constant 816 : index
        %get3A_1350 = tpu.vector_load %arg9[%get3A_1349] {strides = array<i32>} : memref<1600xf32, #tpu.memory_space<vmem>>, vector<16xf32>,
        %gt3A_1351 = arith.cmpf ogt, %get3A_1350, %max3A_1348 : vector<16xf32>
        %jit3A_1352 = arith.constant 51 : i32
        %broadcast_in_dim3A_1353 = vector.broadcast %jit3A_1352 : i32 to vector<16xi32>
        %select_n3A_1354 = arith.select %gt3A_1351, %broadcast_in_dim3A_1353, %select_n3A_1347 : vector<16xi1>, vector<16xi32>
        %max3A_1355 = arith.maximumf %max3A_1348, %get3A_1350 : vector<16xf32>
        %get3A_1356 = arith.constant 832 : index
        %get3A_1357 = tpu.vector_load %arg9[%get3A_1356] {strides = array<i32>} : memref<1600xf32, #tpu.memory_space<vmem>>, vector<16xf32>,
        %gt3A_1358 = arith.cmpf ogt, %get3A_1357, %max3A_1355 : vector<16xf32>
        %jit3A_1359 = arith.constant 52 : i32
        %broadcast_in_dim3A_1360 = vector.broadcast %jit3A_1359 : i32 to vector<16xi32>
        %select_n3A_1361 = arith.select %gt3A_1358, %broadcast_in_dim3A_1360, %select_n3A_1354 : vector<16xi1>, vector<16xi32>
        %max3A_1362 = arith.maximumf %max3A_1355, %get3A_1357 : vector<16xf32>
        %get3A_1363 = arith.constant 848 : index
        %get3A_1364 = tpu.vector_load %arg9[%get3A_1363] {strides = array<i32>} : memref<1600xf32, #tpu.memory_space<vmem>>, vector<16xf32>,
        %gt3A_1365 = arith.cmpf ogt, %get3A_1364, %max3A_1362 : vector<16xf32>
        %jit3A_1366 = arith.constant 53 : i32
        %broadcast_in_dim3A_1367 = vector.broadcast %jit3A_1366 : i32 to vector<16xi32>
        %select_n3A_1368 = arith.select %gt3A_1365, %broadcast_in_dim3A_1367, %select_n3A_1361 : vector<16xi1>, vector<16xi32>
        %max3A_1369 = arith.maximumf %max3A_1362, %get3A_1364 : vector<16xf32>
        %get3A_1370 = arith.constant 864 : index
        %get3A_1371 = tpu.vector_load %arg9[%get3A_1370] {strides = array<i32>} : memref<1600xf32, #tpu.memory_space<vmem>>, vector<16xf32>,
        %gt3A_1372 = arith.cmpf ogt, %get3A_1371, %max3A_1369 : vector<16xf32>
        %jit3A_1373 = arith.constant 54 : i32
        %broadcast_in_dim3A_1374 = vector.broadcast %jit3A_1373 : i32 to vector<16xi32>
        %select_n3A_1375 = arith.select %gt3A_1372, %broadcast_in_dim3A_1374, %select_n3A_1368 : vector<16xi1>, vector<16xi32>
        %max3A_1376 = arith.maximumf %max3A_1369, %get3A_1371 : vector<16xf32>
        %get3A_1377 = arith.constant 880 : index
        %get3A_1378 = tpu.vector_load %arg9[%get3A_1377] {strides = array<i32>} : memref<1600xf32, #tpu.memory_space<vmem>>, vector<16xf32>,
        %gt3A_1379 = arith.cmpf ogt, %get3A_1378, %max3A_1376 : vector<16xf32>
        %jit3A_1380 = arith.constant 55 : i32
        %broadcast_in_dim3A_1381 = vector.broadcast %jit3A_1380 : i32 to vector<16xi32>
        %select_n3A_1382 = arith.select %gt3A_1379, %broadcast_in_dim3A_1381, %select_n3A_1375 : vector<16xi1>, vector<16xi32>
        %max3A_1383 = arith.maximumf %max3A_1376, %get3A_1378 : vector<16xf32>
        %get3A_1384 = arith.constant 896 : index
        %get3A_1385 = tpu.vector_load %arg9[%get3A_1384] {strides = array<i32>} : memref<1600xf32, #tpu.memory_space<vmem>>, vector<16xf32>,
        %gt3A_1386 = arith.cmpf ogt, %get3A_1385, %max3A_1383 : vector<16xf32>
        %jit3A_1387 = arith.constant 56 : i32
        %broadcast_in_dim3A_1388 = vector.broadcast %jit3A_1387 : i32 to vector<16xi32>
        %select_n3A_1389 = arith.select %gt3A_1386, %broadcast_in_dim3A_1388, %select_n3A_1382 : vector<16xi1>, vector<16xi32>
        %max3A_1390 = arith.maximumf %max3A_1383, %get3A_1385 : vector<16xf32>
        %get3A_1391 = arith.constant 912 : index
        %get3A_1392 = tpu.vector_load %arg9[%get3A_1391] {strides = array<i32>} : memref<1600xf32, #tpu.memory_space<vmem>>, vector<16xf32>,
        %gt3A_1393 = arith.cmpf ogt, %get3A_1392, %max3A_1390 : vector<16xf32>
        %jit3A_1394 = arith.constant 57 : i32
        %broadcast_in_dim3A_1395 = vector.broadcast %jit3A_1394 : i32 to vector<16xi32>
        %select_n3A_1396 = arith.select %gt3A_1393, %broadcast_in_dim3A_1395, %select_n3A_1389 : vector<16xi1>, vector<16xi32>
        %max3A_1397 = arith.maximumf %max3A_1390, %get3A_1392 : vector<16xf32>
        %get3A_1398 = arith.constant 928 : index
        %get3A_1399 = tpu.vector_load %arg9[%get3A_1398] {strides = array<i32>} : memref<1600xf32, #tpu.memory_space<vmem>>, vector<16xf32>,
        %gt3A_1400 = arith.cmpf ogt, %get3A_1399, %max3A_1397 : vector<16xf32>
        %jit3A_1401 = arith.constant 58 : i32
        %broadcast_in_dim3A_1402 = vector.broadcast %jit3A_1401 : i32 to vector<16xi32>
        %select_n3A_1403 = arith.select %gt3A_1400, %broadcast_in_dim3A_1402, %select_n3A_1396 : vector<16xi1>, vector<16xi32>
        %max3A_1404 = arith.maximumf %max3A_1397, %get3A_1399 : vector<16xf32>
        %get3A_1405 = arith.constant 944 : index
        %get3A_1406 = tpu.vector_load %arg9[%get3A_1405] {strides = array<i32>} : memref<1600xf32, #tpu.memory_space<vmem>>, vector<16xf32>,
        %gt3A_1407 = arith.cmpf ogt, %get3A_1406, %max3A_1404 : vector<16xf32>
        %jit3A_1408 = arith.constant 59 : i32
        %broadcast_in_dim3A_1409 = vector.broadcast %jit3A_1408 : i32 to vector<16xi32>
        %select_n3A_1410 = arith.select %gt3A_1407, %broadcast_in_dim3A_1409, %select_n3A_1403 : vector<16xi1>, vector<16xi32>
        %max3A_1411 = arith.maximumf %max3A_1404, %get3A_1406 : vector<16xf32>
        %get3A_1412 = arith.constant 960 : index
        %get3A_1413 = tpu.vector_load %arg9[%get3A_1412] {strides = array<i32>} : memref<1600xf32, #tpu.memory_space<vmem>>, vector<16xf32>,
        %gt3A_1414 = arith.cmpf ogt, %get3A_1413, %max3A_1411 : vector<16xf32>
        %jit3A_1415 = arith.constant 60 : i32
        %broadcast_in_dim3A_1416 = vector.broadcast %jit3A_1415 : i32 to vector<16xi32>
        %select_n3A_1417 = arith.select %gt3A_1414, %broadcast_in_dim3A_1416, %select_n3A_1410 : vector<16xi1>, vector<16xi32>
        %max3A_1418 = arith.maximumf %max3A_1411, %get3A_1413 : vector<16xf32>
        %get3A_1419 = arith.constant 976 : index
        %get3A_1420 = tpu.vector_load %arg9[%get3A_1419] {strides = array<i32>} : memref<1600xf32, #tpu.memory_space<vmem>>, vector<16xf32>,
        %gt3A_1421 = arith.cmpf ogt, %get3A_1420, %max3A_1418 : vector<16xf32>
        %jit3A_1422 = arith.constant 61 : i32
        %broadcast_in_dim3A_1423 = vector.broadcast %jit3A_1422 : i32 to vector<16xi32>
        %select_n3A_1424 = arith.select %gt3A_1421, %broadcast_in_dim3A_1423, %select_n3A_1417 : vector<16xi1>, vector<16xi32>
        %max3A_1425 = arith.maximumf %max3A_1418, %get3A_1420 : vector<16xf32>
        %get3A_1426 = arith.constant 992 : index
        %get3A_1427 = tpu.vector_load %arg9[%get3A_1426] {strides = array<i32>} : memref<1600xf32, #tpu.memory_space<vmem>>, vector<16xf32>,
        %gt3A_1428 = arith.cmpf ogt, %get3A_1427, %max3A_1425 : vector<16xf32>
        %jit3A_1429 = arith.constant 62 : i32
        %broadcast_in_dim3A_1430 = vector.broadcast %jit3A_1429 : i32 to vector<16xi32>
        %select_n3A_1431 = arith.select %gt3A_1428, %broadcast_in_dim3A_1430, %select_n3A_1424 : vector<16xi1>, vector<16xi32>
        %max3A_1432 = arith.maximumf %max3A_1425, %get3A_1427 : vector<16xf32>
        %get3A_1433 = arith.constant 1008 : index
        %get3A_1434 = tpu.vector_load %arg9[%get3A_1433] {strides = array<i32>} : memref<1600xf32, #tpu.memory_space<vmem>>, vector<16xf32>,
        %gt3A_1435 = arith.cmpf ogt, %get3A_1434, %max3A_1432 : vector<16xf32>
        %jit3A_1436 = arith.constant 63 : i32
        %broadcast_in_dim3A_1437 = vector.broadcast %jit3A_1436 : i32 to vector<16xi32>
        %select_n3A_1438 = arith.select %gt3A_1435, %broadcast_in_dim3A_1437, %select_n3A_1431 : vector<16xi1>, vector<16xi32>
        %max3A_1439 = arith.maximumf %max3A_1432, %get3A_1434 : vector<16xf32>
        %get3A_1440 = arith.constant 1024 : index
        %get3A_1441 = tpu.vector_load %arg9[%get3A_1440] {strides = array<i32>} : memref<1600xf32, #tpu.memory_space<vmem>>, vector<16xf32>,
        %gt3A_1442 = arith.cmpf ogt, %get3A_1441, %max3A_1439 : vector<16xf32>
        %jit3A_1443 = arith.constant 64 : i32
        %broadcast_in_dim3A_1444 = vector.broadcast %jit3A_1443 : i32 to vector<16xi32>
        %select_n3A_1445 = arith.select %gt3A_1442, %broadcast_in_dim3A_1444, %select_n3A_1438 : vector<16xi1>, vector<16xi32>
        %max3A_1446 = arith.maximumf %max3A_1439, %get3A_1441 : vector<16xf32>
        %get3A_1447 = arith.constant 1040 : index
        %get3A_1448 = tpu.vector_load %arg9[%get3A_1447] {strides = array<i32>} : memref<1600xf32, #tpu.memory_space<vmem>>, vector<16xf32>,
        %gt3A_1449 = arith.cmpf ogt, %get3A_1448, %max3A_1446 : vector<16xf32>
        %jit3A_1450 = arith.constant 65 : i32
        %broadcast_in_dim3A_1451 = vector.broadcast %jit3A_1450 : i32 to vector<16xi32>
        %select_n3A_1452 = arith.select %gt3A_1449, %broadcast_in_dim3A_1451, %select_n3A_1445 : vector<16xi1>, vector<16xi32>
        %max3A_1453 = arith.maximumf %max3A_1446, %get3A_1448 : vector<16xf32>
        %get3A_1454 = arith.constant 1056 : index
        %get3A_1455 = tpu.vector_load %arg9[%get3A_1454] {strides = array<i32>} : memref<1600xf32, #tpu.memory_space<vmem>>, vector<16xf32>,
        %gt3A_1456 = arith.cmpf ogt, %get3A_1455, %max3A_1453 : vector<16xf32>
        %jit3A_1457 = arith.constant 66 : i32
        %broadcast_in_dim3A_1458 = vector.broadcast %jit3A_1457 : i32 to vector<16xi32>
        %select_n3A_1459 = arith.select %gt3A_1456, %broadcast_in_dim3A_1458, %select_n3A_1452 : vector<16xi1>, vector<16xi32>
        %max3A_1460 = arith.maximumf %max3A_1453, %get3A_1455 : vector<16xf32>
        %get3A_1461 = arith.constant 1072 : index
        %get3A_1462 = tpu.vector_load %arg9[%get3A_1461] {strides = array<i32>} : memref<1600xf32, #tpu.memory_space<vmem>>, vector<16xf32>,
        %gt3A_1463 = arith.cmpf ogt, %get3A_1462, %max3A_1460 : vector<16xf32>
        %jit3A_1464 = arith.constant 67 : i32
        %broadcast_in_dim3A_1465 = vector.broadcast %jit3A_1464 : i32 to vector<16xi32>
        %select_n3A_1466 = arith.select %gt3A_1463, %broadcast_in_dim3A_1465, %select_n3A_1459 : vector<16xi1>, vector<16xi32>
        %max3A_1467 = arith.maximumf %max3A_1460, %get3A_1462 : vector<16xf32>
        %get3A_1468 = arith.constant 1088 : index
        %get3A_1469 = tpu.vector_load %arg9[%get3A_1468] {strides = array<i32>} : memref<1600xf32, #tpu.memory_space<vmem>>, vector<16xf32>,
        %gt3A_1470 = arith.cmpf ogt, %get3A_1469, %max3A_1467 : vector<16xf32>
        %jit3A_1471 = arith.constant 68 : i32
        %broadcast_in_dim3A_1472 = vector.broadcast %jit3A_1471 : i32 to vector<16xi32>
        %select_n3A_1473 = arith.select %gt3A_1470, %broadcast_in_dim3A_1472, %select_n3A_1466 : vector<16xi1>, vector<16xi32>
        %max3A_1474 = arith.maximumf %max3A_1467, %get3A_1469 : vector<16xf32>
        %get3A_1475 = arith.constant 1104 : index
        %get3A_1476 = tpu.vector_load %arg9[%get3A_1475] {strides = array<i32>} : memref<1600xf32, #tpu.memory_space<vmem>>, vector<16xf32>,
        %gt3A_1477 = arith.cmpf ogt, %get3A_1476, %max3A_1474 : vector<16xf32>
        %jit3A_1478 = arith.constant 69 : i32
        %broadcast_in_dim3A_1479 = vector.broadcast %jit3A_1478 : i32 to vector<16xi32>
        %select_n3A_1480 = arith.select %gt3A_1477, %broadcast_in_dim3A_1479, %select_n3A_1473 : vector<16xi1>, vector<16xi32>
        %max3A_1481 = arith.maximumf %max3A_1474, %get3A_1476 : vector<16xf32>
        %get3A_1482 = arith.constant 1120 : index
        %get3A_1483 = tpu.vector_load %arg9[%get3A_1482] {strides = array<i32>} : memref<1600xf32, #tpu.memory_space<vmem>>, vector<16xf32>,
        %gt3A_1484 = arith.cmpf ogt, %get3A_1483, %max3A_1481 : vector<16xf32>
        %jit3A_1485 = arith.constant 70 : i32
        %broadcast_in_dim3A_1486 = vector.broadcast %jit3A_1485 : i32 to vector<16xi32>
        %select_n3A_1487 = arith.select %gt3A_1484, %broadcast_in_dim3A_1486, %select_n3A_1480 : vector<16xi1>, vector<16xi32>
        %max3A_1488 = arith.maximumf %max3A_1481, %get3A_1483 : vector<16xf32>
        %get3A_1489 = arith.constant 1136 : index
        %get3A_1490 = tpu.vector_load %arg9[%get3A_1489] {strides = array<i32>} : memref<1600xf32, #tpu.memory_space<vmem>>, vector<16xf32>,
        %gt3A_1491 = arith.cmpf ogt, %get3A_1490, %max3A_1488 : vector<16xf32>
        %jit3A_1492 = arith.constant 71 : i32
        %broadcast_in_dim3A_1493 = vector.broadcast %jit3A_1492 : i32 to vector<16xi32>
        %select_n3A_1494 = arith.select %gt3A_1491, %broadcast_in_dim3A_1493, %select_n3A_1487 : vector<16xi1>, vector<16xi32>
        %max3A_1495 = arith.maximumf %max3A_1488, %get3A_1490 : vector<16xf32>
        %get3A_1496 = arith.constant 1152 : index
        %get3A_1497 = tpu.vector_load %arg9[%get3A_1496] {strides = array<i32>} : memref<1600xf32, #tpu.memory_space<vmem>>, vector<16xf32>,
        %gt3A_1498 = arith.cmpf ogt, %get3A_1497, %max3A_1495 : vector<16xf32>
        %jit3A_1499 = arith.constant 72 : i32
        %broadcast_in_dim3A_1500 = vector.broadcast %jit3A_1499 : i32 to vector<16xi32>
        %select_n3A_1501 = arith.select %gt3A_1498, %broadcast_in_dim3A_1500, %select_n3A_1494 : vector<16xi1>, vector<16xi32>
        %max3A_1502 = arith.maximumf %max3A_1495, %get3A_1497 : vector<16xf32>
        %get3A_1503 = arith.constant 1168 : index
        %get3A_1504 = tpu.vector_load %arg9[%get3A_1503] {strides = array<i32>} : memref<1600xf32, #tpu.memory_space<vmem>>, vector<16xf32>,
        %gt3A_1505 = arith.cmpf ogt, %get3A_1504, %max3A_1502 : vector<16xf32>
        %jit3A_1506 = arith.constant 73 : i32
        %broadcast_in_dim3A_1507 = vector.broadcast %jit3A_1506 : i32 to vector<16xi32>
        %select_n3A_1508 = arith.select %gt3A_1505, %broadcast_in_dim3A_1507, %select_n3A_1501 : vector<16xi1>, vector<16xi32>
        %max3A_1509 = arith.maximumf %max3A_1502, %get3A_1504 : vector<16xf32>
        %get3A_1510 = arith.constant 1184 : index
        %get3A_1511 = tpu.vector_load %arg9[%get3A_1510] {strides = array<i32>} : memref<1600xf32, #tpu.memory_space<vmem>>, vector<16xf32>,
        %gt3A_1512 = arith.cmpf ogt, %get3A_1511, %max3A_1509 : vector<16xf32>
        %jit3A_1513 = arith.constant 74 : i32
        %broadcast_in_dim3A_1514 = vector.broadcast %jit3A_1513 : i32 to vector<16xi32>
        %select_n3A_1515 = arith.select %gt3A_1512, %broadcast_in_dim3A_1514, %select_n3A_1508 : vector<16xi1>, vector<16xi32>
        %max3A_1516 = arith.maximumf %max3A_1509, %get3A_1511 : vector<16xf32>
        %get3A_1517 = arith.constant 1200 : index
        %get3A_1518 = tpu.vector_load %arg9[%get3A_1517] {strides = array<i32>} : memref<1600xf32, #tpu.memory_space<vmem>>, vector<16xf32>,
        %gt3A_1519 = arith.cmpf ogt, %get3A_1518, %max3A_1516 : vector<16xf32>
        %jit3A_1520 = arith.constant 75 : i32
        %broadcast_in_dim3A_1521 = vector.broadcast %jit3A_1520 : i32 to vector<16xi32>
        %select_n3A_1522 = arith.select %gt3A_1519, %broadcast_in_dim3A_1521, %select_n3A_1515 : vector<16xi1>, vector<16xi32>
        %max3A_1523 = arith.maximumf %max3A_1516, %get3A_1518 : vector<16xf32>
        %get3A_1524 = arith.constant 1216 : index
        %get3A_1525 = tpu.vector_load %arg9[%get3A_1524] {strides = array<i32>} : memref<1600xf32, #tpu.memory_space<vmem>>, vector<16xf32>,
        %gt3A_1526 = arith.cmpf ogt, %get3A_1525, %max3A_1523 : vector<16xf32>
        %jit3A_1527 = arith.constant 76 : i32
        %broadcast_in_dim3A_1528 = vector.broadcast %jit3A_1527 : i32 to vector<16xi32>
        %select_n3A_1529 = arith.select %gt3A_1526, %broadcast_in_dim3A_1528, %select_n3A_1522 : vector<16xi1>, vector<16xi32>
        %max3A_1530 = arith.maximumf %max3A_1523, %get3A_1525 : vector<16xf32>
        %get3A_1531 = arith.constant 1232 : index
        %get3A_1532 = tpu.vector_load %arg9[%get3A_1531] {strides = array<i32>} : memref<1600xf32, #tpu.memory_space<vmem>>, vector<16xf32>,
        %gt3A_1533 = arith.cmpf ogt, %get3A_1532, %max3A_1530 : vector<16xf32>
        %jit3A_1534 = arith.constant 77 : i32
        %broadcast_in_dim3A_1535 = vector.broadcast %jit3A_1534 : i32 to vector<16xi32>
        %select_n3A_1536 = arith.select %gt3A_1533, %broadcast_in_dim3A_1535, %select_n3A_1529 : vector<16xi1>, vector<16xi32>
        %max3A_1537 = arith.maximumf %max3A_1530, %get3A_1532 : vector<16xf32>
        %get3A_1538 = arith.constant 1248 : index
        %get3A_1539 = tpu.vector_load %arg9[%get3A_1538] {strides = array<i32>} : memref<1600xf32, #tpu.memory_space<vmem>>, vector<16xf32>,
        %gt3A_1540 = arith.cmpf ogt, %get3A_1539, %max3A_1537 : vector<16xf32>
        %jit3A_1541 = arith.constant 78 : i32
        %broadcast_in_dim3A_1542 = vector.broadcast %jit3A_1541 : i32 to vector<16xi32>
        %select_n3A_1543 = arith.select %gt3A_1540, %broadcast_in_dim3A_1542, %select_n3A_1536 : vector<16xi1>, vector<16xi32>
        %max3A_1544 = arith.maximumf %max3A_1537, %get3A_1539 : vector<16xf32>
        %get3A_1545 = arith.constant 1264 : index
        %get3A_1546 = tpu.vector_load %arg9[%get3A_1545] {strides = array<i32>} : memref<1600xf32, #tpu.memory_space<vmem>>, vector<16xf32>,
        %gt3A_1547 = arith.cmpf ogt, %get3A_1546, %max3A_1544 : vector<16xf32>
        %jit3A_1548 = arith.constant 79 : i32
        %broadcast_in_dim3A_1549 = vector.broadcast %jit3A_1548 : i32 to vector<16xi32>
        %select_n3A_1550 = arith.select %gt3A_1547, %broadcast_in_dim3A_1549, %select_n3A_1543 : vector<16xi1>, vector<16xi32>
        %max3A_1551 = arith.maximumf %max3A_1544, %get3A_1546 : vector<16xf32>
        %get3A_1552 = arith.constant 1280 : index
        %get3A_1553 = tpu.vector_load %arg9[%get3A_1552] {strides = array<i32>} : memref<1600xf32, #tpu.memory_space<vmem>>, vector<16xf32>,
        %gt3A_1554 = arith.cmpf ogt, %get3A_1553, %max3A_1551 : vector<16xf32>
        %jit3A_1555 = arith.constant 80 : i32
        %broadcast_in_dim3A_1556 = vector.broadcast %jit3A_1555 : i32 to vector<16xi32>
        %select_n3A_1557 = arith.select %gt3A_1554, %broadcast_in_dim3A_1556, %select_n3A_1550 : vector<16xi1>, vector<16xi32>
        %max3A_1558 = arith.maximumf %max3A_1551, %get3A_1553 : vector<16xf32>
        %get3A_1559 = arith.constant 1296 : index
        %get3A_1560 = tpu.vector_load %arg9[%get3A_1559] {strides = array<i32>} : memref<1600xf32, #tpu.memory_space<vmem>>, vector<16xf32>,
        %gt3A_1561 = arith.cmpf ogt, %get3A_1560, %max3A_1558 : vector<16xf32>
        %jit3A_1562 = arith.constant 81 : i32
        %broadcast_in_dim3A_1563 = vector.broadcast %jit3A_1562 : i32 to vector<16xi32>
        %select_n3A_1564 = arith.select %gt3A_1561, %broadcast_in_dim3A_1563, %select_n3A_1557 : vector<16xi1>, vector<16xi32>
        %max3A_1565 = arith.maximumf %max3A_1558, %get3A_1560 : vector<16xf32>
        %get3A_1566 = arith.constant 1312 : index
        %get3A_1567 = tpu.vector_load %arg9[%get3A_1566] {strides = array<i32>} : memref<1600xf32, #tpu.memory_space<vmem>>, vector<16xf32>,
        %gt3A_1568 = arith.cmpf ogt, %get3A_1567, %max3A_1565 : vector<16xf32>
        %jit3A_1569 = arith.constant 82 : i32
        %broadcast_in_dim3A_1570 = vector.broadcast %jit3A_1569 : i32 to vector<16xi32>
        %select_n3A_1571 = arith.select %gt3A_1568, %broadcast_in_dim3A_1570, %select_n3A_1564 : vector<16xi1>, vector<16xi32>
        %max3A_1572 = arith.maximumf %max3A_1565, %get3A_1567 : vector<16xf32>
        %get3A_1573 = arith.constant 1328 : index
        %get3A_1574 = tpu.vector_load %arg9[%get3A_1573] {strides = array<i32>} : memref<1600xf32, #tpu.memory_space<vmem>>, vector<16xf32>,
        %gt3A_1575 = arith.cmpf ogt, %get3A_1574, %max3A_1572 : vector<16xf32>
        %jit3A_1576 = arith.constant 83 : i32
        %broadcast_in_dim3A_1577 = vector.broadcast %jit3A_1576 : i32 to vector<16xi32>
        %select_n3A_1578 = arith.select %gt3A_1575, %broadcast_in_dim3A_1577, %select_n3A_1571 : vector<16xi1>, vector<16xi32>
        %max3A_1579 = arith.maximumf %max3A_1572, %get3A_1574 : vector<16xf32>
        %get3A_1580 = arith.constant 1344 : index
        %get3A_1581 = tpu.vector_load %arg9[%get3A_1580] {strides = array<i32>} : memref<1600xf32, #tpu.memory_space<vmem>>, vector<16xf32>,
        %gt3A_1582 = arith.cmpf ogt, %get3A_1581, %max3A_1579 : vector<16xf32>
        %jit3A_1583 = arith.constant 84 : i32
        %broadcast_in_dim3A_1584 = vector.broadcast %jit3A_1583 : i32 to vector<16xi32>
        %select_n3A_1585 = arith.select %gt3A_1582, %broadcast_in_dim3A_1584, %select_n3A_1578 : vector<16xi1>, vector<16xi32>
        %max3A_1586 = arith.maximumf %max3A_1579, %get3A_1581 : vector<16xf32>
        %get3A_1587 = arith.constant 1360 : index
        %get3A_1588 = tpu.vector_load %arg9[%get3A_1587] {strides = array<i32>} : memref<1600xf32, #tpu.memory_space<vmem>>, vector<16xf32>,
        %gt3A_1589 = arith.cmpf ogt, %get3A_1588, %max3A_1586 : vector<16xf32>
        %jit3A_1590 = arith.constant 85 : i32
        %broadcast_in_dim3A_1591 = vector.broadcast %jit3A_1590 : i32 to vector<16xi32>
        %select_n3A_1592 = arith.select %gt3A_1589, %broadcast_in_dim3A_1591, %select_n3A_1585 : vector<16xi1>, vector<16xi32>
        %max3A_1593 = arith.maximumf %max3A_1586, %get3A_1588 : vector<16xf32>
        %get3A_1594 = arith.constant 1376 : index
        %get3A_1595 = tpu.vector_load %arg9[%get3A_1594] {strides = array<i32>} : memref<1600xf32, #tpu.memory_space<vmem>>, vector<16xf32>,
        %gt3A_1596 = arith.cmpf ogt, %get3A_1595, %max3A_1593 : vector<16xf32>
        %jit3A_1597 = arith.constant 86 : i32
        %broadcast_in_dim3A_1598 = vector.broadcast %jit3A_1597 : i32 to vector<16xi32>
        %select_n3A_1599 = arith.select %gt3A_1596, %broadcast_in_dim3A_1598, %select_n3A_1592 : vector<16xi1>, vector<16xi32>
        %max3A_1600 = arith.maximumf %max3A_1593, %get3A_1595 : vector<16xf32>
        %get3A_1601 = arith.constant 1392 : index
        %get3A_1602 = tpu.vector_load %arg9[%get3A_1601] {strides = array<i32>} : memref<1600xf32, #tpu.memory_space<vmem>>, vector<16xf32>,
        %gt3A_1603 = arith.cmpf ogt, %get3A_1602, %max3A_1600 : vector<16xf32>
        %jit3A_1604 = arith.constant 87 : i32
        %broadcast_in_dim3A_1605 = vector.broadcast %jit3A_1604 : i32 to vector<16xi32>
        %select_n3A_1606 = arith.select %gt3A_1603, %broadcast_in_dim3A_1605, %select_n3A_1599 : vector<16xi1>, vector<16xi32>
        %max3A_1607 = arith.maximumf %max3A_1600, %get3A_1602 : vector<16xf32>
        %get3A_1608 = arith.constant 1408 : index
        %get3A_1609 = tpu.vector_load %arg9[%get3A_1608] {strides = array<i32>} : memref<1600xf32, #tpu.memory_space<vmem>>, vector<16xf32>,
        %gt3A_1610 = arith.cmpf ogt, %get3A_1609, %max3A_1607 : vector<16xf32>
        %jit3A_1611 = arith.constant 88 : i32
        %broadcast_in_dim3A_1612 = vector.broadcast %jit3A_1611 : i32 to vector<16xi32>
        %select_n3A_1613 = arith.select %gt3A_1610, %broadcast_in_dim3A_1612, %select_n3A_1606 : vector<16xi1>, vector<16xi32>
        %max3A_1614 = arith.maximumf %max3A_1607, %get3A_1609 : vector<16xf32>
        %get3A_1615 = arith.constant 1424 : index
        %get3A_1616 = tpu.vector_load %arg9[%get3A_1615] {strides = array<i32>} : memref<1600xf32, #tpu.memory_space<vmem>>, vector<16xf32>,
        %gt3A_1617 = arith.cmpf ogt, %get3A_1616, %max3A_1614 : vector<16xf32>
        %jit3A_1618 = arith.constant 89 : i32
        %broadcast_in_dim3A_1619 = vector.broadcast %jit3A_1618 : i32 to vector<16xi32>
        %select_n3A_1620 = arith.select %gt3A_1617, %broadcast_in_dim3A_1619, %select_n3A_1613 : vector<16xi1>, vector<16xi32>
        %max3A_1621 = arith.maximumf %max3A_1614, %get3A_1616 : vector<16xf32>
        %get3A_1622 = arith.constant 1440 : index
        %get3A_1623 = tpu.vector_load %arg9[%get3A_1622] {strides = array<i32>} : memref<1600xf32, #tpu.memory_space<vmem>>, vector<16xf32>,
        %gt3A_1624 = arith.cmpf ogt, %get3A_1623, %max3A_1621 : vector<16xf32>
        %jit3A_1625 = arith.constant 90 : i32
        %broadcast_in_dim3A_1626 = vector.broadcast %jit3A_1625 : i32 to vector<16xi32>
        %select_n3A_1627 = arith.select %gt3A_1624, %broadcast_in_dim3A_1626, %select_n3A_1620 : vector<16xi1>, vector<16xi32>
        %max3A_1628 = arith.maximumf %max3A_1621, %get3A_1623 : vector<16xf32>
        %get3A_1629 = arith.constant 1456 : index
        %get3A_1630 = tpu.vector_load %arg9[%get3A_1629] {strides = array<i32>} : memref<1600xf32, #tpu.memory_space<vmem>>, vector<16xf32>,
        %gt3A_1631 = arith.cmpf ogt, %get3A_1630, %max3A_1628 : vector<16xf32>
        %jit3A_1632 = arith.constant 91 : i32
        %broadcast_in_dim3A_1633 = vector.broadcast %jit3A_1632 : i32 to vector<16xi32>
        %select_n3A_1634 = arith.select %gt3A_1631, %broadcast_in_dim3A_1633, %select_n3A_1627 : vector<16xi1>, vector<16xi32>
        %max3A_1635 = arith.maximumf %max3A_1628, %get3A_1630 : vector<16xf32>
        %get3A_1636 = arith.constant 1472 : index
        %get3A_1637 = tpu.vector_load %arg9[%get3A_1636] {strides = array<i32>} : memref<1600xf32, #tpu.memory_space<vmem>>, vector<16xf32>,
        %gt3A_1638 = arith.cmpf ogt, %get3A_1637, %max3A_1635 : vector<16xf32>
        %jit3A_1639 = arith.constant 92 : i32
        %broadcast_in_dim3A_1640 = vector.broadcast %jit3A_1639 : i32 to vector<16xi32>
        %select_n3A_1641 = arith.select %gt3A_1638, %broadcast_in_dim3A_1640, %select_n3A_1634 : vector<16xi1>, vector<16xi32>
        %max3A_1642 = arith.maximumf %max3A_1635, %get3A_1637 : vector<16xf32>
        %get3A_1643 = arith.constant 1488 : index
        %get3A_1644 = tpu.vector_load %arg9[%get3A_1643] {strides = array<i32>} : memref<1600xf32, #tpu.memory_space<vmem>>, vector<16xf32>,
        %gt3A_1645 = arith.cmpf ogt, %get3A_1644, %max3A_1642 : vector<16xf32>
        %jit3A_1646 = arith.constant 93 : i32
        %broadcast_in_dim3A_1647 = vector.broadcast %jit3A_1646 : i32 to vector<16xi32>
        %select_n3A_1648 = arith.select %gt3A_1645, %broadcast_in_dim3A_1647, %select_n3A_1641 : vector<16xi1>, vector<16xi32>
        %max3A_1649 = arith.maximumf %max3A_1642, %get3A_1644 : vector<16xf32>
        %get3A_1650 = arith.constant 1504 : index
        %get3A_1651 = tpu.vector_load %arg9[%get3A_1650] {strides = array<i32>} : memref<1600xf32, #tpu.memory_space<vmem>>, vector<16xf32>,
        %gt3A_1652 = arith.cmpf ogt, %get3A_1651, %max3A_1649 : vector<16xf32>
        %jit3A_1653 = arith.constant 94 : i32
        %broadcast_in_dim3A_1654 = vector.broadcast %jit3A_1653 : i32 to vector<16xi32>
        %select_n3A_1655 = arith.select %gt3A_1652, %broadcast_in_dim3A_1654, %select_n3A_1648 : vector<16xi1>, vector<16xi32>
        %max3A_1656 = arith.maximumf %max3A_1649, %get3A_1651 : vector<16xf32>
        %get3A_1657 = arith.constant 1520 : index
        %get3A_1658 = tpu.vector_load %arg9[%get3A_1657] {strides = array<i32>} : memref<1600xf32, #tpu.memory_space<vmem>>, vector<16xf32>,
        %gt3A_1659 = arith.cmpf ogt, %get3A_1658, %max3A_1656 : vector<16xf32>
        %jit3A_1660 = arith.constant 95 : i32
        %broadcast_in_dim3A_1661 = vector.broadcast %jit3A_1660 : i32 to vector<16xi32>
        %select_n3A_1662 = arith.select %gt3A_1659, %broadcast_in_dim3A_1661, %select_n3A_1655 : vector<16xi1>, vector<16xi32>
        %max3A_1663 = arith.maximumf %max3A_1656, %get3A_1658 : vector<16xf32>
        %get3A_1664 = arith.constant 1536 : index
        %get3A_1665 = tpu.vector_load %arg9[%get3A_1664] {strides = array<i32>} : memref<1600xf32, #tpu.memory_space<vmem>>, vector<16xf32>,
        %gt3A_1666 = arith.cmpf ogt, %get3A_1665, %max3A_1663 : vector<16xf32>
        %jit3A_1667 = arith.constant 96 : i32
        %broadcast_in_dim3A_1668 = vector.broadcast %jit3A_1667 : i32 to vector<16xi32>
        %select_n3A_1669 = arith.select %gt3A_1666, %broadcast_in_dim3A_1668, %select_n3A_1662 : vector<16xi1>, vector<16xi32>
        %max3A_1670 = arith.maximumf %max3A_1663, %get3A_1665 : vector<16xf32>
        %get3A_1671 = arith.constant 1552 : index
        %get3A_1672 = tpu.vector_load %arg9[%get3A_1671] {strides = array<i32>} : memref<1600xf32, #tpu.memory_space<vmem>>, vector<16xf32>,
        %gt3A_1673 = arith.cmpf ogt, %get3A_1672, %max3A_1670 : vector<16xf32>
        %jit3A_1674 = arith.constant 97 : i32
        %broadcast_in_dim3A_1675 = vector.broadcast %jit3A_1674 : i32 to vector<16xi32>
        %select_n3A_1676 = arith.select %gt3A_1673, %broadcast_in_dim3A_1675, %select_n3A_1669 : vector<16xi1>, vector<16xi32>
        %max3A_1677 = arith.maximumf %max3A_1670, %get3A_1672 : vector<16xf32>
        %get3A_1678 = arith.constant 1568 : index
        %get3A_1679 = tpu.vector_load %arg9[%get3A_1678] {strides = array<i32>} : memref<1600xf32, #tpu.memory_space<vmem>>, vector<16xf32>,
        %gt3A_1680 = arith.cmpf ogt, %get3A_1679, %max3A_1677 : vector<16xf32>
        %jit3A_1681 = arith.constant 98 : i32
        %broadcast_in_dim3A_1682 = vector.broadcast %jit3A_1681 : i32 to vector<16xi32>
        %select_n3A_1683 = arith.select %gt3A_1680, %broadcast_in_dim3A_1682, %select_n3A_1676 : vector<16xi1>, vector<16xi32>
        %max3A_1684 = arith.maximumf %max3A_1677, %get3A_1679 : vector<16xf32>
        %get3A_1685 = arith.constant 1584 : index
        %get3A_1686 = tpu.vector_load %arg9[%get3A_1685] {strides = array<i32>} : memref<1600xf32, #tpu.memory_space<vmem>>, vector<16xf32>,
        %gt3A_1687 = arith.cmpf ogt, %get3A_1686, %max3A_1684 : vector<16xf32>
        %jit3A_1688 = arith.constant 99 : i32
        %broadcast_in_dim3A_1689 = vector.broadcast %jit3A_1688 : i32 to vector<16xi32>
        %select_n3A_1690 = arith.select %gt3A_1687, %broadcast_in_dim3A_1689, %select_n3A_1683 : vector<16xi1>, vector<16xi32>
        %max3A_1691 = arith.maximumf %max3A_1684, %get3A_1686 : vector<16xf32>
        %mul3A_1692 = arith.constant 16 : i32
        %mul3A_1693 = arith.muli %mul3A_1692, %scan3A_263 : i32
        %get3A_1694 = arith.index_cast %mul3A_1693 : i32 to index
        %get3A_1695 = tpu.vector_load %arg7[%get3A_1694] {strides = array<i32>} : memref<256xi32, #tpu.memory_space<vmem>>, vector<16xi32>,
        %eq3A = arith.cmpi eq, %select_n3A_1690, %get3A_1695 : vector<16xi32>
        %convert_element_type3A_1696 = arith.extui %eq3A : vector<16xi1> to vector<16xi32>
        %convert_element_type3A_1697 = arith.sitofp %convert_element_type3A_1696 : vector<16xi32> to vector<16xf32>
        %mul3A_1698 = arith.constant 3.000000e+01 : f32
        %mul3A_1699 = vector.broadcast %mul3A_1698 : f32 to vector<16xf32>
        %mul3A_1700 = arith.mulf %max3A_1691, %mul3A_1699 : vector<16xf32>
        %convert_element_type3A_1701 = arith.fptosi %mul3A_1700 : vector<16xf32> to vector<16xi32>
        %convert_element_type3A_1702 = arith.sitofp %convert_element_type3A_1701 : vector<16xi32> to vector<16xf32>
        %lt3A_1703 = arith.cmpf olt, %convert_element_type3A_1702, %mul3A_1700 : vector<16xf32>
        %jit3A_1704 = arith.constant 1 : i32
        %jit3A_1705 = arith.constant 0 : i32
        %broadcast_in_dim3A_1706 = vector.broadcast %jit3A_1704 : i32 to vector<16xi32>
        %broadcast_in_dim3A_1707 = vector.broadcast %jit3A_1705 : i32 to vector<16xi32>
        %select_n3A_1708 = arith.select %lt3A_1703, %broadcast_in_dim3A_1706, %broadcast_in_dim3A_1707 : vector<16xi1>, vector<16xi32>
        %add3A_1709 = arith.addi %convert_element_type3A_1701, %select_n3A_1708 : vector<16xi32>
        %sub3A = arith.constant 1 : i32
        %sub3A_1710 = vector.broadcast %sub3A : i32 to vector<16xi32>
        %sub3A_1711 = arith.subi %add3A_1709, %sub3A_1710 : vector<16xi32>
        %jit3A_1712 = arith.constant 0 : i32
        %jit3A_1713 = arith.constant 29 : i32
        %max3A_1714 = vector.broadcast %jit3A_1712 : i32 to vector<16xi32>
        %max3A_1715 = arith.maxsi %max3A_1714, %sub3A_1711 : vector<16xi32>
        %min3A = vector.broadcast %jit3A_1713 : i32 to vector<16xi32>
        %min3A_1716 = arith.minsi %min3A, %max3A_1715 : vector<16xi32>
        %mul3A_1717 = arith.constant 96 : i32
        %mul3A_1718 = vector.broadcast %mul3A_1717 : i32 to vector<16xi32>
        %mul3A_1719 = arith.muli %iota3A, %mul3A_1718 : vector<16xi32>
        %add3A_1720 = arith.addi %mul3A_1719, %min3A_1716 : vector<16xi32>
        %broadcast_in_dim3A_1721 = arith.constant 1.000000e+00 : f32
        %broadcast_in_dim3A_1722 = vector.broadcast %broadcast_in_dim3A_1721 : f32 to vector<16xf32>
        tpu.vector_store_idx %arg10[%add3A_1720], %broadcast_in_dim3A_1722 {add = true} : memref<1536xf32, #tpu.memory_space<vmem>>[vector<16xi32>], vector<16xf32>,
        %add3A_1723 = arith.constant 32 : i32
        %add3A_1724 = vector.broadcast %add3A_1723 : i32 to vector<16xi32>
        %add3A_1725 = arith.addi %add3A_1720, %add3A_1724 : vector<16xi32>
        tpu.vector_store_idx %arg10[%add3A_1725], %max3A_1691 {add = true} : memref<1536xf32, #tpu.memory_space<vmem>>[vector<16xi32>], vector<16xf32>,
        %add3A_1726 = arith.constant 64 : i32
        %add3A_1727 = vector.broadcast %add3A_1726 : i32 to vector<16xi32>
        %add3A_1728 = arith.addi %add3A_1720, %add3A_1727 : vector<16xi32>
        tpu.vector_store_idx %arg10[%add3A_1728], %convert_element_type3A_1697 {add = true} : memref<1536xf32, #tpu.memory_space<vmem>>[vector<16xi32>], vector<16xf32>,
      }
      %scan3A_239 = arith.constant 16 : i32
      %dma_wait3A_240 = arith.constant 0 : i32
      %dma_wait3A_241 = arith.constant 0 : i32
      %dma_wait3A_242 = tpu.memref_slice %arg2[%dma_wait3A_240, %dma_wait3A_241] : memref<1000000x100xf32, #tpu.memory_space<hbm>> -> memref<256x100xf32, #tpu.memory_space<hbm>>
      %dma_wait3A_243 = arith.constant 0 : i32
      %dma_wait3A_244 = arith.constant 0 : i32
      %dma_wait3A_245 = tpu.memref_slice %arg2[%dma_wait3A_243, %dma_wait3A_244] : memref<1000000x100xf32, #tpu.memory_space<hbm>> -> memref<256x100xf32, #tpu.memory_space<hbm>>
      tpu.wait_dma2 semaphore(%arg12 : memref<!tpu.dma_semaphore, #tpu.memory_space<semaphore_mem>>) src(%dma_wait3A_245 : memref<256x100xf32, #tpu.memory_space<hbm>>) dst(%arg6 : memref<256x100xf32, #tpu.memory_space<vmem>>)
      %dma_wait3A_246 = arith.constant 0 : i32
      %dma_wait3A_247 = tpu.memref_slice %arg3[%dma_wait3A_246] : memref<1000000xi32, #tpu.memory_space<hbm>> -> memref<256xi32, #tpu.memory_space<hbm>>
      %dma_wait3A_248 = arith.constant 0 : i32
      %dma_wait3A_249 = tpu.memref_slice %arg3[%dma_wait3A_248] : memref<1000000xi32, #tpu.memory_space<hbm>> -> memref<256xi32, #tpu.memory_space<hbm>>
      tpu.wait_dma2 semaphore(%arg14 : memref<!tpu.dma_semaphore, #tpu.memory_space<semaphore_mem>>) src(%dma_wait3A_249 : memref<256xi32, #tpu.memory_space<hbm>>) dst(%arg8 : memref<256xi32, #tpu.memory_space<vmem>>)
      %add3A_250 = arith.constant 3 : i32
      %add3A_251 = arith.addi %mul3A_220, %add3A_250 : i32
      %lt3A_252 = arith.constant 62 : i32
      %lt3A_253 = arith.cmpi slt, %add3A_251, %lt3A_252 : i32
      %convert_element_type3A_254 = arith.extui %lt3A_253 : i1 to i32
      %cond3A_255 = arith.constant 0 : i32
      %cond3A_256 = arith.cmpi ne, %convert_element_type3A_254, %cond3A_255 : i32
      scf.if %cond3A_256 {
        %add3A_263 = arith.constant 3 : i32
        %add3A_264 = arith.addi %mul3A_220, %add3A_263 : i32
        %mul3A_265 = arith.constant 256 : i32
        %mul3A_266 = arith.muli %add3A_264, %mul3A_265 : i32
        %add3A_267 = arith.addi %mul3A_2, %mul3A_266 : i32
        %dma_start3A_268 = arith.constant 0 : i32
        %dma_start3A_269 = tpu.memref_slice %arg2[%add3A_267, %dma_start3A_268] : memref<1000000x100xf32, #tpu.memory_space<hbm>> -> memref<256x100xf32, #tpu.memory_space<hbm>>
        %dma_start3A_270 = arith.constant 0 : i32
        %dma_start3A_271 = tpu.memref_slice %arg2[%add3A_267, %dma_start3A_270] : memref<1000000x100xf32, #tpu.memory_space<hbm>> -> memref<256x100xf32, #tpu.memory_space<hbm>>
        tpu.enqueue_dma source(%dma_start3A_271 : memref<256x100xf32, #tpu.memory_space<hbm>>) target(%arg6 : memref<256x100xf32, #tpu.memory_space<vmem>>) target_semaphore(%arg12 : memref<!tpu.dma_semaphore, #tpu.memory_space<semaphore_mem>>)
        %dma_start3A_272 = tpu.memref_slice %arg3[%add3A_267] : memref<1000000xi32, #tpu.memory_space<hbm>> -> memref<256xi32, #tpu.memory_space<hbm>>
        %dma_start3A_273 = tpu.memref_slice %arg3[%add3A_267] : memref<1000000xi32, #tpu.memory_space<hbm>> -> memref<256xi32, #tpu.memory_space<hbm>>
        tpu.enqueue_dma source(%dma_start3A_273 : memref<256xi32, #tpu.memory_space<hbm>>) target(%arg8 : memref<256xi32, #tpu.memory_space<vmem>>) target_semaphore(%arg14 : memref<!tpu.dma_semaphore, #tpu.memory_space<semaphore_mem>>)
      } else {
      }
      %scan3A_257 = arith.constant 0 : i32
      %scan3A_258 = arith.constant 0 : i32
      %scan3A_259 = arith.constant 16 : i32
      %scan3A_260 = arith.addi %scan3A_258, %scan3A_259 : i32
      %scan3A_261 = arith.constant 1 : i32
      scf.for %scan3A_263 = %scan3A_258 to %scan3A_260 step %scan3A_261  : i32 {
        %mul3A_264 = arith.constant 16 : i32
        %mul3A_265 = arith.muli %mul3A_264, %scan3A_263 : i32
        %add3A_266 = arith.constant 0 : i32
        %add3A_267 = arith.addi %mul3A_265, %add3A_266 : i32
        %get3A = arith.index_cast %add3A_267 : i32 to index
        %get3A_268 = arith.constant 0 : index
        %get3A_269 = tpu.vector_load %arg6[%get3A, %get3A_268] {strides = array<i32>} : memref<256x100xf32, #tpu.memory_space<vmem>>, vector<16xf32>,
        %add3A_270 = arith.constant 0 : i32
        %add3A_271 = vector.broadcast %add3A_270 : i32 to vector<16xi32>
        %add3A_272 = arith.addi %mul3A_197, %add3A_271 : vector<16xi32>
        tpu.vector_store_idx %arg9[%add3A_272], %get3A_269 : memref<1600xf32, #tpu.memory_space<vmem>>[vector<16xi32>], vector<16xf32>,
        %get3A_273 = arith.index_cast %add3A_267 : i32 to index
        %get3A_274 = arith.constant 16 : index
        %get3A_275 = tpu.vector_load %arg6[%get3A_273, %get3A_274] {strides = array<i32>} : memref<256x100xf32, #tpu.memory_space<vmem>>, vector<16xf32>,
        %add3A_276 = arith.constant 256 : i32
        %add3A_277 = vector.broadcast %add3A_276 : i32 to vector<16xi32>
        %add3A_278 = arith.addi %mul3A_197, %add3A_277 : vector<16xi32>
        tpu.vector_store_idx %arg9[%add3A_278], %get3A_275 : memref<1600xf32, #tpu.memory_space<vmem>>[vector<16xi32>], vector<16xf32>,
        %get3A_279 = arith.index_cast %add3A_267 : i32 to index
        %get3A_280 = arith.constant 32 : index
        %get3A_281 = tpu.vector_load %arg6[%get3A_279, %get3A_280] {strides = array<i32>} : memref<256x100xf32, #tpu.memory_space<vmem>>, vector<16xf32>,
        %add3A_282 = arith.constant 512 : i32
        %add3A_283 = vector.broadcast %add3A_282 : i32 to vector<16xi32>
        %add3A_284 = arith.addi %mul3A_197, %add3A_283 : vector<16xi32>
        tpu.vector_store_idx %arg9[%add3A_284], %get3A_281 : memref<1600xf32, #tpu.memory_space<vmem>>[vector<16xi32>], vector<16xf32>,
        %get3A_285 = arith.index_cast %add3A_267 : i32 to index
        %get3A_286 = arith.constant 48 : index
        %get3A_287 = tpu.vector_load %arg6[%get3A_285, %get3A_286] {strides = array<i32>} : memref<256x100xf32, #tpu.memory_space<vmem>>, vector<16xf32>,
        %add3A_288 = arith.constant 768 : i32
        %add3A_289 = vector.broadcast %add3A_288 : i32 to vector<16xi32>
        %add3A_290 = arith.addi %mul3A_197, %add3A_289 : vector<16xi32>
        tpu.vector_store_idx %arg9[%add3A_290], %get3A_287 : memref<1600xf32, #tpu.memory_space<vmem>>[vector<16xi32>], vector<16xf32>,
        %get3A_291 = arith.index_cast %add3A_267 : i32 to index
        %get3A_292 = arith.constant 64 : index
        %get3A_293 = tpu.vector_load %arg6[%get3A_291, %get3A_292] {strides = array<i32>} : memref<256x100xf32, #tpu.memory_space<vmem>>, vector<16xf32>,
        %add3A_294 = arith.constant 1024 : i32
        %add3A_295 = vector.broadcast %add3A_294 : i32 to vector<16xi32>
        %add3A_296 = arith.addi %mul3A_197, %add3A_295 : vector<16xi32>
        tpu.vector_store_idx %arg9[%add3A_296], %get3A_293 : memref<1600xf32, #tpu.memory_space<vmem>>[vector<16xi32>], vector<16xf32>,
        %get3A_297 = arith.index_cast %add3A_267 : i32 to index
        %get3A_298 = arith.constant 80 : index
        %get3A_299 = tpu.vector_load %arg6[%get3A_297, %get3A_298] {strides = array<i32>} : memref<256x100xf32, #tpu.memory_space<vmem>>, vector<16xf32>,
        %add3A_300 = arith.constant 1280 : i32
        %add3A_301 = vector.broadcast %add3A_300 : i32 to vector<16xi32>
        %add3A_302 = arith.addi %mul3A_197, %add3A_301 : vector<16xi32>
        tpu.vector_store_idx %arg9[%add3A_302], %get3A_299 : memref<1600xf32, #tpu.memory_space<vmem>>[vector<16xi32>], vector<16xf32>,
        %get3A_303 = arith.index_cast %add3A_267 : i32 to index
        %get3A_304 = arith.constant 84 : index
        %get3A_305 = tpu.vector_load %arg6[%get3A_303, %get3A_304] {strides = array<i32>} : memref<256x100xf32, #tpu.memory_space<vmem>>, vector<16xf32>,
        %add3A_306 = arith.constant 1344 : i32
        %add3A_307 = vector.broadcast %add3A_306 : i32 to vector<16xi32>
        %add3A_308 = arith.addi %mul3A_197, %add3A_307 : vector<16xi32>
        tpu.vector_store_idx %arg9[%add3A_308], %get3A_305 : memref<1600xf32, #tpu.memory_space<vmem>>[vector<16xi32>], vector<16xf32>,
        %mul3A_309 = arith.constant 16 : i32
        %mul3A_310 = arith.muli %mul3A_309, %scan3A_263 : i32
        %add3A_311 = arith.constant 1 : i32
        %add3A_312 = arith.addi %mul3A_310, %add3A_311 : i32
        %get3A_313 = arith.index_cast %add3A_312 : i32 to index
        %get3A_314 = arith.constant 0 : index
        %get3A_315 = tpu.vector_load %arg6[%get3A_313, %get3A_314] {strides = array<i32>} : memref<256x100xf32, #tpu.memory_space<vmem>>, vector<16xf32>,
        %add3A_316 = arith.constant 1 : i32
        %add3A_317 = vector.broadcast %add3A_316 : i32 to vector<16xi32>
        %add3A_318 = arith.addi %mul3A_197, %add3A_317 : vector<16xi32>
        tpu.vector_store_idx %arg9[%add3A_318], %get3A_315 : memref<1600xf32, #tpu.memory_space<vmem>>[vector<16xi32>], vector<16xf32>,
        %get3A_319 = arith.index_cast %add3A_312 : i32 to index
        %get3A_320 = arith.constant 16 : index
        %get3A_321 = tpu.vector_load %arg6[%get3A_319, %get3A_320] {strides = array<i32>} : memref<256x100xf32, #tpu.memory_space<vmem>>, vector<16xf32>,
        %add3A_322 = arith.constant 257 : i32
        %add3A_323 = vector.broadcast %add3A_322 : i32 to vector<16xi32>
        %add3A_324 = arith.addi %mul3A_197, %add3A_323 : vector<16xi32>
        tpu.vector_store_idx %arg9[%add3A_324], %get3A_321 : memref<1600xf32, #tpu.memory_space<vmem>>[vector<16xi32>], vector<16xf32>,
        %get3A_325 = arith.index_cast %add3A_312 : i32 to index
        %get3A_326 = arith.constant 32 : index
        %get3A_327 = tpu.vector_load %arg6[%get3A_325, %get3A_326] {strides = array<i32>} : memref<256x100xf32, #tpu.memory_space<vmem>>, vector<16xf32>,
        %add3A_328 = arith.constant 513 : i32
        %add3A_329 = vector.broadcast %add3A_328 : i32 to vector<16xi32>
        %add3A_330 = arith.addi %mul3A_197, %add3A_329 : vector<16xi32>
        tpu.vector_store_idx %arg9[%add3A_330], %get3A_327 : memref<1600xf32, #tpu.memory_space<vmem>>[vector<16xi32>], vector<16xf32>,
        %get3A_331 = arith.index_cast %add3A_312 : i32 to index
        %get3A_332 = arith.constant 48 : index
        %get3A_333 = tpu.vector_load %arg6[%get3A_331, %get3A_332] {strides = array<i32>} : memref<256x100xf32, #tpu.memory_space<vmem>>, vector<16xf32>,
        %add3A_334 = arith.constant 769 : i32
        %add3A_335 = vector.broadcast %add3A_334 : i32 to vector<16xi32>
        %add3A_336 = arith.addi %mul3A_197, %add3A_335 : vector<16xi32>
        tpu.vector_store_idx %arg9[%add3A_336], %get3A_333 : memref<1600xf32, #tpu.memory_space<vmem>>[vector<16xi32>], vector<16xf32>,
        %get3A_337 = arith.index_cast %add3A_312 : i32 to index
        %get3A_338 = arith.constant 64 : index
        %get3A_339 = tpu.vector_load %arg6[%get3A_337, %get3A_338] {strides = array<i32>} : memref<256x100xf32, #tpu.memory_space<vmem>>, vector<16xf32>,
        %add3A_340 = arith.constant 1025 : i32
        %add3A_341 = vector.broadcast %add3A_340 : i32 to vector<16xi32>
        %add3A_342 = arith.addi %mul3A_197, %add3A_341 : vector<16xi32>
        tpu.vector_store_idx %arg9[%add3A_342], %get3A_339 : memref<1600xf32, #tpu.memory_space<vmem>>[vector<16xi32>], vector<16xf32>,
        %get3A_343 = arith.index_cast %add3A_312 : i32 to index
        %get3A_344 = arith.constant 80 : index
        %get3A_345 = tpu.vector_load %arg6[%get3A_343, %get3A_344] {strides = array<i32>} : memref<256x100xf32, #tpu.memory_space<vmem>>, vector<16xf32>,
        %add3A_346 = arith.constant 1281 : i32
        %add3A_347 = vector.broadcast %add3A_346 : i32 to vector<16xi32>
        %add3A_348 = arith.addi %mul3A_197, %add3A_347 : vector<16xi32>
        tpu.vector_store_idx %arg9[%add3A_348], %get3A_345 : memref<1600xf32, #tpu.memory_space<vmem>>[vector<16xi32>], vector<16xf32>,
        %get3A_349 = arith.index_cast %add3A_312 : i32 to index
        %get3A_350 = arith.constant 84 : index
        %get3A_351 = tpu.vector_load %arg6[%get3A_349, %get3A_350] {strides = array<i32>} : memref<256x100xf32, #tpu.memory_space<vmem>>, vector<16xf32>,
        %add3A_352 = arith.constant 1345 : i32
        %add3A_353 = vector.broadcast %add3A_352 : i32 to vector<16xi32>
        %add3A_354 = arith.addi %mul3A_197, %add3A_353 : vector<16xi32>
        tpu.vector_store_idx %arg9[%add3A_354], %get3A_351 : memref<1600xf32, #tpu.memory_space<vmem>>[vector<16xi32>], vector<16xf32>,
        %mul3A_355 = arith.constant 16 : i32
        %mul3A_356 = arith.muli %mul3A_355, %scan3A_263 : i32
        %add3A_357 = arith.constant 2 : i32
        %add3A_358 = arith.addi %mul3A_356, %add3A_357 : i32
        %get3A_359 = arith.index_cast %add3A_358 : i32 to index
        %get3A_360 = arith.constant 0 : index
        %get3A_361 = tpu.vector_load %arg6[%get3A_359, %get3A_360] {strides = array<i32>} : memref<256x100xf32, #tpu.memory_space<vmem>>, vector<16xf32>,
        %add3A_362 = arith.constant 2 : i32
        %add3A_363 = vector.broadcast %add3A_362 : i32 to vector<16xi32>
        %add3A_364 = arith.addi %mul3A_197, %add3A_363 : vector<16xi32>
        tpu.vector_store_idx %arg9[%add3A_364], %get3A_361 : memref<1600xf32, #tpu.memory_space<vmem>>[vector<16xi32>], vector<16xf32>,
        %get3A_365 = arith.index_cast %add3A_358 : i32 to index
        %get3A_366 = arith.constant 16 : index
        %get3A_367 = tpu.vector_load %arg6[%get3A_365, %get3A_366] {strides = array<i32>} : memref<256x100xf32, #tpu.memory_space<vmem>>, vector<16xf32>,
        %add3A_368 = arith.constant 258 : i32
        %add3A_369 = vector.broadcast %add3A_368 : i32 to vector<16xi32>
        %add3A_370 = arith.addi %mul3A_197, %add3A_369 : vector<16xi32>
        tpu.vector_store_idx %arg9[%add3A_370], %get3A_367 : memref<1600xf32, #tpu.memory_space<vmem>>[vector<16xi32>], vector<16xf32>,
        %get3A_371 = arith.index_cast %add3A_358 : i32 to index
        %get3A_372 = arith.constant 32 : index
        %get3A_373 = tpu.vector_load %arg6[%get3A_371, %get3A_372] {strides = array<i32>} : memref<256x100xf32, #tpu.memory_space<vmem>>, vector<16xf32>,
        %add3A_374 = arith.constant 514 : i32
        %add3A_375 = vector.broadcast %add3A_374 : i32 to vector<16xi32>
        %add3A_376 = arith.addi %mul3A_197, %add3A_375 : vector<16xi32>
        tpu.vector_store_idx %arg9[%add3A_376], %get3A_373 : memref<1600xf32, #tpu.memory_space<vmem>>[vector<16xi32>], vector<16xf32>,
        %get3A_377 = arith.index_cast %add3A_358 : i32 to index
        %get3A_378 = arith.constant 48 : index
        %get3A_379 = tpu.vector_load %arg6[%get3A_377, %get3A_378] {strides = array<i32>} : memref<256x100xf32, #tpu.memory_space<vmem>>, vector<16xf32>,
        %add3A_380 = arith.constant 770 : i32
        %add3A_381 = vector.broadcast %add3A_380 : i32 to vector<16xi32>
        %add3A_382 = arith.addi %mul3A_197, %add3A_381 : vector<16xi32>
        tpu.vector_store_idx %arg9[%add3A_382], %get3A_379 : memref<1600xf32, #tpu.memory_space<vmem>>[vector<16xi32>], vector<16xf32>,
        %get3A_383 = arith.index_cast %add3A_358 : i32 to index
        %get3A_384 = arith.constant 64 : index
        %get3A_385 = tpu.vector_load %arg6[%get3A_383, %get3A_384] {strides = array<i32>} : memref<256x100xf32, #tpu.memory_space<vmem>>, vector<16xf32>,
        %add3A_386 = arith.constant 1026 : i32
        %add3A_387 = vector.broadcast %add3A_386 : i32 to vector<16xi32>
        %add3A_388 = arith.addi %mul3A_197, %add3A_387 : vector<16xi32>
        tpu.vector_store_idx %arg9[%add3A_388], %get3A_385 : memref<1600xf32, #tpu.memory_space<vmem>>[vector<16xi32>], vector<16xf32>,
        %get3A_389 = arith.index_cast %add3A_358 : i32 to index
        %get3A_390 = arith.constant 80 : index
        %get3A_391 = tpu.vector_load %arg6[%get3A_389, %get3A_390] {strides = array<i32>} : memref<256x100xf32, #tpu.memory_space<vmem>>, vector<16xf32>,
        %add3A_392 = arith.constant 1282 : i32
        %add3A_393 = vector.broadcast %add3A_392 : i32 to vector<16xi32>
        %add3A_394 = arith.addi %mul3A_197, %add3A_393 : vector<16xi32>
        tpu.vector_store_idx %arg9[%add3A_394], %get3A_391 : memref<1600xf32, #tpu.memory_space<vmem>>[vector<16xi32>], vector<16xf32>,
        %get3A_395 = arith.index_cast %add3A_358 : i32 to index
        %get3A_396 = arith.constant 84 : index
        %get3A_397 = tpu.vector_load %arg6[%get3A_395, %get3A_396] {strides = array<i32>} : memref<256x100xf32, #tpu.memory_space<vmem>>, vector<16xf32>,
        %add3A_398 = arith.constant 1346 : i32
        %add3A_399 = vector.broadcast %add3A_398 : i32 to vector<16xi32>
        %add3A_400 = arith.addi %mul3A_197, %add3A_399 : vector<16xi32>
        tpu.vector_store_idx %arg9[%add3A_400], %get3A_397 : memref<1600xf32, #tpu.memory_space<vmem>>[vector<16xi32>], vector<16xf32>,
        %mul3A_401 = arith.constant 16 : i32
        %mul3A_402 = arith.muli %mul3A_401, %scan3A_263 : i32
        %add3A_403 = arith.constant 3 : i32
        %add3A_404 = arith.addi %mul3A_402, %add3A_403 : i32
        %get3A_405 = arith.index_cast %add3A_404 : i32 to index
        %get3A_406 = arith.constant 0 : index
        %get3A_407 = tpu.vector_load %arg6[%get3A_405, %get3A_406] {strides = array<i32>} : memref<256x100xf32, #tpu.memory_space<vmem>>, vector<16xf32>,
        %add3A_408 = arith.constant 3 : i32
        %add3A_409 = vector.broadcast %add3A_408 : i32 to vector<16xi32>
        %add3A_410 = arith.addi %mul3A_197, %add3A_409 : vector<16xi32>
        tpu.vector_store_idx %arg9[%add3A_410], %get3A_407 : memref<1600xf32, #tpu.memory_space<vmem>>[vector<16xi32>], vector<16xf32>,
        %get3A_411 = arith.index_cast %add3A_404 : i32 to index
        %get3A_412 = arith.constant 16 : index
        %get3A_413 = tpu.vector_load %arg6[%get3A_411, %get3A_412] {strides = array<i32>} : memref<256x100xf32, #tpu.memory_space<vmem>>, vector<16xf32>,
        %add3A_414 = arith.constant 259 : i32
        %add3A_415 = vector.broadcast %add3A_414 : i32 to vector<16xi32>
        %add3A_416 = arith.addi %mul3A_197, %add3A_415 : vector<16xi32>
        tpu.vector_store_idx %arg9[%add3A_416], %get3A_413 : memref<1600xf32, #tpu.memory_space<vmem>>[vector<16xi32>], vector<16xf32>,
        %get3A_417 = arith.index_cast %add3A_404 : i32 to index
        %get3A_418 = arith.constant 32 : index
        %get3A_419 = tpu.vector_load %arg6[%get3A_417, %get3A_418] {strides = array<i32>} : memref<256x100xf32, #tpu.memory_space<vmem>>, vector<16xf32>,
        %add3A_420 = arith.constant 515 : i32
        %add3A_421 = vector.broadcast %add3A_420 : i32 to vector<16xi32>
        %add3A_422 = arith.addi %mul3A_197, %add3A_421 : vector<16xi32>
        tpu.vector_store_idx %arg9[%add3A_422], %get3A_419 : memref<1600xf32, #tpu.memory_space<vmem>>[vector<16xi32>], vector<16xf32>,
        %get3A_423 = arith.index_cast %add3A_404 : i32 to index
        %get3A_424 = arith.constant 48 : index
        %get3A_425 = tpu.vector_load %arg6[%get3A_423, %get3A_424] {strides = array<i32>} : memref<256x100xf32, #tpu.memory_space<vmem>>, vector<16xf32>,
        %add3A_426 = arith.constant 771 : i32
        %add3A_427 = vector.broadcast %add3A_426 : i32 to vector<16xi32>
        %add3A_428 = arith.addi %mul3A_197, %add3A_427 : vector<16xi32>
        tpu.vector_store_idx %arg9[%add3A_428], %get3A_425 : memref<1600xf32, #tpu.memory_space<vmem>>[vector<16xi32>], vector<16xf32>,
        %get3A_429 = arith.index_cast %add3A_404 : i32 to index
        %get3A_430 = arith.constant 64 : index
        %get3A_431 = tpu.vector_load %arg6[%get3A_429, %get3A_430] {strides = array<i32>} : memref<256x100xf32, #tpu.memory_space<vmem>>, vector<16xf32>,
        %add3A_432 = arith.constant 1027 : i32
        %add3A_433 = vector.broadcast %add3A_432 : i32 to vector<16xi32>
        %add3A_434 = arith.addi %mul3A_197, %add3A_433 : vector<16xi32>
        tpu.vector_store_idx %arg9[%add3A_434], %get3A_431 : memref<1600xf32, #tpu.memory_space<vmem>>[vector<16xi32>], vector<16xf32>,
        %get3A_435 = arith.index_cast %add3A_404 : i32 to index
        %get3A_436 = arith.constant 80 : index
        %get3A_437 = tpu.vector_load %arg6[%get3A_435, %get3A_436] {strides = array<i32>} : memref<256x100xf32, #tpu.memory_space<vmem>>, vector<16xf32>,
        %add3A_438 = arith.constant 1283 : i32
        %add3A_439 = vector.broadcast %add3A_438 : i32 to vector<16xi32>
        %add3A_440 = arith.addi %mul3A_197, %add3A_439 : vector<16xi32>
        tpu.vector_store_idx %arg9[%add3A_440], %get3A_437 : memref<1600xf32, #tpu.memory_space<vmem>>[vector<16xi32>], vector<16xf32>,
        %get3A_441 = arith.index_cast %add3A_404 : i32 to index
        %get3A_442 = arith.constant 84 : index
        %get3A_443 = tpu.vector_load %arg6[%get3A_441, %get3A_442] {strides = array<i32>} : memref<256x100xf32, #tpu.memory_space<vmem>>, vector<16xf32>,
        %add3A_444 = arith.constant 1347 : i32
        %add3A_445 = vector.broadcast %add3A_444 : i32 to vector<16xi32>
        %add3A_446 = arith.addi %mul3A_197, %add3A_445 : vector<16xi32>
        tpu.vector_store_idx %arg9[%add3A_446], %get3A_443 : memref<1600xf32, #tpu.memory_space<vmem>>[vector<16xi32>], vector<16xf32>,
        %mul3A_447 = arith.constant 16 : i32
        %mul3A_448 = arith.muli %mul3A_447, %scan3A_263 : i32
        %add3A_449 = arith.constant 4 : i32
        %add3A_450 = arith.addi %mul3A_448, %add3A_449 : i32
        %get3A_451 = arith.index_cast %add3A_450 : i32 to index
        %get3A_452 = arith.constant 0 : index
        %get3A_453 = tpu.vector_load %arg6[%get3A_451, %get3A_452] {strides = array<i32>} : memref<256x100xf32, #tpu.memory_space<vmem>>, vector<16xf32>,
        %add3A_454 = arith.constant 4 : i32
        %add3A_455 = vector.broadcast %add3A_454 : i32 to vector<16xi32>
        %add3A_456 = arith.addi %mul3A_197, %add3A_455 : vector<16xi32>
        tpu.vector_store_idx %arg9[%add3A_456], %get3A_453 : memref<1600xf32, #tpu.memory_space<vmem>>[vector<16xi32>], vector<16xf32>,
        %get3A_457 = arith.index_cast %add3A_450 : i32 to index
        %get3A_458 = arith.constant 16 : index
        %get3A_459 = tpu.vector_load %arg6[%get3A_457, %get3A_458] {strides = array<i32>} : memref<256x100xf32, #tpu.memory_space<vmem>>, vector<16xf32>,
        %add3A_460 = arith.constant 260 : i32
        %add3A_461 = vector.broadcast %add3A_460 : i32 to vector<16xi32>
        %add3A_462 = arith.addi %mul3A_197, %add3A_461 : vector<16xi32>
        tpu.vector_store_idx %arg9[%add3A_462], %get3A_459 : memref<1600xf32, #tpu.memory_space<vmem>>[vector<16xi32>], vector<16xf32>,
        %get3A_463 = arith.index_cast %add3A_450 : i32 to index
        %get3A_464 = arith.constant 32 : index
        %get3A_465 = tpu.vector_load %arg6[%get3A_463, %get3A_464] {strides = array<i32>} : memref<256x100xf32, #tpu.memory_space<vmem>>, vector<16xf32>,
        %add3A_466 = arith.constant 516 : i32
        %add3A_467 = vector.broadcast %add3A_466 : i32 to vector<16xi32>
        %add3A_468 = arith.addi %mul3A_197, %add3A_467 : vector<16xi32>
        tpu.vector_store_idx %arg9[%add3A_468], %get3A_465 : memref<1600xf32, #tpu.memory_space<vmem>>[vector<16xi32>], vector<16xf32>,
        %get3A_469 = arith.index_cast %add3A_450 : i32 to index
        %get3A_470 = arith.constant 48 : index
        %get3A_471 = tpu.vector_load %arg6[%get3A_469, %get3A_470] {strides = array<i32>} : memref<256x100xf32, #tpu.memory_space<vmem>>, vector<16xf32>,
        %add3A_472 = arith.constant 772 : i32
        %add3A_473 = vector.broadcast %add3A_472 : i32 to vector<16xi32>
        %add3A_474 = arith.addi %mul3A_197, %add3A_473 : vector<16xi32>
        tpu.vector_store_idx %arg9[%add3A_474], %get3A_471 : memref<1600xf32, #tpu.memory_space<vmem>>[vector<16xi32>], vector<16xf32>,
        %get3A_475 = arith.index_cast %add3A_450 : i32 to index
        %get3A_476 = arith.constant 64 : index
        %get3A_477 = tpu.vector_load %arg6[%get3A_475, %get3A_476] {strides = array<i32>} : memref<256x100xf32, #tpu.memory_space<vmem>>, vector<16xf32>,
        %add3A_478 = arith.constant 1028 : i32
        %add3A_479 = vector.broadcast %add3A_478 : i32 to vector<16xi32>
        %add3A_480 = arith.addi %mul3A_197, %add3A_479 : vector<16xi32>
        tpu.vector_store_idx %arg9[%add3A_480], %get3A_477 : memref<1600xf32, #tpu.memory_space<vmem>>[vector<16xi32>], vector<16xf32>,
        %get3A_481 = arith.index_cast %add3A_450 : i32 to index
        %get3A_482 = arith.constant 80 : index
        %get3A_483 = tpu.vector_load %arg6[%get3A_481, %get3A_482] {strides = array<i32>} : memref<256x100xf32, #tpu.memory_space<vmem>>, vector<16xf32>,
        %add3A_484 = arith.constant 1284 : i32
        %add3A_485 = vector.broadcast %add3A_484 : i32 to vector<16xi32>
        %add3A_486 = arith.addi %mul3A_197, %add3A_485 : vector<16xi32>
        tpu.vector_store_idx %arg9[%add3A_486], %get3A_483 : memref<1600xf32, #tpu.memory_space<vmem>>[vector<16xi32>], vector<16xf32>,
        %get3A_487 = arith.index_cast %add3A_450 : i32 to index
        %get3A_488 = arith.constant 84 : index
        %get3A_489 = tpu.vector_load %arg6[%get3A_487, %get3A_488] {strides = array<i32>} : memref<256x100xf32, #tpu.memory_space<vmem>>, vector<16xf32>,
        %add3A_490 = arith.constant 1348 : i32
        %add3A_491 = vector.broadcast %add3A_490 : i32 to vector<16xi32>
        %add3A_492 = arith.addi %mul3A_197, %add3A_491 : vector<16xi32>
        tpu.vector_store_idx %arg9[%add3A_492], %get3A_489 : memref<1600xf32, #tpu.memory_space<vmem>>[vector<16xi32>], vector<16xf32>,
        %mul3A_493 = arith.constant 16 : i32
        %mul3A_494 = arith.muli %mul3A_493, %scan3A_263 : i32
        %add3A_495 = arith.constant 5 : i32
        %add3A_496 = arith.addi %mul3A_494, %add3A_495 : i32
        %get3A_497 = arith.index_cast %add3A_496 : i32 to index
        %get3A_498 = arith.constant 0 : index
        %get3A_499 = tpu.vector_load %arg6[%get3A_497, %get3A_498] {strides = array<i32>} : memref<256x100xf32, #tpu.memory_space<vmem>>, vector<16xf32>,
        %add3A_500 = arith.constant 5 : i32
        %add3A_501 = vector.broadcast %add3A_500 : i32 to vector<16xi32>
        %add3A_502 = arith.addi %mul3A_197, %add3A_501 : vector<16xi32>
        tpu.vector_store_idx %arg9[%add3A_502], %get3A_499 : memref<1600xf32, #tpu.memory_space<vmem>>[vector<16xi32>], vector<16xf32>,
        %get3A_503 = arith.index_cast %add3A_496 : i32 to index
        %get3A_504 = arith.constant 16 : index
        %get3A_505 = tpu.vector_load %arg6[%get3A_503, %get3A_504] {strides = array<i32>} : memref<256x100xf32, #tpu.memory_space<vmem>>, vector<16xf32>,
        %add3A_506 = arith.constant 261 : i32
        %add3A_507 = vector.broadcast %add3A_506 : i32 to vector<16xi32>
        %add3A_508 = arith.addi %mul3A_197, %add3A_507 : vector<16xi32>
        tpu.vector_store_idx %arg9[%add3A_508], %get3A_505 : memref<1600xf32, #tpu.memory_space<vmem>>[vector<16xi32>], vector<16xf32>,
        %get3A_509 = arith.index_cast %add3A_496 : i32 to index
        %get3A_510 = arith.constant 32 : index
        %get3A_511 = tpu.vector_load %arg6[%get3A_509, %get3A_510] {strides = array<i32>} : memref<256x100xf32, #tpu.memory_space<vmem>>, vector<16xf32>,
        %add3A_512 = arith.constant 517 : i32
        %add3A_513 = vector.broadcast %add3A_512 : i32 to vector<16xi32>
        %add3A_514 = arith.addi %mul3A_197, %add3A_513 : vector<16xi32>
        tpu.vector_store_idx %arg9[%add3A_514], %get3A_511 : memref<1600xf32, #tpu.memory_space<vmem>>[vector<16xi32>], vector<16xf32>,
        %get3A_515 = arith.index_cast %add3A_496 : i32 to index
        %get3A_516 = arith.constant 48 : index
        %get3A_517 = tpu.vector_load %arg6[%get3A_515, %get3A_516] {strides = array<i32>} : memref<256x100xf32, #tpu.memory_space<vmem>>, vector<16xf32>,
        %add3A_518 = arith.constant 773 : i32
        %add3A_519 = vector.broadcast %add3A_518 : i32 to vector<16xi32>
        %add3A_520 = arith.addi %mul3A_197, %add3A_519 : vector<16xi32>
        tpu.vector_store_idx %arg9[%add3A_520], %get3A_517 : memref<1600xf32, #tpu.memory_space<vmem>>[vector<16xi32>], vector<16xf32>,
        %get3A_521 = arith.index_cast %add3A_496 : i32 to index
        %get3A_522 = arith.constant 64 : index
        %get3A_523 = tpu.vector_load %arg6[%get3A_521, %get3A_522] {strides = array<i32>} : memref<256x100xf32, #tpu.memory_space<vmem>>, vector<16xf32>,
        %add3A_524 = arith.constant 1029 : i32
        %add3A_525 = vector.broadcast %add3A_524 : i32 to vector<16xi32>
        %add3A_526 = arith.addi %mul3A_197, %add3A_525 : vector<16xi32>
        tpu.vector_store_idx %arg9[%add3A_526], %get3A_523 : memref<1600xf32, #tpu.memory_space<vmem>>[vector<16xi32>], vector<16xf32>,
        %get3A_527 = arith.index_cast %add3A_496 : i32 to index
        %get3A_528 = arith.constant 80 : index
        %get3A_529 = tpu.vector_load %arg6[%get3A_527, %get3A_528] {strides = array<i32>} : memref<256x100xf32, #tpu.memory_space<vmem>>, vector<16xf32>,
        %add3A_530 = arith.constant 1285 : i32
        %add3A_531 = vector.broadcast %add3A_530 : i32 to vector<16xi32>
        %add3A_532 = arith.addi %mul3A_197, %add3A_531 : vector<16xi32>
        tpu.vector_store_idx %arg9[%add3A_532], %get3A_529 : memref<1600xf32, #tpu.memory_space<vmem>>[vector<16xi32>], vector<16xf32>,
        %get3A_533 = arith.index_cast %add3A_496 : i32 to index
        %get3A_534 = arith.constant 84 : index
        %get3A_535 = tpu.vector_load %arg6[%get3A_533, %get3A_534] {strides = array<i32>} : memref<256x100xf32, #tpu.memory_space<vmem>>, vector<16xf32>,
        %add3A_536 = arith.constant 1349 : i32
        %add3A_537 = vector.broadcast %add3A_536 : i32 to vector<16xi32>
        %add3A_538 = arith.addi %mul3A_197, %add3A_537 : vector<16xi32>
        tpu.vector_store_idx %arg9[%add3A_538], %get3A_535 : memref<1600xf32, #tpu.memory_space<vmem>>[vector<16xi32>], vector<16xf32>,
        %mul3A_539 = arith.constant 16 : i32
        %mul3A_540 = arith.muli %mul3A_539, %scan3A_263 : i32
        %add3A_541 = arith.constant 6 : i32
        %add3A_542 = arith.addi %mul3A_540, %add3A_541 : i32
        %get3A_543 = arith.index_cast %add3A_542 : i32 to index
        %get3A_544 = arith.constant 0 : index
        %get3A_545 = tpu.vector_load %arg6[%get3A_543, %get3A_544] {strides = array<i32>} : memref<256x100xf32, #tpu.memory_space<vmem>>, vector<16xf32>,
        %add3A_546 = arith.constant 6 : i32
        %add3A_547 = vector.broadcast %add3A_546 : i32 to vector<16xi32>
        %add3A_548 = arith.addi %mul3A_197, %add3A_547 : vector<16xi32>
        tpu.vector_store_idx %arg9[%add3A_548], %get3A_545 : memref<1600xf32, #tpu.memory_space<vmem>>[vector<16xi32>], vector<16xf32>,
        %get3A_549 = arith.index_cast %add3A_542 : i32 to index
        %get3A_550 = arith.constant 16 : index
        %get3A_551 = tpu.vector_load %arg6[%get3A_549, %get3A_550] {strides = array<i32>} : memref<256x100xf32, #tpu.memory_space<vmem>>, vector<16xf32>,
        %add3A_552 = arith.constant 262 : i32
        %add3A_553 = vector.broadcast %add3A_552 : i32 to vector<16xi32>
        %add3A_554 = arith.addi %mul3A_197, %add3A_553 : vector<16xi32>
        tpu.vector_store_idx %arg9[%add3A_554], %get3A_551 : memref<1600xf32, #tpu.memory_space<vmem>>[vector<16xi32>], vector<16xf32>,
        %get3A_555 = arith.index_cast %add3A_542 : i32 to index
        %get3A_556 = arith.constant 32 : index
        %get3A_557 = tpu.vector_load %arg6[%get3A_555, %get3A_556] {strides = array<i32>} : memref<256x100xf32, #tpu.memory_space<vmem>>, vector<16xf32>,
        %add3A_558 = arith.constant 518 : i32
        %add3A_559 = vector.broadcast %add3A_558 : i32 to vector<16xi32>
        %add3A_560 = arith.addi %mul3A_197, %add3A_559 : vector<16xi32>
        tpu.vector_store_idx %arg9[%add3A_560], %get3A_557 : memref<1600xf32, #tpu.memory_space<vmem>>[vector<16xi32>], vector<16xf32>,
        %get3A_561 = arith.index_cast %add3A_542 : i32 to index
        %get3A_562 = arith.constant 48 : index
        %get3A_563 = tpu.vector_load %arg6[%get3A_561, %get3A_562] {strides = array<i32>} : memref<256x100xf32, #tpu.memory_space<vmem>>, vector<16xf32>,
        %add3A_564 = arith.constant 774 : i32
        %add3A_565 = vector.broadcast %add3A_564 : i32 to vector<16xi32>
        %add3A_566 = arith.addi %mul3A_197, %add3A_565 : vector<16xi32>
        tpu.vector_store_idx %arg9[%add3A_566], %get3A_563 : memref<1600xf32, #tpu.memory_space<vmem>>[vector<16xi32>], vector<16xf32>,
        %get3A_567 = arith.index_cast %add3A_542 : i32 to index
        %get3A_568 = arith.constant 64 : index
        %get3A_569 = tpu.vector_load %arg6[%get3A_567, %get3A_568] {strides = array<i32>} : memref<256x100xf32, #tpu.memory_space<vmem>>, vector<16xf32>,
        %add3A_570 = arith.constant 1030 : i32
        %add3A_571 = vector.broadcast %add3A_570 : i32 to vector<16xi32>
        %add3A_572 = arith.addi %mul3A_197, %add3A_571 : vector<16xi32>
        tpu.vector_store_idx %arg9[%add3A_572], %get3A_569 : memref<1600xf32, #tpu.memory_space<vmem>>[vector<16xi32>], vector<16xf32>,
        %get3A_573 = arith.index_cast %add3A_542 : i32 to index
        %get3A_574 = arith.constant 80 : index
        %get3A_575 = tpu.vector_load %arg6[%get3A_573, %get3A_574] {strides = array<i32>} : memref<256x100xf32, #tpu.memory_space<vmem>>, vector<16xf32>,
        %add3A_576 = arith.constant 1286 : i32
        %add3A_577 = vector.broadcast %add3A_576 : i32 to vector<16xi32>
        %add3A_578 = arith.addi %mul3A_197, %add3A_577 : vector<16xi32>
        tpu.vector_store_idx %arg9[%add3A_578], %get3A_575 : memref<1600xf32, #tpu.memory_space<vmem>>[vector<16xi32>], vector<16xf32>,
        %get3A_579 = arith.index_cast %add3A_542 : i32 to index
        %get3A_580 = arith.constant 84 : index
        %get3A_581 = tpu.vector_load %arg6[%get3A_579, %get3A_580] {strides = array<i32>} : memref<256x100xf32, #tpu.memory_space<vmem>>, vector<16xf32>,
        %add3A_582 = arith.constant 1350 : i32
        %add3A_583 = vector.broadcast %add3A_582 : i32 to vector<16xi32>
        %add3A_584 = arith.addi %mul3A_197, %add3A_583 : vector<16xi32>
        tpu.vector_store_idx %arg9[%add3A_584], %get3A_581 : memref<1600xf32, #tpu.memory_space<vmem>>[vector<16xi32>], vector<16xf32>,
        %mul3A_585 = arith.constant 16 : i32
        %mul3A_586 = arith.muli %mul3A_585, %scan3A_263 : i32
        %add3A_587 = arith.constant 7 : i32
        %add3A_588 = arith.addi %mul3A_586, %add3A_587 : i32
        %get3A_589 = arith.index_cast %add3A_588 : i32 to index
        %get3A_590 = arith.constant 0 : index
        %get3A_591 = tpu.vector_load %arg6[%get3A_589, %get3A_590] {strides = array<i32>} : memref<256x100xf32, #tpu.memory_space<vmem>>, vector<16xf32>,
        %add3A_592 = arith.constant 7 : i32
        %add3A_593 = vector.broadcast %add3A_592 : i32 to vector<16xi32>
        %add3A_594 = arith.addi %mul3A_197, %add3A_593 : vector<16xi32>
        tpu.vector_store_idx %arg9[%add3A_594], %get3A_591 : memref<1600xf32, #tpu.memory_space<vmem>>[vector<16xi32>], vector<16xf32>,
        %get3A_595 = arith.index_cast %add3A_588 : i32 to index
        %get3A_596 = arith.constant 16 : index
        %get3A_597 = tpu.vector_load %arg6[%get3A_595, %get3A_596] {strides = array<i32>} : memref<256x100xf32, #tpu.memory_space<vmem>>, vector<16xf32>,
        %add3A_598 = arith.constant 263 : i32
        %add3A_599 = vector.broadcast %add3A_598 : i32 to vector<16xi32>
        %add3A_600 = arith.addi %mul3A_197, %add3A_599 : vector<16xi32>
        tpu.vector_store_idx %arg9[%add3A_600], %get3A_597 : memref<1600xf32, #tpu.memory_space<vmem>>[vector<16xi32>], vector<16xf32>,
        %get3A_601 = arith.index_cast %add3A_588 : i32 to index
        %get3A_602 = arith.constant 32 : index
        %get3A_603 = tpu.vector_load %arg6[%get3A_601, %get3A_602] {strides = array<i32>} : memref<256x100xf32, #tpu.memory_space<vmem>>, vector<16xf32>,
        %add3A_604 = arith.constant 519 : i32
        %add3A_605 = vector.broadcast %add3A_604 : i32 to vector<16xi32>
        %add3A_606 = arith.addi %mul3A_197, %add3A_605 : vector<16xi32>
        tpu.vector_store_idx %arg9[%add3A_606], %get3A_603 : memref<1600xf32, #tpu.memory_space<vmem>>[vector<16xi32>], vector<16xf32>,
        %get3A_607 = arith.index_cast %add3A_588 : i32 to index
        %get3A_608 = arith.constant 48 : index
        %get3A_609 = tpu.vector_load %arg6[%get3A_607, %get3A_608] {strides = array<i32>} : memref<256x100xf32, #tpu.memory_space<vmem>>, vector<16xf32>,
        %add3A_610 = arith.constant 775 : i32
        %add3A_611 = vector.broadcast %add3A_610 : i32 to vector<16xi32>
        %add3A_612 = arith.addi %mul3A_197, %add3A_611 : vector<16xi32>
        tpu.vector_store_idx %arg9[%add3A_612], %get3A_609 : memref<1600xf32, #tpu.memory_space<vmem>>[vector<16xi32>], vector<16xf32>,
        %get3A_613 = arith.index_cast %add3A_588 : i32 to index
        %get3A_614 = arith.constant 64 : index
        %get3A_615 = tpu.vector_load %arg6[%get3A_613, %get3A_614] {strides = array<i32>} : memref<256x100xf32, #tpu.memory_space<vmem>>, vector<16xf32>,
        %add3A_616 = arith.constant 1031 : i32
        %add3A_617 = vector.broadcast %add3A_616 : i32 to vector<16xi32>
        %add3A_618 = arith.addi %mul3A_197, %add3A_617 : vector<16xi32>
        tpu.vector_store_idx %arg9[%add3A_618], %get3A_615 : memref<1600xf32, #tpu.memory_space<vmem>>[vector<16xi32>], vector<16xf32>,
        %get3A_619 = arith.index_cast %add3A_588 : i32 to index
        %get3A_620 = arith.constant 80 : index
        %get3A_621 = tpu.vector_load %arg6[%get3A_619, %get3A_620] {strides = array<i32>} : memref<256x100xf32, #tpu.memory_space<vmem>>, vector<16xf32>,
        %add3A_622 = arith.constant 1287 : i32
        %add3A_623 = vector.broadcast %add3A_622 : i32 to vector<16xi32>
        %add3A_624 = arith.addi %mul3A_197, %add3A_623 : vector<16xi32>
        tpu.vector_store_idx %arg9[%add3A_624], %get3A_621 : memref<1600xf32, #tpu.memory_space<vmem>>[vector<16xi32>], vector<16xf32>,
        %get3A_625 = arith.index_cast %add3A_588 : i32 to index
        %get3A_626 = arith.constant 84 : index
        %get3A_627 = tpu.vector_load %arg6[%get3A_625, %get3A_626] {strides = array<i32>} : memref<256x100xf32, #tpu.memory_space<vmem>>, vector<16xf32>,
        %add3A_628 = arith.constant 1351 : i32
        %add3A_629 = vector.broadcast %add3A_628 : i32 to vector<16xi32>
        %add3A_630 = arith.addi %mul3A_197, %add3A_629 : vector<16xi32>
        tpu.vector_store_idx %arg9[%add3A_630], %get3A_627 : memref<1600xf32, #tpu.memory_space<vmem>>[vector<16xi32>], vector<16xf32>,
        %mul3A_631 = arith.constant 16 : i32
        %mul3A_632 = arith.muli %mul3A_631, %scan3A_263 : i32
        %add3A_633 = arith.constant 8 : i32
        %add3A_634 = arith.addi %mul3A_632, %add3A_633 : i32
        %get3A_635 = arith.index_cast %add3A_634 : i32 to index
        %get3A_636 = arith.constant 0 : index
        %get3A_637 = tpu.vector_load %arg6[%get3A_635, %get3A_636] {strides = array<i32>} : memref<256x100xf32, #tpu.memory_space<vmem>>, vector<16xf32>,
        %add3A_638 = arith.constant 8 : i32
        %add3A_639 = vector.broadcast %add3A_638 : i32 to vector<16xi32>
        %add3A_640 = arith.addi %mul3A_197, %add3A_639 : vector<16xi32>
        tpu.vector_store_idx %arg9[%add3A_640], %get3A_637 : memref<1600xf32, #tpu.memory_space<vmem>>[vector<16xi32>], vector<16xf32>,
        %get3A_641 = arith.index_cast %add3A_634 : i32 to index
        %get3A_642 = arith.constant 16 : index
        %get3A_643 = tpu.vector_load %arg6[%get3A_641, %get3A_642] {strides = array<i32>} : memref<256x100xf32, #tpu.memory_space<vmem>>, vector<16xf32>,
        %add3A_644 = arith.constant 264 : i32
        %add3A_645 = vector.broadcast %add3A_644 : i32 to vector<16xi32>
        %add3A_646 = arith.addi %mul3A_197, %add3A_645 : vector<16xi32>
        tpu.vector_store_idx %arg9[%add3A_646], %get3A_643 : memref<1600xf32, #tpu.memory_space<vmem>>[vector<16xi32>], vector<16xf32>,
        %get3A_647 = arith.index_cast %add3A_634 : i32 to index
        %get3A_648 = arith.constant 32 : index
        %get3A_649 = tpu.vector_load %arg6[%get3A_647, %get3A_648] {strides = array<i32>} : memref<256x100xf32, #tpu.memory_space<vmem>>, vector<16xf32>,
        %add3A_650 = arith.constant 520 : i32
        %add3A_651 = vector.broadcast %add3A_650 : i32 to vector<16xi32>
        %add3A_652 = arith.addi %mul3A_197, %add3A_651 : vector<16xi32>
        tpu.vector_store_idx %arg9[%add3A_652], %get3A_649 : memref<1600xf32, #tpu.memory_space<vmem>>[vector<16xi32>], vector<16xf32>,
        %get3A_653 = arith.index_cast %add3A_634 : i32 to index
        %get3A_654 = arith.constant 48 : index
        %get3A_655 = tpu.vector_load %arg6[%get3A_653, %get3A_654] {strides = array<i32>} : memref<256x100xf32, #tpu.memory_space<vmem>>, vector<16xf32>,
        %add3A_656 = arith.constant 776 : i32
        %add3A_657 = vector.broadcast %add3A_656 : i32 to vector<16xi32>
        %add3A_658 = arith.addi %mul3A_197, %add3A_657 : vector<16xi32>
        tpu.vector_store_idx %arg9[%add3A_658], %get3A_655 : memref<1600xf32, #tpu.memory_space<vmem>>[vector<16xi32>], vector<16xf32>,
        %get3A_659 = arith.index_cast %add3A_634 : i32 to index
        %get3A_660 = arith.constant 64 : index
        %get3A_661 = tpu.vector_load %arg6[%get3A_659, %get3A_660] {strides = array<i32>} : memref<256x100xf32, #tpu.memory_space<vmem>>, vector<16xf32>,
        %add3A_662 = arith.constant 1032 : i32
        %add3A_663 = vector.broadcast %add3A_662 : i32 to vector<16xi32>
        %add3A_664 = arith.addi %mul3A_197, %add3A_663 : vector<16xi32>
        tpu.vector_store_idx %arg9[%add3A_664], %get3A_661 : memref<1600xf32, #tpu.memory_space<vmem>>[vector<16xi32>], vector<16xf32>,
        %get3A_665 = arith.index_cast %add3A_634 : i32 to index
        %get3A_666 = arith.constant 80 : index
        %get3A_667 = tpu.vector_load %arg6[%get3A_665, %get3A_666] {strides = array<i32>} : memref<256x100xf32, #tpu.memory_space<vmem>>, vector<16xf32>,
        %add3A_668 = arith.constant 1288 : i32
        %add3A_669 = vector.broadcast %add3A_668 : i32 to vector<16xi32>
        %add3A_670 = arith.addi %mul3A_197, %add3A_669 : vector<16xi32>
        tpu.vector_store_idx %arg9[%add3A_670], %get3A_667 : memref<1600xf32, #tpu.memory_space<vmem>>[vector<16xi32>], vector<16xf32>,
        %get3A_671 = arith.index_cast %add3A_634 : i32 to index
        %get3A_672 = arith.constant 84 : index
        %get3A_673 = tpu.vector_load %arg6[%get3A_671, %get3A_672] {strides = array<i32>} : memref<256x100xf32, #tpu.memory_space<vmem>>, vector<16xf32>,
        %add3A_674 = arith.constant 1352 : i32
        %add3A_675 = vector.broadcast %add3A_674 : i32 to vector<16xi32>
        %add3A_676 = arith.addi %mul3A_197, %add3A_675 : vector<16xi32>
        tpu.vector_store_idx %arg9[%add3A_676], %get3A_673 : memref<1600xf32, #tpu.memory_space<vmem>>[vector<16xi32>], vector<16xf32>,
        %mul3A_677 = arith.constant 16 : i32
        %mul3A_678 = arith.muli %mul3A_677, %scan3A_263 : i32
        %add3A_679 = arith.constant 9 : i32
        %add3A_680 = arith.addi %mul3A_678, %add3A_679 : i32
        %get3A_681 = arith.index_cast %add3A_680 : i32 to index
        %get3A_682 = arith.constant 0 : index
        %get3A_683 = tpu.vector_load %arg6[%get3A_681, %get3A_682] {strides = array<i32>} : memref<256x100xf32, #tpu.memory_space<vmem>>, vector<16xf32>,
        %add3A_684 = arith.constant 9 : i32
        %add3A_685 = vector.broadcast %add3A_684 : i32 to vector<16xi32>
        %add3A_686 = arith.addi %mul3A_197, %add3A_685 : vector<16xi32>
        tpu.vector_store_idx %arg9[%add3A_686], %get3A_683 : memref<1600xf32, #tpu.memory_space<vmem>>[vector<16xi32>], vector<16xf32>,
        %get3A_687 = arith.index_cast %add3A_680 : i32 to index
        %get3A_688 = arith.constant 16 : index
        %get3A_689 = tpu.vector_load %arg6[%get3A_687, %get3A_688] {strides = array<i32>} : memref<256x100xf32, #tpu.memory_space<vmem>>, vector<16xf32>,
        %add3A_690 = arith.constant 265 : i32
        %add3A_691 = vector.broadcast %add3A_690 : i32 to vector<16xi32>
        %add3A_692 = arith.addi %mul3A_197, %add3A_691 : vector<16xi32>
        tpu.vector_store_idx %arg9[%add3A_692], %get3A_689 : memref<1600xf32, #tpu.memory_space<vmem>>[vector<16xi32>], vector<16xf32>,
        %get3A_693 = arith.index_cast %add3A_680 : i32 to index
        %get3A_694 = arith.constant 32 : index
        %get3A_695 = tpu.vector_load %arg6[%get3A_693, %get3A_694] {strides = array<i32>} : memref<256x100xf32, #tpu.memory_space<vmem>>, vector<16xf32>,
        %add3A_696 = arith.constant 521 : i32
        %add3A_697 = vector.broadcast %add3A_696 : i32 to vector<16xi32>
        %add3A_698 = arith.addi %mul3A_197, %add3A_697 : vector<16xi32>
        tpu.vector_store_idx %arg9[%add3A_698], %get3A_695 : memref<1600xf32, #tpu.memory_space<vmem>>[vector<16xi32>], vector<16xf32>,
        %get3A_699 = arith.index_cast %add3A_680 : i32 to index
        %get3A_700 = arith.constant 48 : index
        %get3A_701 = tpu.vector_load %arg6[%get3A_699, %get3A_700] {strides = array<i32>} : memref<256x100xf32, #tpu.memory_space<vmem>>, vector<16xf32>,
        %add3A_702 = arith.constant 777 : i32
        %add3A_703 = vector.broadcast %add3A_702 : i32 to vector<16xi32>
        %add3A_704 = arith.addi %mul3A_197, %add3A_703 : vector<16xi32>
        tpu.vector_store_idx %arg9[%add3A_704], %get3A_701 : memref<1600xf32, #tpu.memory_space<vmem>>[vector<16xi32>], vector<16xf32>,
        %get3A_705 = arith.index_cast %add3A_680 : i32 to index
        %get3A_706 = arith.constant 64 : index
        %get3A_707 = tpu.vector_load %arg6[%get3A_705, %get3A_706] {strides = array<i32>} : memref<256x100xf32, #tpu.memory_space<vmem>>, vector<16xf32>,
        %add3A_708 = arith.constant 1033 : i32
        %add3A_709 = vector.broadcast %add3A_708 : i32 to vector<16xi32>
        %add3A_710 = arith.addi %mul3A_197, %add3A_709 : vector<16xi32>
        tpu.vector_store_idx %arg9[%add3A_710], %get3A_707 : memref<1600xf32, #tpu.memory_space<vmem>>[vector<16xi32>], vector<16xf32>,
        %get3A_711 = arith.index_cast %add3A_680 : i32 to index
        %get3A_712 = arith.constant 80 : index
        %get3A_713 = tpu.vector_load %arg6[%get3A_711, %get3A_712] {strides = array<i32>} : memref<256x100xf32, #tpu.memory_space<vmem>>, vector<16xf32>,
        %add3A_714 = arith.constant 1289 : i32
        %add3A_715 = vector.broadcast %add3A_714 : i32 to vector<16xi32>
        %add3A_716 = arith.addi %mul3A_197, %add3A_715 : vector<16xi32>
        tpu.vector_store_idx %arg9[%add3A_716], %get3A_713 : memref<1600xf32, #tpu.memory_space<vmem>>[vector<16xi32>], vector<16xf32>,
        %get3A_717 = arith.index_cast %add3A_680 : i32 to index
        %get3A_718 = arith.constant 84 : index
        %get3A_719 = tpu.vector_load %arg6[%get3A_717, %get3A_718] {strides = array<i32>} : memref<256x100xf32, #tpu.memory_space<vmem>>, vector<16xf32>,
        %add3A_720 = arith.constant 1353 : i32
        %add3A_721 = vector.broadcast %add3A_720 : i32 to vector<16xi32>
        %add3A_722 = arith.addi %mul3A_197, %add3A_721 : vector<16xi32>
        tpu.vector_store_idx %arg9[%add3A_722], %get3A_719 : memref<1600xf32, #tpu.memory_space<vmem>>[vector<16xi32>], vector<16xf32>,
        %mul3A_723 = arith.constant 16 : i32
        %mul3A_724 = arith.muli %mul3A_723, %scan3A_263 : i32
        %add3A_725 = arith.constant 10 : i32
        %add3A_726 = arith.addi %mul3A_724, %add3A_725 : i32
        %get3A_727 = arith.index_cast %add3A_726 : i32 to index
        %get3A_728 = arith.constant 0 : index
        %get3A_729 = tpu.vector_load %arg6[%get3A_727, %get3A_728] {strides = array<i32>} : memref<256x100xf32, #tpu.memory_space<vmem>>, vector<16xf32>,
        %add3A_730 = arith.constant 10 : i32
        %add3A_731 = vector.broadcast %add3A_730 : i32 to vector<16xi32>
        %add3A_732 = arith.addi %mul3A_197, %add3A_731 : vector<16xi32>
        tpu.vector_store_idx %arg9[%add3A_732], %get3A_729 : memref<1600xf32, #tpu.memory_space<vmem>>[vector<16xi32>], vector<16xf32>,
        %get3A_733 = arith.index_cast %add3A_726 : i32 to index
        %get3A_734 = arith.constant 16 : index
        %get3A_735 = tpu.vector_load %arg6[%get3A_733, %get3A_734] {strides = array<i32>} : memref<256x100xf32, #tpu.memory_space<vmem>>, vector<16xf32>,
        %add3A_736 = arith.constant 266 : i32
        %add3A_737 = vector.broadcast %add3A_736 : i32 to vector<16xi32>
        %add3A_738 = arith.addi %mul3A_197, %add3A_737 : vector<16xi32>
        tpu.vector_store_idx %arg9[%add3A_738], %get3A_735 : memref<1600xf32, #tpu.memory_space<vmem>>[vector<16xi32>], vector<16xf32>,
        %get3A_739 = arith.index_cast %add3A_726 : i32 to index
        %get3A_740 = arith.constant 32 : index
        %get3A_741 = tpu.vector_load %arg6[%get3A_739, %get3A_740] {strides = array<i32>} : memref<256x100xf32, #tpu.memory_space<vmem>>, vector<16xf32>,
        %add3A_742 = arith.constant 522 : i32
        %add3A_743 = vector.broadcast %add3A_742 : i32 to vector<16xi32>
        %add3A_744 = arith.addi %mul3A_197, %add3A_743 : vector<16xi32>
        tpu.vector_store_idx %arg9[%add3A_744], %get3A_741 : memref<1600xf32, #tpu.memory_space<vmem>>[vector<16xi32>], vector<16xf32>,
        %get3A_745 = arith.index_cast %add3A_726 : i32 to index
        %get3A_746 = arith.constant 48 : index
        %get3A_747 = tpu.vector_load %arg6[%get3A_745, %get3A_746] {strides = array<i32>} : memref<256x100xf32, #tpu.memory_space<vmem>>, vector<16xf32>,
        %add3A_748 = arith.constant 778 : i32
        %add3A_749 = vector.broadcast %add3A_748 : i32 to vector<16xi32>
        %add3A_750 = arith.addi %mul3A_197, %add3A_749 : vector<16xi32>
        tpu.vector_store_idx %arg9[%add3A_750], %get3A_747 : memref<1600xf32, #tpu.memory_space<vmem>>[vector<16xi32>], vector<16xf32>,
        %get3A_751 = arith.index_cast %add3A_726 : i32 to index
        %get3A_752 = arith.constant 64 : index
        %get3A_753 = tpu.vector_load %arg6[%get3A_751, %get3A_752] {strides = array<i32>} : memref<256x100xf32, #tpu.memory_space<vmem>>, vector<16xf32>,
        %add3A_754 = arith.constant 1034 : i32
        %add3A_755 = vector.broadcast %add3A_754 : i32 to vector<16xi32>
        %add3A_756 = arith.addi %mul3A_197, %add3A_755 : vector<16xi32>
        tpu.vector_store_idx %arg9[%add3A_756], %get3A_753 : memref<1600xf32, #tpu.memory_space<vmem>>[vector<16xi32>], vector<16xf32>,
        %get3A_757 = arith.index_cast %add3A_726 : i32 to index
        %get3A_758 = arith.constant 80 : index
        %get3A_759 = tpu.vector_load %arg6[%get3A_757, %get3A_758] {strides = array<i32>} : memref<256x100xf32, #tpu.memory_space<vmem>>, vector<16xf32>,
        %add3A_760 = arith.constant 1290 : i32
        %add3A_761 = vector.broadcast %add3A_760 : i32 to vector<16xi32>
        %add3A_762 = arith.addi %mul3A_197, %add3A_761 : vector<16xi32>
        tpu.vector_store_idx %arg9[%add3A_762], %get3A_759 : memref<1600xf32, #tpu.memory_space<vmem>>[vector<16xi32>], vector<16xf32>,
        %get3A_763 = arith.index_cast %add3A_726 : i32 to index
        %get3A_764 = arith.constant 84 : index
        %get3A_765 = tpu.vector_load %arg6[%get3A_763, %get3A_764] {strides = array<i32>} : memref<256x100xf32, #tpu.memory_space<vmem>>, vector<16xf32>,
        %add3A_766 = arith.constant 1354 : i32
        %add3A_767 = vector.broadcast %add3A_766 : i32 to vector<16xi32>
        %add3A_768 = arith.addi %mul3A_197, %add3A_767 : vector<16xi32>
        tpu.vector_store_idx %arg9[%add3A_768], %get3A_765 : memref<1600xf32, #tpu.memory_space<vmem>>[vector<16xi32>], vector<16xf32>,
        %mul3A_769 = arith.constant 16 : i32
        %mul3A_770 = arith.muli %mul3A_769, %scan3A_263 : i32
        %add3A_771 = arith.constant 11 : i32
        %add3A_772 = arith.addi %mul3A_770, %add3A_771 : i32
        %get3A_773 = arith.index_cast %add3A_772 : i32 to index
        %get3A_774 = arith.constant 0 : index
        %get3A_775 = tpu.vector_load %arg6[%get3A_773, %get3A_774] {strides = array<i32>} : memref<256x100xf32, #tpu.memory_space<vmem>>, vector<16xf32>,
        %add3A_776 = arith.constant 11 : i32
        %add3A_777 = vector.broadcast %add3A_776 : i32 to vector<16xi32>
        %add3A_778 = arith.addi %mul3A_197, %add3A_777 : vector<16xi32>
        tpu.vector_store_idx %arg9[%add3A_778], %get3A_775 : memref<1600xf32, #tpu.memory_space<vmem>>[vector<16xi32>], vector<16xf32>,
        %get3A_779 = arith.index_cast %add3A_772 : i32 to index
        %get3A_780 = arith.constant 16 : index
        %get3A_781 = tpu.vector_load %arg6[%get3A_779, %get3A_780] {strides = array<i32>} : memref<256x100xf32, #tpu.memory_space<vmem>>, vector<16xf32>,
        %add3A_782 = arith.constant 267 : i32
        %add3A_783 = vector.broadcast %add3A_782 : i32 to vector<16xi32>
        %add3A_784 = arith.addi %mul3A_197, %add3A_783 : vector<16xi32>
        tpu.vector_store_idx %arg9[%add3A_784], %get3A_781 : memref<1600xf32, #tpu.memory_space<vmem>>[vector<16xi32>], vector<16xf32>,
        %get3A_785 = arith.index_cast %add3A_772 : i32 to index
        %get3A_786 = arith.constant 32 : index
        %get3A_787 = tpu.vector_load %arg6[%get3A_785, %get3A_786] {strides = array<i32>} : memref<256x100xf32, #tpu.memory_space<vmem>>, vector<16xf32>,
        %add3A_788 = arith.constant 523 : i32
        %add3A_789 = vector.broadcast %add3A_788 : i32 to vector<16xi32>
        %add3A_790 = arith.addi %mul3A_197, %add3A_789 : vector<16xi32>
        tpu.vector_store_idx %arg9[%add3A_790], %get3A_787 : memref<1600xf32, #tpu.memory_space<vmem>>[vector<16xi32>], vector<16xf32>,
        %get3A_791 = arith.index_cast %add3A_772 : i32 to index
        %get3A_792 = arith.constant 48 : index
        %get3A_793 = tpu.vector_load %arg6[%get3A_791, %get3A_792] {strides = array<i32>} : memref<256x100xf32, #tpu.memory_space<vmem>>, vector<16xf32>,
        %add3A_794 = arith.constant 779 : i32
        %add3A_795 = vector.broadcast %add3A_794 : i32 to vector<16xi32>
        %add3A_796 = arith.addi %mul3A_197, %add3A_795 : vector<16xi32>
        tpu.vector_store_idx %arg9[%add3A_796], %get3A_793 : memref<1600xf32, #tpu.memory_space<vmem>>[vector<16xi32>], vector<16xf32>,
        %get3A_797 = arith.index_cast %add3A_772 : i32 to index
        %get3A_798 = arith.constant 64 : index
        %get3A_799 = tpu.vector_load %arg6[%get3A_797, %get3A_798] {strides = array<i32>} : memref<256x100xf32, #tpu.memory_space<vmem>>, vector<16xf32>,
        %add3A_800 = arith.constant 1035 : i32
        %add3A_801 = vector.broadcast %add3A_800 : i32 to vector<16xi32>
        %add3A_802 = arith.addi %mul3A_197, %add3A_801 : vector<16xi32>
        tpu.vector_store_idx %arg9[%add3A_802], %get3A_799 : memref<1600xf32, #tpu.memory_space<vmem>>[vector<16xi32>], vector<16xf32>,
        %get3A_803 = arith.index_cast %add3A_772 : i32 to index
        %get3A_804 = arith.constant 80 : index
        %get3A_805 = tpu.vector_load %arg6[%get3A_803, %get3A_804] {strides = array<i32>} : memref<256x100xf32, #tpu.memory_space<vmem>>, vector<16xf32>,
        %add3A_806 = arith.constant 1291 : i32
        %add3A_807 = vector.broadcast %add3A_806 : i32 to vector<16xi32>
        %add3A_808 = arith.addi %mul3A_197, %add3A_807 : vector<16xi32>
        tpu.vector_store_idx %arg9[%add3A_808], %get3A_805 : memref<1600xf32, #tpu.memory_space<vmem>>[vector<16xi32>], vector<16xf32>,
        %get3A_809 = arith.index_cast %add3A_772 : i32 to index
        %get3A_810 = arith.constant 84 : index
        %get3A_811 = tpu.vector_load %arg6[%get3A_809, %get3A_810] {strides = array<i32>} : memref<256x100xf32, #tpu.memory_space<vmem>>, vector<16xf32>,
        %add3A_812 = arith.constant 1355 : i32
        %add3A_813 = vector.broadcast %add3A_812 : i32 to vector<16xi32>
        %add3A_814 = arith.addi %mul3A_197, %add3A_813 : vector<16xi32>
        tpu.vector_store_idx %arg9[%add3A_814], %get3A_811 : memref<1600xf32, #tpu.memory_space<vmem>>[vector<16xi32>], vector<16xf32>,
        %mul3A_815 = arith.constant 16 : i32
        %mul3A_816 = arith.muli %mul3A_815, %scan3A_263 : i32
        %add3A_817 = arith.constant 12 : i32
        %add3A_818 = arith.addi %mul3A_816, %add3A_817 : i32
        %get3A_819 = arith.index_cast %add3A_818 : i32 to index
        %get3A_820 = arith.constant 0 : index
        %get3A_821 = tpu.vector_load %arg6[%get3A_819, %get3A_820] {strides = array<i32>} : memref<256x100xf32, #tpu.memory_space<vmem>>, vector<16xf32>,
        %add3A_822 = arith.constant 12 : i32
        %add3A_823 = vector.broadcast %add3A_822 : i32 to vector<16xi32>
        %add3A_824 = arith.addi %mul3A_197, %add3A_823 : vector<16xi32>
        tpu.vector_store_idx %arg9[%add3A_824], %get3A_821 : memref<1600xf32, #tpu.memory_space<vmem>>[vector<16xi32>], vector<16xf32>,
        %get3A_825 = arith.index_cast %add3A_818 : i32 to index
        %get3A_826 = arith.constant 16 : index
        %get3A_827 = tpu.vector_load %arg6[%get3A_825, %get3A_826] {strides = array<i32>} : memref<256x100xf32, #tpu.memory_space<vmem>>, vector<16xf32>,
        %add3A_828 = arith.constant 268 : i32
        %add3A_829 = vector.broadcast %add3A_828 : i32 to vector<16xi32>
        %add3A_830 = arith.addi %mul3A_197, %add3A_829 : vector<16xi32>
        tpu.vector_store_idx %arg9[%add3A_830], %get3A_827 : memref<1600xf32, #tpu.memory_space<vmem>>[vector<16xi32>], vector<16xf32>,
        %get3A_831 = arith.index_cast %add3A_818 : i32 to index
        %get3A_832 = arith.constant 32 : index
        %get3A_833 = tpu.vector_load %arg6[%get3A_831, %get3A_832] {strides = array<i32>} : memref<256x100xf32, #tpu.memory_space<vmem>>, vector<16xf32>,
        %add3A_834 = arith.constant 524 : i32
        %add3A_835 = vector.broadcast %add3A_834 : i32 to vector<16xi32>
        %add3A_836 = arith.addi %mul3A_197, %add3A_835 : vector<16xi32>
        tpu.vector_store_idx %arg9[%add3A_836], %get3A_833 : memref<1600xf32, #tpu.memory_space<vmem>>[vector<16xi32>], vector<16xf32>,
        %get3A_837 = arith.index_cast %add3A_818 : i32 to index
        %get3A_838 = arith.constant 48 : index
        %get3A_839 = tpu.vector_load %arg6[%get3A_837, %get3A_838] {strides = array<i32>} : memref<256x100xf32, #tpu.memory_space<vmem>>, vector<16xf32>,
        %add3A_840 = arith.constant 780 : i32
        %add3A_841 = vector.broadcast %add3A_840 : i32 to vector<16xi32>
        %add3A_842 = arith.addi %mul3A_197, %add3A_841 : vector<16xi32>
        tpu.vector_store_idx %arg9[%add3A_842], %get3A_839 : memref<1600xf32, #tpu.memory_space<vmem>>[vector<16xi32>], vector<16xf32>,
        %get3A_843 = arith.index_cast %add3A_818 : i32 to index
        %get3A_844 = arith.constant 64 : index
        %get3A_845 = tpu.vector_load %arg6[%get3A_843, %get3A_844] {strides = array<i32>} : memref<256x100xf32, #tpu.memory_space<vmem>>, vector<16xf32>,
        %add3A_846 = arith.constant 1036 : i32
        %add3A_847 = vector.broadcast %add3A_846 : i32 to vector<16xi32>
        %add3A_848 = arith.addi %mul3A_197, %add3A_847 : vector<16xi32>
        tpu.vector_store_idx %arg9[%add3A_848], %get3A_845 : memref<1600xf32, #tpu.memory_space<vmem>>[vector<16xi32>], vector<16xf32>,
        %get3A_849 = arith.index_cast %add3A_818 : i32 to index
        %get3A_850 = arith.constant 80 : index
        %get3A_851 = tpu.vector_load %arg6[%get3A_849, %get3A_850] {strides = array<i32>} : memref<256x100xf32, #tpu.memory_space<vmem>>, vector<16xf32>,
        %add3A_852 = arith.constant 1292 : i32
        %add3A_853 = vector.broadcast %add3A_852 : i32 to vector<16xi32>
        %add3A_854 = arith.addi %mul3A_197, %add3A_853 : vector<16xi32>
        tpu.vector_store_idx %arg9[%add3A_854], %get3A_851 : memref<1600xf32, #tpu.memory_space<vmem>>[vector<16xi32>], vector<16xf32>,
        %get3A_855 = arith.index_cast %add3A_818 : i32 to index
        %get3A_856 = arith.constant 84 : index
        %get3A_857 = tpu.vector_load %arg6[%get3A_855, %get3A_856] {strides = array<i32>} : memref<256x100xf32, #tpu.memory_space<vmem>>, vector<16xf32>,
        %add3A_858 = arith.constant 1356 : i32
        %add3A_859 = vector.broadcast %add3A_858 : i32 to vector<16xi32>
        %add3A_860 = arith.addi %mul3A_197, %add3A_859 : vector<16xi32>
        tpu.vector_store_idx %arg9[%add3A_860], %get3A_857 : memref<1600xf32, #tpu.memory_space<vmem>>[vector<16xi32>], vector<16xf32>,
        %mul3A_861 = arith.constant 16 : i32
        %mul3A_862 = arith.muli %mul3A_861, %scan3A_263 : i32
        %add3A_863 = arith.constant 13 : i32
        %add3A_864 = arith.addi %mul3A_862, %add3A_863 : i32
        %get3A_865 = arith.index_cast %add3A_864 : i32 to index
        %get3A_866 = arith.constant 0 : index
        %get3A_867 = tpu.vector_load %arg6[%get3A_865, %get3A_866] {strides = array<i32>} : memref<256x100xf32, #tpu.memory_space<vmem>>, vector<16xf32>,
        %add3A_868 = arith.constant 13 : i32
        %add3A_869 = vector.broadcast %add3A_868 : i32 to vector<16xi32>
        %add3A_870 = arith.addi %mul3A_197, %add3A_869 : vector<16xi32>
        tpu.vector_store_idx %arg9[%add3A_870], %get3A_867 : memref<1600xf32, #tpu.memory_space<vmem>>[vector<16xi32>], vector<16xf32>,
        %get3A_871 = arith.index_cast %add3A_864 : i32 to index
        %get3A_872 = arith.constant 16 : index
        %get3A_873 = tpu.vector_load %arg6[%get3A_871, %get3A_872] {strides = array<i32>} : memref<256x100xf32, #tpu.memory_space<vmem>>, vector<16xf32>,
        %add3A_874 = arith.constant 269 : i32
        %add3A_875 = vector.broadcast %add3A_874 : i32 to vector<16xi32>
        %add3A_876 = arith.addi %mul3A_197, %add3A_875 : vector<16xi32>
        tpu.vector_store_idx %arg9[%add3A_876], %get3A_873 : memref<1600xf32, #tpu.memory_space<vmem>>[vector<16xi32>], vector<16xf32>,
        %get3A_877 = arith.index_cast %add3A_864 : i32 to index
        %get3A_878 = arith.constant 32 : index
        %get3A_879 = tpu.vector_load %arg6[%get3A_877, %get3A_878] {strides = array<i32>} : memref<256x100xf32, #tpu.memory_space<vmem>>, vector<16xf32>,
        %add3A_880 = arith.constant 525 : i32
        %add3A_881 = vector.broadcast %add3A_880 : i32 to vector<16xi32>
        %add3A_882 = arith.addi %mul3A_197, %add3A_881 : vector<16xi32>
        tpu.vector_store_idx %arg9[%add3A_882], %get3A_879 : memref<1600xf32, #tpu.memory_space<vmem>>[vector<16xi32>], vector<16xf32>,
        %get3A_883 = arith.index_cast %add3A_864 : i32 to index
        %get3A_884 = arith.constant 48 : index
        %get3A_885 = tpu.vector_load %arg6[%get3A_883, %get3A_884] {strides = array<i32>} : memref<256x100xf32, #tpu.memory_space<vmem>>, vector<16xf32>,
        %add3A_886 = arith.constant 781 : i32
        %add3A_887 = vector.broadcast %add3A_886 : i32 to vector<16xi32>
        %add3A_888 = arith.addi %mul3A_197, %add3A_887 : vector<16xi32>
        tpu.vector_store_idx %arg9[%add3A_888], %get3A_885 : memref<1600xf32, #tpu.memory_space<vmem>>[vector<16xi32>], vector<16xf32>,
        %get3A_889 = arith.index_cast %add3A_864 : i32 to index
        %get3A_890 = arith.constant 64 : index
        %get3A_891 = tpu.vector_load %arg6[%get3A_889, %get3A_890] {strides = array<i32>} : memref<256x100xf32, #tpu.memory_space<vmem>>, vector<16xf32>,
        %add3A_892 = arith.constant 1037 : i32
        %add3A_893 = vector.broadcast %add3A_892 : i32 to vector<16xi32>
        %add3A_894 = arith.addi %mul3A_197, %add3A_893 : vector<16xi32>
        tpu.vector_store_idx %arg9[%add3A_894], %get3A_891 : memref<1600xf32, #tpu.memory_space<vmem>>[vector<16xi32>], vector<16xf32>,
        %get3A_895 = arith.index_cast %add3A_864 : i32 to index
        %get3A_896 = arith.constant 80 : index
        %get3A_897 = tpu.vector_load %arg6[%get3A_895, %get3A_896] {strides = array<i32>} : memref<256x100xf32, #tpu.memory_space<vmem>>, vector<16xf32>,
        %add3A_898 = arith.constant 1293 : i32
        %add3A_899 = vector.broadcast %add3A_898 : i32 to vector<16xi32>
        %add3A_900 = arith.addi %mul3A_197, %add3A_899 : vector<16xi32>
        tpu.vector_store_idx %arg9[%add3A_900], %get3A_897 : memref<1600xf32, #tpu.memory_space<vmem>>[vector<16xi32>], vector<16xf32>,
        %get3A_901 = arith.index_cast %add3A_864 : i32 to index
        %get3A_902 = arith.constant 84 : index
        %get3A_903 = tpu.vector_load %arg6[%get3A_901, %get3A_902] {strides = array<i32>} : memref<256x100xf32, #tpu.memory_space<vmem>>, vector<16xf32>,
        %add3A_904 = arith.constant 1357 : i32
        %add3A_905 = vector.broadcast %add3A_904 : i32 to vector<16xi32>
        %add3A_906 = arith.addi %mul3A_197, %add3A_905 : vector<16xi32>
        tpu.vector_store_idx %arg9[%add3A_906], %get3A_903 : memref<1600xf32, #tpu.memory_space<vmem>>[vector<16xi32>], vector<16xf32>,
        %mul3A_907 = arith.constant 16 : i32
        %mul3A_908 = arith.muli %mul3A_907, %scan3A_263 : i32
        %add3A_909 = arith.constant 14 : i32
        %add3A_910 = arith.addi %mul3A_908, %add3A_909 : i32
        %get3A_911 = arith.index_cast %add3A_910 : i32 to index
        %get3A_912 = arith.constant 0 : index
        %get3A_913 = tpu.vector_load %arg6[%get3A_911, %get3A_912] {strides = array<i32>} : memref<256x100xf32, #tpu.memory_space<vmem>>, vector<16xf32>,
        %add3A_914 = arith.constant 14 : i32
        %add3A_915 = vector.broadcast %add3A_914 : i32 to vector<16xi32>
        %add3A_916 = arith.addi %mul3A_197, %add3A_915 : vector<16xi32>
        tpu.vector_store_idx %arg9[%add3A_916], %get3A_913 : memref<1600xf32, #tpu.memory_space<vmem>>[vector<16xi32>], vector<16xf32>,
        %get3A_917 = arith.index_cast %add3A_910 : i32 to index
        %get3A_918 = arith.constant 16 : index
        %get3A_919 = tpu.vector_load %arg6[%get3A_917, %get3A_918] {strides = array<i32>} : memref<256x100xf32, #tpu.memory_space<vmem>>, vector<16xf32>,
        %add3A_920 = arith.constant 270 : i32
        %add3A_921 = vector.broadcast %add3A_920 : i32 to vector<16xi32>
        %add3A_922 = arith.addi %mul3A_197, %add3A_921 : vector<16xi32>
        tpu.vector_store_idx %arg9[%add3A_922], %get3A_919 : memref<1600xf32, #tpu.memory_space<vmem>>[vector<16xi32>], vector<16xf32>,
        %get3A_923 = arith.index_cast %add3A_910 : i32 to index
        %get3A_924 = arith.constant 32 : index
        %get3A_925 = tpu.vector_load %arg6[%get3A_923, %get3A_924] {strides = array<i32>} : memref<256x100xf32, #tpu.memory_space<vmem>>, vector<16xf32>,
        %add3A_926 = arith.constant 526 : i32
        %add3A_927 = vector.broadcast %add3A_926 : i32 to vector<16xi32>
        %add3A_928 = arith.addi %mul3A_197, %add3A_927 : vector<16xi32>
        tpu.vector_store_idx %arg9[%add3A_928], %get3A_925 : memref<1600xf32, #tpu.memory_space<vmem>>[vector<16xi32>], vector<16xf32>,
        %get3A_929 = arith.index_cast %add3A_910 : i32 to index
        %get3A_930 = arith.constant 48 : index
        %get3A_931 = tpu.vector_load %arg6[%get3A_929, %get3A_930] {strides = array<i32>} : memref<256x100xf32, #tpu.memory_space<vmem>>, vector<16xf32>,
        %add3A_932 = arith.constant 782 : i32
        %add3A_933 = vector.broadcast %add3A_932 : i32 to vector<16xi32>
        %add3A_934 = arith.addi %mul3A_197, %add3A_933 : vector<16xi32>
        tpu.vector_store_idx %arg9[%add3A_934], %get3A_931 : memref<1600xf32, #tpu.memory_space<vmem>>[vector<16xi32>], vector<16xf32>,
        %get3A_935 = arith.index_cast %add3A_910 : i32 to index
        %get3A_936 = arith.constant 64 : index
        %get3A_937 = tpu.vector_load %arg6[%get3A_935, %get3A_936] {strides = array<i32>} : memref<256x100xf32, #tpu.memory_space<vmem>>, vector<16xf32>,
        %add3A_938 = arith.constant 1038 : i32
        %add3A_939 = vector.broadcast %add3A_938 : i32 to vector<16xi32>
        %add3A_940 = arith.addi %mul3A_197, %add3A_939 : vector<16xi32>
        tpu.vector_store_idx %arg9[%add3A_940], %get3A_937 : memref<1600xf32, #tpu.memory_space<vmem>>[vector<16xi32>], vector<16xf32>,
        %get3A_941 = arith.index_cast %add3A_910 : i32 to index
        %get3A_942 = arith.constant 80 : index
        %get3A_943 = tpu.vector_load %arg6[%get3A_941, %get3A_942] {strides = array<i32>} : memref<256x100xf32, #tpu.memory_space<vmem>>, vector<16xf32>,
        %add3A_944 = arith.constant 1294 : i32
        %add3A_945 = vector.broadcast %add3A_944 : i32 to vector<16xi32>
        %add3A_946 = arith.addi %mul3A_197, %add3A_945 : vector<16xi32>
        tpu.vector_store_idx %arg9[%add3A_946], %get3A_943 : memref<1600xf32, #tpu.memory_space<vmem>>[vector<16xi32>], vector<16xf32>,
        %get3A_947 = arith.index_cast %add3A_910 : i32 to index
        %get3A_948 = arith.constant 84 : index
        %get3A_949 = tpu.vector_load %arg6[%get3A_947, %get3A_948] {strides = array<i32>} : memref<256x100xf32, #tpu.memory_space<vmem>>, vector<16xf32>,
        %add3A_950 = arith.constant 1358 : i32
        %add3A_951 = vector.broadcast %add3A_950 : i32 to vector<16xi32>
        %add3A_952 = arith.addi %mul3A_197, %add3A_951 : vector<16xi32>
        tpu.vector_store_idx %arg9[%add3A_952], %get3A_949 : memref<1600xf32, #tpu.memory_space<vmem>>[vector<16xi32>], vector<16xf32>,
        %mul3A_953 = arith.constant 16 : i32
        %mul3A_954 = arith.muli %mul3A_953, %scan3A_263 : i32
        %add3A_955 = arith.constant 15 : i32
        %add3A_956 = arith.addi %mul3A_954, %add3A_955 : i32
        %get3A_957 = arith.index_cast %add3A_956 : i32 to index
        %get3A_958 = arith.constant 0 : index
        %get3A_959 = tpu.vector_load %arg6[%get3A_957, %get3A_958] {strides = array<i32>} : memref<256x100xf32, #tpu.memory_space<vmem>>, vector<16xf32>,
        %add3A_960 = arith.constant 15 : i32
        %add3A_961 = vector.broadcast %add3A_960 : i32 to vector<16xi32>
        %add3A_962 = arith.addi %mul3A_197, %add3A_961 : vector<16xi32>
        tpu.vector_store_idx %arg9[%add3A_962], %get3A_959 : memref<1600xf32, #tpu.memory_space<vmem>>[vector<16xi32>], vector<16xf32>,
        %get3A_963 = arith.index_cast %add3A_956 : i32 to index
        %get3A_964 = arith.constant 16 : index
        %get3A_965 = tpu.vector_load %arg6[%get3A_963, %get3A_964] {strides = array<i32>} : memref<256x100xf32, #tpu.memory_space<vmem>>, vector<16xf32>,
        %add3A_966 = arith.constant 271 : i32
        %add3A_967 = vector.broadcast %add3A_966 : i32 to vector<16xi32>
        %add3A_968 = arith.addi %mul3A_197, %add3A_967 : vector<16xi32>
        tpu.vector_store_idx %arg9[%add3A_968], %get3A_965 : memref<1600xf32, #tpu.memory_space<vmem>>[vector<16xi32>], vector<16xf32>,
        %get3A_969 = arith.index_cast %add3A_956 : i32 to index
        %get3A_970 = arith.constant 32 : index
        %get3A_971 = tpu.vector_load %arg6[%get3A_969, %get3A_970] {strides = array<i32>} : memref<256x100xf32, #tpu.memory_space<vmem>>, vector<16xf32>,
        %add3A_972 = arith.constant 527 : i32
        %add3A_973 = vector.broadcast %add3A_972 : i32 to vector<16xi32>
        %add3A_974 = arith.addi %mul3A_197, %add3A_973 : vector<16xi32>
        tpu.vector_store_idx %arg9[%add3A_974], %get3A_971 : memref<1600xf32, #tpu.memory_space<vmem>>[vector<16xi32>], vector<16xf32>,
        %get3A_975 = arith.index_cast %add3A_956 : i32 to index
        %get3A_976 = arith.constant 48 : index
        %get3A_977 = tpu.vector_load %arg6[%get3A_975, %get3A_976] {strides = array<i32>} : memref<256x100xf32, #tpu.memory_space<vmem>>, vector<16xf32>,
        %add3A_978 = arith.constant 783 : i32
        %add3A_979 = vector.broadcast %add3A_978 : i32 to vector<16xi32>
        %add3A_980 = arith.addi %mul3A_197, %add3A_979 : vector<16xi32>
        tpu.vector_store_idx %arg9[%add3A_980], %get3A_977 : memref<1600xf32, #tpu.memory_space<vmem>>[vector<16xi32>], vector<16xf32>,
        %get3A_981 = arith.index_cast %add3A_956 : i32 to index
        %get3A_982 = arith.constant 64 : index
        %get3A_983 = tpu.vector_load %arg6[%get3A_981, %get3A_982] {strides = array<i32>} : memref<256x100xf32, #tpu.memory_space<vmem>>, vector<16xf32>,
        %add3A_984 = arith.constant 1039 : i32
        %add3A_985 = vector.broadcast %add3A_984 : i32 to vector<16xi32>
        %add3A_986 = arith.addi %mul3A_197, %add3A_985 : vector<16xi32>
        tpu.vector_store_idx %arg9[%add3A_986], %get3A_983 : memref<1600xf32, #tpu.memory_space<vmem>>[vector<16xi32>], vector<16xf32>,
        %get3A_987 = arith.index_cast %add3A_956 : i32 to index
        %get3A_988 = arith.constant 80 : index
        %get3A_989 = tpu.vector_load %arg6[%get3A_987, %get3A_988] {strides = array<i32>} : memref<256x100xf32, #tpu.memory_space<vmem>>, vector<16xf32>,
        %add3A_990 = arith.constant 1295 : i32
        %add3A_991 = vector.broadcast %add3A_990 : i32 to vector<16xi32>
        %add3A_992 = arith.addi %mul3A_197, %add3A_991 : vector<16xi32>
        tpu.vector_store_idx %arg9[%add3A_992], %get3A_989 : memref<1600xf32, #tpu.memory_space<vmem>>[vector<16xi32>], vector<16xf32>,
        %get3A_993 = arith.index_cast %add3A_956 : i32 to index
        %get3A_994 = arith.constant 84 : index
        %get3A_995 = tpu.vector_load %arg6[%get3A_993, %get3A_994] {strides = array<i32>} : memref<256x100xf32, #tpu.memory_space<vmem>>, vector<16xf32>,
        %add3A_996 = arith.constant 1359 : i32
        %add3A_997 = vector.broadcast %add3A_996 : i32 to vector<16xi32>
        %add3A_998 = arith.addi %mul3A_197, %add3A_997 : vector<16xi32>
        tpu.vector_store_idx %arg9[%add3A_998], %get3A_995 : memref<1600xf32, #tpu.memory_space<vmem>>[vector<16xi32>], vector<16xf32>,
        %get3A_999 = arith.constant 0 : index
        %get3A_1000 = tpu.vector_load %arg9[%get3A_999] {strides = array<i32>} : memref<1600xf32, #tpu.memory_space<vmem>>, vector<16xf32>,
        %broadcast_in_dim3A_1001 = arith.constant 0 : i32
        %broadcast_in_dim3A_1002 = vector.broadcast %broadcast_in_dim3A_1001 : i32 to vector<16xi32>
        %get3A_1003 = arith.constant 16 : index
        %get3A_1004 = tpu.vector_load %arg9[%get3A_1003] {strides = array<i32>} : memref<1600xf32, #tpu.memory_space<vmem>>, vector<16xf32>,
        %gt3A = arith.cmpf ogt, %get3A_1004, %get3A_1000 : vector<16xf32>
        %jit3A = arith.constant 1 : i32
        %broadcast_in_dim3A_1005 = vector.broadcast %jit3A : i32 to vector<16xi32>
        %select_n3A = arith.select %gt3A, %broadcast_in_dim3A_1005, %broadcast_in_dim3A_1002 : vector<16xi1>, vector<16xi32>
        %max3A = arith.maximumf %get3A_1000, %get3A_1004 : vector<16xf32>
        %get3A_1006 = arith.constant 32 : index
        %get3A_1007 = tpu.vector_load %arg9[%get3A_1006] {strides = array<i32>} : memref<1600xf32, #tpu.memory_space<vmem>>, vector<16xf32>,
        %gt3A_1008 = arith.cmpf ogt, %get3A_1007, %max3A : vector<16xf32>
        %jit3A_1009 = arith.constant 2 : i32
        %broadcast_in_dim3A_1010 = vector.broadcast %jit3A_1009 : i32 to vector<16xi32>
        %select_n3A_1011 = arith.select %gt3A_1008, %broadcast_in_dim3A_1010, %select_n3A : vector<16xi1>, vector<16xi32>
        %max3A_1012 = arith.maximumf %max3A, %get3A_1007 : vector<16xf32>
        %get3A_1013 = arith.constant 48 : index
        %get3A_1014 = tpu.vector_load %arg9[%get3A_1013] {strides = array<i32>} : memref<1600xf32, #tpu.memory_space<vmem>>, vector<16xf32>,
        %gt3A_1015 = arith.cmpf ogt, %get3A_1014, %max3A_1012 : vector<16xf32>
        %jit3A_1016 = arith.constant 3 : i32
        %broadcast_in_dim3A_1017 = vector.broadcast %jit3A_1016 : i32 to vector<16xi32>
        %select_n3A_1018 = arith.select %gt3A_1015, %broadcast_in_dim3A_1017, %select_n3A_1011 : vector<16xi1>, vector<16xi32>
        %max3A_1019 = arith.maximumf %max3A_1012, %get3A_1014 : vector<16xf32>
        %get3A_1020 = arith.constant 64 : index
        %get3A_1021 = tpu.vector_load %arg9[%get3A_1020] {strides = array<i32>} : memref<1600xf32, #tpu.memory_space<vmem>>, vector<16xf32>,
        %gt3A_1022 = arith.cmpf ogt, %get3A_1021, %max3A_1019 : vector<16xf32>
        %jit3A_1023 = arith.constant 4 : i32
        %broadcast_in_dim3A_1024 = vector.broadcast %jit3A_1023 : i32 to vector<16xi32>
        %select_n3A_1025 = arith.select %gt3A_1022, %broadcast_in_dim3A_1024, %select_n3A_1018 : vector<16xi1>, vector<16xi32>
        %max3A_1026 = arith.maximumf %max3A_1019, %get3A_1021 : vector<16xf32>
        %get3A_1027 = arith.constant 80 : index
        %get3A_1028 = tpu.vector_load %arg9[%get3A_1027] {strides = array<i32>} : memref<1600xf32, #tpu.memory_space<vmem>>, vector<16xf32>,
        %gt3A_1029 = arith.cmpf ogt, %get3A_1028, %max3A_1026 : vector<16xf32>
        %jit3A_1030 = arith.constant 5 : i32
        %broadcast_in_dim3A_1031 = vector.broadcast %jit3A_1030 : i32 to vector<16xi32>
        %select_n3A_1032 = arith.select %gt3A_1029, %broadcast_in_dim3A_1031, %select_n3A_1025 : vector<16xi1>, vector<16xi32>
        %max3A_1033 = arith.maximumf %max3A_1026, %get3A_1028 : vector<16xf32>
        %get3A_1034 = arith.constant 96 : index
        %get3A_1035 = tpu.vector_load %arg9[%get3A_1034] {strides = array<i32>} : memref<1600xf32, #tpu.memory_space<vmem>>, vector<16xf32>,
        %gt3A_1036 = arith.cmpf ogt, %get3A_1035, %max3A_1033 : vector<16xf32>
        %jit3A_1037 = arith.constant 6 : i32
        %broadcast_in_dim3A_1038 = vector.broadcast %jit3A_1037 : i32 to vector<16xi32>
        %select_n3A_1039 = arith.select %gt3A_1036, %broadcast_in_dim3A_1038, %select_n3A_1032 : vector<16xi1>, vector<16xi32>
        %max3A_1040 = arith.maximumf %max3A_1033, %get3A_1035 : vector<16xf32>
        %get3A_1041 = arith.constant 112 : index
        %get3A_1042 = tpu.vector_load %arg9[%get3A_1041] {strides = array<i32>} : memref<1600xf32, #tpu.memory_space<vmem>>, vector<16xf32>,
        %gt3A_1043 = arith.cmpf ogt, %get3A_1042, %max3A_1040 : vector<16xf32>
        %jit3A_1044 = arith.constant 7 : i32
        %broadcast_in_dim3A_1045 = vector.broadcast %jit3A_1044 : i32 to vector<16xi32>
        %select_n3A_1046 = arith.select %gt3A_1043, %broadcast_in_dim3A_1045, %select_n3A_1039 : vector<16xi1>, vector<16xi32>
        %max3A_1047 = arith.maximumf %max3A_1040, %get3A_1042 : vector<16xf32>
        %get3A_1048 = arith.constant 128 : index
        %get3A_1049 = tpu.vector_load %arg9[%get3A_1048] {strides = array<i32>} : memref<1600xf32, #tpu.memory_space<vmem>>, vector<16xf32>,
        %gt3A_1050 = arith.cmpf ogt, %get3A_1049, %max3A_1047 : vector<16xf32>
        %jit3A_1051 = arith.constant 8 : i32
        %broadcast_in_dim3A_1052 = vector.broadcast %jit3A_1051 : i32 to vector<16xi32>
        %select_n3A_1053 = arith.select %gt3A_1050, %broadcast_in_dim3A_1052, %select_n3A_1046 : vector<16xi1>, vector<16xi32>
        %max3A_1054 = arith.maximumf %max3A_1047, %get3A_1049 : vector<16xf32>
        %get3A_1055 = arith.constant 144 : index
        %get3A_1056 = tpu.vector_load %arg9[%get3A_1055] {strides = array<i32>} : memref<1600xf32, #tpu.memory_space<vmem>>, vector<16xf32>,
        %gt3A_1057 = arith.cmpf ogt, %get3A_1056, %max3A_1054 : vector<16xf32>
        %jit3A_1058 = arith.constant 9 : i32
        %broadcast_in_dim3A_1059 = vector.broadcast %jit3A_1058 : i32 to vector<16xi32>
        %select_n3A_1060 = arith.select %gt3A_1057, %broadcast_in_dim3A_1059, %select_n3A_1053 : vector<16xi1>, vector<16xi32>
        %max3A_1061 = arith.maximumf %max3A_1054, %get3A_1056 : vector<16xf32>
        %get3A_1062 = arith.constant 160 : index
        %get3A_1063 = tpu.vector_load %arg9[%get3A_1062] {strides = array<i32>} : memref<1600xf32, #tpu.memory_space<vmem>>, vector<16xf32>,
        %gt3A_1064 = arith.cmpf ogt, %get3A_1063, %max3A_1061 : vector<16xf32>
        %jit3A_1065 = arith.constant 10 : i32
        %broadcast_in_dim3A_1066 = vector.broadcast %jit3A_1065 : i32 to vector<16xi32>
        %select_n3A_1067 = arith.select %gt3A_1064, %broadcast_in_dim3A_1066, %select_n3A_1060 : vector<16xi1>, vector<16xi32>
        %max3A_1068 = arith.maximumf %max3A_1061, %get3A_1063 : vector<16xf32>
        %get3A_1069 = arith.constant 176 : index
        %get3A_1070 = tpu.vector_load %arg9[%get3A_1069] {strides = array<i32>} : memref<1600xf32, #tpu.memory_space<vmem>>, vector<16xf32>,
        %gt3A_1071 = arith.cmpf ogt, %get3A_1070, %max3A_1068 : vector<16xf32>
        %jit3A_1072 = arith.constant 11 : i32
        %broadcast_in_dim3A_1073 = vector.broadcast %jit3A_1072 : i32 to vector<16xi32>
        %select_n3A_1074 = arith.select %gt3A_1071, %broadcast_in_dim3A_1073, %select_n3A_1067 : vector<16xi1>, vector<16xi32>
        %max3A_1075 = arith.maximumf %max3A_1068, %get3A_1070 : vector<16xf32>
        %get3A_1076 = arith.constant 192 : index
        %get3A_1077 = tpu.vector_load %arg9[%get3A_1076] {strides = array<i32>} : memref<1600xf32, #tpu.memory_space<vmem>>, vector<16xf32>,
        %gt3A_1078 = arith.cmpf ogt, %get3A_1077, %max3A_1075 : vector<16xf32>
        %jit3A_1079 = arith.constant 12 : i32
        %broadcast_in_dim3A_1080 = vector.broadcast %jit3A_1079 : i32 to vector<16xi32>
        %select_n3A_1081 = arith.select %gt3A_1078, %broadcast_in_dim3A_1080, %select_n3A_1074 : vector<16xi1>, vector<16xi32>
        %max3A_1082 = arith.maximumf %max3A_1075, %get3A_1077 : vector<16xf32>
        %get3A_1083 = arith.constant 208 : index
        %get3A_1084 = tpu.vector_load %arg9[%get3A_1083] {strides = array<i32>} : memref<1600xf32, #tpu.memory_space<vmem>>, vector<16xf32>,
        %gt3A_1085 = arith.cmpf ogt, %get3A_1084, %max3A_1082 : vector<16xf32>
        %jit3A_1086 = arith.constant 13 : i32
        %broadcast_in_dim3A_1087 = vector.broadcast %jit3A_1086 : i32 to vector<16xi32>
        %select_n3A_1088 = arith.select %gt3A_1085, %broadcast_in_dim3A_1087, %select_n3A_1081 : vector<16xi1>, vector<16xi32>
        %max3A_1089 = arith.maximumf %max3A_1082, %get3A_1084 : vector<16xf32>
        %get3A_1090 = arith.constant 224 : index
        %get3A_1091 = tpu.vector_load %arg9[%get3A_1090] {strides = array<i32>} : memref<1600xf32, #tpu.memory_space<vmem>>, vector<16xf32>,
        %gt3A_1092 = arith.cmpf ogt, %get3A_1091, %max3A_1089 : vector<16xf32>
        %jit3A_1093 = arith.constant 14 : i32
        %broadcast_in_dim3A_1094 = vector.broadcast %jit3A_1093 : i32 to vector<16xi32>
        %select_n3A_1095 = arith.select %gt3A_1092, %broadcast_in_dim3A_1094, %select_n3A_1088 : vector<16xi1>, vector<16xi32>
        %max3A_1096 = arith.maximumf %max3A_1089, %get3A_1091 : vector<16xf32>
        %get3A_1097 = arith.constant 240 : index
        %get3A_1098 = tpu.vector_load %arg9[%get3A_1097] {strides = array<i32>} : memref<1600xf32, #tpu.memory_space<vmem>>, vector<16xf32>,
        %gt3A_1099 = arith.cmpf ogt, %get3A_1098, %max3A_1096 : vector<16xf32>
        %jit3A_1100 = arith.constant 15 : i32
        %broadcast_in_dim3A_1101 = vector.broadcast %jit3A_1100 : i32 to vector<16xi32>
        %select_n3A_1102 = arith.select %gt3A_1099, %broadcast_in_dim3A_1101, %select_n3A_1095 : vector<16xi1>, vector<16xi32>
        %max3A_1103 = arith.maximumf %max3A_1096, %get3A_1098 : vector<16xf32>
        %get3A_1104 = arith.constant 256 : index
        %get3A_1105 = tpu.vector_load %arg9[%get3A_1104] {strides = array<i32>} : memref<1600xf32, #tpu.memory_space<vmem>>, vector<16xf32>,
        %gt3A_1106 = arith.cmpf ogt, %get3A_1105, %max3A_1103 : vector<16xf32>
        %jit3A_1107 = arith.constant 16 : i32
        %broadcast_in_dim3A_1108 = vector.broadcast %jit3A_1107 : i32 to vector<16xi32>
        %select_n3A_1109 = arith.select %gt3A_1106, %broadcast_in_dim3A_1108, %select_n3A_1102 : vector<16xi1>, vector<16xi32>
        %max3A_1110 = arith.maximumf %max3A_1103, %get3A_1105 : vector<16xf32>
        %get3A_1111 = arith.constant 272 : index
        %get3A_1112 = tpu.vector_load %arg9[%get3A_1111] {strides = array<i32>} : memref<1600xf32, #tpu.memory_space<vmem>>, vector<16xf32>,
        %gt3A_1113 = arith.cmpf ogt, %get3A_1112, %max3A_1110 : vector<16xf32>
        %jit3A_1114 = arith.constant 17 : i32
        %broadcast_in_dim3A_1115 = vector.broadcast %jit3A_1114 : i32 to vector<16xi32>
        %select_n3A_1116 = arith.select %gt3A_1113, %broadcast_in_dim3A_1115, %select_n3A_1109 : vector<16xi1>, vector<16xi32>
        %max3A_1117 = arith.maximumf %max3A_1110, %get3A_1112 : vector<16xf32>
        %get3A_1118 = arith.constant 288 : index
        %get3A_1119 = tpu.vector_load %arg9[%get3A_1118] {strides = array<i32>} : memref<1600xf32, #tpu.memory_space<vmem>>, vector<16xf32>,
        %gt3A_1120 = arith.cmpf ogt, %get3A_1119, %max3A_1117 : vector<16xf32>
        %jit3A_1121 = arith.constant 18 : i32
        %broadcast_in_dim3A_1122 = vector.broadcast %jit3A_1121 : i32 to vector<16xi32>
        %select_n3A_1123 = arith.select %gt3A_1120, %broadcast_in_dim3A_1122, %select_n3A_1116 : vector<16xi1>, vector<16xi32>
        %max3A_1124 = arith.maximumf %max3A_1117, %get3A_1119 : vector<16xf32>
        %get3A_1125 = arith.constant 304 : index
        %get3A_1126 = tpu.vector_load %arg9[%get3A_1125] {strides = array<i32>} : memref<1600xf32, #tpu.memory_space<vmem>>, vector<16xf32>,
        %gt3A_1127 = arith.cmpf ogt, %get3A_1126, %max3A_1124 : vector<16xf32>
        %jit3A_1128 = arith.constant 19 : i32
        %broadcast_in_dim3A_1129 = vector.broadcast %jit3A_1128 : i32 to vector<16xi32>
        %select_n3A_1130 = arith.select %gt3A_1127, %broadcast_in_dim3A_1129, %select_n3A_1123 : vector<16xi1>, vector<16xi32>
        %max3A_1131 = arith.maximumf %max3A_1124, %get3A_1126 : vector<16xf32>
        %get3A_1132 = arith.constant 320 : index
        %get3A_1133 = tpu.vector_load %arg9[%get3A_1132] {strides = array<i32>} : memref<1600xf32, #tpu.memory_space<vmem>>, vector<16xf32>,
        %gt3A_1134 = arith.cmpf ogt, %get3A_1133, %max3A_1131 : vector<16xf32>
        %jit3A_1135 = arith.constant 20 : i32
        %broadcast_in_dim3A_1136 = vector.broadcast %jit3A_1135 : i32 to vector<16xi32>
        %select_n3A_1137 = arith.select %gt3A_1134, %broadcast_in_dim3A_1136, %select_n3A_1130 : vector<16xi1>, vector<16xi32>
        %max3A_1138 = arith.maximumf %max3A_1131, %get3A_1133 : vector<16xf32>
        %get3A_1139 = arith.constant 336 : index
        %get3A_1140 = tpu.vector_load %arg9[%get3A_1139] {strides = array<i32>} : memref<1600xf32, #tpu.memory_space<vmem>>, vector<16xf32>,
        %gt3A_1141 = arith.cmpf ogt, %get3A_1140, %max3A_1138 : vector<16xf32>
        %jit3A_1142 = arith.constant 21 : i32
        %broadcast_in_dim3A_1143 = vector.broadcast %jit3A_1142 : i32 to vector<16xi32>
        %select_n3A_1144 = arith.select %gt3A_1141, %broadcast_in_dim3A_1143, %select_n3A_1137 : vector<16xi1>, vector<16xi32>
        %max3A_1145 = arith.maximumf %max3A_1138, %get3A_1140 : vector<16xf32>
        %get3A_1146 = arith.constant 352 : index
        %get3A_1147 = tpu.vector_load %arg9[%get3A_1146] {strides = array<i32>} : memref<1600xf32, #tpu.memory_space<vmem>>, vector<16xf32>,
        %gt3A_1148 = arith.cmpf ogt, %get3A_1147, %max3A_1145 : vector<16xf32>
        %jit3A_1149 = arith.constant 22 : i32
        %broadcast_in_dim3A_1150 = vector.broadcast %jit3A_1149 : i32 to vector<16xi32>
        %select_n3A_1151 = arith.select %gt3A_1148, %broadcast_in_dim3A_1150, %select_n3A_1144 : vector<16xi1>, vector<16xi32>
        %max3A_1152 = arith.maximumf %max3A_1145, %get3A_1147 : vector<16xf32>
        %get3A_1153 = arith.constant 368 : index
        %get3A_1154 = tpu.vector_load %arg9[%get3A_1153] {strides = array<i32>} : memref<1600xf32, #tpu.memory_space<vmem>>, vector<16xf32>,
        %gt3A_1155 = arith.cmpf ogt, %get3A_1154, %max3A_1152 : vector<16xf32>
        %jit3A_1156 = arith.constant 23 : i32
        %broadcast_in_dim3A_1157 = vector.broadcast %jit3A_1156 : i32 to vector<16xi32>
        %select_n3A_1158 = arith.select %gt3A_1155, %broadcast_in_dim3A_1157, %select_n3A_1151 : vector<16xi1>, vector<16xi32>
        %max3A_1159 = arith.maximumf %max3A_1152, %get3A_1154 : vector<16xf32>
        %get3A_1160 = arith.constant 384 : index
        %get3A_1161 = tpu.vector_load %arg9[%get3A_1160] {strides = array<i32>} : memref<1600xf32, #tpu.memory_space<vmem>>, vector<16xf32>,
        %gt3A_1162 = arith.cmpf ogt, %get3A_1161, %max3A_1159 : vector<16xf32>
        %jit3A_1163 = arith.constant 24 : i32
        %broadcast_in_dim3A_1164 = vector.broadcast %jit3A_1163 : i32 to vector<16xi32>
        %select_n3A_1165 = arith.select %gt3A_1162, %broadcast_in_dim3A_1164, %select_n3A_1158 : vector<16xi1>, vector<16xi32>
        %max3A_1166 = arith.maximumf %max3A_1159, %get3A_1161 : vector<16xf32>
        %get3A_1167 = arith.constant 400 : index
        %get3A_1168 = tpu.vector_load %arg9[%get3A_1167] {strides = array<i32>} : memref<1600xf32, #tpu.memory_space<vmem>>, vector<16xf32>,
        %gt3A_1169 = arith.cmpf ogt, %get3A_1168, %max3A_1166 : vector<16xf32>
        %jit3A_1170 = arith.constant 25 : i32
        %broadcast_in_dim3A_1171 = vector.broadcast %jit3A_1170 : i32 to vector<16xi32>
        %select_n3A_1172 = arith.select %gt3A_1169, %broadcast_in_dim3A_1171, %select_n3A_1165 : vector<16xi1>, vector<16xi32>
        %max3A_1173 = arith.maximumf %max3A_1166, %get3A_1168 : vector<16xf32>
        %get3A_1174 = arith.constant 416 : index
        %get3A_1175 = tpu.vector_load %arg9[%get3A_1174] {strides = array<i32>} : memref<1600xf32, #tpu.memory_space<vmem>>, vector<16xf32>,
        %gt3A_1176 = arith.cmpf ogt, %get3A_1175, %max3A_1173 : vector<16xf32>
        %jit3A_1177 = arith.constant 26 : i32
        %broadcast_in_dim3A_1178 = vector.broadcast %jit3A_1177 : i32 to vector<16xi32>
        %select_n3A_1179 = arith.select %gt3A_1176, %broadcast_in_dim3A_1178, %select_n3A_1172 : vector<16xi1>, vector<16xi32>
        %max3A_1180 = arith.maximumf %max3A_1173, %get3A_1175 : vector<16xf32>
        %get3A_1181 = arith.constant 432 : index
        %get3A_1182 = tpu.vector_load %arg9[%get3A_1181] {strides = array<i32>} : memref<1600xf32, #tpu.memory_space<vmem>>, vector<16xf32>,
        %gt3A_1183 = arith.cmpf ogt, %get3A_1182, %max3A_1180 : vector<16xf32>
        %jit3A_1184 = arith.constant 27 : i32
        %broadcast_in_dim3A_1185 = vector.broadcast %jit3A_1184 : i32 to vector<16xi32>
        %select_n3A_1186 = arith.select %gt3A_1183, %broadcast_in_dim3A_1185, %select_n3A_1179 : vector<16xi1>, vector<16xi32>
        %max3A_1187 = arith.maximumf %max3A_1180, %get3A_1182 : vector<16xf32>
        %get3A_1188 = arith.constant 448 : index
        %get3A_1189 = tpu.vector_load %arg9[%get3A_1188] {strides = array<i32>} : memref<1600xf32, #tpu.memory_space<vmem>>, vector<16xf32>,
        %gt3A_1190 = arith.cmpf ogt, %get3A_1189, %max3A_1187 : vector<16xf32>
        %jit3A_1191 = arith.constant 28 : i32
        %broadcast_in_dim3A_1192 = vector.broadcast %jit3A_1191 : i32 to vector<16xi32>
        %select_n3A_1193 = arith.select %gt3A_1190, %broadcast_in_dim3A_1192, %select_n3A_1186 : vector<16xi1>, vector<16xi32>
        %max3A_1194 = arith.maximumf %max3A_1187, %get3A_1189 : vector<16xf32>
        %get3A_1195 = arith.constant 464 : index
        %get3A_1196 = tpu.vector_load %arg9[%get3A_1195] {strides = array<i32>} : memref<1600xf32, #tpu.memory_space<vmem>>, vector<16xf32>,
        %gt3A_1197 = arith.cmpf ogt, %get3A_1196, %max3A_1194 : vector<16xf32>
        %jit3A_1198 = arith.constant 29 : i32
        %broadcast_in_dim3A_1199 = vector.broadcast %jit3A_1198 : i32 to vector<16xi32>
        %select_n3A_1200 = arith.select %gt3A_1197, %broadcast_in_dim3A_1199, %select_n3A_1193 : vector<16xi1>, vector<16xi32>
        %max3A_1201 = arith.maximumf %max3A_1194, %get3A_1196 : vector<16xf32>
        %get3A_1202 = arith.constant 480 : index
        %get3A_1203 = tpu.vector_load %arg9[%get3A_1202] {strides = array<i32>} : memref<1600xf32, #tpu.memory_space<vmem>>, vector<16xf32>,
        %gt3A_1204 = arith.cmpf ogt, %get3A_1203, %max3A_1201 : vector<16xf32>
        %jit3A_1205 = arith.constant 30 : i32
        %broadcast_in_dim3A_1206 = vector.broadcast %jit3A_1205 : i32 to vector<16xi32>
        %select_n3A_1207 = arith.select %gt3A_1204, %broadcast_in_dim3A_1206, %select_n3A_1200 : vector<16xi1>, vector<16xi32>
        %max3A_1208 = arith.maximumf %max3A_1201, %get3A_1203 : vector<16xf32>
        %get3A_1209 = arith.constant 496 : index
        %get3A_1210 = tpu.vector_load %arg9[%get3A_1209] {strides = array<i32>} : memref<1600xf32, #tpu.memory_space<vmem>>, vector<16xf32>,
        %gt3A_1211 = arith.cmpf ogt, %get3A_1210, %max3A_1208 : vector<16xf32>
        %jit3A_1212 = arith.constant 31 : i32
        %broadcast_in_dim3A_1213 = vector.broadcast %jit3A_1212 : i32 to vector<16xi32>
        %select_n3A_1214 = arith.select %gt3A_1211, %broadcast_in_dim3A_1213, %select_n3A_1207 : vector<16xi1>, vector<16xi32>
        %max3A_1215 = arith.maximumf %max3A_1208, %get3A_1210 : vector<16xf32>
        %get3A_1216 = arith.constant 512 : index
        %get3A_1217 = tpu.vector_load %arg9[%get3A_1216] {strides = array<i32>} : memref<1600xf32, #tpu.memory_space<vmem>>, vector<16xf32>,
        %gt3A_1218 = arith.cmpf ogt, %get3A_1217, %max3A_1215 : vector<16xf32>
        %jit3A_1219 = arith.constant 32 : i32
        %broadcast_in_dim3A_1220 = vector.broadcast %jit3A_1219 : i32 to vector<16xi32>
        %select_n3A_1221 = arith.select %gt3A_1218, %broadcast_in_dim3A_1220, %select_n3A_1214 : vector<16xi1>, vector<16xi32>
        %max3A_1222 = arith.maximumf %max3A_1215, %get3A_1217 : vector<16xf32>
        %get3A_1223 = arith.constant 528 : index
        %get3A_1224 = tpu.vector_load %arg9[%get3A_1223] {strides = array<i32>} : memref<1600xf32, #tpu.memory_space<vmem>>, vector<16xf32>,
        %gt3A_1225 = arith.cmpf ogt, %get3A_1224, %max3A_1222 : vector<16xf32>
        %jit3A_1226 = arith.constant 33 : i32
        %broadcast_in_dim3A_1227 = vector.broadcast %jit3A_1226 : i32 to vector<16xi32>
        %select_n3A_1228 = arith.select %gt3A_1225, %broadcast_in_dim3A_1227, %select_n3A_1221 : vector<16xi1>, vector<16xi32>
        %max3A_1229 = arith.maximumf %max3A_1222, %get3A_1224 : vector<16xf32>
        %get3A_1230 = arith.constant 544 : index
        %get3A_1231 = tpu.vector_load %arg9[%get3A_1230] {strides = array<i32>} : memref<1600xf32, #tpu.memory_space<vmem>>, vector<16xf32>,
        %gt3A_1232 = arith.cmpf ogt, %get3A_1231, %max3A_1229 : vector<16xf32>
        %jit3A_1233 = arith.constant 34 : i32
        %broadcast_in_dim3A_1234 = vector.broadcast %jit3A_1233 : i32 to vector<16xi32>
        %select_n3A_1235 = arith.select %gt3A_1232, %broadcast_in_dim3A_1234, %select_n3A_1228 : vector<16xi1>, vector<16xi32>
        %max3A_1236 = arith.maximumf %max3A_1229, %get3A_1231 : vector<16xf32>
        %get3A_1237 = arith.constant 560 : index
        %get3A_1238 = tpu.vector_load %arg9[%get3A_1237] {strides = array<i32>} : memref<1600xf32, #tpu.memory_space<vmem>>, vector<16xf32>,
        %gt3A_1239 = arith.cmpf ogt, %get3A_1238, %max3A_1236 : vector<16xf32>
        %jit3A_1240 = arith.constant 35 : i32
        %broadcast_in_dim3A_1241 = vector.broadcast %jit3A_1240 : i32 to vector<16xi32>
        %select_n3A_1242 = arith.select %gt3A_1239, %broadcast_in_dim3A_1241, %select_n3A_1235 : vector<16xi1>, vector<16xi32>
        %max3A_1243 = arith.maximumf %max3A_1236, %get3A_1238 : vector<16xf32>
        %get3A_1244 = arith.constant 576 : index
        %get3A_1245 = tpu.vector_load %arg9[%get3A_1244] {strides = array<i32>} : memref<1600xf32, #tpu.memory_space<vmem>>, vector<16xf32>,
        %gt3A_1246 = arith.cmpf ogt, %get3A_1245, %max3A_1243 : vector<16xf32>
        %jit3A_1247 = arith.constant 36 : i32
        %broadcast_in_dim3A_1248 = vector.broadcast %jit3A_1247 : i32 to vector<16xi32>
        %select_n3A_1249 = arith.select %gt3A_1246, %broadcast_in_dim3A_1248, %select_n3A_1242 : vector<16xi1>, vector<16xi32>
        %max3A_1250 = arith.maximumf %max3A_1243, %get3A_1245 : vector<16xf32>
        %get3A_1251 = arith.constant 592 : index
        %get3A_1252 = tpu.vector_load %arg9[%get3A_1251] {strides = array<i32>} : memref<1600xf32, #tpu.memory_space<vmem>>, vector<16xf32>,
        %gt3A_1253 = arith.cmpf ogt, %get3A_1252, %max3A_1250 : vector<16xf32>
        %jit3A_1254 = arith.constant 37 : i32
        %broadcast_in_dim3A_1255 = vector.broadcast %jit3A_1254 : i32 to vector<16xi32>
        %select_n3A_1256 = arith.select %gt3A_1253, %broadcast_in_dim3A_1255, %select_n3A_1249 : vector<16xi1>, vector<16xi32>
        %max3A_1257 = arith.maximumf %max3A_1250, %get3A_1252 : vector<16xf32>
        %get3A_1258 = arith.constant 608 : index
        %get3A_1259 = tpu.vector_load %arg9[%get3A_1258] {strides = array<i32>} : memref<1600xf32, #tpu.memory_space<vmem>>, vector<16xf32>,
        %gt3A_1260 = arith.cmpf ogt, %get3A_1259, %max3A_1257 : vector<16xf32>
        %jit3A_1261 = arith.constant 38 : i32
        %broadcast_in_dim3A_1262 = vector.broadcast %jit3A_1261 : i32 to vector<16xi32>
        %select_n3A_1263 = arith.select %gt3A_1260, %broadcast_in_dim3A_1262, %select_n3A_1256 : vector<16xi1>, vector<16xi32>
        %max3A_1264 = arith.maximumf %max3A_1257, %get3A_1259 : vector<16xf32>
        %get3A_1265 = arith.constant 624 : index
        %get3A_1266 = tpu.vector_load %arg9[%get3A_1265] {strides = array<i32>} : memref<1600xf32, #tpu.memory_space<vmem>>, vector<16xf32>,
        %gt3A_1267 = arith.cmpf ogt, %get3A_1266, %max3A_1264 : vector<16xf32>
        %jit3A_1268 = arith.constant 39 : i32
        %broadcast_in_dim3A_1269 = vector.broadcast %jit3A_1268 : i32 to vector<16xi32>
        %select_n3A_1270 = arith.select %gt3A_1267, %broadcast_in_dim3A_1269, %select_n3A_1263 : vector<16xi1>, vector<16xi32>
        %max3A_1271 = arith.maximumf %max3A_1264, %get3A_1266 : vector<16xf32>
        %get3A_1272 = arith.constant 640 : index
        %get3A_1273 = tpu.vector_load %arg9[%get3A_1272] {strides = array<i32>} : memref<1600xf32, #tpu.memory_space<vmem>>, vector<16xf32>,
        %gt3A_1274 = arith.cmpf ogt, %get3A_1273, %max3A_1271 : vector<16xf32>
        %jit3A_1275 = arith.constant 40 : i32
        %broadcast_in_dim3A_1276 = vector.broadcast %jit3A_1275 : i32 to vector<16xi32>
        %select_n3A_1277 = arith.select %gt3A_1274, %broadcast_in_dim3A_1276, %select_n3A_1270 : vector<16xi1>, vector<16xi32>
        %max3A_1278 = arith.maximumf %max3A_1271, %get3A_1273 : vector<16xf32>
        %get3A_1279 = arith.constant 656 : index
        %get3A_1280 = tpu.vector_load %arg9[%get3A_1279] {strides = array<i32>} : memref<1600xf32, #tpu.memory_space<vmem>>, vector<16xf32>,
        %gt3A_1281 = arith.cmpf ogt, %get3A_1280, %max3A_1278 : vector<16xf32>
        %jit3A_1282 = arith.constant 41 : i32
        %broadcast_in_dim3A_1283 = vector.broadcast %jit3A_1282 : i32 to vector<16xi32>
        %select_n3A_1284 = arith.select %gt3A_1281, %broadcast_in_dim3A_1283, %select_n3A_1277 : vector<16xi1>, vector<16xi32>
        %max3A_1285 = arith.maximumf %max3A_1278, %get3A_1280 : vector<16xf32>
        %get3A_1286 = arith.constant 672 : index
        %get3A_1287 = tpu.vector_load %arg9[%get3A_1286] {strides = array<i32>} : memref<1600xf32, #tpu.memory_space<vmem>>, vector<16xf32>,
        %gt3A_1288 = arith.cmpf ogt, %get3A_1287, %max3A_1285 : vector<16xf32>
        %jit3A_1289 = arith.constant 42 : i32
        %broadcast_in_dim3A_1290 = vector.broadcast %jit3A_1289 : i32 to vector<16xi32>
        %select_n3A_1291 = arith.select %gt3A_1288, %broadcast_in_dim3A_1290, %select_n3A_1284 : vector<16xi1>, vector<16xi32>
        %max3A_1292 = arith.maximumf %max3A_1285, %get3A_1287 : vector<16xf32>
        %get3A_1293 = arith.constant 688 : index
        %get3A_1294 = tpu.vector_load %arg9[%get3A_1293] {strides = array<i32>} : memref<1600xf32, #tpu.memory_space<vmem>>, vector<16xf32>,
        %gt3A_1295 = arith.cmpf ogt, %get3A_1294, %max3A_1292 : vector<16xf32>
        %jit3A_1296 = arith.constant 43 : i32
        %broadcast_in_dim3A_1297 = vector.broadcast %jit3A_1296 : i32 to vector<16xi32>
        %select_n3A_1298 = arith.select %gt3A_1295, %broadcast_in_dim3A_1297, %select_n3A_1291 : vector<16xi1>, vector<16xi32>
        %max3A_1299 = arith.maximumf %max3A_1292, %get3A_1294 : vector<16xf32>
        %get3A_1300 = arith.constant 704 : index
        %get3A_1301 = tpu.vector_load %arg9[%get3A_1300] {strides = array<i32>} : memref<1600xf32, #tpu.memory_space<vmem>>, vector<16xf32>,
        %gt3A_1302 = arith.cmpf ogt, %get3A_1301, %max3A_1299 : vector<16xf32>
        %jit3A_1303 = arith.constant 44 : i32
        %broadcast_in_dim3A_1304 = vector.broadcast %jit3A_1303 : i32 to vector<16xi32>
        %select_n3A_1305 = arith.select %gt3A_1302, %broadcast_in_dim3A_1304, %select_n3A_1298 : vector<16xi1>, vector<16xi32>
        %max3A_1306 = arith.maximumf %max3A_1299, %get3A_1301 : vector<16xf32>
        %get3A_1307 = arith.constant 720 : index
        %get3A_1308 = tpu.vector_load %arg9[%get3A_1307] {strides = array<i32>} : memref<1600xf32, #tpu.memory_space<vmem>>, vector<16xf32>,
        %gt3A_1309 = arith.cmpf ogt, %get3A_1308, %max3A_1306 : vector<16xf32>
        %jit3A_1310 = arith.constant 45 : i32
        %broadcast_in_dim3A_1311 = vector.broadcast %jit3A_1310 : i32 to vector<16xi32>
        %select_n3A_1312 = arith.select %gt3A_1309, %broadcast_in_dim3A_1311, %select_n3A_1305 : vector<16xi1>, vector<16xi32>
        %max3A_1313 = arith.maximumf %max3A_1306, %get3A_1308 : vector<16xf32>
        %get3A_1314 = arith.constant 736 : index
        %get3A_1315 = tpu.vector_load %arg9[%get3A_1314] {strides = array<i32>} : memref<1600xf32, #tpu.memory_space<vmem>>, vector<16xf32>,
        %gt3A_1316 = arith.cmpf ogt, %get3A_1315, %max3A_1313 : vector<16xf32>
        %jit3A_1317 = arith.constant 46 : i32
        %broadcast_in_dim3A_1318 = vector.broadcast %jit3A_1317 : i32 to vector<16xi32>
        %select_n3A_1319 = arith.select %gt3A_1316, %broadcast_in_dim3A_1318, %select_n3A_1312 : vector<16xi1>, vector<16xi32>
        %max3A_1320 = arith.maximumf %max3A_1313, %get3A_1315 : vector<16xf32>
        %get3A_1321 = arith.constant 752 : index
        %get3A_1322 = tpu.vector_load %arg9[%get3A_1321] {strides = array<i32>} : memref<1600xf32, #tpu.memory_space<vmem>>, vector<16xf32>,
        %gt3A_1323 = arith.cmpf ogt, %get3A_1322, %max3A_1320 : vector<16xf32>
        %jit3A_1324 = arith.constant 47 : i32
        %broadcast_in_dim3A_1325 = vector.broadcast %jit3A_1324 : i32 to vector<16xi32>
        %select_n3A_1326 = arith.select %gt3A_1323, %broadcast_in_dim3A_1325, %select_n3A_1319 : vector<16xi1>, vector<16xi32>
        %max3A_1327 = arith.maximumf %max3A_1320, %get3A_1322 : vector<16xf32>
        %get3A_1328 = arith.constant 768 : index
        %get3A_1329 = tpu.vector_load %arg9[%get3A_1328] {strides = array<i32>} : memref<1600xf32, #tpu.memory_space<vmem>>, vector<16xf32>,
        %gt3A_1330 = arith.cmpf ogt, %get3A_1329, %max3A_1327 : vector<16xf32>
        %jit3A_1331 = arith.constant 48 : i32
        %broadcast_in_dim3A_1332 = vector.broadcast %jit3A_1331 : i32 to vector<16xi32>
        %select_n3A_1333 = arith.select %gt3A_1330, %broadcast_in_dim3A_1332, %select_n3A_1326 : vector<16xi1>, vector<16xi32>
        %max3A_1334 = arith.maximumf %max3A_1327, %get3A_1329 : vector<16xf32>
        %get3A_1335 = arith.constant 784 : index
        %get3A_1336 = tpu.vector_load %arg9[%get3A_1335] {strides = array<i32>} : memref<1600xf32, #tpu.memory_space<vmem>>, vector<16xf32>,
        %gt3A_1337 = arith.cmpf ogt, %get3A_1336, %max3A_1334 : vector<16xf32>
        %jit3A_1338 = arith.constant 49 : i32
        %broadcast_in_dim3A_1339 = vector.broadcast %jit3A_1338 : i32 to vector<16xi32>
        %select_n3A_1340 = arith.select %gt3A_1337, %broadcast_in_dim3A_1339, %select_n3A_1333 : vector<16xi1>, vector<16xi32>
        %max3A_1341 = arith.maximumf %max3A_1334, %get3A_1336 : vector<16xf32>
        %get3A_1342 = arith.constant 800 : index
        %get3A_1343 = tpu.vector_load %arg9[%get3A_1342] {strides = array<i32>} : memref<1600xf32, #tpu.memory_space<vmem>>, vector<16xf32>,
        %gt3A_1344 = arith.cmpf ogt, %get3A_1343, %max3A_1341 : vector<16xf32>
        %jit3A_1345 = arith.constant 50 : i32
        %broadcast_in_dim3A_1346 = vector.broadcast %jit3A_1345 : i32 to vector<16xi32>
        %select_n3A_1347 = arith.select %gt3A_1344, %broadcast_in_dim3A_1346, %select_n3A_1340 : vector<16xi1>, vector<16xi32>
        %max3A_1348 = arith.maximumf %max3A_1341, %get3A_1343 : vector<16xf32>
        %get3A_1349 = arith.constant 816 : index
        %get3A_1350 = tpu.vector_load %arg9[%get3A_1349] {strides = array<i32>} : memref<1600xf32, #tpu.memory_space<vmem>>, vector<16xf32>,
        %gt3A_1351 = arith.cmpf ogt, %get3A_1350, %max3A_1348 : vector<16xf32>
        %jit3A_1352 = arith.constant 51 : i32
        %broadcast_in_dim3A_1353 = vector.broadcast %jit3A_1352 : i32 to vector<16xi32>
        %select_n3A_1354 = arith.select %gt3A_1351, %broadcast_in_dim3A_1353, %select_n3A_1347 : vector<16xi1>, vector<16xi32>
        %max3A_1355 = arith.maximumf %max3A_1348, %get3A_1350 : vector<16xf32>
        %get3A_1356 = arith.constant 832 : index
        %get3A_1357 = tpu.vector_load %arg9[%get3A_1356] {strides = array<i32>} : memref<1600xf32, #tpu.memory_space<vmem>>, vector<16xf32>,
        %gt3A_1358 = arith.cmpf ogt, %get3A_1357, %max3A_1355 : vector<16xf32>
        %jit3A_1359 = arith.constant 52 : i32
        %broadcast_in_dim3A_1360 = vector.broadcast %jit3A_1359 : i32 to vector<16xi32>
        %select_n3A_1361 = arith.select %gt3A_1358, %broadcast_in_dim3A_1360, %select_n3A_1354 : vector<16xi1>, vector<16xi32>
        %max3A_1362 = arith.maximumf %max3A_1355, %get3A_1357 : vector<16xf32>
        %get3A_1363 = arith.constant 848 : index
        %get3A_1364 = tpu.vector_load %arg9[%get3A_1363] {strides = array<i32>} : memref<1600xf32, #tpu.memory_space<vmem>>, vector<16xf32>,
        %gt3A_1365 = arith.cmpf ogt, %get3A_1364, %max3A_1362 : vector<16xf32>
        %jit3A_1366 = arith.constant 53 : i32
        %broadcast_in_dim3A_1367 = vector.broadcast %jit3A_1366 : i32 to vector<16xi32>
        %select_n3A_1368 = arith.select %gt3A_1365, %broadcast_in_dim3A_1367, %select_n3A_1361 : vector<16xi1>, vector<16xi32>
        %max3A_1369 = arith.maximumf %max3A_1362, %get3A_1364 : vector<16xf32>
        %get3A_1370 = arith.constant 864 : index
        %get3A_1371 = tpu.vector_load %arg9[%get3A_1370] {strides = array<i32>} : memref<1600xf32, #tpu.memory_space<vmem>>, vector<16xf32>,
        %gt3A_1372 = arith.cmpf ogt, %get3A_1371, %max3A_1369 : vector<16xf32>
        %jit3A_1373 = arith.constant 54 : i32
        %broadcast_in_dim3A_1374 = vector.broadcast %jit3A_1373 : i32 to vector<16xi32>
        %select_n3A_1375 = arith.select %gt3A_1372, %broadcast_in_dim3A_1374, %select_n3A_1368 : vector<16xi1>, vector<16xi32>
        %max3A_1376 = arith.maximumf %max3A_1369, %get3A_1371 : vector<16xf32>
        %get3A_1377 = arith.constant 880 : index
        %get3A_1378 = tpu.vector_load %arg9[%get3A_1377] {strides = array<i32>} : memref<1600xf32, #tpu.memory_space<vmem>>, vector<16xf32>,
        %gt3A_1379 = arith.cmpf ogt, %get3A_1378, %max3A_1376 : vector<16xf32>
        %jit3A_1380 = arith.constant 55 : i32
        %broadcast_in_dim3A_1381 = vector.broadcast %jit3A_1380 : i32 to vector<16xi32>
        %select_n3A_1382 = arith.select %gt3A_1379, %broadcast_in_dim3A_1381, %select_n3A_1375 : vector<16xi1>, vector<16xi32>
        %max3A_1383 = arith.maximumf %max3A_1376, %get3A_1378 : vector<16xf32>
        %get3A_1384 = arith.constant 896 : index
        %get3A_1385 = tpu.vector_load %arg9[%get3A_1384] {strides = array<i32>} : memref<1600xf32, #tpu.memory_space<vmem>>, vector<16xf32>,
        %gt3A_1386 = arith.cmpf ogt, %get3A_1385, %max3A_1383 : vector<16xf32>
        %jit3A_1387 = arith.constant 56 : i32
        %broadcast_in_dim3A_1388 = vector.broadcast %jit3A_1387 : i32 to vector<16xi32>
        %select_n3A_1389 = arith.select %gt3A_1386, %broadcast_in_dim3A_1388, %select_n3A_1382 : vector<16xi1>, vector<16xi32>
        %max3A_1390 = arith.maximumf %max3A_1383, %get3A_1385 : vector<16xf32>
        %get3A_1391 = arith.constant 912 : index
        %get3A_1392 = tpu.vector_load %arg9[%get3A_1391] {strides = array<i32>} : memref<1600xf32, #tpu.memory_space<vmem>>, vector<16xf32>,
        %gt3A_1393 = arith.cmpf ogt, %get3A_1392, %max3A_1390 : vector<16xf32>
        %jit3A_1394 = arith.constant 57 : i32
        %broadcast_in_dim3A_1395 = vector.broadcast %jit3A_1394 : i32 to vector<16xi32>
        %select_n3A_1396 = arith.select %gt3A_1393, %broadcast_in_dim3A_1395, %select_n3A_1389 : vector<16xi1>, vector<16xi32>
        %max3A_1397 = arith.maximumf %max3A_1390, %get3A_1392 : vector<16xf32>
        %get3A_1398 = arith.constant 928 : index
        %get3A_1399 = tpu.vector_load %arg9[%get3A_1398] {strides = array<i32>} : memref<1600xf32, #tpu.memory_space<vmem>>, vector<16xf32>,
        %gt3A_1400 = arith.cmpf ogt, %get3A_1399, %max3A_1397 : vector<16xf32>
        %jit3A_1401 = arith.constant 58 : i32
        %broadcast_in_dim3A_1402 = vector.broadcast %jit3A_1401 : i32 to vector<16xi32>
        %select_n3A_1403 = arith.select %gt3A_1400, %broadcast_in_dim3A_1402, %select_n3A_1396 : vector<16xi1>, vector<16xi32>
        %max3A_1404 = arith.maximumf %max3A_1397, %get3A_1399 : vector<16xf32>
        %get3A_1405 = arith.constant 944 : index
        %get3A_1406 = tpu.vector_load %arg9[%get3A_1405] {strides = array<i32>} : memref<1600xf32, #tpu.memory_space<vmem>>, vector<16xf32>,
        %gt3A_1407 = arith.cmpf ogt, %get3A_1406, %max3A_1404 : vector<16xf32>
        %jit3A_1408 = arith.constant 59 : i32
        %broadcast_in_dim3A_1409 = vector.broadcast %jit3A_1408 : i32 to vector<16xi32>
        %select_n3A_1410 = arith.select %gt3A_1407, %broadcast_in_dim3A_1409, %select_n3A_1403 : vector<16xi1>, vector<16xi32>
        %max3A_1411 = arith.maximumf %max3A_1404, %get3A_1406 : vector<16xf32>
        %get3A_1412 = arith.constant 960 : index
        %get3A_1413 = tpu.vector_load %arg9[%get3A_1412] {strides = array<i32>} : memref<1600xf32, #tpu.memory_space<vmem>>, vector<16xf32>,
        %gt3A_1414 = arith.cmpf ogt, %get3A_1413, %max3A_1411 : vector<16xf32>
        %jit3A_1415 = arith.constant 60 : i32
        %broadcast_in_dim3A_1416 = vector.broadcast %jit3A_1415 : i32 to vector<16xi32>
        %select_n3A_1417 = arith.select %gt3A_1414, %broadcast_in_dim3A_1416, %select_n3A_1410 : vector<16xi1>, vector<16xi32>
        %max3A_1418 = arith.maximumf %max3A_1411, %get3A_1413 : vector<16xf32>
        %get3A_1419 = arith.constant 976 : index
        %get3A_1420 = tpu.vector_load %arg9[%get3A_1419] {strides = array<i32>} : memref<1600xf32, #tpu.memory_space<vmem>>, vector<16xf32>,
        %gt3A_1421 = arith.cmpf ogt, %get3A_1420, %max3A_1418 : vector<16xf32>
        %jit3A_1422 = arith.constant 61 : i32
        %broadcast_in_dim3A_1423 = vector.broadcast %jit3A_1422 : i32 to vector<16xi32>
        %select_n3A_1424 = arith.select %gt3A_1421, %broadcast_in_dim3A_1423, %select_n3A_1417 : vector<16xi1>, vector<16xi32>
        %max3A_1425 = arith.maximumf %max3A_1418, %get3A_1420 : vector<16xf32>
        %get3A_1426 = arith.constant 992 : index
        %get3A_1427 = tpu.vector_load %arg9[%get3A_1426] {strides = array<i32>} : memref<1600xf32, #tpu.memory_space<vmem>>, vector<16xf32>,
        %gt3A_1428 = arith.cmpf ogt, %get3A_1427, %max3A_1425 : vector<16xf32>
        %jit3A_1429 = arith.constant 62 : i32
        %broadcast_in_dim3A_1430 = vector.broadcast %jit3A_1429 : i32 to vector<16xi32>
        %select_n3A_1431 = arith.select %gt3A_1428, %broadcast_in_dim3A_1430, %select_n3A_1424 : vector<16xi1>, vector<16xi32>
        %max3A_1432 = arith.maximumf %max3A_1425, %get3A_1427 : vector<16xf32>
        %get3A_1433 = arith.constant 1008 : index
        %get3A_1434 = tpu.vector_load %arg9[%get3A_1433] {strides = array<i32>} : memref<1600xf32, #tpu.memory_space<vmem>>, vector<16xf32>,
        %gt3A_1435 = arith.cmpf ogt, %get3A_1434, %max3A_1432 : vector<16xf32>
        %jit3A_1436 = arith.constant 63 : i32
        %broadcast_in_dim3A_1437 = vector.broadcast %jit3A_1436 : i32 to vector<16xi32>
        %select_n3A_1438 = arith.select %gt3A_1435, %broadcast_in_dim3A_1437, %select_n3A_1431 : vector<16xi1>, vector<16xi32>
        %max3A_1439 = arith.maximumf %max3A_1432, %get3A_1434 : vector<16xf32>
        %get3A_1440 = arith.constant 1024 : index
        %get3A_1441 = tpu.vector_load %arg9[%get3A_1440] {strides = array<i32>} : memref<1600xf32, #tpu.memory_space<vmem>>, vector<16xf32>,
        %gt3A_1442 = arith.cmpf ogt, %get3A_1441, %max3A_1439 : vector<16xf32>
        %jit3A_1443 = arith.constant 64 : i32
        %broadcast_in_dim3A_1444 = vector.broadcast %jit3A_1443 : i32 to vector<16xi32>
        %select_n3A_1445 = arith.select %gt3A_1442, %broadcast_in_dim3A_1444, %select_n3A_1438 : vector<16xi1>, vector<16xi32>
        %max3A_1446 = arith.maximumf %max3A_1439, %get3A_1441 : vector<16xf32>
        %get3A_1447 = arith.constant 1040 : index
        %get3A_1448 = tpu.vector_load %arg9[%get3A_1447] {strides = array<i32>} : memref<1600xf32, #tpu.memory_space<vmem>>, vector<16xf32>,
        %gt3A_1449 = arith.cmpf ogt, %get3A_1448, %max3A_1446 : vector<16xf32>
        %jit3A_1450 = arith.constant 65 : i32
        %broadcast_in_dim3A_1451 = vector.broadcast %jit3A_1450 : i32 to vector<16xi32>
        %select_n3A_1452 = arith.select %gt3A_1449, %broadcast_in_dim3A_1451, %select_n3A_1445 : vector<16xi1>, vector<16xi32>
        %max3A_1453 = arith.maximumf %max3A_1446, %get3A_1448 : vector<16xf32>
        %get3A_1454 = arith.constant 1056 : index
        %get3A_1455 = tpu.vector_load %arg9[%get3A_1454] {strides = array<i32>} : memref<1600xf32, #tpu.memory_space<vmem>>, vector<16xf32>,
        %gt3A_1456 = arith.cmpf ogt, %get3A_1455, %max3A_1453 : vector<16xf32>
        %jit3A_1457 = arith.constant 66 : i32
        %broadcast_in_dim3A_1458 = vector.broadcast %jit3A_1457 : i32 to vector<16xi32>
        %select_n3A_1459 = arith.select %gt3A_1456, %broadcast_in_dim3A_1458, %select_n3A_1452 : vector<16xi1>, vector<16xi32>
        %max3A_1460 = arith.maximumf %max3A_1453, %get3A_1455 : vector<16xf32>
        %get3A_1461 = arith.constant 1072 : index
        %get3A_1462 = tpu.vector_load %arg9[%get3A_1461] {strides = array<i32>} : memref<1600xf32, #tpu.memory_space<vmem>>, vector<16xf32>,
        %gt3A_1463 = arith.cmpf ogt, %get3A_1462, %max3A_1460 : vector<16xf32>
        %jit3A_1464 = arith.constant 67 : i32
        %broadcast_in_dim3A_1465 = vector.broadcast %jit3A_1464 : i32 to vector<16xi32>
        %select_n3A_1466 = arith.select %gt3A_1463, %broadcast_in_dim3A_1465, %select_n3A_1459 : vector<16xi1>, vector<16xi32>
        %max3A_1467 = arith.maximumf %max3A_1460, %get3A_1462 : vector<16xf32>
        %get3A_1468 = arith.constant 1088 : index
        %get3A_1469 = tpu.vector_load %arg9[%get3A_1468] {strides = array<i32>} : memref<1600xf32, #tpu.memory_space<vmem>>, vector<16xf32>,
        %gt3A_1470 = arith.cmpf ogt, %get3A_1469, %max3A_1467 : vector<16xf32>
        %jit3A_1471 = arith.constant 68 : i32
        %broadcast_in_dim3A_1472 = vector.broadcast %jit3A_1471 : i32 to vector<16xi32>
        %select_n3A_1473 = arith.select %gt3A_1470, %broadcast_in_dim3A_1472, %select_n3A_1466 : vector<16xi1>, vector<16xi32>
        %max3A_1474 = arith.maximumf %max3A_1467, %get3A_1469 : vector<16xf32>
        %get3A_1475 = arith.constant 1104 : index
        %get3A_1476 = tpu.vector_load %arg9[%get3A_1475] {strides = array<i32>} : memref<1600xf32, #tpu.memory_space<vmem>>, vector<16xf32>,
        %gt3A_1477 = arith.cmpf ogt, %get3A_1476, %max3A_1474 : vector<16xf32>
        %jit3A_1478 = arith.constant 69 : i32
        %broadcast_in_dim3A_1479 = vector.broadcast %jit3A_1478 : i32 to vector<16xi32>
        %select_n3A_1480 = arith.select %gt3A_1477, %broadcast_in_dim3A_1479, %select_n3A_1473 : vector<16xi1>, vector<16xi32>
        %max3A_1481 = arith.maximumf %max3A_1474, %get3A_1476 : vector<16xf32>
        %get3A_1482 = arith.constant 1120 : index
        %get3A_1483 = tpu.vector_load %arg9[%get3A_1482] {strides = array<i32>} : memref<1600xf32, #tpu.memory_space<vmem>>, vector<16xf32>,
        %gt3A_1484 = arith.cmpf ogt, %get3A_1483, %max3A_1481 : vector<16xf32>
        %jit3A_1485 = arith.constant 70 : i32
        %broadcast_in_dim3A_1486 = vector.broadcast %jit3A_1485 : i32 to vector<16xi32>
        %select_n3A_1487 = arith.select %gt3A_1484, %broadcast_in_dim3A_1486, %select_n3A_1480 : vector<16xi1>, vector<16xi32>
        %max3A_1488 = arith.maximumf %max3A_1481, %get3A_1483 : vector<16xf32>
        %get3A_1489 = arith.constant 1136 : index
        %get3A_1490 = tpu.vector_load %arg9[%get3A_1489] {strides = array<i32>} : memref<1600xf32, #tpu.memory_space<vmem>>, vector<16xf32>,
        %gt3A_1491 = arith.cmpf ogt, %get3A_1490, %max3A_1488 : vector<16xf32>
        %jit3A_1492 = arith.constant 71 : i32
        %broadcast_in_dim3A_1493 = vector.broadcast %jit3A_1492 : i32 to vector<16xi32>
        %select_n3A_1494 = arith.select %gt3A_1491, %broadcast_in_dim3A_1493, %select_n3A_1487 : vector<16xi1>, vector<16xi32>
        %max3A_1495 = arith.maximumf %max3A_1488, %get3A_1490 : vector<16xf32>
        %get3A_1496 = arith.constant 1152 : index
        %get3A_1497 = tpu.vector_load %arg9[%get3A_1496] {strides = array<i32>} : memref<1600xf32, #tpu.memory_space<vmem>>, vector<16xf32>,
        %gt3A_1498 = arith.cmpf ogt, %get3A_1497, %max3A_1495 : vector<16xf32>
        %jit3A_1499 = arith.constant 72 : i32
        %broadcast_in_dim3A_1500 = vector.broadcast %jit3A_1499 : i32 to vector<16xi32>
        %select_n3A_1501 = arith.select %gt3A_1498, %broadcast_in_dim3A_1500, %select_n3A_1494 : vector<16xi1>, vector<16xi32>
        %max3A_1502 = arith.maximumf %max3A_1495, %get3A_1497 : vector<16xf32>
        %get3A_1503 = arith.constant 1168 : index
        %get3A_1504 = tpu.vector_load %arg9[%get3A_1503] {strides = array<i32>} : memref<1600xf32, #tpu.memory_space<vmem>>, vector<16xf32>,
        %gt3A_1505 = arith.cmpf ogt, %get3A_1504, %max3A_1502 : vector<16xf32>
        %jit3A_1506 = arith.constant 73 : i32
        %broadcast_in_dim3A_1507 = vector.broadcast %jit3A_1506 : i32 to vector<16xi32>
        %select_n3A_1508 = arith.select %gt3A_1505, %broadcast_in_dim3A_1507, %select_n3A_1501 : vector<16xi1>, vector<16xi32>
        %max3A_1509 = arith.maximumf %max3A_1502, %get3A_1504 : vector<16xf32>
        %get3A_1510 = arith.constant 1184 : index
        %get3A_1511 = tpu.vector_load %arg9[%get3A_1510] {strides = array<i32>} : memref<1600xf32, #tpu.memory_space<vmem>>, vector<16xf32>,
        %gt3A_1512 = arith.cmpf ogt, %get3A_1511, %max3A_1509 : vector<16xf32>
        %jit3A_1513 = arith.constant 74 : i32
        %broadcast_in_dim3A_1514 = vector.broadcast %jit3A_1513 : i32 to vector<16xi32>
        %select_n3A_1515 = arith.select %gt3A_1512, %broadcast_in_dim3A_1514, %select_n3A_1508 : vector<16xi1>, vector<16xi32>
        %max3A_1516 = arith.maximumf %max3A_1509, %get3A_1511 : vector<16xf32>
        %get3A_1517 = arith.constant 1200 : index
        %get3A_1518 = tpu.vector_load %arg9[%get3A_1517] {strides = array<i32>} : memref<1600xf32, #tpu.memory_space<vmem>>, vector<16xf32>,
        %gt3A_1519 = arith.cmpf ogt, %get3A_1518, %max3A_1516 : vector<16xf32>
        %jit3A_1520 = arith.constant 75 : i32
        %broadcast_in_dim3A_1521 = vector.broadcast %jit3A_1520 : i32 to vector<16xi32>
        %select_n3A_1522 = arith.select %gt3A_1519, %broadcast_in_dim3A_1521, %select_n3A_1515 : vector<16xi1>, vector<16xi32>
        %max3A_1523 = arith.maximumf %max3A_1516, %get3A_1518 : vector<16xf32>
        %get3A_1524 = arith.constant 1216 : index
        %get3A_1525 = tpu.vector_load %arg9[%get3A_1524] {strides = array<i32>} : memref<1600xf32, #tpu.memory_space<vmem>>, vector<16xf32>,
        %gt3A_1526 = arith.cmpf ogt, %get3A_1525, %max3A_1523 : vector<16xf32>
        %jit3A_1527 = arith.constant 76 : i32
        %broadcast_in_dim3A_1528 = vector.broadcast %jit3A_1527 : i32 to vector<16xi32>
        %select_n3A_1529 = arith.select %gt3A_1526, %broadcast_in_dim3A_1528, %select_n3A_1522 : vector<16xi1>, vector<16xi32>
        %max3A_1530 = arith.maximumf %max3A_1523, %get3A_1525 : vector<16xf32>
        %get3A_1531 = arith.constant 1232 : index
        %get3A_1532 = tpu.vector_load %arg9[%get3A_1531] {strides = array<i32>} : memref<1600xf32, #tpu.memory_space<vmem>>, vector<16xf32>,
        %gt3A_1533 = arith.cmpf ogt, %get3A_1532, %max3A_1530 : vector<16xf32>
        %jit3A_1534 = arith.constant 77 : i32
        %broadcast_in_dim3A_1535 = vector.broadcast %jit3A_1534 : i32 to vector<16xi32>
        %select_n3A_1536 = arith.select %gt3A_1533, %broadcast_in_dim3A_1535, %select_n3A_1529 : vector<16xi1>, vector<16xi32>
        %max3A_1537 = arith.maximumf %max3A_1530, %get3A_1532 : vector<16xf32>
        %get3A_1538 = arith.constant 1248 : index
        %get3A_1539 = tpu.vector_load %arg9[%get3A_1538] {strides = array<i32>} : memref<1600xf32, #tpu.memory_space<vmem>>, vector<16xf32>,
        %gt3A_1540 = arith.cmpf ogt, %get3A_1539, %max3A_1537 : vector<16xf32>
        %jit3A_1541 = arith.constant 78 : i32
        %broadcast_in_dim3A_1542 = vector.broadcast %jit3A_1541 : i32 to vector<16xi32>
        %select_n3A_1543 = arith.select %gt3A_1540, %broadcast_in_dim3A_1542, %select_n3A_1536 : vector<16xi1>, vector<16xi32>
        %max3A_1544 = arith.maximumf %max3A_1537, %get3A_1539 : vector<16xf32>
        %get3A_1545 = arith.constant 1264 : index
        %get3A_1546 = tpu.vector_load %arg9[%get3A_1545] {strides = array<i32>} : memref<1600xf32, #tpu.memory_space<vmem>>, vector<16xf32>,
        %gt3A_1547 = arith.cmpf ogt, %get3A_1546, %max3A_1544 : vector<16xf32>
        %jit3A_1548 = arith.constant 79 : i32
        %broadcast_in_dim3A_1549 = vector.broadcast %jit3A_1548 : i32 to vector<16xi32>
        %select_n3A_1550 = arith.select %gt3A_1547, %broadcast_in_dim3A_1549, %select_n3A_1543 : vector<16xi1>, vector<16xi32>
        %max3A_1551 = arith.maximumf %max3A_1544, %get3A_1546 : vector<16xf32>
        %get3A_1552 = arith.constant 1280 : index
        %get3A_1553 = tpu.vector_load %arg9[%get3A_1552] {strides = array<i32>} : memref<1600xf32, #tpu.memory_space<vmem>>, vector<16xf32>,
        %gt3A_1554 = arith.cmpf ogt, %get3A_1553, %max3A_1551 : vector<16xf32>
        %jit3A_1555 = arith.constant 80 : i32
        %broadcast_in_dim3A_1556 = vector.broadcast %jit3A_1555 : i32 to vector<16xi32>
        %select_n3A_1557 = arith.select %gt3A_1554, %broadcast_in_dim3A_1556, %select_n3A_1550 : vector<16xi1>, vector<16xi32>
        %max3A_1558 = arith.maximumf %max3A_1551, %get3A_1553 : vector<16xf32>
        %get3A_1559 = arith.constant 1296 : index
        %get3A_1560 = tpu.vector_load %arg9[%get3A_1559] {strides = array<i32>} : memref<1600xf32, #tpu.memory_space<vmem>>, vector<16xf32>,
        %gt3A_1561 = arith.cmpf ogt, %get3A_1560, %max3A_1558 : vector<16xf32>
        %jit3A_1562 = arith.constant 81 : i32
        %broadcast_in_dim3A_1563 = vector.broadcast %jit3A_1562 : i32 to vector<16xi32>
        %select_n3A_1564 = arith.select %gt3A_1561, %broadcast_in_dim3A_1563, %select_n3A_1557 : vector<16xi1>, vector<16xi32>
        %max3A_1565 = arith.maximumf %max3A_1558, %get3A_1560 : vector<16xf32>
        %get3A_1566 = arith.constant 1312 : index
        %get3A_1567 = tpu.vector_load %arg9[%get3A_1566] {strides = array<i32>} : memref<1600xf32, #tpu.memory_space<vmem>>, vector<16xf32>,
        %gt3A_1568 = arith.cmpf ogt, %get3A_1567, %max3A_1565 : vector<16xf32>
        %jit3A_1569 = arith.constant 82 : i32
        %broadcast_in_dim3A_1570 = vector.broadcast %jit3A_1569 : i32 to vector<16xi32>
        %select_n3A_1571 = arith.select %gt3A_1568, %broadcast_in_dim3A_1570, %select_n3A_1564 : vector<16xi1>, vector<16xi32>
        %max3A_1572 = arith.maximumf %max3A_1565, %get3A_1567 : vector<16xf32>
        %get3A_1573 = arith.constant 1328 : index
        %get3A_1574 = tpu.vector_load %arg9[%get3A_1573] {strides = array<i32>} : memref<1600xf32, #tpu.memory_space<vmem>>, vector<16xf32>,
        %gt3A_1575 = arith.cmpf ogt, %get3A_1574, %max3A_1572 : vector<16xf32>
        %jit3A_1576 = arith.constant 83 : i32
        %broadcast_in_dim3A_1577 = vector.broadcast %jit3A_1576 : i32 to vector<16xi32>
        %select_n3A_1578 = arith.select %gt3A_1575, %broadcast_in_dim3A_1577, %select_n3A_1571 : vector<16xi1>, vector<16xi32>
        %max3A_1579 = arith.maximumf %max3A_1572, %get3A_1574 : vector<16xf32>
        %get3A_1580 = arith.constant 1344 : index
        %get3A_1581 = tpu.vector_load %arg9[%get3A_1580] {strides = array<i32>} : memref<1600xf32, #tpu.memory_space<vmem>>, vector<16xf32>,
        %gt3A_1582 = arith.cmpf ogt, %get3A_1581, %max3A_1579 : vector<16xf32>
        %jit3A_1583 = arith.constant 84 : i32
        %broadcast_in_dim3A_1584 = vector.broadcast %jit3A_1583 : i32 to vector<16xi32>
        %select_n3A_1585 = arith.select %gt3A_1582, %broadcast_in_dim3A_1584, %select_n3A_1578 : vector<16xi1>, vector<16xi32>
        %max3A_1586 = arith.maximumf %max3A_1579, %get3A_1581 : vector<16xf32>
        %get3A_1587 = arith.constant 1360 : index
        %get3A_1588 = tpu.vector_load %arg9[%get3A_1587] {strides = array<i32>} : memref<1600xf32, #tpu.memory_space<vmem>>, vector<16xf32>,
        %gt3A_1589 = arith.cmpf ogt, %get3A_1588, %max3A_1586 : vector<16xf32>
        %jit3A_1590 = arith.constant 85 : i32
        %broadcast_in_dim3A_1591 = vector.broadcast %jit3A_1590 : i32 to vector<16xi32>
        %select_n3A_1592 = arith.select %gt3A_1589, %broadcast_in_dim3A_1591, %select_n3A_1585 : vector<16xi1>, vector<16xi32>
        %max3A_1593 = arith.maximumf %max3A_1586, %get3A_1588 : vector<16xf32>
        %get3A_1594 = arith.constant 1376 : index
        %get3A_1595 = tpu.vector_load %arg9[%get3A_1594] {strides = array<i32>} : memref<1600xf32, #tpu.memory_space<vmem>>, vector<16xf32>,
        %gt3A_1596 = arith.cmpf ogt, %get3A_1595, %max3A_1593 : vector<16xf32>
        %jit3A_1597 = arith.constant 86 : i32
        %broadcast_in_dim3A_1598 = vector.broadcast %jit3A_1597 : i32 to vector<16xi32>
        %select_n3A_1599 = arith.select %gt3A_1596, %broadcast_in_dim3A_1598, %select_n3A_1592 : vector<16xi1>, vector<16xi32>
        %max3A_1600 = arith.maximumf %max3A_1593, %get3A_1595 : vector<16xf32>
        %get3A_1601 = arith.constant 1392 : index
        %get3A_1602 = tpu.vector_load %arg9[%get3A_1601] {strides = array<i32>} : memref<1600xf32, #tpu.memory_space<vmem>>, vector<16xf32>,
        %gt3A_1603 = arith.cmpf ogt, %get3A_1602, %max3A_1600 : vector<16xf32>
        %jit3A_1604 = arith.constant 87 : i32
        %broadcast_in_dim3A_1605 = vector.broadcast %jit3A_1604 : i32 to vector<16xi32>
        %select_n3A_1606 = arith.select %gt3A_1603, %broadcast_in_dim3A_1605, %select_n3A_1599 : vector<16xi1>, vector<16xi32>
        %max3A_1607 = arith.maximumf %max3A_1600, %get3A_1602 : vector<16xf32>
        %get3A_1608 = arith.constant 1408 : index
        %get3A_1609 = tpu.vector_load %arg9[%get3A_1608] {strides = array<i32>} : memref<1600xf32, #tpu.memory_space<vmem>>, vector<16xf32>,
        %gt3A_1610 = arith.cmpf ogt, %get3A_1609, %max3A_1607 : vector<16xf32>
        %jit3A_1611 = arith.constant 88 : i32
        %broadcast_in_dim3A_1612 = vector.broadcast %jit3A_1611 : i32 to vector<16xi32>
        %select_n3A_1613 = arith.select %gt3A_1610, %broadcast_in_dim3A_1612, %select_n3A_1606 : vector<16xi1>, vector<16xi32>
        %max3A_1614 = arith.maximumf %max3A_1607, %get3A_1609 : vector<16xf32>
        %get3A_1615 = arith.constant 1424 : index
        %get3A_1616 = tpu.vector_load %arg9[%get3A_1615] {strides = array<i32>} : memref<1600xf32, #tpu.memory_space<vmem>>, vector<16xf32>,
        %gt3A_1617 = arith.cmpf ogt, %get3A_1616, %max3A_1614 : vector<16xf32>
        %jit3A_1618 = arith.constant 89 : i32
        %broadcast_in_dim3A_1619 = vector.broadcast %jit3A_1618 : i32 to vector<16xi32>
        %select_n3A_1620 = arith.select %gt3A_1617, %broadcast_in_dim3A_1619, %select_n3A_1613 : vector<16xi1>, vector<16xi32>
        %max3A_1621 = arith.maximumf %max3A_1614, %get3A_1616 : vector<16xf32>
        %get3A_1622 = arith.constant 1440 : index
        %get3A_1623 = tpu.vector_load %arg9[%get3A_1622] {strides = array<i32>} : memref<1600xf32, #tpu.memory_space<vmem>>, vector<16xf32>,
        %gt3A_1624 = arith.cmpf ogt, %get3A_1623, %max3A_1621 : vector<16xf32>
        %jit3A_1625 = arith.constant 90 : i32
        %broadcast_in_dim3A_1626 = vector.broadcast %jit3A_1625 : i32 to vector<16xi32>
        %select_n3A_1627 = arith.select %gt3A_1624, %broadcast_in_dim3A_1626, %select_n3A_1620 : vector<16xi1>, vector<16xi32>
        %max3A_1628 = arith.maximumf %max3A_1621, %get3A_1623 : vector<16xf32>
        %get3A_1629 = arith.constant 1456 : index
        %get3A_1630 = tpu.vector_load %arg9[%get3A_1629] {strides = array<i32>} : memref<1600xf32, #tpu.memory_space<vmem>>, vector<16xf32>,
        %gt3A_1631 = arith.cmpf ogt, %get3A_1630, %max3A_1628 : vector<16xf32>
        %jit3A_1632 = arith.constant 91 : i32
        %broadcast_in_dim3A_1633 = vector.broadcast %jit3A_1632 : i32 to vector<16xi32>
        %select_n3A_1634 = arith.select %gt3A_1631, %broadcast_in_dim3A_1633, %select_n3A_1627 : vector<16xi1>, vector<16xi32>
        %max3A_1635 = arith.maximumf %max3A_1628, %get3A_1630 : vector<16xf32>
        %get3A_1636 = arith.constant 1472 : index
        %get3A_1637 = tpu.vector_load %arg9[%get3A_1636] {strides = array<i32>} : memref<1600xf32, #tpu.memory_space<vmem>>, vector<16xf32>,
        %gt3A_1638 = arith.cmpf ogt, %get3A_1637, %max3A_1635 : vector<16xf32>
        %jit3A_1639 = arith.constant 92 : i32
        %broadcast_in_dim3A_1640 = vector.broadcast %jit3A_1639 : i32 to vector<16xi32>
        %select_n3A_1641 = arith.select %gt3A_1638, %broadcast_in_dim3A_1640, %select_n3A_1634 : vector<16xi1>, vector<16xi32>
        %max3A_1642 = arith.maximumf %max3A_1635, %get3A_1637 : vector<16xf32>
        %get3A_1643 = arith.constant 1488 : index
        %get3A_1644 = tpu.vector_load %arg9[%get3A_1643] {strides = array<i32>} : memref<1600xf32, #tpu.memory_space<vmem>>, vector<16xf32>,
        %gt3A_1645 = arith.cmpf ogt, %get3A_1644, %max3A_1642 : vector<16xf32>
        %jit3A_1646 = arith.constant 93 : i32
        %broadcast_in_dim3A_1647 = vector.broadcast %jit3A_1646 : i32 to vector<16xi32>
        %select_n3A_1648 = arith.select %gt3A_1645, %broadcast_in_dim3A_1647, %select_n3A_1641 : vector<16xi1>, vector<16xi32>
        %max3A_1649 = arith.maximumf %max3A_1642, %get3A_1644 : vector<16xf32>
        %get3A_1650 = arith.constant 1504 : index
        %get3A_1651 = tpu.vector_load %arg9[%get3A_1650] {strides = array<i32>} : memref<1600xf32, #tpu.memory_space<vmem>>, vector<16xf32>,
        %gt3A_1652 = arith.cmpf ogt, %get3A_1651, %max3A_1649 : vector<16xf32>
        %jit3A_1653 = arith.constant 94 : i32
        %broadcast_in_dim3A_1654 = vector.broadcast %jit3A_1653 : i32 to vector<16xi32>
        %select_n3A_1655 = arith.select %gt3A_1652, %broadcast_in_dim3A_1654, %select_n3A_1648 : vector<16xi1>, vector<16xi32>
        %max3A_1656 = arith.maximumf %max3A_1649, %get3A_1651 : vector<16xf32>
        %get3A_1657 = arith.constant 1520 : index
        %get3A_1658 = tpu.vector_load %arg9[%get3A_1657] {strides = array<i32>} : memref<1600xf32, #tpu.memory_space<vmem>>, vector<16xf32>,
        %gt3A_1659 = arith.cmpf ogt, %get3A_1658, %max3A_1656 : vector<16xf32>
        %jit3A_1660 = arith.constant 95 : i32
        %broadcast_in_dim3A_1661 = vector.broadcast %jit3A_1660 : i32 to vector<16xi32>
        %select_n3A_1662 = arith.select %gt3A_1659, %broadcast_in_dim3A_1661, %select_n3A_1655 : vector<16xi1>, vector<16xi32>
        %max3A_1663 = arith.maximumf %max3A_1656, %get3A_1658 : vector<16xf32>
        %get3A_1664 = arith.constant 1536 : index
        %get3A_1665 = tpu.vector_load %arg9[%get3A_1664] {strides = array<i32>} : memref<1600xf32, #tpu.memory_space<vmem>>, vector<16xf32>,
        %gt3A_1666 = arith.cmpf ogt, %get3A_1665, %max3A_1663 : vector<16xf32>
        %jit3A_1667 = arith.constant 96 : i32
        %broadcast_in_dim3A_1668 = vector.broadcast %jit3A_1667 : i32 to vector<16xi32>
        %select_n3A_1669 = arith.select %gt3A_1666, %broadcast_in_dim3A_1668, %select_n3A_1662 : vector<16xi1>, vector<16xi32>
        %max3A_1670 = arith.maximumf %max3A_1663, %get3A_1665 : vector<16xf32>
        %get3A_1671 = arith.constant 1552 : index
        %get3A_1672 = tpu.vector_load %arg9[%get3A_1671] {strides = array<i32>} : memref<1600xf32, #tpu.memory_space<vmem>>, vector<16xf32>,
        %gt3A_1673 = arith.cmpf ogt, %get3A_1672, %max3A_1670 : vector<16xf32>
        %jit3A_1674 = arith.constant 97 : i32
        %broadcast_in_dim3A_1675 = vector.broadcast %jit3A_1674 : i32 to vector<16xi32>
        %select_n3A_1676 = arith.select %gt3A_1673, %broadcast_in_dim3A_1675, %select_n3A_1669 : vector<16xi1>, vector<16xi32>
        %max3A_1677 = arith.maximumf %max3A_1670, %get3A_1672 : vector<16xf32>
        %get3A_1678 = arith.constant 1568 : index
        %get3A_1679 = tpu.vector_load %arg9[%get3A_1678] {strides = array<i32>} : memref<1600xf32, #tpu.memory_space<vmem>>, vector<16xf32>,
        %gt3A_1680 = arith.cmpf ogt, %get3A_1679, %max3A_1677 : vector<16xf32>
        %jit3A_1681 = arith.constant 98 : i32
        %broadcast_in_dim3A_1682 = vector.broadcast %jit3A_1681 : i32 to vector<16xi32>
        %select_n3A_1683 = arith.select %gt3A_1680, %broadcast_in_dim3A_1682, %select_n3A_1676 : vector<16xi1>, vector<16xi32>
        %max3A_1684 = arith.maximumf %max3A_1677, %get3A_1679 : vector<16xf32>
        %get3A_1685 = arith.constant 1584 : index
        %get3A_1686 = tpu.vector_load %arg9[%get3A_1685] {strides = array<i32>} : memref<1600xf32, #tpu.memory_space<vmem>>, vector<16xf32>,
        %gt3A_1687 = arith.cmpf ogt, %get3A_1686, %max3A_1684 : vector<16xf32>
        %jit3A_1688 = arith.constant 99 : i32
        %broadcast_in_dim3A_1689 = vector.broadcast %jit3A_1688 : i32 to vector<16xi32>
        %select_n3A_1690 = arith.select %gt3A_1687, %broadcast_in_dim3A_1689, %select_n3A_1683 : vector<16xi1>, vector<16xi32>
        %max3A_1691 = arith.maximumf %max3A_1684, %get3A_1686 : vector<16xf32>
        %mul3A_1692 = arith.constant 16 : i32
        %mul3A_1693 = arith.muli %mul3A_1692, %scan3A_263 : i32
        %get3A_1694 = arith.index_cast %mul3A_1693 : i32 to index
        %get3A_1695 = tpu.vector_load %arg8[%get3A_1694] {strides = array<i32>} : memref<256xi32, #tpu.memory_space<vmem>>, vector<16xi32>,
        %eq3A = arith.cmpi eq, %select_n3A_1690, %get3A_1695 : vector<16xi32>
        %convert_element_type3A_1696 = arith.extui %eq3A : vector<16xi1> to vector<16xi32>
        %convert_element_type3A_1697 = arith.sitofp %convert_element_type3A_1696 : vector<16xi32> to vector<16xf32>
        %mul3A_1698 = arith.constant 3.000000e+01 : f32
        %mul3A_1699 = vector.broadcast %mul3A_1698 : f32 to vector<16xf32>
        %mul3A_1700 = arith.mulf %max3A_1691, %mul3A_1699 : vector<16xf32>
        %convert_element_type3A_1701 = arith.fptosi %mul3A_1700 : vector<16xf32> to vector<16xi32>
        %convert_element_type3A_1702 = arith.sitofp %convert_element_type3A_1701 : vector<16xi32> to vector<16xf32>
        %lt3A_1703 = arith.cmpf olt, %convert_element_type3A_1702, %mul3A_1700 : vector<16xf32>
        %jit3A_1704 = arith.constant 1 : i32
        %jit3A_1705 = arith.constant 0 : i32
        %broadcast_in_dim3A_1706 = vector.broadcast %jit3A_1704 : i32 to vector<16xi32>
        %broadcast_in_dim3A_1707 = vector.broadcast %jit3A_1705 : i32 to vector<16xi32>
        %select_n3A_1708 = arith.select %lt3A_1703, %broadcast_in_dim3A_1706, %broadcast_in_dim3A_1707 : vector<16xi1>, vector<16xi32>
        %add3A_1709 = arith.addi %convert_element_type3A_1701, %select_n3A_1708 : vector<16xi32>
        %sub3A = arith.constant 1 : i32
        %sub3A_1710 = vector.broadcast %sub3A : i32 to vector<16xi32>
        %sub3A_1711 = arith.subi %add3A_1709, %sub3A_1710 : vector<16xi32>
        %jit3A_1712 = arith.constant 0 : i32
        %jit3A_1713 = arith.constant 29 : i32
        %max3A_1714 = vector.broadcast %jit3A_1712 : i32 to vector<16xi32>
        %max3A_1715 = arith.maxsi %max3A_1714, %sub3A_1711 : vector<16xi32>
        %min3A = vector.broadcast %jit3A_1713 : i32 to vector<16xi32>
        %min3A_1716 = arith.minsi %min3A, %max3A_1715 : vector<16xi32>
        %mul3A_1717 = arith.constant 96 : i32
        %mul3A_1718 = vector.broadcast %mul3A_1717 : i32 to vector<16xi32>
        %mul3A_1719 = arith.muli %iota3A, %mul3A_1718 : vector<16xi32>
        %add3A_1720 = arith.addi %mul3A_1719, %min3A_1716 : vector<16xi32>
        %broadcast_in_dim3A_1721 = arith.constant 1.000000e+00 : f32
        %broadcast_in_dim3A_1722 = vector.broadcast %broadcast_in_dim3A_1721 : f32 to vector<16xf32>
        tpu.vector_store_idx %arg10[%add3A_1720], %broadcast_in_dim3A_1722 {add = true} : memref<1536xf32, #tpu.memory_space<vmem>>[vector<16xi32>], vector<16xf32>,
        %add3A_1723 = arith.constant 32 : i32
        %add3A_1724 = vector.broadcast %add3A_1723 : i32 to vector<16xi32>
        %add3A_1725 = arith.addi %add3A_1720, %add3A_1724 : vector<16xi32>
        tpu.vector_store_idx %arg10[%add3A_1725], %max3A_1691 {add = true} : memref<1536xf32, #tpu.memory_space<vmem>>[vector<16xi32>], vector<16xf32>,
        %add3A_1726 = arith.constant 64 : i32
        %add3A_1727 = vector.broadcast %add3A_1726 : i32 to vector<16xi32>
        %add3A_1728 = arith.addi %add3A_1720, %add3A_1727 : vector<16xi32>
        tpu.vector_store_idx %arg10[%add3A_1728], %convert_element_type3A_1697 {add = true} : memref<1536xf32, #tpu.memory_space<vmem>>[vector<16xi32>], vector<16xf32>,
      }
      %scan3A_262 = arith.constant 16 : i32
    }
    %scan3A_217 = arith.constant 31 : i32
    "tpu.region"() ({
      %run_scoped3A = tpu.sem_alloc : memref<!tpu.dma_semaphore, #tpu.memory_space<semaphore_mem>>
      %dma_start3A_218 = arith.constant 0 : i32
      %dma_start3A_219 = tpu.memref_slice %arg4[%add3A, %dma_start3A_218] : memref<32x1536xf32, #tpu.memory_space<hbm>> -> memref<1x1536xf32, #tpu.memory_space<hbm>>
      %dma_start3A_220 = tpu.memref_squeeze %dma_start3A_219 : memref<1x1536xf32, #tpu.memory_space<hbm>> -> memref<1536xf32, #tpu.memory_space<hbm>>
      %dma_start3A_221 = arith.constant 0 : i32
      %dma_start3A_222 = tpu.memref_slice %arg4[%add3A, %dma_start3A_221] : memref<32x1536xf32, #tpu.memory_space<hbm>> -> memref<1x1536xf32, #tpu.memory_space<hbm>>
      %dma_start3A_223 = tpu.memref_squeeze %dma_start3A_222 : memref<1x1536xf32, #tpu.memory_space<hbm>> -> memref<1536xf32, #tpu.memory_space<hbm>>
      tpu.enqueue_dma source(%arg10 : memref<1536xf32, #tpu.memory_space<vmem>>) target(%dma_start3A_223 : memref<1536xf32, #tpu.memory_space<hbm>>) target_semaphore(%run_scoped3A : memref<!tpu.dma_semaphore, #tpu.memory_space<semaphore_mem>>)
      %dma_wait3A = arith.constant 0 : i32
      %dma_wait3A_224 = tpu.memref_slice %arg4[%add3A, %dma_wait3A] : memref<32x1536xf32, #tpu.memory_space<hbm>> -> memref<1x1536xf32, #tpu.memory_space<hbm>>
      %dma_wait3A_225 = tpu.memref_squeeze %dma_wait3A_224 : memref<1x1536xf32, #tpu.memory_space<hbm>> -> memref<1536xf32, #tpu.memory_space<hbm>>
      %dma_wait3A_226 = arith.constant 0 : i32
      %dma_wait3A_227 = tpu.memref_slice %arg4[%add3A, %dma_wait3A_226] : memref<32x1536xf32, #tpu.memory_space<hbm>> -> memref<1x1536xf32, #tpu.memory_space<hbm>>
      %dma_wait3A_228 = tpu.memref_squeeze %dma_wait3A_227 : memref<1x1536xf32, #tpu.memory_space<hbm>> -> memref<1536xf32, #tpu.memory_space<hbm>>
      tpu.wait_dma2 semaphore(%run_scoped3A : memref<!tpu.dma_semaphore, #tpu.memory_space<semaphore_mem>>) src(%arg10 : memref<1536xf32, #tpu.memory_space<vmem>>) dst(%dma_wait3A_228 : memref<1536xf32, #tpu.memory_space<hbm>>)
      tpu.yield
    }) : () -> ()
    return
  }
}

module attributes {stable_mosaic.version = 14 : i64} {
  func.func @_tc_body(%arg0: i32, %arg1: memref<16384x100xf32, #tpu.memory_space<vmem>>, %arg2: memref<1x1x16384xi32, #tpu.memory_space<vmem>>, %arg3: memref<3x32xf32, #tpu.memory_space<vmem>>, %arg4: memref<3x32xf32, #tpu.memory_space<vmem>>) attributes {dimension_semantics = [#tpu.dimension_semantics<arbitrary>], iteration_bounds = array<i64: 31>, scalar_prefetch = 0 : i64, scratch_operands = 1 : i64, tpu.core_type = #tpu.core_type<tc>, window_params = [{transform_indices = @transform_0, window_bounds = array<i64: 16384, 100>}, {transform_indices = @transform_1, window_bounds = array<i64: 1, 1, 16384>}, {pipeline_mode = #tpu.pipeline_mode<synchronous>, transform_indices = @transform_2, window_bounds = array<i64: 3, 32>}]} {
    %eq3A = arith.constant 0 : i32
    %eq3A_0 = arith.cmpi eq, %arg0, %eq3A : i32
    %convert_element_type3A = arith.extui %eq3A_0 : i1 to i32
    %cond3A = arith.constant 0 : i32
    %cond3A_1 = arith.cmpi ne, %convert_element_type3A, %cond3A : i32
    scf.if %cond3A_1 {
      %broadcast_in_dim3A_61 = arith.constant 0.000000e+00 : f32
      %broadcast_in_dim3A_62 = vector.broadcast %broadcast_in_dim3A_61 : f32 to vector<3x32xf32>
      %swap3A_63 = arith.constant 0 : index
      %swap3A_64 = arith.constant 0 : index
      %swap3A_65 = vector.load %arg4[%swap3A_63, %swap3A_64] : memref<3x32xf32, #tpu.memory_space<vmem>>, vector<3x32xf32>
      tpu.vector_store %arg4[%swap3A_63, %swap3A_64], %broadcast_in_dim3A_62 {strides = array<i32>} : memref<3x32xf32, #tpu.memory_space<vmem>>, vector<3x32xf32>,
    } else {
    }
    %get3A = arith.constant 0 : index
    %get3A_2 = arith.constant 0 : index
    %get3A_3 = vector.load %arg1[%get3A, %get3A_2] : memref<16384x100xf32, #tpu.memory_space<vmem>>, vector<16384x100xf32>
    %transpose3A = tpu.transpose %get3A_3, [1, 0] : vector<16384x100xf32> -> vector<100x16384xf32>
    %reduce_max3A = arith.constant dense<0xFF800000> : vector<16384xf32>
    %reduce_max3A_4 = vector.multi_reduction <maximumf>, %transpose3A, %reduce_max3A [0] : vector<100x16384xf32> to vector<16384xf32>
    %broadcast_in_dim3A = vector.shape_cast %reduce_max3A_4 : vector<16384xf32> to vector<1x16384xf32>
    %iota3A = tpu.iota {dimensions = array<i32: 0>} : vector<100x16384xi32>
    %eq3A_5 = vector.broadcast %broadcast_in_dim3A : vector<1x16384xf32> to vector<100x16384xf32>
    %eq3A_6 = arith.cmpf oeq, %transpose3A, %eq3A_5 : vector<100x16384xf32>
    %jit3A = arith.constant 100 : i32
    %broadcast_in_dim3A_7 = vector.broadcast %jit3A : i32 to vector<100x16384xi32>
    %select_n3A = arith.select %eq3A_6, %iota3A, %broadcast_in_dim3A_7 : vector<100x16384xi1>, vector<100x16384xi32>
    %reduce_min3A = arith.constant dense<2147483647> : vector<16384xi32>
    %reduce_min3A_8 = vector.multi_reduction <minsi>, %select_n3A, %reduce_min3A [0] : vector<100x16384xi32> to vector<16384xi32>
    %broadcast_in_dim3A_9 = vector.shape_cast %reduce_min3A_8 : vector<16384xi32> to vector<1x16384xi32>
    %get3A_10 = arith.constant 0 : index
    %get3A_11 = arith.constant 0 : index
    %get3A_12 = arith.constant 0 : index
    %get3A_13 = vector.load %arg2[%get3A_10, %get3A_11, %get3A_12] : memref<1x1x16384xi32, #tpu.memory_space<vmem>>, vector<1x1x16384xi32>
    %get3A_14 = vector.shape_cast %get3A_13 : vector<1x1x16384xi32> to vector<1x16384xi32>
    %eq3A_15 = arith.cmpi eq, %broadcast_in_dim3A_9, %get3A_14 : vector<1x16384xi32>
    %convert_element_type3A_16 = arith.extui %eq3A_15 : vector<1x16384xi1> to vector<1x16384xi32>
    %convert_element_type3A_17 = arith.sitofp %convert_element_type3A_16 : vector<1x16384xi32> to vector<1x16384xf32>
    %mul3A = arith.constant 3.000000e+01 : f32
    %mul3A_18 = vector.broadcast %mul3A : f32 to vector<1x16384xf32>
    %mul3A_19 = arith.mulf %broadcast_in_dim3A, %mul3A_18 : vector<1x16384xf32>
    %ceil3A = math.ceil %mul3A_19 : vector<1x16384xf32>
    %convert_element_type3A_20 = arith.fptosi %ceil3A : vector<1x16384xf32> to vector<1x16384xi32>
    %sub3A = arith.constant 1 : i32
    %sub3A_21 = vector.broadcast %sub3A : i32 to vector<1x16384xi32>
    %sub3A_22 = arith.subi %convert_element_type3A_20, %sub3A_21 : vector<1x16384xi32>
    %jit3A_23 = arith.constant 0 : i32
    %jit3A_24 = arith.constant 29 : i32
    %max3A = vector.broadcast %jit3A_23 : i32 to vector<1x16384xi32>
    %max3A_25 = arith.maxsi %max3A, %sub3A_22 : vector<1x16384xi32>
    %min3A = vector.broadcast %jit3A_24 : i32 to vector<1x16384xi32>
    %min3A_26 = arith.minsi %min3A, %max3A_25 : vector<1x16384xi32>
    %iota3A_27 = tpu.iota {dimensions = array<i32: 1>} : vector<1x16384xi32>
    %add3A = arith.constant 31 : i32
    %add3A_28 = arith.addi %arg0, %add3A : i32
    %mul3A_29 = arith.constant 16384 : i32
    %mul3A_30 = arith.muli %add3A_28, %mul3A_29 : i32
    %add3A_31 = vector.broadcast %mul3A_30 : i32 to vector<1x16384xi32>
    %add3A_32 = arith.addi %iota3A_27, %add3A_31 : vector<1x16384xi32>
    %lt3A = arith.constant 1000000 : i32
    %lt3A_33 = vector.broadcast %lt3A : i32 to vector<1x16384xi32>
    %lt3A_34 = arith.cmpi slt, %add3A_32, %lt3A_33 : vector<1x16384xi32>
    %iota3A_35 = tpu.iota {dimensions = array<i32: 0>} : vector<32x16384xi32>
    %eq3A_36 = vector.broadcast %min3A_26 : vector<1x16384xi32> to vector<32x16384xi32>
    %eq3A_37 = arith.cmpi eq, %eq3A_36, %iota3A_35 : vector<32x16384xi32>
    %and3A = vector.broadcast %lt3A_34 : vector<1x16384xi1> to vector<32x16384xi1>
    %and3A_38 = arith.andi %eq3A_37, %and3A : vector<32x16384xi1>
    %convert_element_type3A_39 = arith.extui %and3A_38 : vector<32x16384xi1> to vector<32x16384xi32>
    %convert_element_type3A_40 = arith.sitofp %convert_element_type3A_39 : vector<32x16384xi32> to vector<32x16384xf32>
    %convert_element_type3A_41 = arith.extui %lt3A_34 : vector<1x16384xi1> to vector<1x16384xi32>
    %convert_element_type3A_42 = arith.sitofp %convert_element_type3A_41 : vector<1x16384xi32> to vector<1x16384xf32>
    %jit3A_43 = arith.constant 0.000000e+00 : f32
    %broadcast_in_dim3A_44 = vector.broadcast %jit3A_43 : f32 to vector<1x16384xf32>
    %select_n3A_45 = arith.select %lt3A_34, %broadcast_in_dim3A, %broadcast_in_dim3A_44 : vector<1x16384xi1>, vector<1x16384xf32>
    %jit3A_46 = arith.constant 0.000000e+00 : f32
    %broadcast_in_dim3A_47 = vector.broadcast %jit3A_46 : f32 to vector<1x16384xf32>
    %select_n3A_48 = arith.select %lt3A_34, %convert_element_type3A_17, %broadcast_in_dim3A_47 : vector<1x16384xi1>, vector<1x16384xf32>
    %concatenate3A = tpu.concatenate %convert_element_type3A_42, %select_n3A_45, %select_n3A_48 in 0 : vector<1x16384xf32>, vector<1x16384xf32>, vector<1x16384xf32> -> vector<3x16384xf32>
    %dot_general3A = arith.constant dense<0.000000e+00> : vector<3x32xf32>
    %dot_general3A_49 = tpu.matmul %concatenate3A, %convert_element_type3A_40, %dot_general3A {dimension_numbers = #tpu.dot_dimension_numbers<[1], [1], [0], [0], [0, 0, 1, 0], [], []>, transpose_lhs_hint = false} : vector<3x16384xf32>, vector<32x16384xf32>, vector<3x32xf32> -> vector<3x32xf32>
    %get3A_50 = arith.constant 0 : index
    %get3A_51 = arith.constant 0 : index
    %get3A_52 = vector.load %arg4[%get3A_50, %get3A_51] : memref<3x32xf32, #tpu.memory_space<vmem>>, vector<3x32xf32>
    %add3A_53 = arith.addf %get3A_52, %dot_general3A_49 : vector<3x32xf32>
    %swap3A = arith.constant 0 : index
    %swap3A_54 = arith.constant 0 : index
    %swap3A_55 = vector.load %arg4[%swap3A, %swap3A_54] : memref<3x32xf32, #tpu.memory_space<vmem>>, vector<3x32xf32>
    tpu.vector_store %arg4[%swap3A, %swap3A_54], %add3A_53 {strides = array<i32>} : memref<3x32xf32, #tpu.memory_space<vmem>>, vector<3x32xf32>,
    %eq3A_56 = arith.constant 30 : i32
    %eq3A_57 = arith.cmpi eq, %arg0, %eq3A_56 : i32
    %convert_element_type3A_58 = arith.extui %eq3A_57 : i1 to i32
    %cond3A_59 = arith.constant 0 : i32
    %cond3A_60 = arith.cmpi ne, %convert_element_type3A_58, %cond3A_59 : i32
    scf.if %cond3A_60 {
      %get3A_61 = arith.constant 0 : index
      %get3A_62 = arith.constant 0 : index
      %get3A_63 = vector.load %arg4[%get3A_61, %get3A_62] : memref<3x32xf32, #tpu.memory_space<vmem>>, vector<3x32xf32>
      %swap3A_64 = arith.constant 0 : index
      %swap3A_65 = arith.constant 0 : index
      %swap3A_66 = vector.load %arg3[%swap3A_64, %swap3A_65] : memref<3x32xf32, #tpu.memory_space<vmem>>, vector<3x32xf32>
      tpu.vector_store %arg3[%swap3A_64, %swap3A_65], %get3A_63 {strides = array<i32>} : memref<3x32xf32, #tpu.memory_space<vmem>>, vector<3x32xf32>,
    } else {
    }
    return
  }
  func.func @transform_0(%arg0: i32) -> (i32, i32) {
    %add3A = arith.constant 31 : i32
    %add3A_0 = arith.addi %arg0, %add3A : i32
    %c0_i32 = arith.constant 0 : i32
    %c0_i32_1 = arith.constant 0 : i32
    return %add3A_0, %c0_i32 : i32, i32
  }
  func.func @transform_1(%arg0: i32) -> (i32, i32, i32) {
    %add3A = arith.constant 31 : i32
    %add3A_0 = arith.addi %arg0, %add3A : i32
    %c0_i32 = arith.constant 0 : i32
    %c0_i32_1 = arith.constant 0 : i32
    %c0_i32_2 = arith.constant 0 : i32
    return %add3A_0, %c0_i32, %c0_i32_1 : i32, i32, i32
  }
  func.func @transform_2(%arg0: i32) -> (i32, i32) {
    %c0_i32 = arith.constant 0 : i32
    %c0_i32_0 = arith.constant 0 : i32
    %c0_i32_1 = arith.constant 0 : i32
    return %c0_i32, %c0_i32_0 : i32, i32
  }
}

module attributes {stable_mosaic.version = 14 : i64} {
  func.func @_fin_body(%arg0: i32, %arg1: memref<3x32xf32, #tpu.memory_space<vmem>>, %arg2: memref<512x96xf32, #tpu.memory_space<vmem>>, %arg3: memref<1x1xf32, #tpu.memory_space<vmem>>) attributes {dimension_semantics = [#tpu.dimension_semantics<arbitrary>], iteration_bounds = array<i64: 1>, scalar_prefetch = 0 : i64, scratch_operands = 0 : i64, tpu.core_type = #tpu.core_type<tc>, window_params = [{pipeline_mode = #tpu.pipeline_mode<synchronous>, transform_indices = @transform_0, window_bounds = array<i64: 3, 32>}, {pipeline_mode = #tpu.pipeline_mode<synchronous>, transform_indices = @transform_1, window_bounds = array<i64: 512, 96>}, {pipeline_mode = #tpu.pipeline_mode<synchronous>, transform_indices = @transform_2, window_bounds = array<i64: 1, 1>}]} {
    %get3A = arith.constant 0 : index
    %get3A_0 = arith.constant 0 : index
    %get3A_1 = vector.load %arg2[%get3A, %get3A_0] : memref<512x96xf32, #tpu.memory_space<vmem>>, vector<512x96xf32>
    %reduce_sum3A = arith.constant dense<0.000000e+00> : vector<96xf32>
    %reduce_sum3A_2 = vector.multi_reduction <add>, %get3A_1, %reduce_sum3A [0] : vector<512x96xf32> to vector<96xf32>
    %get3A_3 = arith.constant 0 : index
    %get3A_4 = arith.constant 0 : index
    %get3A_5 = vector.load %arg1[%get3A_3, %get3A_4] : memref<3x32xf32, #tpu.memory_space<vmem>>, vector<3x32xf32>
    %slice3A = vector.extract_strided_slice %reduce_sum3A_2 {offsets = [0], sizes = [32], strides = [1]} : vector<96xf32> to vector<32xf32>
    %slice3A_6 = vector.extract_strided_slice %get3A_5 {offsets = [0, 0], sizes = [1, 32], strides = [1, 1]} : vector<3x32xf32> to vector<1x32xf32>
    %squeeze3A = vector.shape_cast %slice3A_6 : vector<1x32xf32> to vector<32xf32>
    %add3A = arith.addf %slice3A, %squeeze3A : vector<32xf32>
    %slice3A_7 = vector.extract_strided_slice %reduce_sum3A_2 {offsets = [32], sizes = [32], strides = [1]} : vector<96xf32> to vector<32xf32>
    %slice3A_8 = vector.extract_strided_slice %get3A_5 {offsets = [1, 0], sizes = [1, 32], strides = [1, 1]} : vector<3x32xf32> to vector<1x32xf32>
    %squeeze3A_9 = vector.shape_cast %slice3A_8 : vector<1x32xf32> to vector<32xf32>
    %add3A_10 = arith.addf %slice3A_7, %squeeze3A_9 : vector<32xf32>
    %slice3A_11 = vector.extract_strided_slice %reduce_sum3A_2 {offsets = [64], sizes = [32], strides = [1]} : vector<96xf32> to vector<32xf32>
    %slice3A_12 = vector.extract_strided_slice %get3A_5 {offsets = [2, 0], sizes = [1, 32], strides = [1, 1]} : vector<3x32xf32> to vector<1x32xf32>
    %squeeze3A_13 = vector.shape_cast %slice3A_12 : vector<1x32xf32> to vector<32xf32>
    %add3A_14 = arith.addf %slice3A_11, %squeeze3A_13 : vector<32xf32>
    %max3A = arith.constant 1.000000e+00 : f32
    %max3A_15 = vector.broadcast %max3A : f32 to vector<32xf32>
    %max3A_16 = arith.maximumf %add3A, %max3A_15 : vector<32xf32>
    %div3A = arith.divf %add3A_10, %max3A_16 : vector<32xf32>
    %div3A_17 = arith.divf %add3A_14, %max3A_16 : vector<32xf32>
    %sub3A = arith.subf %div3A, %div3A_17 : vector<32xf32>
    %abs3A = math.absf %sub3A : vector<32xf32>
    %gt3A = arith.constant 0.000000e+00 : f32
    %gt3A_18 = vector.broadcast %gt3A : f32 to vector<32xf32>
    %gt3A_19 = arith.cmpf ogt, %add3A, %gt3A_18 : vector<32xf32>
    %jit3A = arith.constant 0.000000e+00 : f32
    %broadcast_in_dim3A = vector.broadcast %jit3A : f32 to vector<32xf32>
    %select_n3A = arith.select %gt3A_19, %abs3A, %broadcast_in_dim3A : vector<32xi1>, vector<32xf32>
    %mul3A = arith.mulf %select_n3A, %add3A : vector<32xf32>
    %reduce_sum3A_20 = vector.shape_cast %mul3A : vector<32xf32> to vector<1x32xf32>
    %reduce_sum3A_21 = arith.constant dense<0.000000e+00> : vector<1xf32>
    %reduce_sum3A_22 = vector.multi_reduction <add>, %reduce_sum3A_20, %reduce_sum3A_21 [1] : vector<1x32xf32> to vector<1xf32>
    %reduce_sum3A_23 = vector.shape_cast %reduce_sum3A_22 : vector<1xf32> to vector<1x1xf32>
    %reduce_sum3A_24 = vector.extract %reduce_sum3A_23[0, 0] : f32 from vector<1x1xf32>
    %div3A_25 = arith.constant 1.000000e+06 : f32
    %div3A_26 = arith.divf %reduce_sum3A_24, %div3A_25 : f32
    %broadcast_in_dim3A_27 = vector.broadcast %div3A_26 : f32 to vector<1x1xf32>
    %swap3A = arith.constant 0 : index
    %swap3A_28 = arith.constant 0 : index
    %swap3A_29 = vector.load %arg3[%swap3A, %swap3A_28] : memref<1x1xf32, #tpu.memory_space<vmem>>, vector<1x1xf32>
    tpu.vector_store %arg3[%swap3A, %swap3A_28], %broadcast_in_dim3A_27 {strides = array<i32>} : memref<1x1xf32, #tpu.memory_space<vmem>>, vector<1x1xf32>,
    return
  }
  func.func @transform_0(%arg0: i32) -> (i32, i32) {
    %c0_i32 = arith.constant 0 : i32
    %c0_i32_0 = arith.constant 0 : i32
    %c0_i32_1 = arith.constant 0 : i32
    return %c0_i32, %c0_i32_0 : i32, i32
  }
  func.func @transform_1(%arg0: i32) -> (i32, i32) {
    %c0_i32 = arith.constant 0 : i32
    %c0_i32_0 = arith.constant 0 : i32
    %c0_i32_1 = arith.constant 0 : i32
    return %c0_i32, %c0_i32_0 : i32, i32
  }
  func.func @transform_2(%arg0: i32) -> (i32, i32) {
    %c0_i32 = arith.constant 0 : i32
    %c0_i32_0 = arith.constant 0 : i32
    %c0_i32_1 = arith.constant 0 : i32
    return %c0_i32, %c0_i32_0 : i32, i32
  }
}

</mosaic_0001>

<sc_bundles>
// kernel: kernel.5.cloned.1.call-start
scs
__scs_entry_jumppad:
0x0: {  	(pc) =	sbr.rel $0x88, $3  }
0x1: {  	(tag) =	ssettag $0x0;
	lr =	simm.s32 $0x1  }
0x2: {  	[smem:$0x3F9F] =	sst lr;
	_ =	strace $0xD0000000  }
0x3: {  	_ = 	snop  }
0x4: {  	_ = 	snop  }
0x5: {  	_ = 	snop  }
0x6: {  	_ = 	snop  }
0x7: {  	_ = 	snop  }
__scs_overlays_trampoline_lowered:
0x8: {  	[smem:$0x3FAE] =	sst s0  }
0x9: {  	[smem:$0x3FAF] =	sst s1  }
0xa: {  	[smem:$0x3FB0] =	sst s2  }
0xb: {  	[smem:$0x3FB1] =	sst s3  }
0xc: {  	[smem:$0x3FB2] =	sst s4  }
0xd: {  	[smem:$0x3FB3] =	sst s5  }
0xe: {  	[smem:$0x3FB4] =	sst s6  }
0xf: {  	[smem:$0x3FB5] =	sst s7  }
0x10: {  	[smem:$0x3FB6] =	sst s8  }
0x11: {  	[smem:$0x3FB7] =	sst s9;
	s0 =	simm.s32 @!p0 $0x0  }
0x12: {  	s1 =	sld [smem:$0x3F9D];
	s0 =	simm.s32 @p0 $0x1  }
0x13: {  	[smem:$0x3FB8] =	sst s0;
	s0 =	simm.s32 @!p1 $0x0  }
0x14: {  	s2 =	sld [smem:$0x3F9C];
	s0 =	simm.s32 @p1 $0x1  }
0x15: {  	[smem:$0x3FB9] =	sst s0;
	s0 =	simm.s32 @!p2 $0x0  }
0x16: {  	s3 =	sld [smem:$0x3FDB];
	s0 =	simm.s32 @p2 $0x1  }
0x17: {  	s4 =	simm.s32 $0x1BF5;
	[smem:$0x3FBB] =	sst s0  }
0x18: {  	s0 =	sld [smem:$0x3F9E];
	_ =	swait.ge [sflag:s4], $0x0  }
0x19: {  	s7 =	sld [smem:$0x3F9F]  }
0x1a: {  	s8 =	sadd.s32 $0xFFFFE003, lr  }
0x1b: {  	s9 =	sadd.s32 $0xFFFFFEF7, lr;
	s5 =	simm.s32 $0xFFFFFFFF;
	p2 =	slt.u32 s8, $0xFFFFF086  }
0x1c: {  	p1 =	slt.u32 s9, $0xF7A;
	s5 =	simm.s32 @!p2 $0x0  }
0x1d: {  	s5 =	simm.s32 @p1 $0x1;
	p0 =	seq.s32 s7, s2  }
0x1e: {  	s7 =	smul.u32 @!p0 $0xF7A, s2;
	p2 =	seq.s32 @!p0 s5, $0x0  }
0x1f: {  	s9 =	smul.u32 $0xF7A, s1;
	s8 =	simm.s32 @!p0 $0x1BF5;
	p2 =	por !p2, p0  }
0x20: {  	[sflag:s8] =	ssyncset.s32 @!p0 $0xFFFFF086;
	s6 =	sadd.s32 @!p0 s3, s7;
	s7 =	simm.s32 @!p0 $0x108  }
0x21: {  	s3 =	sadd.s32 s3, s9;
	s6 =	sadd.s32 @!p0 $0x88, s6;
	s7 =	simm.s32 @p2 $0x1082  }
0x22: {  	[simem:s7], [sflag:s8] =	dma.local @!p0 [hbm:s6], $0xF7A  }
0x23: {  	s9 =	sor.u32 $0xD0000000, s2;
	s6 =	simm.s32 $0x108;
	_ =	swait.ge @!p0 [sflag:s8], $0x0  }
0x24: {  	s3 =	sadd.s32 $0x88, s3;
	s6 =	simm.s32 @!p1 $0x1082;
	[sflag:s4] =	ssyncset.s32 $0xFFFFF086  }
0x25: {  	[simem:s6], [sflag:s4] =	dma.local [hbm:s3], $0xF7A  }
0x26: {  	[smem:$0x3F9F] =	sst s1;
	(tag) =	ssettag s2;
	_ =	strace s9  }
0x27: {  	s1 =	sld [smem:$0x3FAF]  }
0x28: {  	s2 =	sld [smem:$0x3FB0]  }
0x29: {  	s4 =	sld [smem:$0x3FB2]  }
0x2a: {  	p0 =	seq.s32 s5, $0x0;
	s5 =	sld [smem:$0x3FB3]  }
0x2b: {  	s6 =	sld [smem:$0x3FB4]  }
0x2c: {  	s7 =	sld [smem:$0x3FB5]  }
0x2d: {  	s3 =	simm.s32 $0x108;
	s8 =	sld [smem:$0x3FB6]  }
0x2e: {  	s3 =	simm.s32 @!p0 $0x1082;
	s9 =	sld [smem:$0x3FB7]  }
0x2f: {  	lr =	sadd.s32 s0, s3;
	s0 =	sld [smem:$0x3FAE]  }
0x30: {  	s3 =	sld [smem:$0x3FB1]  }
0x31: {  	[smem:$0x3FBA] =	sst s10  }
0x32: {  	s10 =	sld [smem:$0x3FB8];
	_ =	sdelay $0x3  }
0x33: {  	p0 =	seq.s32 s10, $0x1;
	s10 =	sld [smem:$0x3FBA];
	_ =	sdelay $0x3  }
0x34: {  	[smem:$0x3FBA] =	sst s10  }
0x35: {  	s10 =	sld [smem:$0x3FB9];
	_ =	sdelay $0x3  }
0x36: {  	p1 =	seq.s32 s10, $0x1;
	s10 =	sld [smem:$0x3FBA];
	_ =	sdelay $0x3  }
0x37: {  	[smem:$0x3FBA] =	sst s10  }
0x38: {  	s10 =	sld [smem:$0x3FBB]  }
0x39: {  	_ = 	snop;
	(pc) =	sbr.ind lr, $3  }
0x3a: {  	_ = 	snop  }
0x3b: {  	_ = 	snop  }
0x3c: {  	p2 =	seq.s32 s10, $0x1;
	s10 =	sld [smem:$0x3FBA]  }
0x3d: {  	_ =	shalt  }
0x3e: {  	_ =	shalt  }
0x3f: {  	_ =	shalt  }
0x40: {  	_ =	shalt  }
0x41: {  	_ =	shalt  }
0x42: {  	_ =	shalt  }
0x43: {  	_ =	shalt  }
0x44: {  	_ =	shalt  }
0x45: {  	_ =	shalt  }
0x46: {  	_ =	shalt  }
0x47: {  	_ =	shalt  }
0x48: {  	_ =	shalt  }
0x49: {  	_ =	shalt  }
0x4a: {  	_ =	shalt  }
0x4b: {  	_ =	shalt  }
0x4c: {  	_ =	shalt  }
0x4d: {  	_ =	shalt  }
0x4e: {  	_ =	shalt  }
0x4f: {  	_ =	shalt  }
0x50: {  	_ =	shalt  }
0x51: {  	_ =	shalt  }
0x52: {  	_ =	shalt  }
0x53: {  	_ =	shalt  }
0x54: {  	_ =	shalt  }
0x55: {  	_ =	shalt  }
0x56: {  	_ =	shalt  }
0x57: {  	_ =	shalt  }
0x58: {  	_ =	shalt  }
0x59: {  	_ =	shalt  }
0x5a: {  	_ =	shalt  }
0x5b: {  	_ =	shalt  }
0x5c: {  	_ =	shalt  }
0x5d: {  	_ =	shalt  }
0x5e: {  	_ =	shalt  }
0x5f: {  	_ =	shalt  }
0x60: {  	_ =	shalt  }
0x61: {  	_ =	shalt  }
0x62: {  	_ =	shalt  }
0x63: {  	_ =	shalt  }
0x64: {  	_ =	shalt  }
0x65: {  	_ =	shalt  }
0x66: {  	_ =	shalt  }
0x67: {  	_ =	shalt  }
0x68: {  	_ =	shalt  }
0x69: {  	_ =	shalt  }
0x6a: {  	_ =	shalt  }
0x6b: {  	_ =	shalt  }
0x6c: {  	_ =	shalt  }
0x6d: {  	_ =	shalt  }
0x6e: {  	_ =	shalt  }
0x6f: {  	_ =	shalt  }
0x70: {  	_ =	shalt  }
0x71: {  	_ =	shalt  }
0x72: {  	_ =	shalt  }
0x73: {  	_ =	shalt  }
0x74: {  	_ =	shalt  }
0x75: {  	_ =	shalt  }
0x76: {  	_ =	shalt  }
0x77: {  	_ =	shalt  }
0x78: {  	_ =	shalt  }
0x79: {  	_ =	shalt  }
0x7a: {  	_ =	shalt  }
0x7b: {  	_ =	shalt  }
0x7c: {  	_ =	shalt  }
0x7d: {  	_ =	shalt  }
0x7e: {  	_ =	shalt  }
0x7f: {  	_ =	shalt  }
0x80: {  	_ =	shalt  }
0x81: {  	_ =	shalt  }
0x82: {  	_ =	shalt  }
0x83: {  	_ =	shalt  }
0x84: {  	_ =	shalt  }
0x85: {  	_ =	shalt  }
0x86: {  	_ =	shalt  }
0x87: {  	_ =	shalt  }
.Lfunc_end0:
.L_simem_size_0:
called_computation_lowered:
.L_overlay_start_0:
0x88: {  	s2 =	sld [smem:$0x3FD9]  }
0x89: {  	s3 =	sld [smem:$0x3FFE];
	_ =	sdelay $0x1  }
0x8a: {  	s1 =	srdreg.scid  }
0x8b: {  	s0 =	sand.u32 $0x1, s1  }
0x8c: {  	s17 =	sshll.u32 s0, $0xA;
	s2 =	sadd.s32 s3, s2  }
0x8d: {  	s2 =	sadd.s32 s2, s17  }
0x8e: {  	[smem:$0x3FC6] =	sst s2  }
0x8f: {  	_ = 	snop  }
0x90: {  	s2 =	sld [smem:$0x3FC8];
	(tm) =	ssettm $0x1  }
0x91: {  	s18 =	sld [smem:$0x3FFB];
	_ =	sdelay $0x3  }
0x92: {  	_ =	strace s18  }
0x93: {  	s3 =	sld [smem:$0x3FFC];
	_ =	sdelay $0x3  }
0x94: {  	_ =	strace s3  }
0x95: {  	s3 =	sld [smem:$0x3FFD];
	_ =	sdelay $0x3  }
0x96: {  	_ =	strace s3  }
0x97: {  	_ =	strace $0x8FFFFFFF  }
0x98: {  	s19 =	sld [smem:$0x3FDB];
	_ =	sdelay $0x1  }
0x99: {  	s4 =	simm.s32 $_scs_section_size  }
0x9a: {  	s5 =	simm.s32 $_size__tile_overlayer_lowered;
	s6 =	simm.s32 $_tile_overlayer_lowered  }
0x9b: {  	s22 =	simm.s32 $0x1BFF;
	s21 =	sshll.u32 s6, $0x1;
	s3 =	sadd.s32 s4, s19  }
0x9c: {  	s7 =	simm.s32 $0x0;
	s20 =	sshll.u32 s5, $0x1;
	s5 =	sadd.s32 s21, s3  }
0x9d: {  	[timem:s7], [sflag:s22] =	dma.local [hbm:s5], s20  }
0x9e: {  	_ =	swait.ge [sflag:s22], s20  }
0x9f: {  	s4 =	ssub.s32 $0x0, s20;
	[sflag:s22] =	ssyncset.done $0x0  }
0xa0: {  	[sflag:s22] =	ssyncadd.s32 s4;
	_ =	sdelay $0x1  }
0xa1: {  	s23 =	simm.s32 $0x1B8B  }
0xa2: {  	_ =	swait.ge [sflag:s23], $0x1  }
0xa3: {  	[sflag:s23] =	ssyncset.done $0x0  }
0xa4: {  	s25 =	simm.s32 $0x1B8E;
	s24 =	sld [smem:$0x3FFE];
	[sflag:s23] =	ssyncadd.s32 $0xFFFFFFFF  }
0xa5: {  	s26 =	simm.s32 $execute0_lowered;
	[smem:$0x3FD2] =	sst s25  }
0xa6: {  	s5 =	sshll.u32 s26, $0x1;
	_ =	strace $0x80000046;
	[dreg:$0x1] =	wrdreg $0xFFFFFFFF  }
0xa7: {  	s28 =	simm.s32 $_size_execute0_lowered;
	s3 =	sadd.s32 s3, s5;
	[dreg:$0x0] =	wrdreg $0x0  }
0xa8: {  	s5 =	sshll.u32 s28, $0x1;
	[dreg:$0x2] =	wrdreg s3  }
0xa9: {  	[dreg:$0x3] =	wrdreg s5  }
0xaa: {  	[dreg:$0x4] =	wrdreg $0xC0  }
0xab: {  	_ =	task [dreg:s7], $0x5FFFF  }
0xac: {  	[dreg:$0x1] =	wrdreg $0xFFFFFFFF  }
0xad: {  	[dreg:$0x0] =	wrdreg $0x60  }
0xae: {  	[dreg:$0x2] =	wrdreg s24  }
0xaf: {  	[dreg:$0x3] =	wrdreg s2  }
0xb0: {  	[dreg:$0x4] =	wrdreg $0x9  }
0xb1: {  	_ =	task.clear_ibuf [dreg:s7], $0x5FFFF;
	_ =	strace $0x90000046  }
0xb2: {  	s29 =	simm.s32 $0x9;
	_ =	strace $0x80000048  }
0xb3: {  	_ =	swait.ge [sflag:s29], $0x1  }
0xb4: {  	[sflag:s29] =	ssyncadd.s32 $0xFFFFFFFF  }
0xb5: {  	_ =	strace $0x90000048  }
0xb6: {  	_ =	sfence  }
0xb7: {  	s30 =	sld [smem:$0x0];
	_ =	sdelay $0x2  }
0xb8: {  	s31 =	sshll.u32 s1, $0xD;
	s1 =	sshrl.u32 s1, $0x2  }
0xb9: {  	s3 =	sand.u32 $0x4000, s31;
	s1 =	sadd.s32 s1, s30  }
0xba: {  	s0 =	sor.u32 s3, s0;
	s1 =	sshll.u32 s1, $0x11  }
0xbb: {  	s0 =	sor.u32 s1, s0  }
0xbc: {  	s0 =	sadd.s32 $0x8F2B, s0  }
0xbd: {  	[sflag:s0] =	ssyncadd.remote.s32 $0x1  }
0xbe: {  	_ =	sfence.sel $0xFFFF  }
0xbf: {  	[dreg:$0x0] =	wrdreg $0xFFFFFFFF;
	(pc) =	sbr.abs _section_cstart, $3  }
0xc0: {  	[dreg:$0x1] =	wrdreg $0xFFFFFFFF  }
0xc1: {  	_ =	task.clear_ibuf [dreg:s7], $0x2FFFF;
	_ =	strace $0x9FFFFFFF  }
0xc2: {  	(tm) =	ssettm $0x7FFFFFFF  }
0xc3: {  	_ =	shalt  }
tec
execute0_lowered:
.L_overlay_start_1:
0x0: {  	(tag) =	ssettag $0x1  }
0x1: {  	v0 =	vlaneseq.u32  }
0x2: {  	v1 =	vmul.u32 $0x10, v0;
	_ =	sdelay $0x1  }
0x3: {  	v0 =	vor.u32 $0x105, v1  }
0x4: {  	[tilespmem:$0x1FCB0] =	vst v0;
	v0 =	vor.u32 $0x205, v1  }
0x5: {  	[tilespmem:$0x1FCC0] =	vst v0;
	v0 =	vor.u32 $0x305, v1  }
0x6: {  	[tilespmem:$0x1FCD0] =	vst v0;
	v0 =	vor.u32 $0x405, v1  }
0x7: {  	[tilespmem:$0x1FCE0] =	vst v0;
	v0 =	vor.u32 $0x505, v1  }
0x8: {  	[tilespmem:$0x1FCF0] =	vst v0;
	v0 =	vadd.s32 $0x545, v1  }
0x9: {  	[tilespmem:$0x1FD00] =	vst v0;
	v0 =	vor.u32 $0x6, v1  }
0xa: {  	[tilespmem:$0x1FD10] =	vst v0;
	v0 =	vor.u32 $0x106, v1  }
0xb: {  	[tilespmem:$0x1FD20] =	vst v0;
	v0 =	vor.u32 $0x206, v1  }
0xc: {  	[tilespmem:$0x1FD30] =	vst v0;
	v0 =	vor.u32 $0x306, v1  }
0xd: {  	[tilespmem:$0x1FD40] =	vst v0;
	v0 =	vor.u32 $0x406, v1  }
0xe: {  	s5 =	rddreg [dreg:$0x0];
	s3 =	srdreg.scid;
	[tilespmem:$0x1FD50] =	vst v0;
	v0 =	vor.u32 $0x506, v1  }
0xf: {  	s0 =	rddreg [dreg:$0x1];
	s6 =	sand.u32 $0x1, s3;
	s3 =	simm.s32 $0x0;
	[tilespmem:$0x1FD60] =	vst v0;
	v0 =	vadd.s32 $0x546, v1  }
0x10: {  	[smem:$0x7FF] =	sst s3;
	v3 =	vor.u32 $0x7, v1;
	[tilespmem:$0x1FD70] =	vst v0  }
0x11: {  	s2 =	rddreg [dreg:$0x2];
	v4 =	vor.u32 $0x200, v1;
	_ =	strace $0x80000047;
	[tilespmem:$0x1FD80] =	vst v3  }
0x12: {  	v5 =	vor.u32 $0x300, v1;
	[tilespmem:$0x1FE60] =	vst v4  }
0x13: {  	v6 =	vor.u32 $0x400, v1;
	[tilespmem:$0x1FE70] =	vst v5  }
0x14: {  	v7 =	vor.u32 $0x500, v1;
	[tilespmem:$0x1FE80] =	vst v6  }
0x15: {  	v8 =	vadd.s32 $0x540, v1;
	[tilespmem:$0x1FE90] =	vst v7  }
0x16: {  	v9 =	vor.u32 $0x1, v1;
	[tilespmem:$0x1FEA0] =	vst v8  }
0x17: {  	v10 =	vor.u32 $0x101, v1;
	[tilespmem:$0x1FEB0] =	vst v9  }
0x18: {  	v11 =	vor.u32 $0x201, v1;
	[tilespmem:$0x1FEC0] =	vst v10  }
0x19: {  	v12 =	vor.u32 $0x301, v1;
	[tilespmem:$0x1FED0] =	vst v11  }
0x1a: {  	v13 =	vor.u32 $0x401, v1;
	[tilespmem:$0x1FEE0] =	vst v12  }
0x1b: {  	v14 =	vor.u32 $0x501, v1;
	[tilespmem:$0x1FEF0] =	vst v13  }
0x1c: {  	v15 =	vadd.s32 $0x541, v1;
	[tilespmem:$0x1FF00] =	vst v14  }
0x1d: {  	v16 =	vor.u32 $0x2, v1;
	[tilespmem:$0x1FF10] =	vst v15  }
0x1e: {  	v17 =	vor.u32 $0x102, v1;
	[tilespmem:$0x1FF20] =	vst v16  }
0x1f: {  	v18 =	vor.u32 $0x202, v1;
	[tilespmem:$0x1FF30] =	vst v17  }
0x20: {  	v19 =	vor.u32 $0x302, v1;
	[tilespmem:$0x1FF40] =	vst v18  }
0x21: {  	v20 =	vor.u32 $0x402, v1;
	[tilespmem:$0x1FF50] =	vst v19  }
0x22: {  	v21 =	vor.u32 $0x502, v1;
	[tilespmem:$0x1FF60] =	vst v20  }
0x23: {  	v22 =	vadd.s32 $0x542, v1;
	[tilespmem:$0x1FF70] =	vst v21  }
0x24: {  	v23 =	vor.u32 $0x3, v1;
	[tilespmem:$0x1FF80] =	vst v22  }
0x25: {  	v24 =	vor.u32 $0x103, v1;
	[tilespmem:$0x1FF90] =	vst v23  }
0x26: {  	v25 =	vor.u32 $0x203, v1;
	[tilespmem:$0x1FFA0] =	vst v24  }
0x27: {  	v26 =	vor.u32 $0x303, v1;
	[tilespmem:$0x1FFB0] =	vst v25  }
0x28: {  	v27 =	vor.u32 $0x403, v1;
	[tilespmem:$0x1FFC0] =	vst v26  }
0x29: {  	v28 =	vor.u32 $0x503, v1;
	[tilespmem:$0x1FFD0] =	vst v27  }
0x2a: {  	vm0 =	vcmask $0x700;
	vm6 =	vcmask $0xB08;
	v29 =	vadd.s32 $0x543, v1;
	[tilespmem:$0x1FFE0] =	vst v28  }
0x2b: {  	s1 =	stileid.u32;
	vm7 =	vcmask $0xF0C;
	s13 =	simm.s32 $0x10000;
	v0 =	vimm.s32 $0x5FF;
	v3 =	vor.u32 $0x107, v1;
	[tilespmem:$0x1FFF0] =	vst v29  }
0x2c: {  	vm8 =	vcmask $0x1710;
	s14 =	simm.s32 $0x8000;
	s15 =	simm.s32 $0x10100;
	s16 =	simm.s32 $0x1;
	v0 =	vsel vm0, $0x7F, v0;
	[tilespmem:$0x1FD90] =	vst v3;
	v3 =	vor.u32 $0x207, v1  }
0x2d: {  	vm9 =	vcmask $0x1B18;
	s17 =	simm.s32 $0x3;
	s18 =	simm.s32 $0x10200;
	s19 =	simm.s32 $0x10880;
	v0 =	vsel vm6, $0xFF, v0;
	[tilespmem:$0x1FDA0] =	vst v3;
	v3 =	vor.u32 $0x307, v1  }
0x2e: {  	vm10 =	vcmask $0x1F1C;
	s20 =	simm.s32 $0x2;
	s21 =	simm.s32 $0x4;
	s22 =	simm.s32 $0x80;
	v0 =	vsel vm7, $0x17F, v0;
	[tilespmem:$0x1FDB0] =	vst v3;
	v3 =	vor.u32 $0x407, v1  }
0x2f: {  	vm11 =	vcmask $0x2720;
	s23 =	simm.s32 $0x400;
	s24 =	simm.s32 $0x5;
	s4 =	sshll.u32 s1, $0x1;
	v0 =	vsel vm8, $0x1FF, v0;
	[tilespmem:$0x1FDC0] =	vst v3;
	v3 =	vor.u32 $0x507, v1  }
0x30: {  	vm12 =	vcmask $0x2B28;
	s25 =	simm.s32 $0x0;
	s26 =	sshrl.u32 s1, $0x2;
	s7 =	sor.u32 s6, s4;
	v0 =	vsel vm9, $0x27F, v0;
	[tilespmem:$0x1FDD0] =	vst v3;
	v3 =	vadd.s32 $0x547, v1  }
0x31: {  	vm13 =	vcmask $0x2F2C;
	s8 =	smul.u32 $0x3000, s26;
	s4 =	sadd.s32 $0x600, s5;
	s6 =	ssub.s32 $0x2, s6;
	v0 =	vsel vm10, $0x2FF, v0;
	[tilespmem:$0x1FDE0] =	vst v3;
	v3 =	vor.u32 $0x8, v1  }
0x32: {  	vm14 =	vcmask $0x3730;
	s9 =	sshll.u32 s7, $0x7;
	s10 =	smul.u32 $0x3E00, s7;
	s28 =	sshrl.u32 s6, $0x1;
	v0 =	vsel vm11, $0x37F, v0;
	[tilespmem:$0x1FDF0] =	vst v3;
	v3 =	vor.u32 $0x108, v1  }
0x33: {  	vm15 =	vcmask $0x3B38;
	s7 =	smul.u32 $0x3E000, s7;
	s9 =	sand.u32 $0x380, s9;
	s12 =	ssub.s32 s6, s28;
	v0 =	vsel vm12, $0x3FF, v0;
	[tilespmem:$0x1FE00] =	vst v3;
	v3 =	vor.u32 $0x208, v1  }
0x34: {  	v2 =	vor.u32 $0x100, v1;
	s8 =	sor.u32 s8, s9;
	s29 =	sor.u32 $0x100, s10;
	s30 =	sshrl.u32 s10, $0x3;
	v0 =	vsel vm13, $0x47F, v0;
	[tilespmem:$0x1FE10] =	vst v3;
	v3 =	vor.u32 $0x308, v1  }
0x35: {  	v56 =	vor.u32 $0x4, v1;
	s9 =	sadd.s32 $0x200, s10;
	s10 =	sadd.s32 $0x300, s10;
	s12 =	smax.u32 s12, $0x1;
	v0 =	vsel vm14, $0x4FF, v0;
	[tilespmem:$0x1FE20] =	vst v3;
	v3 =	vor.u32 $0x408, v1  }
0x36: {  	v57 =	vor.u32 $0x104, v1;
	v58 =	vor.u32 $0x204, v1;
	s8 =	sshrl.u32 s8, $0x3;
	s31 =	sshll.u32 s29, $0x4;
	s6 =	sadd.s32 s0, s30;
	v0 =	vsel vm15, $0x57F, v0;
	[tilespmem:$0x1FE30] =	vst v3  }
0x37: {  	v59 =	vor.u32 $0x304, v1;
	v60 =	vor.u32 $0x404, v1;
	s11 =	sadd.s32 s8, s5;
	s5 =	sadd.s32 s4, s7;
	s8 =	sshrl.u32 s29, $0x3;
	[tilespmem:$0x1FE40] =	vst v0;
	v0 =	vor.u32 $0x508, v1  }
0x38: {  	v61 =	vor.u32 $0x504, v1;
	v62 =	vadd.s32 $0x544, v1;
	v63 =	vor.u32 $0x5, v1;
	s7 =	sadd.s32 s4, s31;
	s8 =	sadd.s32 s0, s8;
	s11 =	sadd.s32 $0xF42A00, s11;
	[tilespmem:$0x1FE50] =	vst v0  }
.LBB2_1:
0x39: {  	v0 =	vimm.f32 $0.0e+00  }
0x3a: {  	[tilespmem:$0x10880] =	vst v0  }
0x3b: {  	[tilespmem:$0x10890] =	vst v0  }
0x3c: {  	[tilespmem:$0x108A0] =	vst v0  }
0x3d: {  	[tilespmem:$0x108B0] =	vst v0  }
0x3e: {  	[tilespmem:$0x108C0] =	vst v0  }
0x3f: {  	[tilespmem:$0x108D0] =	vst v0  }
0x40: {  	[tilespmem:$0x108E0] =	vst v0  }
0x41: {  	[tilespmem:$0x108F0] =	vst v0  }
0x42: {  	[tilespmem:$0x10900] =	vst v0  }
0x43: {  	[tilespmem:$0x10910] =	vst v0  }
0x44: {  	[tilespmem:$0x10920] =	vst v0  }
0x45: {  	[tilespmem:$0x10930] =	vst v0  }
0x46: {  	[tilespmem:$0x10940] =	vst v0  }
0x47: {  	[tilespmem:$0x10950] =	vst v0  }
0x48: {  	[tilespmem:$0x10960] =	vst v0  }
0x49: {  	[tilespmem:$0x10970] =	vst v0  }
0x4a: {  	[tilespmem:$0x10980] =	vst v0  }
0x4b: {  	[tilespmem:$0x10990] =	vst v0  }
0x4c: {  	[tilespmem:$0x109A0] =	vst v0  }
0x4d: {  	[tilespmem:$0x109B0] =	vst v0  }
0x4e: {  	[tilespmem:$0x109C0] =	vst v0  }
0x4f: {  	[tilespmem:$0x109D0] =	vst v0  }
0x50: {  	[tilespmem:$0x109E0] =	vst v0  }
0x51: {  	[tilespmem:$0x109F0] =	vst v0  }
0x52: {  	[tilespmem:$0x10A00] =	vst v0  }
0x53: {  	[tilespmem:$0x10A10] =	vst v0  }
0x54: {  	[tilespmem:$0x10A20] =	vst v0  }
0x55: {  	[tilespmem:$0x10A30] =	vst v0  }
0x56: {  	[tilespmem:$0x10A40] =	vst v0  }
0x57: {  	[tilespmem:$0x10A50] =	vst v0  }
0x58: {  	[tilespmem:$0x10A60] =	vst v0  }
0x59: {  	[tilespmem:$0x10A70] =	vst v0  }
0x5a: {  	[tilespmem:$0x10A80] =	vst v0  }
0x5b: {  	[tilespmem:$0x10A90] =	vst v0  }
0x5c: {  	[tilespmem:$0x10AA0] =	vst v0  }
0x5d: {  	[tilespmem:$0x10AB0] =	vst v0  }
0x5e: {  	[tilespmem:$0x10AC0] =	vst v0  }
0x5f: {  	[tilespmem:$0x10AD0] =	vst v0  }
0x60: {  	[tilespmem:$0x10AE0] =	vst v0  }
0x61: {  	[tilespmem:$0x10AF0] =	vst v0  }
0x62: {  	[tilespmem:$0x10B00] =	vst v0  }
0x63: {  	[tilespmem:$0x10B10] =	vst v0  }
0x64: {  	[tilespmem:$0x10B20] =	vst v0  }
0x65: {  	[tilespmem:$0x10B30] =	vst v0  }
0x66: {  	[tilespmem:$0x10B40] =	vst v0  }
0x67: {  	[tilespmem:$0x10B50] =	vst v0  }
0x68: {  	[tilespmem:$0x10B60] =	vst v0  }
0x69: {  	[tilespmem:$0x10B70] =	vst v0  }
0x6a: {  	[tilespmem:$0x10B80] =	vst v0  }
0x6b: {  	[tilespmem:$0x10B90] =	vst v0  }
0x6c: {  	[tilespmem:$0x10BA0] =	vst v0  }
0x6d: {  	[tilespmem:$0x10BB0] =	vst v0  }
0x6e: {  	[tilespmem:$0x10BC0] =	vst v0  }
0x6f: {  	[tilespmem:$0x10BD0] =	vst v0  }
0x70: {  	[tilespmem:$0x10BE0] =	vst v0  }
0x71: {  	[tilespmem:$0x10BF0] =	vst v0  }
0x72: {  	[tilespmem:$0x10C00] =	vst v0  }
0x73: {  	[tilespmem:$0x10C10] =	vst v0  }
0x74: {  	[tilespmem:$0x10C20] =	vst v0  }
0x75: {  	[tilespmem:$0x10C30] =	vst v0  }
0x76: {  	[tilespmem:$0x10C40] =	vst v0  }
0x77: {  	[tilespmem:$0x10C50] =	vst v0  }
0x78: {  	[tilespmem:$0x10C60] =	vst v0  }
0x79: {  	[tilespmem:$0x10C70] =	vst v0  }
0x7a: {  	[tilespmem:$0x10C80] =	vst v0  }
0x7b: {  	[tilespmem:$0x10C90] =	vst v0  }
0x7c: {  	[tilespmem:$0x10CA0] =	vst v0  }
0x7d: {  	[tilespmem:$0x10CB0] =	vst v0  }
0x7e: {  	[tilespmem:$0x10CC0] =	vst v0  }
0x7f: {  	[tilespmem:$0x10CD0] =	vst v0  }
0x80: {  	[tilespmem:$0x10CE0] =	vst v0  }
0x81: {  	[tilespmem:$0x10CF0] =	vst v0  }
0x82: {  	[tilespmem:$0x10D00] =	vst v0  }
0x83: {  	[tilespmem:$0x10D10] =	vst v0  }
0x84: {  	[tilespmem:$0x10D20] =	vst v0  }
0x85: {  	[tilespmem:$0x10D30] =	vst v0  }
0x86: {  	[tilespmem:$0x10D40] =	vst v0  }
0x87: {  	[tilespmem:$0x10D50] =	vst v0  }
0x88: {  	[tilespmem:$0x10D60] =	vst v0  }
0x89: {  	[tilespmem:$0x10D70] =	vst v0  }
0x8a: {  	[tilespmem:$0x10D80] =	vst v0  }
0x8b: {  	[tilespmem:$0x10D90] =	vst v0  }
0x8c: {  	[tilespmem:$0x10DA0] =	vst v0  }
0x8d: {  	[tilespmem:$0x10DB0] =	vst v0  }
0x8e: {  	[tilespmem:$0x10DC0] =	vst v0  }
0x8f: {  	[tilespmem:$0x10DD0] =	vst v0  }
0x90: {  	[tilespmem:$0x10DE0] =	vst v0  }
0x91: {  	[tilespmem:$0x10DF0] =	vst v0  }
0x92: {  	[tilespmem:$0x10E00] =	vst v0  }
0x93: {  	[tilespmem:$0x10E10] =	vst v0  }
0x94: {  	[tilespmem:$0x10E20] =	vst v0  }
0x95: {  	[tilespmem:$0x10E30] =	vst v0  }
0x96: {  	[tilespmem:$0x10E40] =	vst v0  }
0x97: {  	[tilespmem:$0x10E50] =	vst v0  }
0x98: {  	[tilespmem:$0x10E60] =	vst v0  }
0x99: {  	[tilespmem:$0x10E70] =	vst v0  }
0x9a: {  	[tilespmem:s3], [sflag:$0x1] =	stream.linear.gather [hbm4b:s5+s3], $0x8000, $0x38;
	[tilespmem:$0x10E80] =	vst v63  }
0x9b: {  	_ = 	snop  }
0x9c: {  	[tilespmem:s13], [sflag:$0x3] =	stream.linear.gather [hbm4b:s6+s3], $0x100, $0x38;
	[tilespmem:$0x10E80] =	vst v63  }
0x9d: {  	_ = 	snop  }
0x9e: {  	[tilespmem:s14], [sflag:$0x2] =	stream.linear.gather [hbm4b:s7+s3], $0x8000, $0x38;
	[tilespmem:$0x10E80] =	vst v63  }
0x9f: {  	s26 =	simm.s32 $0x0  }
0xa0: {  	[tilespmem:s15], [sflag:$0x4] =	stream.linear.gather [hbm4b:s8+s3], $0x100, $0x38;
	[tilespmem:$0x10E80] =	vst v63  }
.LBB2_2:
0xa1: {  	_ =	swait.ge [sflag:s16], $0x8000  }
0xa2: {  	[sflag:s16] =	ssyncset.done $0x0  }
0xa3: {  	s28 =	sshll.u32 s26, $0x9;
	p0 =	seq.s32 s26, $0x1E;
	[sflag:s16] =	ssyncadd.s32 $0xFFFF8000  }
0xa4: {  	s29 =	sadd.s32 @!p0 s28, s9;
	_ =	swait.ge [sflag:s17], $0x100  }
0xa5: {  	s31 =	simm.s32 @!p0 $0x0;
	s30 =	sshll.u32 @!p0 s29, $0x4;
	[sflag:s17] =	ssyncset.done $0x0  }
0xa6: {  	s29 =	sshrl.u32 @!p0 s29, $0x3;
	s30 =	sadd.s32 @!p0 s4, s30;
	[sflag:s17] =	ssyncadd.s32 $0xFFFFFF00  }
0xa7: {  	[tilespmem:s31], [sflag:$0x1] =	stream.linear.gather @!p0 [hbm4b:s30+s31], $0x8000, $0x38;
	[tilespmem:$0x10E80] =	vst v63  }
0xa8: {  	s29 =	sadd.s32 @!p0 s0, s29;
	s30 =	simm.s32 @!p0 $0x10000  }
0xa9: {  	[tilespmem:s30], [sflag:$0x3] =	stream.linear.gather @!p0 [hbm4b:s29+s31], $0x100, $0x38;
	[tilespmem:$0x10E80] =	vst v63  }
0xaa: {  	s29 =	simm.s32 $0x0;
	s30 =	simm.s32 $0x400  }
.LBB2_3:
0xab: {  	v3 =	vld [tilespmem:s30+$0xFFFFFC00];
	_ =	sdelay $0x4  }
0xac: {  	[tilespmem:v1+s18+$0x0] =	vst.idx.msk $0xffff, v3  }
0xad: {  	v3 =	vld [tilespmem:s30+$0xFFFFFC10];
	_ =	sdelay $0x4  }
0xae: {  	[tilespmem:v2+s18+$0x0] =	vst.idx.msk $0xffff, v3  }
0xaf: {  	v3 =	vld [tilespmem:s30+$0xFFFFFC20];
	_ =	sdelay $0x4  }
0xb0: {  	[tilespmem:v4+s18+$0x0] =	vst.idx.msk $0xffff, v3  }
0xb1: {  	v3 =	vld [tilespmem:s30+$0xFFFFFC30];
	_ =	sdelay $0x4  }
0xb2: {  	[tilespmem:v5+s18+$0x0] =	vst.idx.msk $0xffff, v3  }
0xb3: {  	v3 =	vld [tilespmem:s30+$0xFFFFFC40];
	_ =	sdelay $0x4  }
0xb4: {  	[tilespmem:v6+s18+$0x0] =	vst.idx.msk $0xffff, v3  }
0xb5: {  	v3 =	vld [tilespmem:s30+$0xFFFFFC50];
	_ =	sdelay $0x4  }
0xb6: {  	[tilespmem:v7+s18+$0x0] =	vst.idx.msk $0xffff, v3  }
0xb7: {  	v3 =	vld [tilespmem:s30+$0xFFFFFC54];
	_ =	sdelay $0x4  }
0xb8: {  	[tilespmem:v8+s18+$0x0] =	vst.idx.msk $0xffff, v3  }
0xb9: {  	v3 =	vld [tilespmem:s30+$0xFFFFFC80];
	_ =	sdelay $0x4  }
0xba: {  	[tilespmem:v9+s18+$0x0] =	vst.idx.msk $0xffff, v3  }
0xbb: {  	v3 =	vld [tilespmem:s30+$0xFFFFFC90];
	_ =	sdelay $0x4  }
0xbc: {  	[tilespmem:v10+s18+$0x0] =	vst.idx.msk $0xffff, v3  }
0xbd: {  	v3 =	vld [tilespmem:s30+$0xFFFFFCA0];
	_ =	sdelay $0x4  }
0xbe: {  	[tilespmem:v11+s18+$0x0] =	vst.idx.msk $0xffff, v3  }
0xbf: {  	v3 =	vld [tilespmem:s30+$0xFFFFFCB0];
	_ =	sdelay $0x4  }
0xc0: {  	[tilespmem:v12+s18+$0x0] =	vst.idx.msk $0xffff, v3  }
0xc1: {  	v3 =	vld [tilespmem:s30+$0xFFFFFCC0];
	_ =	sdelay $0x4  }
0xc2: {  	[tilespmem:v13+s18+$0x0] =	vst.idx.msk $0xffff, v3  }
0xc3: {  	v3 =	vld [tilespmem:s30+$0xFFFFFCD0];
	_ =	sdelay $0x4  }
0xc4: {  	[tilespmem:v14+s18+$0x0] =	vst.idx.msk $0xffff, v3  }
0xc5: {  	v3 =	vld [tilespmem:s30+$0xFFFFFCD4];
	_ =	sdelay $0x4  }
0xc6: {  	[tilespmem:v15+s18+$0x0] =	vst.idx.msk $0xffff, v3  }
0xc7: {  	v3 =	vld [tilespmem:s30+$0xFFFFFD00];
	_ =	sdelay $0x4  }
0xc8: {  	[tilespmem:v16+s18+$0x0] =	vst.idx.msk $0xffff, v3  }
0xc9: {  	v3 =	vld [tilespmem:s30+$0xFFFFFD10];
	_ =	sdelay $0x4  }
0xca: {  	[tilespmem:v17+s18+$0x0] =	vst.idx.msk $0xffff, v3  }
0xcb: {  	v3 =	vld [tilespmem:s30+$0xFFFFFD20];
	_ =	sdelay $0x4  }
0xcc: {  	[tilespmem:v18+s18+$0x0] =	vst.idx.msk $0xffff, v3  }
0xcd: {  	v3 =	vld [tilespmem:s30+$0xFFFFFD30];
	_ =	sdelay $0x4  }
0xce: {  	[tilespmem:v19+s18+$0x0] =	vst.idx.msk $0xffff, v3  }
0xcf: {  	v3 =	vld [tilespmem:s30+$0xFFFFFD40];
	_ =	sdelay $0x4  }
0xd0: {  	[tilespmem:v20+s18+$0x0] =	vst.idx.msk $0xffff, v3  }
0xd1: {  	v3 =	vld [tilespmem:s30+$0xFFFFFD50];
	_ =	sdelay $0x4  }
0xd2: {  	[tilespmem:v21+s18+$0x0] =	vst.idx.msk $0xffff, v3  }
0xd3: {  	v3 =	vld [tilespmem:s30+$0xFFFFFD54];
	_ =	sdelay $0x4  }
0xd4: {  	[tilespmem:v22+s18+$0x0] =	vst.idx.msk $0xffff, v3  }
0xd5: {  	v3 =	vld [tilespmem:s30+$0xFFFFFD80];
	_ =	sdelay $0x4  }
0xd6: {  	[tilespmem:v23+s18+$0x0] =	vst.idx.msk $0xffff, v3  }
0xd7: {  	v3 =	vld [tilespmem:s30+$0xFFFFFD90];
	_ =	sdelay $0x4  }
0xd8: {  	[tilespmem:v24+s18+$0x0] =	vst.idx.msk $0xffff, v3  }
0xd9: {  	v3 =	vld [tilespmem:s30+$0xFFFFFDA0];
	_ =	sdelay $0x4  }
0xda: {  	[tilespmem:v25+s18+$0x0] =	vst.idx.msk $0xffff, v3  }
0xdb: {  	v3 =	vld [tilespmem:s30+$0xFFFFFDB0];
	_ =	sdelay $0x4  }
0xdc: {  	[tilespmem:v26+s18+$0x0] =	vst.idx.msk $0xffff, v3  }
0xdd: {  	v3 =	vld [tilespmem:s30+$0xFFFFFDC0];
	_ =	sdelay $0x4  }
0xde: {  	[tilespmem:v27+s18+$0x0] =	vst.idx.msk $0xffff, v3  }
0xdf: {  	v3 =	vld [tilespmem:s30+$0xFFFFFDD0];
	_ =	sdelay $0x4  }
0xe0: {  	[tilespmem:v28+s18+$0x0] =	vst.idx.msk $0xffff, v3  }
0xe1: {  	v3 =	vld [tilespmem:s30+$0xFFFFFDD4];
	_ =	sdelay $0x4  }
0xe2: {  	[tilespmem:v29+s18+$0x0] =	vst.idx.msk $0xffff, v3  }
0xe3: {  	v3 =	vld [tilespmem:s30+$0xFFFFFE00];
	_ =	sdelay $0x4  }
0xe4: {  	[tilespmem:v56+s18+$0x0] =	vst.idx.msk $0xffff, v3  }
0xe5: {  	v3 =	vld [tilespmem:s30+$0xFFFFFE10];
	_ =	sdelay $0x4  }
0xe6: {  	[tilespmem:v57+s18+$0x0] =	vst.idx.msk $0xffff, v3  }
0xe7: {  	v3 =	vld [tilespmem:s30+$0xFFFFFE20];
	_ =	sdelay $0x4  }
0xe8: {  	[tilespmem:v58+s18+$0x0] =	vst.idx.msk $0xffff, v3  }
0xe9: {  	v3 =	vld [tilespmem:s30+$0xFFFFFE30];
	_ =	sdelay $0x4  }
0xea: {  	[tilespmem:v59+s18+$0x0] =	vst.idx.msk $0xffff, v3  }
0xeb: {  	v3 =	vld [tilespmem:s30+$0xFFFFFE40];
	_ =	sdelay $0x4  }
0xec: {  	[tilespmem:v60+s18+$0x0] =	vst.idx.msk $0xffff, v3  }
0xed: {  	v3 =	vld [tilespmem:s30+$0xFFFFFE50];
	_ =	sdelay $0x4  }
0xee: {  	[tilespmem:v61+s18+$0x0] =	vst.idx.msk $0xffff, v3  }
0xef: {  	v3 =	vld [tilespmem:s30+$0xFFFFFE54];
	_ =	sdelay $0x4  }
0xf0: {  	[tilespmem:v62+s18+$0x0] =	vst.idx.msk $0xffff, v3  }
0xf1: {  	v3 =	vld [tilespmem:s30+$0xFFFFFE80];
	_ =	sdelay $0x2  }
0xf2: {  	v0 =	vld [tilespmem:$0x1FCB0];
	_ =	sdelay $0x1  }
0xf3: {  	[tilespmem:v63+s18+$0x0] =	vst.idx.msk $0xffff, v3  }
0xf4: {  	v3 =	vld [tilespmem:s30+$0xFFFFFE90];
	_ =	sdelay $0x4  }
0xf5: {  	[tilespmem:v0+s18+$0x0] =	vst.idx.msk $0xffff, v3;
	v0 =	vld [tilespmem:$0x1FCC0];
	_ =	sdelay $0x2  }
0xf6: {  	v3 =	vld [tilespmem:s30+$0xFFFFFEA0];
	_ =	sdelay $0x4  }
0xf7: {  	[tilespmem:v0+s18+$0x0] =	vst.idx.msk $0xffff, v3;
	v0 =	vld [tilespmem:$0x1FCD0];
	_ =	sdelay $0x2  }
0xf8: {  	v3 =	vld [tilespmem:s30+$0xFFFFFEB0];
	_ =	sdelay $0x4  }
0xf9: {  	[tilespmem:v0+s18+$0x0] =	vst.idx.msk $0xffff, v3;
	v0 =	vld [tilespmem:$0x1FCE0];
	_ =	sdelay $0x2  }
0xfa: {  	v3 =	vld [tilespmem:s30+$0xFFFFFEC0];
	_ =	sdelay $0x4  }
0xfb: {  	[tilespmem:v0+s18+$0x0] =	vst.idx.msk $0xffff, v3;
	v0 =	vld [tilespmem:$0x1FCF0];
	_ =	sdelay $0x2  }
0xfc: {  	v3 =	vld [tilespmem:s30+$0xFFFFFED0];
	_ =	sdelay $0x4  }
0xfd: {  	[tilespmem:v0+s18+$0x0] =	vst.idx.msk $0xffff, v3;
	v0 =	vld [tilespmem:$0x1FD00];
	_ =	sdelay $0x2  }
0xfe: {  	v3 =	vld [tilespmem:s30+$0xFFFFFED4];
	_ =	sdelay $0x4  }
0xff: {  	[tilespmem:v0+s18+$0x0] =	vst.idx.msk $0xffff, v3;
	v0 =	vld [tilespmem:$0x1FD10];
	_ =	sdelay $0x2  }
0x100: {  	v3 =	vld [tilespmem:s30+$0xFFFFFF00];
	_ =	sdelay $0x4  }
0x101: {  	[tilespmem:v0+s18+$0x0] =	vst.idx.msk $0xffff, v3;
	v0 =	vld [tilespmem:$0x1FD20];
	_ =	sdelay $0x2  }
0x102: {  	v3 =	vld [tilespmem:s30+$0xFFFFFF10];
	_ =	sdelay $0x4  }
0x103: {  	[tilespmem:v0+s18+$0x0] =	vst.idx.msk $0xffff, v3;
	v0 =	vld [tilespmem:$0x1FD30];
	_ =	sdelay $0x2  }
0x104: {  	v3 =	vld [tilespmem:s30+$0xFFFFFF20];
	_ =	sdelay $0x4  }
0x105: {  	[tilespmem:v0+s18+$0x0] =	vst.idx.msk $0xffff, v3;
	v0 =	vld [tilespmem:$0x1FD40];
	_ =	sdelay $0x2  }
0x106: {  	v3 =	vld [tilespmem:s30+$0xFFFFFF30];
	_ =	sdelay $0x4  }
0x107: {  	[tilespmem:v0+s18+$0x0] =	vst.idx.msk $0xffff, v3;
	v0 =	vld [tilespmem:$0x1FD50];
	_ =	sdelay $0x2  }
0x108: {  	v3 =	vld [tilespmem:s30+$0xFFFFFF40];
	_ =	sdelay $0x4  }
0x109: {  	[tilespmem:v0+s18+$0x0] =	vst.idx.msk $0xffff, v3;
	v0 =	vld [tilespmem:$0x1FD60];
	_ =	sdelay $0x2  }
0x10a: {  	v3 =	vld [tilespmem:s30+$0xFFFFFF50];
	_ =	sdelay $0x4  }
0x10b: {  	[tilespmem:v0+s18+$0x0] =	vst.idx.msk $0xffff, v3;
	v0 =	vld [tilespmem:$0x1FD70];
	_ =	sdelay $0x2  }
0x10c: {  	v3 =	vld [tilespmem:s30+$0xFFFFFF54];
	_ =	sdelay $0x4  }
0x10d: {  	[tilespmem:v0+s18+$0x0] =	vst.idx.msk $0xffff, v3;
	v0 =	vld [tilespmem:$0x1FD80];
	_ =	sdelay $0x2  }
0x10e: {  	v3 =	vld [tilespmem:s30+$0xFFFFFF80];
	_ =	sdelay $0x4  }
0x10f: {  	[tilespmem:v0+s18+$0x0] =	vst.idx.msk $0xffff, v3;
	v0 =	vld [tilespmem:$0x1FD90];
	_ =	sdelay $0x2  }
0x110: {  	v3 =	vld [tilespmem:s30+$0xFFFFFF90];
	_ =	sdelay $0x4  }
0x111: {  	[tilespmem:v0+s18+$0x0] =	vst.idx.msk $0xffff, v3;
	v0 =	vld [tilespmem:$0x1FDA0];
	_ =	sdelay $0x2  }
0x112: {  	v3 =	vld [tilespmem:s30+$0xFFFFFFA0];
	_ =	sdelay $0x4  }
0x113: {  	[tilespmem:v0+s18+$0x0] =	vst.idx.msk $0xffff, v3;
	v0 =	vld [tilespmem:$0x1FDB0];
	_ =	sdelay $0x2  }
0x114: {  	v3 =	vld [tilespmem:s30+$0xFFFFFFB0];
	_ =	sdelay $0x4  }
0x115: {  	[tilespmem:v0+s18+$0x0] =	vst.idx.msk $0xffff, v3;
	v0 =	vld [tilespmem:$0x1FDC0];
	_ =	sdelay $0x2  }
0x116: {  	v3 =	vld [tilespmem:s30+$0xFFFFFFC0];
	_ =	sdelay $0x4  }
0x117: {  	[tilespmem:v0+s18+$0x0] =	vst.idx.msk $0xffff, v3;
	v0 =	vld [tilespmem:$0x1FDD0];
	_ =	sdelay $0x2  }
0x118: {  	v3 =	vld [tilespmem:s30+$0xFFFFFFD0];
	_ =	sdelay $0x4  }
0x119: {  	[tilespmem:v0+s18+$0x0] =	vst.idx.msk $0xffff, v3;
	v0 =	vld [tilespmem:$0x1FDE0];
	_ =	sdelay $0x2  }
0x11a: {  	v3 =	vld [tilespmem:s30+$0xFFFFFFD4];
	_ =	sdelay $0x4  }
0x11b: {  	[tilespmem:v0+s18+$0x0] =	vst.idx.msk $0xffff, v3;
	v0 =	vld [tilespmem:$0x1FDF0];
	_ =	sdelay $0x2  }
0x11c: {  	v3 =	vld [tilespmem:s30+$0x0];
	_ =	sdelay $0x4  }
0x11d: {  	[tilespmem:v0+s18+$0x0] =	vst.idx.msk $0xffff, v3;
	v0 =	vld [tilespmem:$0x1FE00];
	_ =	sdelay $0x2  }
0x11e: {  	v3 =	vld [tilespmem:s30+$0x10];
	_ =	sdelay $0x4  }
0x11f: {  	[tilespmem:v0+s18+$0x0] =	vst.idx.msk $0xffff, v3;
	v0 =	vld [tilespmem:$0x1FE10];
	_ =	sdelay $0x2  }
0x120: {  	v3 =	vld [tilespmem:s30+$0x20];
	_ =	sdelay $0x4  }
0x121: {  	[tilespmem:v0+s18+$0x0] =	vst.idx.msk $0xffff, v3;
	v0 =	vld [tilespmem:$0x1FE20];
	_ =	sdelay $0x2  }
0x122: {  	v3 =	vld [tilespmem:s30+$0x30];
	_ =	sdelay $0x4  }
0x123: {  	[tilespmem:v0+s18+$0x0] =	vst.idx.msk $0xffff, v3;
	v0 =	vld [tilespmem:$0x1FE30];
	_ =	sdelay $0x2  }
0x124: {  	v3 =	vld [tilespmem:s30+$0x40];
	_ =	sdelay $0x4  }
0x125: {  	[tilespmem:v0+s18+$0x0] =	vst.idx.msk $0xffff, v3;
	v0 =	vld [tilespmem:$0x1FE50];
	_ =	sdelay $0x2  }
0x126: {  	v3 =	vld [tilespmem:s30+$0x50];
	_ =	sdelay $0x4  }
0x127: {  	[tilespmem:v0+s18+$0x0] =	vst.idx.msk $0xffff, v3  }
0x128: {  	v0 =	vadd.s32 $0x548, v1;
	v4 =	vld [tilespmem:s30+$0x54];
	_ =	sdelay $0x4  }
0x129: {  	[tilespmem:v0+s18+$0x0] =	vst.idx.msk $0xffff, v4  }
0x12a: {  	[tilespmem:$0x1FA70] =	vst v0;
	v0 =	vor.u32 $0x9, v1;
	v5 =	vld [tilespmem:s30+$0x80];
	_ =	sdelay $0x4  }
0x12b: {  	[tilespmem:v0+s18+$0x0] =	vst.idx.msk $0xffff, v5  }
0x12c: {  	[tilespmem:$0x1FA80] =	vst v0;
	v0 =	vor.u32 $0x109, v1;
	v6 =	vld [tilespmem:s30+$0x90];
	_ =	sdelay $0x4  }
0x12d: {  	[tilespmem:v0+s18+$0x0] =	vst.idx.msk $0xffff, v6  }
0x12e: {  	[tilespmem:$0x1FA90] =	vst v0;
	v0 =	vor.u32 $0x209, v1;
	v7 =	vld [tilespmem:s30+$0xA0];
	_ =	sdelay $0x4  }
0x12f: {  	[tilespmem:v0+s18+$0x0] =	vst.idx.msk $0xffff, v7  }
0x130: {  	[tilespmem:$0x1FAA0] =	vst v0;
	v0 =	vor.u32 $0x309, v1;
	v8 =	vld [tilespmem:s30+$0xB0];
	_ =	sdelay $0x4  }
0x131: {  	[tilespmem:v0+s18+$0x0] =	vst.idx.msk $0xffff, v8  }
0x132: {  	[tilespmem:$0x1FAB0] =	vst v0;
	v0 =	vor.u32 $0x409, v1;
	v9 =	vld [tilespmem:s30+$0xC0];
	_ =	sdelay $0x4  }
0x133: {  	[tilespmem:v0+s18+$0x0] =	vst.idx.msk $0xffff, v9  }
0x134: {  	[tilespmem:$0x1FAC0] =	vst v0;
	v0 =	vor.u32 $0x509, v1;
	v10 =	vld [tilespmem:s30+$0xD0];
	_ =	sdelay $0x4  }
0x135: {  	[tilespmem:v0+s18+$0x0] =	vst.idx.msk $0xffff, v10  }
0x136: {  	[tilespmem:$0x1FAD0] =	vst v0;
	v0 =	vadd.s32 $0x549, v1;
	v11 =	vld [tilespmem:s30+$0xD4];
	_ =	sdelay $0x4  }
0x137: {  	[tilespmem:v0+s18+$0x0] =	vst.idx.msk $0xffff, v11  }
0x138: {  	[tilespmem:$0x1FAE0] =	vst v0;
	v0 =	vor.u32 $0xA, v1;
	v12 =	vld [tilespmem:s30+$0x100];
	_ =	sdelay $0x4  }
0x139: {  	[tilespmem:v0+s18+$0x0] =	vst.idx.msk $0xffff, v12  }
0x13a: {  	[tilespmem:$0x1FAF0] =	vst v0;
	v0 =	vor.u32 $0x10A, v1;
	v13 =	vld [tilespmem:s30+$0x110];
	_ =	sdelay $0x4  }
0x13b: {  	[tilespmem:v0+s18+$0x0] =	vst.idx.msk $0xffff, v13  }
0x13c: {  	[tilespmem:$0x1FB00] =	vst v0;
	v0 =	vor.u32 $0x20A, v1;
	v14 =	vld [tilespmem:s30+$0x120];
	_ =	sdelay $0x4  }
0x13d: {  	[tilespmem:v0+s18+$0x0] =	vst.idx.msk $0xffff, v14  }
0x13e: {  	[tilespmem:$0x1FB10] =	vst v0;
	v0 =	vor.u32 $0x30A, v1;
	v15 =	vld [tilespmem:s30+$0x130];
	_ =	sdelay $0x4  }
0x13f: {  	[tilespmem:v0+s18+$0x0] =	vst.idx.msk $0xffff, v15  }
0x140: {  	[tilespmem:$0x1FB20] =	vst v0;
	v0 =	vor.u32 $0x40A, v1;
	v16 =	vld [tilespmem:s30+$0x140];
	_ =	sdelay $0x4  }
0x141: {  	[tilespmem:v0+s18+$0x0] =	vst.idx.msk $0xffff, v16  }
0x142: {  	[tilespmem:$0x1FB30] =	vst v0;
	v0 =	vor.u32 $0x50A, v1;
	v17 =	vld [tilespmem:s30+$0x150];
	_ =	sdelay $0x4  }
0x143: {  	[tilespmem:v0+s18+$0x0] =	vst.idx.msk $0xffff, v17  }
0x144: {  	[tilespmem:$0x1FB40] =	vst v0;
	v0 =	vadd.s32 $0x54A, v1;
	v18 =	vld [tilespmem:s30+$0x154];
	_ =	sdelay $0x4  }
0x145: {  	[tilespmem:v0+s18+$0x0] =	vst.idx.msk $0xffff, v18  }
0x146: {  	[tilespmem:$0x1FB50] =	vst v0;
	v0 =	vor.u32 $0xB, v1;
	v19 =	vld [tilespmem:s30+$0x180];
	_ =	sdelay $0x4  }
0x147: {  	[tilespmem:v0+s18+$0x0] =	vst.idx.msk $0xffff, v19  }
0x148: {  	[tilespmem:$0x1FB60] =	vst v0;
	v0 =	vor.u32 $0x10B, v1;
	v20 =	vld [tilespmem:s30+$0x190];
	_ =	sdelay $0x4  }
0x149: {  	[tilespmem:v0+s18+$0x0] =	vst.idx.msk $0xffff, v20  }
0x14a: {  	[tilespmem:$0x1FB70] =	vst v0;
	v0 =	vor.u32 $0x20B, v1;
	v21 =	vld [tilespmem:s30+$0x1A0];
	_ =	sdelay $0x4  }
0x14b: {  	[tilespmem:v0+s18+$0x0] =	vst.idx.msk $0xffff, v21  }
0x14c: {  	[tilespmem:$0x1FB80] =	vst v0;
	v0 =	vor.u32 $0x30B, v1;
	v22 =	vld [tilespmem:s30+$0x1B0];
	_ =	sdelay $0x4  }
0x14d: {  	[tilespmem:v0+s18+$0x0] =	vst.idx.msk $0xffff, v22  }
0x14e: {  	[tilespmem:$0x1FB90] =	vst v0;
	v0 =	vor.u32 $0x40B, v1;
	v23 =	vld [tilespmem:s30+$0x1C0];
	_ =	sdelay $0x4  }
0x14f: {  	[tilespmem:v0+s18+$0x0] =	vst.idx.msk $0xffff, v23  }
0x150: {  	[tilespmem:$0x1FBA0] =	vst v0;
	v0 =	vor.u32 $0x50B, v1;
	v24 =	vld [tilespmem:s30+$0x1D0];
	_ =	sdelay $0x4  }
0x151: {  	[tilespmem:v0+s18+$0x0] =	vst.idx.msk $0xffff, v24  }
0x152: {  	[tilespmem:$0x1FBB0] =	vst v0;
	v0 =	vadd.s32 $0x54B, v1;
	v25 =	vld [tilespmem:s30+$0x1D4];
	_ =	sdelay $0x4  }
0x153: {  	[tilespmem:v0+s18+$0x0] =	vst.idx.msk $0xffff, v25  }
0x154: {  	[tilespmem:$0x1FBC0] =	vst v0;
	v0 =	vor.u32 $0xC, v1;
	v26 =	vld [tilespmem:s30+$0x200];
	_ =	sdelay $0x4  }
0x155: {  	[tilespmem:v0+s18+$0x0] =	vst.idx.msk $0xffff, v26  }
0x156: {  	[tilespmem:$0x1FBD0] =	vst v0;
	v0 =	vor.u32 $0x10C, v1;
	v27 =	vld [tilespmem:s30+$0x210];
	_ =	sdelay $0x4  }
0x157: {  	[tilespmem:v0+s18+$0x0] =	vst.idx.msk $0xffff, v27  }
0x158: {  	[tilespmem:$0x1FBE0] =	vst v0;
	v0 =	vor.u32 $0x20C, v1;
	v28 =	vld [tilespmem:s30+$0x220];
	_ =	sdelay $0x4  }
0x159: {  	[tilespmem:v0+s18+$0x0] =	vst.idx.msk $0xffff, v28  }
0x15a: {  	[tilespmem:$0x1FBF0] =	vst v0;
	v0 =	vor.u32 $0x30C, v1;
	v29 =	vld [tilespmem:s30+$0x230];
	_ =	sdelay $0x4  }
0x15b: {  	[tilespmem:v0+s18+$0x0] =	vst.idx.msk $0xffff, v29  }
0x15c: {  	[tilespmem:$0x1FC00] =	vst v0;
	v0 =	vor.u32 $0x40C, v1;
	v30 =	vld [tilespmem:s30+$0x240];
	_ =	sdelay $0x4  }
0x15d: {  	[tilespmem:v0+s18+$0x0] =	vst.idx.msk $0xffff, v30  }
0x15e: {  	[tilespmem:$0x1FC10] =	vst v0;
	v0 =	vor.u32 $0x50C, v1;
	v31 =	vld [tilespmem:s30+$0x250];
	_ =	sdelay $0x4  }
0x15f: {  	[tilespmem:v0+s18+$0x0] =	vst.idx.msk $0xffff, v31  }
0x160: {  	[tilespmem:$0x1FC20] =	vst v0;
	v0 =	vadd.s32 $0x54C, v1;
	v32 =	vld [tilespmem:s30+$0x254];
	_ =	sdelay $0x4  }
0x161: {  	[tilespmem:v0+s18+$0x0] =	vst.idx.msk $0xffff, v32  }
0x162: {  	[tilespmem:$0x1FC30] =	vst v0;
	v0 =	vor.u32 $0xD, v1;
	v33 =	vld [tilespmem:s30+$0x280];
	_ =	sdelay $0x4  }
0x163: {  	[tilespmem:v0+s18+$0x0] =	vst.idx.msk $0xffff, v33  }
0x164: {  	[tilespmem:$0x1FC40] =	vst v0;
	v0 =	vor.u32 $0x10D, v1;
	v34 =	vld [tilespmem:s30+$0x290];
	_ =	sdelay $0x4  }
0x165: {  	[tilespmem:v0+s18+$0x0] =	vst.idx.msk $0xffff, v34  }
0x166: {  	[tilespmem:$0x1FC50] =	vst v0;
	v0 =	vor.u32 $0x20D, v1;
	v35 =	vld [tilespmem:s30+$0x2A0];
	_ =	sdelay $0x4  }
0x167: {  	[tilespmem:v0+s18+$0x0] =	vst.idx.msk $0xffff, v35  }
0x168: {  	[tilespmem:$0x1FC60] =	vst v0;
	v0 =	vor.u32 $0x30D, v1;
	v36 =	vld [tilespmem:s30+$0x2B0];
	_ =	sdelay $0x4  }
0x169: {  	[tilespmem:v0+s18+$0x0] =	vst.idx.msk $0xffff, v36  }
0x16a: {  	[tilespmem:$0x1FC70] =	vst v0;
	v0 =	vor.u32 $0x40D, v1;
	v37 =	vld [tilespmem:s30+$0x2C0];
	_ =	sdelay $0x4  }
0x16b: {  	[tilespmem:v0+s18+$0x0] =	vst.idx.msk $0xffff, v37  }
0x16c: {  	[tilespmem:$0x1FC80] =	vst v0;
	v0 =	vor.u32 $0x50D, v1;
	v38 =	vld [tilespmem:s30+$0x2D0];
	_ =	sdelay $0x4  }
0x16d: {  	[tilespmem:v0+s18+$0x0] =	vst.idx.msk $0xffff, v38  }
0x16e: {  	[tilespmem:$0x1FC90] =	vst v0;
	v0 =	vadd.s32 $0x54D, v1;
	v39 =	vld [tilespmem:s30+$0x2D4];
	_ =	sdelay $0x4  }
0x16f: {  	[tilespmem:v0+s18+$0x0] =	vst.idx.msk $0xffff, v39  }
0x170: {  	v39 =	vor.u32 $0xE, v1;
	v40 =	vld [tilespmem:s30+$0x300];
	_ =	sdelay $0x4  }
0x171: {  	[tilespmem:v39+s18+$0x0] =	vst.idx.msk $0xffff, v40  }
0x172: {  	v40 =	vor.u32 $0x10E, v1;
	v41 =	vld [tilespmem:s30+$0x310];
	_ =	sdelay $0x4  }
0x173: {  	[tilespmem:v40+s18+$0x0] =	vst.idx.msk $0xffff, v41  }
0x174: {  	v41 =	vor.u32 $0x20E, v1;
	v42 =	vld [tilespmem:s30+$0x320];
	_ =	sdelay $0x4  }
0x175: {  	[tilespmem:v41+s18+$0x0] =	vst.idx.msk $0xffff, v42  }
0x176: {  	v42 =	vor.u32 $0x30E, v1;
	v43 =	vld [tilespmem:s30+$0x330];
	_ =	sdelay $0x4  }
0x177: {  	[tilespmem:v42+s18+$0x0] =	vst.idx.msk $0xffff, v43  }
0x178: {  	v43 =	vor.u32 $0x40E, v1;
	v44 =	vld [tilespmem:s30+$0x340];
	_ =	sdelay $0x4  }
0x179: {  	[tilespmem:v43+s18+$0x0] =	vst.idx.msk $0xffff, v44  }
0x17a: {  	v44 =	vor.u32 $0x50E, v1;
	v45 =	vld [tilespmem:s30+$0x350];
	_ =	sdelay $0x4  }
0x17b: {  	[tilespmem:v44+s18+$0x0] =	vst.idx.msk $0xffff, v45  }
0x17c: {  	v45 =	vadd.s32 $0x54E, v1;
	v46 =	vld [tilespmem:s30+$0x354];
	_ =	sdelay $0x4  }
0x17d: {  	[tilespmem:v45+s18+$0x0] =	vst.idx.msk $0xffff, v46  }
0x17e: {  	v46 =	vor.u32 $0xF, v1;
	v47 =	vld [tilespmem:s30+$0x380];
	_ =	sdelay $0x4  }
0x17f: {  	[tilespmem:v46+s18+$0x0] =	vst.idx.msk $0xffff, v47  }
0x180: {  	v47 =	vor.u32 $0x10F, v1;
	v48 =	vld [tilespmem:s30+$0x390];
	_ =	sdelay $0x4  }
0x181: {  	[tilespmem:v47+s18+$0x0] =	vst.idx.msk $0xffff, v48  }
0x182: {  	v48 =	vor.u32 $0x20F, v1;
	v49 =	vld [tilespmem:s30+$0x3A0];
	_ =	sdelay $0x4  }
0x183: {  	[tilespmem:v48+s18+$0x0] =	vst.idx.msk $0xffff, v49  }
0x184: {  	v49 =	vor.u32 $0x30F, v1;
	v50 =	vld [tilespmem:s30+$0x3B0];
	_ =	sdelay $0x4  }
0x185: {  	[tilespmem:v49+s18+$0x0] =	vst.idx.msk $0xffff, v50  }
0x186: {  	v50 =	vor.u32 $0x40F, v1;
	v51 =	vld [tilespmem:s30+$0x3C0];
	_ =	sdelay $0x4  }
0x187: {  	[tilespmem:v50+s18+$0x0] =	vst.idx.msk $0xffff, v51  }
0x188: {  	v51 =	vor.u32 $0x50F, v1;
	v52 =	vld [tilespmem:s30+$0x3D0];
	_ =	sdelay $0x4  }
0x189: {  	[tilespmem:v51+s18+$0x0] =	vst.idx.msk $0xffff, v52  }
0x18a: {  	v52 =	vadd.s32 $0x54F, v1;
	v53 =	vld [tilespmem:s30+$0x3D4]  }
0x18b: {  	v24 =	vld [tilespmem:$0x1FFA0]  }
0x18c: {  	v25 =	vld [tilespmem:$0x1FFB0]  }
0x18d: {  	v26 =	vld [tilespmem:$0x1FFC0]  }
0x18e: {  	v27 =	vld [tilespmem:$0x1FFD0]  }
0x18f: {  	v28 =	vld [tilespmem:$0x1FFE0];
	[tilespmem:v52+s18+$0x0] =	vst.idx.msk $0xffff, v53  }
0x190: {  	v53 =	vld [tilespmem:$0x10200]  }
0x191: {  	v54 =	vld [tilespmem:$0x10210]  }
0x192: {  	v55 =	vld [tilespmem:$0x10220]  }
0x193: {  	v31 =	vmov v56;
	v56 =	vld [tilespmem:$0x10230]  }
0x194: {  	v32 =	vmov v57;
	v57 =	vld [tilespmem:$0x10240]  }
0x195: {  	v33 =	vmov v58;
	v58 =	vld [tilespmem:$0x10250]  }
0x196: {  	v34 =	vmov v59;
	v35 =	vmov v60;
	v60 =	vld [tilespmem:$0x10260];
	v59 =	vmax.f32 v53, v54  }
0x197: {  	v36 =	vmov v61;
	v37 =	vmov v62;
	v62 =	vld [tilespmem:$0x10270];
	v61 =	vmax.f32 v59, v55  }
0x198: {  	v30 =	vmov v2;
	v38 =	vmov v63;
	v2 =	vld [tilespmem:$0x10280];
	v63 =	vmax.f32 v61, v56  }
0x199: {  	[tilespmem:$0x1FCA0] =	vst v0;
	v3 =	vld [tilespmem:$0x10290];
	v0 =	vmax.f32 v63, v57  }
0x19a: {  	v5 =	vld [tilespmem:$0x102A0];
	v4 =	vmax.f32 v0, v58  }
0x19b: {  	v7 =	vld [tilespmem:$0x102B0];
	v6 =	vmax.f32 v4, v60  }
0x19c: {  	v9 =	vld [tilespmem:$0x102C0];
	v8 =	vmax.f32 v6, v62  }
0x19d: {  	v11 =	vld [tilespmem:$0x102D0];
	v10 =	vmax.f32 v8, v2  }
0x19e: {  	v13 =	vld [tilespmem:$0x102E0];
	v12 =	vmax.f32 v10, v3  }
0x19f: {  	v15 =	vld [tilespmem:$0x102F0];
	v14 =	vmax.f32 v12, v5  }
0x1a0: {  	v17 =	vld [tilespmem:$0x10300];
	vm0 =	vgt.f32 v54, v53;
	v16 =	vmax.f32 v14, v7  }
0x1a1: {  	v19 =	vld [tilespmem:$0x10310];
	vm2 =	vgt.f32 v56, v61;
	v61 =	vimm.s32 $0x0;
	v18 =	vmax.f32 v16, v9  }
0x1a2: {  	v21 =	vld [tilespmem:$0x10320];
	vm1 =	vgt.f32 v55, v59;
	v55 =	vsel vm0, $0x1, v61;
	v20 =	vmax.f32 v18, v11  }
0x1a3: {  	v23 =	vld [tilespmem:$0x10330];
	vm15 =	vgt.f32 v57, v63;
	v55 =	vsel vm1, $0x2, v55;
	v22 =	vmax.f32 v20, v13  }
0x1a4: {  	v54 =	vld [tilespmem:$0x10340];
	vm4 =	vgt.f32 v58, v0;
	v0 =	vsel vm2, $0x3, v55;
	v53 =	vmax.f32 v22, v15  }
0x1a5: {  	v59 =	vld [tilespmem:$0x10350];
	vm5 =	vgt.f32 v60, v4;
	v0 =	vsel vm15, $0x4, v0;
	v56 =	vmax.f32 v53, v17  }
0x1a6: {  	v61 =	vld [tilespmem:$0x10360];
	vm6 =	vgt.f32 v62, v6;
	v0 =	vsel vm4, $0x5, v0;
	v57 =	vmax.f32 v56, v19  }
0x1a7: {  	v58 =	vld [tilespmem:$0x10370];
	vm7 =	vgt.f32 v2, v8;
	v0 =	vsel vm5, $0x6, v0;
	v55 =	vmax.f32 v57, v21  }
0x1a8: {  	v60 =	vld [tilespmem:$0x10380];
	vm8 =	vgt.f32 v3, v10;
	v0 =	vsel vm6, $0x7, v0;
	v4 =	vmax.f32 v55, v23  }
0x1a9: {  	v62 =	vld [tilespmem:$0x10390];
	vm9 =	vgt.f32 v5, v12;
	v0 =	vsel vm7, $0x8, v0;
	v6 =	vmax.f32 v4, v54  }
0x1aa: {  	v8 =	vld [tilespmem:$0x103A0];
	vm10 =	vgt.f32 v7, v14;
	v0 =	vsel vm8, $0x9, v0;
	v2 =	vmax.f32 v6, v59  }
0x1ab: {  	v10 =	vld [tilespmem:$0x103B0];
	vm11 =	vgt.f32 v9, v16;
	v0 =	vsel vm9, $0xA, v0;
	v3 =	vmax.f32 v2, v61  }
0x1ac: {  	v12 =	vld [tilespmem:$0x103C0];
	vm12 =	vgt.f32 v11, v18;
	v0 =	vsel vm10, $0xB, v0;
	v5 =	vmax.f32 v3, v58  }
0x1ad: {  	v14 =	vld [tilespmem:$0x103D0];
	vm13 =	vgt.f32 v13, v20;
	v0 =	vsel vm11, $0xC, v0;
	v7 =	vmax.f32 v5, v60  }
0x1ae: {  	v16 =	vld [tilespmem:$0x103E0];
	vm14 =	vgt.f32 v15, v22;
	v0 =	vsel vm12, $0xD, v0;
	v9 =	vmax.f32 v7, v62  }
0x1af: {  	v18 =	vld [tilespmem:$0x103F0];
	vm15 =	vgt.f32 v17, v53;
	v0 =	vsel vm13, $0xE, v0;
	v11 =	vmax.f32 v9, v8  }
0x1b0: {  	v20 =	vld [tilespmem:$0x10400];
	vm4 =	vgt.f32 v19, v56;
	v0 =	vsel vm14, $0xF, v0;
	v13 =	vmax.f32 v11, v10  }
0x1b1: {  	v22 =	vld [tilespmem:$0x10410];
	vm5 =	vgt.f32 v21, v57;
	v0 =	vsel vm15, $0x10, v0;
	v15 =	vmax.f32 v13, v12  }
0x1b2: {  	v53 =	vld [tilespmem:$0x10420];
	vm6 =	vgt.f32 v23, v55;
	v0 =	vsel vm4, $0x11, v0;
	v17 =	vmax.f32 v15, v14  }
0x1b3: {  	v56 =	vld [tilespmem:$0x10430];
	vm7 =	vgt.f32 v54, v4;
	v0 =	vsel vm5, $0x12, v0;
	v19 =	vmax.f32 v17, v16  }
0x1b4: {  	v57 =	vld [tilespmem:$0x10440];
	vm8 =	vgt.f32 v59, v6;
	v0 =	vsel vm6, $0x13, v0;
	v21 =	vmax.f32 v19, v18  }
0x1b5: {  	v55 =	vld [tilespmem:$0x10450];
	vm9 =	vgt.f32 v61, v2;
	v0 =	vsel vm7, $0x14, v0;
	v23 =	vmax.f32 v21, v20  }
0x1b6: {  	v54 =	vld [tilespmem:$0x10460];
	vm10 =	vgt.f32 v58, v3;
	v0 =	vsel vm8, $0x15, v0;
	v4 =	vmax.f32 v23, v22  }
0x1b7: {  	v59 =	vld [tilespmem:$0x10470];
	vm11 =	vgt.f32 v60, v5;
	v0 =	vsel vm9, $0x16, v0;
	v6 =	vmax.f32 v4, v53  }
0x1b8: {  	v61 =	vld [tilespmem:$0x10480];
	vm12 =	vgt.f32 v62, v7;
	v0 =	vsel vm10, $0x17, v0;
	v2 =	vmax.f32 v6, v56  }
0x1b9: {  	v58 =	vld [tilespmem:$0x10490];
	vm13 =	vgt.f32 v8, v9;
	v0 =	vsel vm11, $0x18, v0;
	v3 =	vmax.f32 v2, v57  }
0x1ba: {  	v60 =	vld [tilespmem:$0x104A0];
	vm14 =	vgt.f32 v10, v11;
	v0 =	vsel vm12, $0x19, v0;
	v5 =	vmax.f32 v3, v55  }
0x1bb: {  	v62 =	vld [tilespmem:$0x104B0];
	vm15 =	vgt.f32 v12, v13;
	v0 =	vsel vm13, $0x1A, v0;
	v7 =	vmax.f32 v5, v54  }
0x1bc: {  	v9 =	vld [tilespmem:$0x104C0];
	vm4 =	vgt.f32 v14, v15;
	v0 =	vsel vm14, $0x1B, v0;
	v8 =	vmax.f32 v7, v59  }
0x1bd: {  	v11 =	vld [tilespmem:$0x104D0];
	vm5 =	vgt.f32 v16, v17;
	v0 =	vsel vm15, $0x1C, v0;
	v10 =	vmax.f32 v8, v61  }
0x1be: {  	v13 =	vld [tilespmem:$0x104E0];
	vm6 =	vgt.f32 v18, v19;
	v0 =	vsel vm4, $0x1D, v0;
	v12 =	vmax.f32 v10, v58  }
0x1bf: {  	v15 =	vld [tilespmem:$0x104F0];
	vm7 =	vgt.f32 v20, v21;
	v0 =	vsel vm5, $0x1E, v0;
	v14 =	vmax.f32 v12, v60  }
0x1c0: {  	v17 =	vld [tilespmem:$0x10500];
	vm8 =	vgt.f32 v22, v23;
	v0 =	vsel vm6, $0x1F, v0;
	v16 =	vmax.f32 v14, v62  }
0x1c1: {  	v19 =	vld [tilespmem:$0x10510];
	vm9 =	vgt.f32 v53, v4;
	v0 =	vsel vm7, $0x20, v0;
	v18 =	vmax.f32 v16, v9  }
0x1c2: {  	v21 =	vld [tilespmem:$0x10520];
	vm10 =	vgt.f32 v56, v6;
	v0 =	vsel vm8, $0x21, v0;
	v20 =	vmax.f32 v18, v11  }
0x1c3: {  	v23 =	vld [tilespmem:$0x10530];
	vm11 =	vgt.f32 v57, v2;
	v0 =	vsel vm9, $0x22, v0;
	v22 =	vmax.f32 v20, v13  }
0x1c4: {  	v53 =	vld [tilespmem:$0x10540];
	vm12 =	vgt.f32 v55, v3;
	v0 =	vsel vm10, $0x23, v0;
	v4 =	vmax.f32 v22, v15  }
0x1c5: {  	v56 =	vld [tilespmem:$0x10550];
	vm13 =	vgt.f32 v54, v5;
	v0 =	vsel vm11, $0x24, v0;
	v6 =	vmax.f32 v4, v17  }
0x1c6: {  	v57 =	vld [tilespmem:$0x10560];
	vm14 =	vgt.f32 v59, v7;
	v0 =	vsel vm12, $0x25, v0;
	v2 =	vmax.f32 v6, v19  }
0x1c7: {  	v55 =	vld [tilespmem:$0x10570];
	vm15 =	vgt.f32 v61, v8;
	v0 =	vsel vm13, $0x26, v0;
	v3 =	vmax.f32 v2, v21  }
0x1c8: {  	v54 =	vld [tilespmem:$0x10580];
	vm4 =	vgt.f32 v58, v10;
	v0 =	vsel vm14, $0x27, v0;
	v5 =	vmax.f32 v3, v23  }
0x1c9: {  	v59 =	vld [tilespmem:$0x10590];
	vm5 =	vgt.f32 v60, v12;
	v0 =	vsel vm15, $0x28, v0;
	v7 =	vmax.f32 v5, v53  }
0x1ca: {  	v61 =	vld [tilespmem:$0x105A0];
	vm6 =	vgt.f32 v62, v14;
	v0 =	vsel vm4, $0x29, v0;
	v8 =	vmax.f32 v7, v56  }
0x1cb: {  	v58 =	vld [tilespmem:$0x105B0];
	vm7 =	vgt.f32 v9, v16;
	v0 =	vsel vm5, $0x2A, v0;
	v10 =	vmax.f32 v8, v57  }
0x1cc: {  	v60 =	vld [tilespmem:$0x105C0];
	vm8 =	vgt.f32 v11, v18;
	v0 =	vsel vm6, $0x2B, v0;
	v12 =	vmax.f32 v10, v55  }
0x1cd: {  	v62 =	vld [tilespmem:$0x105D0];
	vm9 =	vgt.f32 v13, v20;
	v0 =	vsel vm7, $0x2C, v0;
	v14 =	vmax.f32 v12, v54  }
0x1ce: {  	v16 =	vld [tilespmem:$0x105E0];
	vm10 =	vgt.f32 v15, v22;
	v0 =	vsel vm8, $0x2D, v0;
	v9 =	vmax.f32 v14, v59  }
0x1cf: {  	v18 =	vld [tilespmem:$0x105F0];
	vm11 =	vgt.f32 v17, v4;
	v0 =	vsel vm9, $0x2E, v0;
	v11 =	vmax.f32 v9, v61  }
0x1d0: {  	v20 =	vld [tilespmem:$0x10600];
	vm12 =	vgt.f32 v19, v6;
	v0 =	vsel vm10, $0x2F, v0;
	v13 =	vmax.f32 v11, v58  }
0x1d1: {  	v22 =	vld [tilespmem:$0x10610];
	vm13 =	vgt.f32 v21, v2;
	v0 =	vsel vm11, $0x30, v0;
	v15 =	vmax.f32 v13, v60  }
0x1d2: {  	v17 =	vld [tilespmem:$0x10620];
	vm14 =	vgt.f32 v23, v3;
	v0 =	vsel vm12, $0x31, v0;
	v4 =	vmax.f32 v15, v62  }
0x1d3: {  	v19 =	vld [tilespmem:$0x10630];
	vm15 =	vgt.f32 v53, v5;
	v0 =	vsel vm13, $0x32, v0;
	v6 =	vmax.f32 v4, v16  }
0x1d4: {  	v21 =	vld [tilespmem:$0x10640];
	vm4 =	vgt.f32 v56, v7;
	v0 =	vsel vm14, $0x33, v0;
	v2 =	vmax.f32 v6, v18  }
0x1d5: {  	v23 =	vld [tilespmem:$0x10650];
	vm5 =	vgt.f32 v57, v8;
	v0 =	vsel vm15, $0x34, v0;
	v3 =	vmax.f32 v2, v20  }
0x1d6: {  	v53 =	vld [tilespmem:$0x10660];
	vm6 =	vgt.f32 v55, v10;
	v0 =	vsel vm4, $0x35, v0;
	v5 =	vmax.f32 v3, v22  }
0x1d7: {  	v56 =	vld [tilespmem:$0x10670];
	vm7 =	vgt.f32 v54, v12;
	v0 =	vsel vm5, $0x36, v0;
	v7 =	vmax.f32 v5, v17  }
0x1d8: {  	v57 =	vld [tilespmem:$0x10680];
	vm8 =	vgt.f32 v59, v14;
	v0 =	vsel vm6, $0x37, v0;
	v8 =	vmax.f32 v7, v19  }
0x1d9: {  	v55 =	vld [tilespmem:$0x10690];
	vm9 =	vgt.f32 v61, v9;
	v0 =	vsel vm7, $0x38, v0;
	v10 =	vmax.f32 v8, v21  }
0x1da: {  	v54 =	vld [tilespmem:$0x106A0];
	vm10 =	vgt.f32 v58, v11;
	v0 =	vsel vm8, $0x39, v0;
	v12 =	vmax.f32 v10, v23  }
0x1db: {  	v59 =	vld [tilespmem:$0x106B0];
	vm11 =	vgt.f32 v60, v13;
	v0 =	vsel vm9, $0x3A, v0;
	v14 =	vmax.f32 v12, v53  }
0x1dc: {  	v61 =	vld [tilespmem:$0x106C0];
	vm12 =	vgt.f32 v62, v15;
	v0 =	vsel vm10, $0x3B, v0;
	v9 =	vmax.f32 v14, v56  }
0x1dd: {  	v58 =	vld [tilespmem:$0x106D0];
	vm13 =	vgt.f32 v16, v4;
	v0 =	vsel vm11, $0x3C, v0;
	v11 =	vmax.f32 v9, v57  }
0x1de: {  	v60 =	vld [tilespmem:$0x106E0];
	vm14 =	vgt.f32 v18, v6;
	v0 =	vsel vm12, $0x3D, v0;
	v13 =	vmax.f32 v11, v55  }
0x1df: {  	v62 =	vld [tilespmem:$0x106F0];
	vm15 =	vgt.f32 v20, v2;
	v0 =	vsel vm13, $0x3E, v0;
	v15 =	vmax.f32 v13, v54  }
0x1e0: {  	v16 =	vld [tilespmem:$0x10700];
	vm4 =	vgt.f32 v22, v3;
	v0 =	vsel vm14, $0x3F, v0;
	v4 =	vmax.f32 v15, v59  }
0x1e1: {  	v18 =	vld [tilespmem:$0x10710];
	vm5 =	vgt.f32 v17, v5;
	v0 =	vsel vm15, $0x40, v0;
	v6 =	vmax.f32 v4, v61  }
0x1e2: {  	v20 =	vld [tilespmem:$0x10720];
	vm6 =	vgt.f32 v19, v7;
	v0 =	vsel vm4, $0x41, v0;
	v2 =	vmax.f32 v6, v58  }
0x1e3: {  	v22 =	vld [tilespmem:$0x10730];
	vm7 =	vgt.f32 v21, v8;
	v0 =	vsel vm5, $0x42, v0;
	v3 =	vmax.f32 v2, v60  }
0x1e4: {  	v17 =	vld [tilespmem:$0x10740];
	vm8 =	vgt.f32 v23, v10;
	v0 =	vsel vm6, $0x43, v0;
	v5 =	vmax.f32 v3, v62  }
0x1e5: {  	v19 =	vld [tilespmem:$0x10750];
	vm9 =	vgt.f32 v53, v12;
	v0 =	vsel vm7, $0x44, v0;
	v7 =	vmax.f32 v5, v16  }
0x1e6: {  	v21 =	vld [tilespmem:$0x10760];
	vm10 =	vgt.f32 v56, v14;
	v0 =	vsel vm8, $0x45, v0;
	v8 =	vmax.f32 v7, v18  }
0x1e7: {  	v23 =	vld [tilespmem:$0x10770];
	vm11 =	vgt.f32 v57, v9;
	v0 =	vsel vm9, $0x46, v0;
	v10 =	vmax.f32 v8, v20  }
0x1e8: {  	v53 =	vld [tilespmem:$0x10780];
	vm12 =	vgt.f32 v55, v11;
	v0 =	vsel vm10, $0x47, v0;
	v12 =	vmax.f32 v10, v22  }
0x1e9: {  	v56 =	vld [tilespmem:$0x10790];
	vm13 =	vgt.f32 v54, v13;
	v0 =	vsel vm11, $0x48, v0;
	v14 =	vmax.f32 v12, v17  }
0x1ea: {  	v57 =	vld [tilespmem:$0x107A0];
	vm14 =	vgt.f32 v59, v15;
	v0 =	vsel vm12, $0x49, v0;
	v9 =	vmax.f32 v14, v19  }
0x1eb: {  	v55 =	vld [tilespmem:$0x107B0];
	vm15 =	vgt.f32 v61, v4;
	v0 =	vsel vm13, $0x4A, v0;
	v11 =	vmax.f32 v9, v21  }
0x1ec: {  	v54 =	vld [tilespmem:$0x107C0];
	vm4 =	vgt.f32 v58, v6;
	v0 =	vsel vm14, $0x4B, v0;
	v13 =	vmax.f32 v11, v23  }
0x1ed: {  	v59 =	vld [tilespmem:$0x107D0];
	vm5 =	vgt.f32 v60, v2;
	v0 =	vsel vm15, $0x4C, v0;
	v15 =	vmax.f32 v13, v53  }
0x1ee: {  	v61 =	vld [tilespmem:$0x107E0];
	vm6 =	vgt.f32 v62, v3;
	v0 =	vsel vm4, $0x4D, v0;
	v4 =	vmax.f32 v15, v56  }
0x1ef: {  	v58 =	vld [tilespmem:$0x107F0];
	vm7 =	vgt.f32 v16, v5;
	v0 =	vsel vm5, $0x4E, v0;
	v6 =	vmax.f32 v4, v57  }
0x1f0: {  	v60 =	vld [tilespmem:$0x10800];
	vm8 =	vgt.f32 v18, v7;
	v0 =	vsel vm6, $0x4F, v0;
	v2 =	vmax.f32 v6, v55  }
0x1f1: {  	v62 =	vld [tilespmem:$0x10810];
	vm9 =	vgt.f32 v20, v8;
	v0 =	vsel vm7, $0x50, v0;
	v3 =	vmax.f32 v2, v54  }
0x1f2: {  	v16 =	vld [tilespmem:$0x10820];
	vm10 =	vgt.f32 v22, v10;
	v0 =	vsel vm8, $0x51, v0;
	v5 =	vmax.f32 v3, v59  }
0x1f3: {  	v18 =	vld [tilespmem:$0x10830];
	vm11 =	vgt.f32 v17, v12;
	v0 =	vsel vm9, $0x52, v0;
	v7 =	vmax.f32 v5, v61  }
0x1f4: {  	v29 =	vld [tilespmem:$0x1FFF0];
	vm12 =	vgt.f32 v19, v14;
	v0 =	vsel vm10, $0x53, v0;
	v8 =	vmax.f32 v7, v58  }
0x1f5: {  	v20 =	vld [tilespmem:$0x1FF60];
	vm13 =	vgt.f32 v21, v9;
	v0 =	vsel vm11, $0x54, v0;
	v10 =	vmax.f32 v8, v60  }
0x1f6: {  	v22 =	vld [tilespmem:$0x1FF80];
	vm14 =	vgt.f32 v23, v11;
	v0 =	vsel vm12, $0x55, v0;
	v12 =	vmax.f32 v10, v62  }
0x1f7: {  	v17 =	vld [tilespmem:$0x1FF30];
	vm15 =	vgt.f32 v53, v13;
	v0 =	vsel vm13, $0x56, v0;
	v14 =	vmax.f32 v12, v16  }
0x1f8: {  	v19 =	vld [tilespmem:$0x1FF50];
	vm3 =	vgt.f32 v56, v15;
	v0 =	vsel vm14, $0x57, v0;
	v9 =	vmax.f32 v14, v18  }
0x1f9: {  	v21 =	vld [tilespmem:$0x1FF70];
	vm4 =	vgt.f32 v57, v4;
	v0 =	vsel vm15, $0x58, v0;
	v11 =	vmul.f32 $3.000000000e+01, v9  }
0x1fa: {  	v23 =	vld [tilespmem:$0x1FF90];
	vm6 =	vgt.f32 v55, v6;
	v6 =	vimm.s32 $0x0;
	v0 =	vsel vm3, $0x59, v0  }
0x1fb: {  	v13 =	vld [tilespmem:$0x1FEF0];
	vm7 =	vgt.f32 v54, v2;
	v0 =	vsel vm4, $0x5A, v0;
	v4 =	vtrunc.f32 v11  }
0x1fc: {  	v15 =	vld [tilespmem:$0x1FF10];
	vm8 =	vgt.f32 v59, v3;
	vm5 =	vgt.f32 v11, v4;
	v4 =	vcvt.f32.s32 v4  }
0x1fd: {  	v3 =	vlaneseq.u32;
	vm9 =	vgt.f32 v61, v5;
	v5 =	vld [tilespmem:$0x1FE40];
	v6 =	vsel vm5, $0x1, v6  }
0x1fe: {  	v0 =	vsel vm6, $0x5B, v0;
	vm11 =	vgt.f32 v58, v7;
	v7 =	vld [tilespmem:$0x1FE90];
	v2 =	vadd.s32 v6, v4  }
0x1ff: {  	v53 =	vmul.u32 $0x60, v3;
	vm12 =	vgt.f32 v60, v8;
	v8 =	vld [tilespmem:$0x1FEA0];
	v2 =	vadd.s32 $0xFFFFFFFF, v2  }
0x200: {  	v0 =	vsel vm7, $0x5C, v0;
	vm13 =	vgt.f32 v62, v10;
	v10 =	vld [tilespmem:$0x1FEC0];
	vm10 =	vgt.s32 v2, $0x0  }
0x201: {  	v0 =	vsel vm8, $0x5D, v0;
	vm14 =	vgt.f32 v16, v12;
	v16 =	vld [tilespmem:$0x1FF20];
	v2 =	vnsel vm10, $0x0, v2  }
0x202: {  	s31 =	sshra.s32 s29, $0x2;
	v0 =	vsel vm9, $0x5E, v0;
	v12 =	vld [tilespmem:$0x1FEE0];
	v2 =	vmin.u32 v2, $0x1D  }
0x203: {  	v54 =	vadd.s32 $0x20, v53;
	v0 =	vsel vm11, $0x5F, v0;
	v4 =	vld [tilespmem:s31+$0x10000];
	v3 =	vor.u32 v53, v2  }
0x204: {  	v0 =	vsel vm12, $0x60, v0;
	vm15 =	vgt.f32 v18, v14;
	v18 =	vld [tilespmem:$0x1FF40];
	v3 =	vand.u32 v5, v3  }
0x205: {  	v14 =	vld [tilespmem:$0x1FF00];
	v0 =	vsel vm13, $0x61, v0;
	v5 =	vor.u32 v54, v2  }
0x206: {  	v0 =	vsel vm14, $0x62, v0;
	v11 =	vld [tilespmem:$0x1FED0]  }
0x207: {  	v55 =	vadd.s32 $0x40, v53;
	v0 =	vsel vm15, $0x63, v0;
	v6 =	vld [tilespmem:$0x1FE80]  }
0x208: {  	p1 =	sne.s32 s29, $0x3C0;
	vm0 =	veq.s32 v0, v4;
	v4 =	vld [tilespmem:$0x1FE60];
	v0 =	vimm.f32 $1.000000000e+00;
	v2 =	vor.u32 v55, v2  }
.Ltmp0:
0x209: {  	[tilespmem:v3+s19+$0x0] =	vst.idx.add.f32.msk $0xffff, v0;
	(pc) =	sbr.rel @p1 .LBB2_3-.Ltmp0, $4  }
0x20a: {  	[tilespmem:v5+s19+$0x0] =	vst.idx.add.f32.msk $0xffff, v9  }
0x20b: {  	v0 =	vimm.s32 $0x0;
	v9 =	vld [tilespmem:$0x1FEB0]  }
0x20c: {  	v63 =	vmovc v38;
	v56 =	vmovc v31;
	v57 =	vmov v32;
	v59 =	vmov v34;
	v5 =	vld [tilespmem:$0x1FE70];
	v0 =	vsel vm0, $0x3F800000, v0  }
0x20d: {  	s29 =	sadd.s32 $0x40, s29;
	s30 =	sadd.s32 $0x800, s30;
	v61 =	vmovc v36;
	v58 =	vmovc v33;
	v60 =	vmov v35;
	v62 =	vmov v37;
	[tilespmem:v2+s19+$0x0] =	vst.idx.add.f32.msk $0xffff, v0;
	v2 =	vmov v30  }
0x20e: {  	_ =	swait.ge [sflag:s20], $0x8000  }
0x20f: {  	[sflag:s20] =	ssyncset.done $0x0  }
0x210: {  	[sflag:s20] =	ssyncadd.s32 $0xFFFF8000  }
0x211: {  	s28 =	sadd.s32 @!p0 s28, s10;
	s30 =	simm.s32 @!p0 $0x0;
	_ =	swait.ge [sflag:s21], $0x100  }
0x212: {  	s31 =	simm.s32 @!p0 $0x8000;
	s29 =	sshll.u32 @!p0 s28, $0x4;
	[sflag:s21] =	ssyncset.done $0x0  }
0x213: {  	s28 =	sshrl.u32 @!p0 s28, $0x3;
	s29 =	sadd.s32 @!p0 s4, s29;
	[sflag:s21] =	ssyncadd.s32 $0xFFFFFF00  }
0x214: {  	[tilespmem:s31], [sflag:$0x2] =	stream.linear.gather @!p0 [hbm4b:s29+s30], $0x8000, $0x38;
	[tilespmem:$0x10E80] =	vst v63  }
0x215: {  	s28 =	sadd.s32 @!p0 s0, s28;
	s29 =	simm.s32 @!p0 $0x10100  }
0x216: {  	[tilespmem:s29], [sflag:$0x4] =	stream.linear.gather @!p0 [hbm4b:s28+s30], $0x100, $0x38;
	[tilespmem:$0x10E80] =	vst v63  }
0x217: {  	s28 =	simm.s32 $0x0;
	s29 =	simm.s32 $0x8400  }
.LBB2_5:
0x218: {  	v0 =	vld [tilespmem:s29+$0xFFFFFC00];
	_ =	sdelay $0x4  }
0x219: {  	[tilespmem:v1+s18+$0x0] =	vst.idx.msk $0xffff, v0  }
0x21a: {  	v0 =	vld [tilespmem:s29+$0xFFFFFC10];
	_ =	sdelay $0x4  }
0x21b: {  	[tilespmem:v2+s18+$0x0] =	vst.idx.msk $0xffff, v0  }
0x21c: {  	v0 =	vld [tilespmem:s29+$0xFFFFFC20];
	_ =	sdelay $0x4  }
0x21d: {  	[tilespmem:v4+s18+$0x0] =	vst.idx.msk $0xffff, v0  }
0x21e: {  	v0 =	vld [tilespmem:s29+$0xFFFFFC30];
	_ =	sdelay $0x4  }
0x21f: {  	[tilespmem:v5+s18+$0x0] =	vst.idx.msk $0xffff, v0  }
0x220: {  	v0 =	vld [tilespmem:s29+$0xFFFFFC40];
	_ =	sdelay $0x4  }
0x221: {  	[tilespmem:v6+s18+$0x0] =	vst.idx.msk $0xffff, v0  }
0x222: {  	v0 =	vld [tilespmem:s29+$0xFFFFFC50];
	_ =	sdelay $0x4  }
0x223: {  	[tilespmem:v7+s18+$0x0] =	vst.idx.msk $0xffff, v0  }
0x224: {  	v0 =	vld [tilespmem:s29+$0xFFFFFC54];
	_ =	sdelay $0x4  }
0x225: {  	[tilespmem:v8+s18+$0x0] =	vst.idx.msk $0xffff, v0  }
0x226: {  	v0 =	vld [tilespmem:s29+$0xFFFFFC80];
	_ =	sdelay $0x4  }
0x227: {  	[tilespmem:v9+s18+$0x0] =	vst.idx.msk $0xffff, v0  }
0x228: {  	v0 =	vld [tilespmem:s29+$0xFFFFFC90];
	_ =	sdelay $0x4  }
0x229: {  	[tilespmem:v10+s18+$0x0] =	vst.idx.msk $0xffff, v0  }
0x22a: {  	v0 =	vld [tilespmem:s29+$0xFFFFFCA0];
	_ =	sdelay $0x4  }
0x22b: {  	[tilespmem:v11+s18+$0x0] =	vst.idx.msk $0xffff, v0  }
0x22c: {  	v0 =	vld [tilespmem:s29+$0xFFFFFCB0];
	_ =	sdelay $0x4  }
0x22d: {  	[tilespmem:v12+s18+$0x0] =	vst.idx.msk $0xffff, v0  }
0x22e: {  	v0 =	vld [tilespmem:s29+$0xFFFFFCC0];
	_ =	sdelay $0x4  }
0x22f: {  	[tilespmem:v13+s18+$0x0] =	vst.idx.msk $0xffff, v0  }
0x230: {  	v0 =	vld [tilespmem:s29+$0xFFFFFCD0];
	_ =	sdelay $0x4  }
0x231: {  	[tilespmem:v14+s18+$0x0] =	vst.idx.msk $0xffff, v0  }
0x232: {  	v0 =	vld [tilespmem:s29+$0xFFFFFCD4];
	_ =	sdelay $0x4  }
0x233: {  	[tilespmem:v15+s18+$0x0] =	vst.idx.msk $0xffff, v0  }
0x234: {  	v0 =	vld [tilespmem:s29+$0xFFFFFD00];
	_ =	sdelay $0x4  }
0x235: {  	[tilespmem:v16+s18+$0x0] =	vst.idx.msk $0xffff, v0  }
0x236: {  	v0 =	vld [tilespmem:s29+$0xFFFFFD10];
	_ =	sdelay $0x4  }
0x237: {  	[tilespmem:v17+s18+$0x0] =	vst.idx.msk $0xffff, v0  }
0x238: {  	v0 =	vld [tilespmem:s29+$0xFFFFFD20];
	_ =	sdelay $0x4  }
0x239: {  	[tilespmem:v18+s18+$0x0] =	vst.idx.msk $0xffff, v0  }
0x23a: {  	v0 =	vld [tilespmem:s29+$0xFFFFFD30];
	_ =	sdelay $0x4  }
0x23b: {  	[tilespmem:v19+s18+$0x0] =	vst.idx.msk $0xffff, v0  }
0x23c: {  	v0 =	vld [tilespmem:s29+$0xFFFFFD40];
	_ =	sdelay $0x4  }
0x23d: {  	[tilespmem:v20+s18+$0x0] =	vst.idx.msk $0xffff, v0  }
0x23e: {  	v0 =	vld [tilespmem:s29+$0xFFFFFD50];
	_ =	sdelay $0x4  }
0x23f: {  	[tilespmem:v21+s18+$0x0] =	vst.idx.msk $0xffff, v0  }
0x240: {  	v0 =	vld [tilespmem:s29+$0xFFFFFD54];
	_ =	sdelay $0x4  }
0x241: {  	[tilespmem:v22+s18+$0x0] =	vst.idx.msk $0xffff, v0  }
0x242: {  	v0 =	vld [tilespmem:s29+$0xFFFFFD80];
	_ =	sdelay $0x4  }
0x243: {  	[tilespmem:v23+s18+$0x0] =	vst.idx.msk $0xffff, v0  }
0x244: {  	v0 =	vld [tilespmem:s29+$0xFFFFFD90];
	_ =	sdelay $0x4  }
0x245: {  	[tilespmem:v24+s18+$0x0] =	vst.idx.msk $0xffff, v0  }
0x246: {  	v0 =	vld [tilespmem:s29+$0xFFFFFDA0];
	_ =	sdelay $0x4  }
0x247: {  	[tilespmem:v25+s18+$0x0] =	vst.idx.msk $0xffff, v0  }
0x248: {  	v0 =	vld [tilespmem:s29+$0xFFFFFDB0];
	_ =	sdelay $0x4  }
0x249: {  	[tilespmem:v26+s18+$0x0] =	vst.idx.msk $0xffff, v0  }
0x24a: {  	v0 =	vld [tilespmem:s29+$0xFFFFFDC0];
	_ =	sdelay $0x4  }
0x24b: {  	[tilespmem:v27+s18+$0x0] =	vst.idx.msk $0xffff, v0  }
0x24c: {  	v0 =	vld [tilespmem:s29+$0xFFFFFDD0];
	_ =	sdelay $0x4  }
0x24d: {  	[tilespmem:v28+s18+$0x0] =	vst.idx.msk $0xffff, v0  }
0x24e: {  	v0 =	vld [tilespmem:s29+$0xFFFFFDD4];
	_ =	sdelay $0x4  }
0x24f: {  	[tilespmem:v29+s18+$0x0] =	vst.idx.msk $0xffff, v0  }
0x250: {  	v0 =	vld [tilespmem:s29+$0xFFFFFE00];
	_ =	sdelay $0x4  }
0x251: {  	[tilespmem:v56+s18+$0x0] =	vst.idx.msk $0xffff, v0  }
0x252: {  	v0 =	vld [tilespmem:s29+$0xFFFFFE10];
	_ =	sdelay $0x4  }
0x253: {  	[tilespmem:v57+s18+$0x0] =	vst.idx.msk $0xffff, v0  }
0x254: {  	v0 =	vld [tilespmem:s29+$0xFFFFFE20];
	_ =	sdelay $0x4  }
0x255: {  	[tilespmem:v58+s18+$0x0] =	vst.idx.msk $0xffff, v0  }
0x256: {  	v0 =	vld [tilespmem:s29+$0xFFFFFE30];
	_ =	sdelay $0x4  }
0x257: {  	[tilespmem:v59+s18+$0x0] =	vst.idx.msk $0xffff, v0  }
0x258: {  	v0 =	vld [tilespmem:s29+$0xFFFFFE40];
	_ =	sdelay $0x4  }
0x259: {  	[tilespmem:v60+s18+$0x0] =	vst.idx.msk $0xffff, v0  }
0x25a: {  	v0 =	vld [tilespmem:s29+$0xFFFFFE50];
	_ =	sdelay $0x4  }
0x25b: {  	[tilespmem:v61+s18+$0x0] =	vst.idx.msk $0xffff, v0  }
0x25c: {  	v0 =	vld [tilespmem:s29+$0xFFFFFE54];
	_ =	sdelay $0x4  }
0x25d: {  	[tilespmem:v62+s18+$0x0] =	vst.idx.msk $0xffff, v0  }
0x25e: {  	v0 =	vld [tilespmem:s29+$0xFFFFFE80];
	_ =	sdelay $0x2  }
0x25f: {  	v2 =	vld [tilespmem:$0x1FCB0];
	_ =	sdelay $0x1  }
0x260: {  	[tilespmem:v63+s18+$0x0] =	vst.idx.msk $0xffff, v0  }
0x261: {  	v0 =	vld [tilespmem:s29+$0xFFFFFE90];
	_ =	sdelay $0x4  }
0x262: {  	[tilespmem:v2+s18+$0x0] =	vst.idx.msk $0xffff, v0;
	v2 =	vld [tilespmem:$0x1FCC0];
	_ =	sdelay $0x2  }
0x263: {  	v0 =	vld [tilespmem:s29+$0xFFFFFEA0];
	_ =	sdelay $0x4  }
0x264: {  	[tilespmem:v2+s18+$0x0] =	vst.idx.msk $0xffff, v0;
	v2 =	vld [tilespmem:$0x1FCD0];
	_ =	sdelay $0x2  }
0x265: {  	v0 =	vld [tilespmem:s29+$0xFFFFFEB0];
	_ =	sdelay $0x4  }
0x266: {  	[tilespmem:v2+s18+$0x0] =	vst.idx.msk $0xffff, v0;
	v2 =	vld [tilespmem:$0x1FCE0];
	_ =	sdelay $0x2  }
0x267: {  	v0 =	vld [tilespmem:s29+$0xFFFFFEC0];
	_ =	sdelay $0x4  }
0x268: {  	[tilespmem:v2+s18+$0x0] =	vst.idx.msk $0xffff, v0;
	v2 =	vld [tilespmem:$0x1FCF0];
	_ =	sdelay $0x2  }
0x269: {  	v0 =	vld [tilespmem:s29+$0xFFFFFED0];
	_ =	sdelay $0x4  }
0x26a: {  	[tilespmem:v2+s18+$0x0] =	vst.idx.msk $0xffff, v0;
	v2 =	vld [tilespmem:$0x1FD00];
	_ =	sdelay $0x2  }
0x26b: {  	v0 =	vld [tilespmem:s29+$0xFFFFFED4];
	_ =	sdelay $0x4  }
0x26c: {  	[tilespmem:v2+s18+$0x0] =	vst.idx.msk $0xffff, v0;
	v2 =	vld [tilespmem:$0x1FD10];
	_ =	sdelay $0x2  }
0x26d: {  	v0 =	vld [tilespmem:s29+$0xFFFFFF00];
	_ =	sdelay $0x4  }
0x26e: {  	[tilespmem:v2+s18+$0x0] =	vst.idx.msk $0xffff, v0;
	v2 =	vld [tilespmem:$0x1FD20];
	_ =	sdelay $0x2  }
0x26f: {  	v0 =	vld [tilespmem:s29+$0xFFFFFF10];
	_ =	sdelay $0x4  }
0x270: {  	[tilespmem:v2+s18+$0x0] =	vst.idx.msk $0xffff, v0;
	v2 =	vld [tilespmem:$0x1FD30];
	_ =	sdelay $0x2  }
0x271: {  	v0 =	vld [tilespmem:s29+$0xFFFFFF20];
	_ =	sdelay $0x4  }
0x272: {  	[tilespmem:v2+s18+$0x0] =	vst.idx.msk $0xffff, v0;
	v2 =	vld [tilespmem:$0x1FD40];
	_ =	sdelay $0x2  }
0x273: {  	v0 =	vld [tilespmem:s29+$0xFFFFFF30];
	_ =	sdelay $0x4  }
0x274: {  	[tilespmem:v2+s18+$0x0] =	vst.idx.msk $0xffff, v0;
	v2 =	vld [tilespmem:$0x1FD50];
	_ =	sdelay $0x2  }
0x275: {  	v0 =	vld [tilespmem:s29+$0xFFFFFF40];
	_ =	sdelay $0x4  }
0x276: {  	[tilespmem:v2+s18+$0x0] =	vst.idx.msk $0xffff, v0;
	v2 =	vld [tilespmem:$0x1FD60];
	_ =	sdelay $0x2  }
0x277: {  	v0 =	vld [tilespmem:s29+$0xFFFFFF50];
	_ =	sdelay $0x4  }
0x278: {  	[tilespmem:v2+s18+$0x0] =	vst.idx.msk $0xffff, v0;
	v2 =	vld [tilespmem:$0x1FD70];
	_ =	sdelay $0x2  }
0x279: {  	v0 =	vld [tilespmem:s29+$0xFFFFFF54];
	_ =	sdelay $0x4  }
0x27a: {  	[tilespmem:v2+s18+$0x0] =	vst.idx.msk $0xffff, v0;
	v2 =	vld [tilespmem:$0x1FD80];
	_ =	sdelay $0x2  }
0x27b: {  	v0 =	vld [tilespmem:s29+$0xFFFFFF80];
	_ =	sdelay $0x4  }
0x27c: {  	[tilespmem:v2+s18+$0x0] =	vst.idx.msk $0xffff, v0;
	v2 =	vld [tilespmem:$0x1FD90];
	_ =	sdelay $0x2  }
0x27d: {  	v0 =	vld [tilespmem:s29+$0xFFFFFF90];
	_ =	sdelay $0x4  }
0x27e: {  	[tilespmem:v2+s18+$0x0] =	vst.idx.msk $0xffff, v0;
	v2 =	vld [tilespmem:$0x1FDA0];
	_ =	sdelay $0x2  }
0x27f: {  	v0 =	vld [tilespmem:s29+$0xFFFFFFA0];
	_ =	sdelay $0x4  }
0x280: {  	[tilespmem:v2+s18+$0x0] =	vst.idx.msk $0xffff, v0;
	v2 =	vld [tilespmem:$0x1FDB0];
	_ =	sdelay $0x2  }
0x281: {  	v0 =	vld [tilespmem:s29+$0xFFFFFFB0];
	_ =	sdelay $0x4  }
0x282: {  	[tilespmem:v2+s18+$0x0] =	vst.idx.msk $0xffff, v0;
	v2 =	vld [tilespmem:$0x1FDC0];
	_ =	sdelay $0x2  }
0x283: {  	v0 =	vld [tilespmem:s29+$0xFFFFFFC0];
	_ =	sdelay $0x4  }
0x284: {  	[tilespmem:v2+s18+$0x0] =	vst.idx.msk $0xffff, v0;
	v2 =	vld [tilespmem:$0x1FDD0];
	_ =	sdelay $0x2  }
0x285: {  	v0 =	vld [tilespmem:s29+$0xFFFFFFD0];
	_ =	sdelay $0x4  }
0x286: {  	[tilespmem:v2+s18+$0x0] =	vst.idx.msk $0xffff, v0;
	v2 =	vld [tilespmem:$0x1FDE0];
	_ =	sdelay $0x2  }
0x287: {  	v0 =	vld [tilespmem:s29+$0xFFFFFFD4];
	_ =	sdelay $0x4  }
0x288: {  	[tilespmem:v2+s18+$0x0] =	vst.idx.msk $0xffff, v0;
	v2 =	vld [tilespmem:$0x1FDF0];
	_ =	sdelay $0x2  }
0x289: {  	v0 =	vld [tilespmem:s29+$0x0];
	_ =	sdelay $0x4  }
0x28a: {  	[tilespmem:v2+s18+$0x0] =	vst.idx.msk $0xffff, v0;
	v2 =	vld [tilespmem:$0x1FE00];
	_ =	sdelay $0x2  }
0x28b: {  	v0 =	vld [tilespmem:s29+$0x10];
	_ =	sdelay $0x4  }
0x28c: {  	[tilespmem:v2+s18+$0x0] =	vst.idx.msk $0xffff, v0;
	v2 =	vld [tilespmem:$0x1FE10];
	_ =	sdelay $0x2  }
0x28d: {  	v0 =	vld [tilespmem:s29+$0x20];
	_ =	sdelay $0x4  }
0x28e: {  	[tilespmem:v2+s18+$0x0] =	vst.idx.msk $0xffff, v0;
	v2 =	vld [tilespmem:$0x1FE20];
	_ =	sdelay $0x2  }
0x28f: {  	v0 =	vld [tilespmem:s29+$0x30];
	_ =	sdelay $0x4  }
0x290: {  	[tilespmem:v2+s18+$0x0] =	vst.idx.msk $0xffff, v0;
	v2 =	vld [tilespmem:$0x1FE30];
	_ =	sdelay $0x2  }
0x291: {  	v0 =	vld [tilespmem:s29+$0x40];
	_ =	sdelay $0x4  }
0x292: {  	[tilespmem:v2+s18+$0x0] =	vst.idx.msk $0xffff, v0;
	v2 =	vld [tilespmem:$0x1FE50];
	_ =	sdelay $0x2  }
0x293: {  	v0 =	vld [tilespmem:s29+$0x50];
	_ =	sdelay $0x4  }
0x294: {  	[tilespmem:v2+s18+$0x0] =	vst.idx.msk $0xffff, v0;
	v2 =	vld [tilespmem:$0x1FA70];
	_ =	sdelay $0x2  }
0x295: {  	v0 =	vld [tilespmem:s29+$0x54];
	_ =	sdelay $0x4  }
0x296: {  	[tilespmem:v2+s18+$0x0] =	vst.idx.msk $0xffff, v0;
	v2 =	vld [tilespmem:$0x1FA80];
	_ =	sdelay $0x2  }
0x297: {  	v0 =	vld [tilespmem:s29+$0x80];
	_ =	sdelay $0x4  }
0x298: {  	[tilespmem:v2+s18+$0x0] =	vst.idx.msk $0xffff, v0;
	v2 =	vld [tilespmem:$0x1FA90];
	_ =	sdelay $0x2  }
0x299: {  	v0 =	vld [tilespmem:s29+$0x90];
	_ =	sdelay $0x4  }
0x29a: {  	[tilespmem:v2+s18+$0x0] =	vst.idx.msk $0xffff, v0;
	v2 =	vld [tilespmem:$0x1FAA0];
	_ =	sdelay $0x2  }
0x29b: {  	v0 =	vld [tilespmem:s29+$0xA0];
	_ =	sdelay $0x4  }
0x29c: {  	[tilespmem:v2+s18+$0x0] =	vst.idx.msk $0xffff, v0;
	v2 =	vld [tilespmem:$0x1FAB0];
	_ =	sdelay $0x2  }
0x29d: {  	v0 =	vld [tilespmem:s29+$0xB0];
	_ =	sdelay $0x4  }
0x29e: {  	[tilespmem:v2+s18+$0x0] =	vst.idx.msk $0xffff, v0;
	v2 =	vld [tilespmem:$0x1FAC0];
	_ =	sdelay $0x2  }
0x29f: {  	v0 =	vld [tilespmem:s29+$0xC0];
	_ =	sdelay $0x4  }
0x2a0: {  	[tilespmem:v2+s18+$0x0] =	vst.idx.msk $0xffff, v0;
	v2 =	vld [tilespmem:$0x1FAD0];
	_ =	sdelay $0x2  }
0x2a1: {  	v0 =	vld [tilespmem:s29+$0xD0];
	_ =	sdelay $0x4  }
0x2a2: {  	[tilespmem:v2+s18+$0x0] =	vst.idx.msk $0xffff, v0;
	v2 =	vld [tilespmem:$0x1FAE0];
	_ =	sdelay $0x2  }
0x2a3: {  	v0 =	vld [tilespmem:s29+$0xD4];
	_ =	sdelay $0x4  }
0x2a4: {  	[tilespmem:v2+s18+$0x0] =	vst.idx.msk $0xffff, v0;
	v2 =	vld [tilespmem:$0x1FAF0];
	_ =	sdelay $0x2  }
0x2a5: {  	v0 =	vld [tilespmem:s29+$0x100];
	_ =	sdelay $0x4  }
0x2a6: {  	[tilespmem:v2+s18+$0x0] =	vst.idx.msk $0xffff, v0;
	v2 =	vld [tilespmem:$0x1FB00];
	_ =	sdelay $0x2  }
0x2a7: {  	v0 =	vld [tilespmem:s29+$0x110];
	_ =	sdelay $0x4  }
0x2a8: {  	[tilespmem:v2+s18+$0x0] =	vst.idx.msk $0xffff, v0;
	v2 =	vld [tilespmem:$0x1FB10];
	_ =	sdelay $0x2  }
0x2a9: {  	v0 =	vld [tilespmem:s29+$0x120];
	_ =	sdelay $0x4  }
0x2aa: {  	[tilespmem:v2+s18+$0x0] =	vst.idx.msk $0xffff, v0;
	v2 =	vld [tilespmem:$0x1FB20];
	_ =	sdelay $0x2  }
0x2ab: {  	v0 =	vld [tilespmem:s29+$0x130];
	_ =	sdelay $0x4  }
0x2ac: {  	[tilespmem:v2+s18+$0x0] =	vst.idx.msk $0xffff, v0;
	v2 =	vld [tilespmem:$0x1FB30];
	_ =	sdelay $0x2  }
0x2ad: {  	v0 =	vld [tilespmem:s29+$0x140];
	_ =	sdelay $0x4  }
0x2ae: {  	[tilespmem:v2+s18+$0x0] =	vst.idx.msk $0xffff, v0;
	v2 =	vld [tilespmem:$0x1FB40];
	_ =	sdelay $0x2  }
0x2af: {  	v0 =	vld [tilespmem:s29+$0x150];
	_ =	sdelay $0x4  }
0x2b0: {  	[tilespmem:v2+s18+$0x0] =	vst.idx.msk $0xffff, v0;
	v2 =	vld [tilespmem:$0x1FB50];
	_ =	sdelay $0x2  }
0x2b1: {  	v0 =	vld [tilespmem:s29+$0x154];
	_ =	sdelay $0x4  }
0x2b2: {  	[tilespmem:v2+s18+$0x0] =	vst.idx.msk $0xffff, v0;
	v2 =	vld [tilespmem:$0x1FB60];
	_ =	sdelay $0x2  }
0x2b3: {  	v0 =	vld [tilespmem:s29+$0x180];
	_ =	sdelay $0x4  }
0x2b4: {  	[tilespmem:v2+s18+$0x0] =	vst.idx.msk $0xffff, v0;
	v2 =	vld [tilespmem:$0x1FB70];
	_ =	sdelay $0x2  }
0x2b5: {  	v0 =	vld [tilespmem:s29+$0x190];
	_ =	sdelay $0x4  }
0x2b6: {  	[tilespmem:v2+s18+$0x0] =	vst.idx.msk $0xffff, v0;
	v2 =	vld [tilespmem:$0x1FB80];
	_ =	sdelay $0x2  }
0x2b7: {  	v0 =	vld [tilespmem:s29+$0x1A0];
	_ =	sdelay $0x4  }
0x2b8: {  	[tilespmem:v2+s18+$0x0] =	vst.idx.msk $0xffff, v0;
	v2 =	vld [tilespmem:$0x1FB90];
	_ =	sdelay $0x2  }
0x2b9: {  	v0 =	vld [tilespmem:s29+$0x1B0];
	_ =	sdelay $0x4  }
0x2ba: {  	[tilespmem:v2+s18+$0x0] =	vst.idx.msk $0xffff, v0;
	v2 =	vld [tilespmem:$0x1FBA0];
	_ =	sdelay $0x2  }
0x2bb: {  	v0 =	vld [tilespmem:s29+$0x1C0];
	_ =	sdelay $0x4  }
0x2bc: {  	[tilespmem:v2+s18+$0x0] =	vst.idx.msk $0xffff, v0;
	v2 =	vld [tilespmem:$0x1FBB0];
	_ =	sdelay $0x2  }
0x2bd: {  	v0 =	vld [tilespmem:s29+$0x1D0];
	_ =	sdelay $0x4  }
0x2be: {  	[tilespmem:v2+s18+$0x0] =	vst.idx.msk $0xffff, v0;
	v2 =	vld [tilespmem:$0x1FBC0];
	_ =	sdelay $0x2  }
0x2bf: {  	v0 =	vld [tilespmem:s29+$0x1D4];
	_ =	sdelay $0x4  }
0x2c0: {  	[tilespmem:v2+s18+$0x0] =	vst.idx.msk $0xffff, v0;
	v2 =	vld [tilespmem:$0x1FBD0];
	_ =	sdelay $0x2  }
0x2c1: {  	v0 =	vld [tilespmem:s29+$0x200];
	_ =	sdelay $0x4  }
0x2c2: {  	[tilespmem:v2+s18+$0x0] =	vst.idx.msk $0xffff, v0;
	v2 =	vld [tilespmem:$0x1FBE0];
	_ =	sdelay $0x2  }
0x2c3: {  	v0 =	vld [tilespmem:s29+$0x210];
	_ =	sdelay $0x4  }
0x2c4: {  	[tilespmem:v2+s18+$0x0] =	vst.idx.msk $0xffff, v0;
	v2 =	vld [tilespmem:$0x1FBF0];
	_ =	sdelay $0x2  }
0x2c5: {  	v0 =	vld [tilespmem:s29+$0x220];
	_ =	sdelay $0x4  }
0x2c6: {  	[tilespmem:v2+s18+$0x0] =	vst.idx.msk $0xffff, v0;
	v2 =	vld [tilespmem:$0x1FC00];
	_ =	sdelay $0x2  }
0x2c7: {  	v0 =	vld [tilespmem:s29+$0x230];
	_ =	sdelay $0x4  }
0x2c8: {  	[tilespmem:v2+s18+$0x0] =	vst.idx.msk $0xffff, v0;
	v2 =	vld [tilespmem:$0x1FC10];
	_ =	sdelay $0x2  }
0x2c9: {  	v0 =	vld [tilespmem:s29+$0x240];
	_ =	sdelay $0x4  }
0x2ca: {  	[tilespmem:v2+s18+$0x0] =	vst.idx.msk $0xffff, v0;
	v2 =	vld [tilespmem:$0x1FC20];
	_ =	sdelay $0x2  }
0x2cb: {  	v0 =	vld [tilespmem:s29+$0x250];
	_ =	sdelay $0x4  }
0x2cc: {  	[tilespmem:v2+s18+$0x0] =	vst.idx.msk $0xffff, v0;
	v2 =	vld [tilespmem:$0x1FC30];
	_ =	sdelay $0x2  }
0x2cd: {  	v0 =	vld [tilespmem:s29+$0x254];
	_ =	sdelay $0x4  }
0x2ce: {  	[tilespmem:v2+s18+$0x0] =	vst.idx.msk $0xffff, v0;
	v2 =	vld [tilespmem:$0x1FC40];
	_ =	sdelay $0x2  }
0x2cf: {  	v0 =	vld [tilespmem:s29+$0x280];
	_ =	sdelay $0x4  }
0x2d0: {  	[tilespmem:v2+s18+$0x0] =	vst.idx.msk $0xffff, v0;
	v2 =	vld [tilespmem:$0x1FC50];
	_ =	sdelay $0x2  }
0x2d1: {  	v0 =	vld [tilespmem:s29+$0x290];
	_ =	sdelay $0x4  }
0x2d2: {  	[tilespmem:v2+s18+$0x0] =	vst.idx.msk $0xffff, v0;
	v2 =	vld [tilespmem:$0x1FC60];
	_ =	sdelay $0x2  }
0x2d3: {  	v0 =	vld [tilespmem:s29+$0x2A0];
	_ =	sdelay $0x4  }
0x2d4: {  	[tilespmem:v2+s18+$0x0] =	vst.idx.msk $0xffff, v0;
	v2 =	vld [tilespmem:$0x1FC70];
	_ =	sdelay $0x2  }
0x2d5: {  	v0 =	vld [tilespmem:s29+$0x2B0];
	_ =	sdelay $0x4  }
0x2d6: {  	[tilespmem:v2+s18+$0x0] =	vst.idx.msk $0xffff, v0;
	v2 =	vld [tilespmem:$0x1FC80];
	_ =	sdelay $0x2  }
0x2d7: {  	v0 =	vld [tilespmem:s29+$0x2C0];
	_ =	sdelay $0x4  }
0x2d8: {  	[tilespmem:v2+s18+$0x0] =	vst.idx.msk $0xffff, v0;
	v2 =	vld [tilespmem:$0x1FC90];
	_ =	sdelay $0x2  }
0x2d9: {  	v0 =	vld [tilespmem:s29+$0x2D0];
	_ =	sdelay $0x4  }
0x2da: {  	[tilespmem:v2+s18+$0x0] =	vst.idx.msk $0xffff, v0;
	v2 =	vld [tilespmem:$0x1FCA0];
	_ =	sdelay $0x2  }
0x2db: {  	v0 =	vld [tilespmem:s29+$0x2D4];
	_ =	sdelay $0x4  }
0x2dc: {  	[tilespmem:v2+s18+$0x0] =	vst.idx.msk $0xffff, v0  }
0x2dd: {  	v0 =	vld [tilespmem:s29+$0x300];
	_ =	sdelay $0x4  }
0x2de: {  	[tilespmem:v39+s18+$0x0] =	vst.idx.msk $0xffff, v0  }
0x2df: {  	v0 =	vld [tilespmem:s29+$0x310];
	_ =	sdelay $0x4  }
0x2e0: {  	[tilespmem:v40+s18+$0x0] =	vst.idx.msk $0xffff, v0  }
0x2e1: {  	v0 =	vld [tilespmem:s29+$0x320];
	_ =	sdelay $0x4  }
0x2e2: {  	[tilespmem:v41+s18+$0x0] =	vst.idx.msk $0xffff, v0  }
0x2e3: {  	v0 =	vld [tilespmem:s29+$0x330];
	_ =	sdelay $0x4  }
0x2e4: {  	[tilespmem:v42+s18+$0x0] =	vst.idx.msk $0xffff, v0  }
0x2e5: {  	v0 =	vld [tilespmem:s29+$0x340];
	_ =	sdelay $0x4  }
0x2e6: {  	[tilespmem:v43+s18+$0x0] =	vst.idx.msk $0xffff, v0  }
0x2e7: {  	v0 =	vld [tilespmem:s29+$0x350];
	_ =	sdelay $0x4  }
0x2e8: {  	[tilespmem:v44+s18+$0x0] =	vst.idx.msk $0xffff, v0  }
0x2e9: {  	v0 =	vld [tilespmem:s29+$0x354];
	_ =	sdelay $0x4  }
0x2ea: {  	[tilespmem:v45+s18+$0x0] =	vst.idx.msk $0xffff, v0  }
0x2eb: {  	v0 =	vld [tilespmem:s29+$0x380];
	_ =	sdelay $0x4  }
0x2ec: {  	[tilespmem:v46+s18+$0x0] =	vst.idx.msk $0xffff, v0  }
0x2ed: {  	v0 =	vld [tilespmem:s29+$0x390];
	_ =	sdelay $0x4  }
0x2ee: {  	[tilespmem:v47+s18+$0x0] =	vst.idx.msk $0xffff, v0  }
0x2ef: {  	v0 =	vld [tilespmem:s29+$0x3A0];
	_ =	sdelay $0x4  }
0x2f0: {  	[tilespmem:v48+s18+$0x0] =	vst.idx.msk $0xffff, v0  }
0x2f1: {  	v0 =	vld [tilespmem:s29+$0x3B0];
	_ =	sdelay $0x4  }
0x2f2: {  	[tilespmem:v49+s18+$0x0] =	vst.idx.msk $0xffff, v0  }
0x2f3: {  	v0 =	vld [tilespmem:s29+$0x3C0];
	_ =	sdelay $0x4  }
0x2f4: {  	[tilespmem:v50+s18+$0x0] =	vst.idx.msk $0xffff, v0  }
0x2f5: {  	v0 =	vld [tilespmem:s29+$0x3D0];
	_ =	sdelay $0x4  }
0x2f6: {  	[tilespmem:v51+s18+$0x0] =	vst.idx.msk $0xffff, v0  }
0x2f7: {  	v0 =	vld [tilespmem:s29+$0x3D4];
	_ =	sdelay $0x4  }
0x2f8: {  	[tilespmem:v52+s18+$0x0] =	vst.idx.msk $0xffff, v0  }
0x2f9: {  	v0 =	vld [tilespmem:$0x10200]  }
0x2fa: {  	v2 =	vld [tilespmem:$0x10210]  }
0x2fb: {  	v3 =	vld [tilespmem:$0x10220]  }
0x2fc: {  	v4 =	vld [tilespmem:$0x10230]  }
0x2fd: {  	v5 =	vld [tilespmem:$0x10240]  }
0x2fe: {  	v6 =	vld [tilespmem:$0x10250]  }
0x2ff: {  	v8 =	vld [tilespmem:$0x10260]  }
0x300: {  	v10 =	vld [tilespmem:$0x10270]  }
0x301: {  	v12 =	vld [tilespmem:$0x10280]  }
0x302: {  	v14 =	vld [tilespmem:$0x10290]  }
0x303: {  	v16 =	vld [tilespmem:$0x102A0];
	v7 =	vmax.f32 v0, v2  }
0x304: {  	v18 =	vld [tilespmem:$0x102B0];
	v9 =	vmax.f32 v7, v3  }
0x305: {  	v20 =	vld [tilespmem:$0x102C0];
	v11 =	vmax.f32 v9, v4  }
0x306: {  	v22 =	vld [tilespmem:$0x102D0];
	v13 =	vmax.f32 v11, v5  }
0x307: {  	v56 =	vld [tilespmem:$0x102E0];
	v15 =	vmax.f32 v13, v6  }
0x308: {  	v58 =	vld [tilespmem:$0x102F0];
	v17 =	vmax.f32 v15, v8  }
0x309: {  	v60 =	vld [tilespmem:$0x10300];
	v19 =	vmax.f32 v17, v10  }
0x30a: {  	v62 =	vld [tilespmem:$0x10310];
	v21 =	vmax.f32 v19, v12  }
0x30b: {  	v24 =	vld [tilespmem:$0x10320];
	v23 =	vmax.f32 v21, v14  }
0x30c: {  	v26 =	vld [tilespmem:$0x10330];
	v57 =	vmax.f32 v23, v16  }
0x30d: {  	v28 =	vld [tilespmem:$0x10340];
	v59 =	vmax.f32 v57, v18  }
0x30e: {  	v29 =	vimm.s32 $0x0;
	vm0 =	vgt.f32 v2, v0;
	v2 =	vld [tilespmem:$0x10350];
	v61 =	vmax.f32 v59, v20  }
0x30f: {  	v29 =	vsel vm0, $0x1, v29;
	vm13 =	vgt.f32 v3, v7;
	v7 =	vld [tilespmem:$0x10360];
	v63 =	vmax.f32 v61, v22  }
0x310: {  	v29 =	vsel vm13, $0x2, v29;
	vm14 =	vgt.f32 v4, v9;
	v9 =	vld [tilespmem:$0x10370];
	v25 =	vmax.f32 v63, v56  }
0x311: {  	v29 =	vsel vm14, $0x3, v29;
	vm15 =	vgt.f32 v5, v11;
	v11 =	vld [tilespmem:$0x10380];
	v27 =	vmax.f32 v25, v58  }
0x312: {  	v29 =	vsel vm15, $0x4, v29;
	vm4 =	vgt.f32 v6, v13;
	v13 =	vld [tilespmem:$0x10390];
	v0 =	vmax.f32 v27, v60  }
0x313: {  	v29 =	vsel vm4, $0x5, v29;
	vm5 =	vgt.f32 v8, v15;
	v15 =	vld [tilespmem:$0x103A0];
	v3 =	vmax.f32 v0, v62  }
0x314: {  	v29 =	vsel vm5, $0x6, v29;
	vm6 =	vgt.f32 v10, v17;
	v17 =	vld [tilespmem:$0x103B0];
	v4 =	vmax.f32 v3, v24  }
0x315: {  	v29 =	vsel vm6, $0x7, v29;
	vm7 =	vgt.f32 v12, v19;
	v19 =	vld [tilespmem:$0x103C0];
	v5 =	vmax.f32 v4, v26  }
0x316: {  	v29 =	vsel vm7, $0x8, v29;
	vm8 =	vgt.f32 v14, v21;
	v21 =	vld [tilespmem:$0x103D0];
	v6 =	vmax.f32 v5, v28  }
0x317: {  	v29 =	vsel vm8, $0x9, v29;
	vm9 =	vgt.f32 v16, v23;
	v23 =	vld [tilespmem:$0x103E0];
	v8 =	vmax.f32 v6, v2  }
0x318: {  	v29 =	vsel vm9, $0xA, v29;
	vm10 =	vgt.f32 v18, v57;
	v57 =	vld [tilespmem:$0x103F0];
	v10 =	vmax.f32 v8, v7  }
0x319: {  	v29 =	vsel vm10, $0xB, v29;
	vm11 =	vgt.f32 v20, v59;
	v59 =	vld [tilespmem:$0x10400];
	v12 =	vmax.f32 v10, v9  }
0x31a: {  	v29 =	vsel vm11, $0xC, v29;
	vm12 =	vgt.f32 v22, v61;
	v61 =	vld [tilespmem:$0x10410];
	v14 =	vmax.f32 v12, v11  }
0x31b: {  	v29 =	vsel vm12, $0xD, v29;
	vm13 =	vgt.f32 v56, v63;
	v63 =	vld [tilespmem:$0x10420];
	v16 =	vmax.f32 v14, v13  }
0x31c: {  	v29 =	vsel vm13, $0xE, v29;
	vm14 =	vgt.f32 v58, v25;
	v58 =	vld [tilespmem:$0x10430];
	v18 =	vmax.f32 v16, v15  }
0x31d: {  	v29 =	vsel vm14, $0xF, v29;
	vm15 =	vgt.f32 v60, v27;
	v60 =	vld [tilespmem:$0x10440];
	v20 =	vmax.f32 v18, v17  }
0x31e: {  	v29 =	vsel vm15, $0x10, v29;
	vm4 =	vgt.f32 v62, v0;
	v62 =	vld [tilespmem:$0x10450];
	v22 =	vmax.f32 v20, v19  }
0x31f: {  	v29 =	vsel vm4, $0x11, v29;
	vm5 =	vgt.f32 v24, v3;
	v24 =	vld [tilespmem:$0x10460];
	v56 =	vmax.f32 v22, v21  }
0x320: {  	v29 =	vsel vm5, $0x12, v29;
	vm6 =	vgt.f32 v26, v4;
	v26 =	vld [tilespmem:$0x10470];
	v25 =	vmax.f32 v56, v23  }
0x321: {  	v29 =	vsel vm6, $0x13, v29;
	vm7 =	vgt.f32 v28, v5;
	v28 =	vld [tilespmem:$0x10480];
	v27 =	vmax.f32 v25, v57  }
0x322: {  	v29 =	vsel vm7, $0x14, v29;
	vm8 =	vgt.f32 v2, v6;
	v6 =	vld [tilespmem:$0x10490];
	v0 =	vmax.f32 v27, v59  }
0x323: {  	v29 =	vsel vm8, $0x15, v29;
	vm9 =	vgt.f32 v7, v8;
	v8 =	vld [tilespmem:$0x104A0];
	v3 =	vmax.f32 v0, v61  }
0x324: {  	v29 =	vsel vm9, $0x16, v29;
	vm10 =	vgt.f32 v9, v10;
	v10 =	vld [tilespmem:$0x104B0];
	v4 =	vmax.f32 v3, v63  }
0x325: {  	v29 =	vsel vm10, $0x17, v29;
	vm11 =	vgt.f32 v11, v12;
	v12 =	vld [tilespmem:$0x104C0];
	v5 =	vmax.f32 v4, v58  }
0x326: {  	v29 =	vsel vm11, $0x18, v29;
	vm12 =	vgt.f32 v13, v14;
	v14 =	vld [tilespmem:$0x104D0];
	v2 =	vmax.f32 v5, v60  }
0x327: {  	v29 =	vsel vm12, $0x19, v29;
	vm13 =	vgt.f32 v15, v16;
	v16 =	vld [tilespmem:$0x104E0];
	v7 =	vmax.f32 v2, v62  }
0x328: {  	v29 =	vsel vm13, $0x1A, v29;
	vm14 =	vgt.f32 v17, v18;
	v18 =	vld [tilespmem:$0x104F0];
	v9 =	vmax.f32 v7, v24  }
0x329: {  	v29 =	vsel vm14, $0x1B, v29;
	vm15 =	vgt.f32 v19, v20;
	v20 =	vld [tilespmem:$0x10500];
	v11 =	vmax.f32 v9, v26  }
0x32a: {  	v29 =	vsel vm15, $0x1C, v29;
	vm4 =	vgt.f32 v21, v22;
	v22 =	vld [tilespmem:$0x10510];
	v13 =	vmax.f32 v11, v28  }
0x32b: {  	v29 =	vsel vm4, $0x1D, v29;
	vm5 =	vgt.f32 v23, v56;
	v56 =	vld [tilespmem:$0x10520];
	v15 =	vmax.f32 v13, v6  }
0x32c: {  	v29 =	vsel vm5, $0x1E, v29;
	vm6 =	vgt.f32 v57, v25;
	v57 =	vld [tilespmem:$0x10530];
	v17 =	vmax.f32 v15, v8  }
0x32d: {  	v29 =	vsel vm6, $0x1F, v29;
	vm7 =	vgt.f32 v59, v27;
	v59 =	vld [tilespmem:$0x10540];
	v19 =	vmax.f32 v17, v10  }
0x32e: {  	v29 =	vsel vm7, $0x20, v29;
	vm8 =	vgt.f32 v61, v0;
	v61 =	vld [tilespmem:$0x10550];
	v21 =	vmax.f32 v19, v12  }
0x32f: {  	v29 =	vsel vm8, $0x21, v29;
	vm9 =	vgt.f32 v63, v3;
	v63 =	vld [tilespmem:$0x10560];
	v23 =	vmax.f32 v21, v14  }
0x330: {  	v29 =	vsel vm9, $0x22, v29;
	vm10 =	vgt.f32 v58, v4;
	v58 =	vld [tilespmem:$0x10570];
	v25 =	vmax.f32 v23, v16  }
0x331: {  	v29 =	vsel vm10, $0x23, v29;
	vm11 =	vgt.f32 v60, v5;
	v60 =	vld [tilespmem:$0x10580];
	v27 =	vmax.f32 v25, v18  }
0x332: {  	v29 =	vsel vm11, $0x24, v29;
	vm12 =	vgt.f32 v62, v2;
	v62 =	vld [tilespmem:$0x10590];
	v0 =	vmax.f32 v27, v20  }
0x333: {  	v29 =	vsel vm12, $0x25, v29;
	vm13 =	vgt.f32 v24, v7;
	v24 =	vld [tilespmem:$0x105A0];
	v3 =	vmax.f32 v0, v22  }
0x334: {  	v29 =	vsel vm13, $0x26, v29;
	vm14 =	vgt.f32 v26, v9;
	v26 =	vld [tilespmem:$0x105B0];
	v4 =	vmax.f32 v3, v56  }
0x335: {  	v29 =	vsel vm14, $0x27, v29;
	vm15 =	vgt.f32 v28, v11;
	v28 =	vld [tilespmem:$0x105C0];
	v5 =	vmax.f32 v4, v57  }
0x336: {  	v29 =	vsel vm15, $0x28, v29;
	vm4 =	vgt.f32 v6, v13;
	v13 =	vld [tilespmem:$0x105D0];
	v2 =	vmax.f32 v5, v59  }
0x337: {  	v29 =	vsel vm4, $0x29, v29;
	vm5 =	vgt.f32 v8, v15;
	v15 =	vld [tilespmem:$0x105E0];
	v7 =	vmax.f32 v2, v61  }
0x338: {  	v29 =	vsel vm5, $0x2A, v29;
	vm6 =	vgt.f32 v10, v17;
	v17 =	vld [tilespmem:$0x105F0];
	v9 =	vmax.f32 v7, v63  }
0x339: {  	v29 =	vsel vm6, $0x2B, v29;
	vm7 =	vgt.f32 v12, v19;
	v19 =	vld [tilespmem:$0x10600];
	v11 =	vmax.f32 v9, v58  }
0x33a: {  	v29 =	vsel vm7, $0x2C, v29;
	vm8 =	vgt.f32 v14, v21;
	v21 =	vld [tilespmem:$0x10610];
	v6 =	vmax.f32 v11, v60  }
0x33b: {  	v29 =	vsel vm8, $0x2D, v29;
	vm9 =	vgt.f32 v16, v23;
	v23 =	vld [tilespmem:$0x10620];
	v8 =	vmax.f32 v6, v62  }
0x33c: {  	v29 =	vsel vm9, $0x2E, v29;
	vm10 =	vgt.f32 v18, v25;
	v25 =	vld [tilespmem:$0x10630];
	v10 =	vmax.f32 v8, v24  }
0x33d: {  	v29 =	vsel vm10, $0x2F, v29;
	vm11 =	vgt.f32 v20, v27;
	v27 =	vld [tilespmem:$0x10640];
	v12 =	vmax.f32 v10, v26  }
0x33e: {  	v29 =	vsel vm11, $0x30, v29;
	vm12 =	vgt.f32 v22, v0;
	v22 =	vld [tilespmem:$0x10650];
	v14 =	vmax.f32 v12, v28  }
0x33f: {  	v29 =	vsel vm12, $0x31, v29;
	vm13 =	vgt.f32 v56, v3;
	v56 =	vld [tilespmem:$0x10660];
	v16 =	vmax.f32 v14, v13  }
0x340: {  	v29 =	vsel vm13, $0x32, v29;
	vm14 =	vgt.f32 v57, v4;
	v57 =	vld [tilespmem:$0x10670];
	v18 =	vmax.f32 v16, v15  }
0x341: {  	v29 =	vsel vm14, $0x33, v29;
	vm15 =	vgt.f32 v59, v5;
	v59 =	vld [tilespmem:$0x10680];
	v20 =	vmax.f32 v18, v17  }
0x342: {  	v29 =	vsel vm15, $0x34, v29;
	vm4 =	vgt.f32 v61, v2;
	v61 =	vld [tilespmem:$0x10690];
	v0 =	vmax.f32 v20, v19  }
0x343: {  	v29 =	vsel vm4, $0x35, v29;
	vm5 =	vgt.f32 v63, v7;
	v63 =	vld [tilespmem:$0x106A0];
	v3 =	vmax.f32 v0, v21  }
0x344: {  	v29 =	vsel vm5, $0x36, v29;
	vm6 =	vgt.f32 v58, v9;
	v58 =	vld [tilespmem:$0x106B0];
	v4 =	vmax.f32 v3, v23  }
0x345: {  	v29 =	vsel vm6, $0x37, v29;
	vm7 =	vgt.f32 v60, v11;
	v60 =	vld [tilespmem:$0x106C0];
	v5 =	vmax.f32 v4, v25  }
0x346: {  	v29 =	vsel vm7, $0x38, v29;
	vm8 =	vgt.f32 v62, v6;
	v62 =	vld [tilespmem:$0x106D0];
	v2 =	vmax.f32 v5, v27  }
0x347: {  	v29 =	vsel vm8, $0x39, v29;
	vm9 =	vgt.f32 v24, v8;
	v24 =	vld [tilespmem:$0x106E0];
	v7 =	vmax.f32 v2, v22  }
0x348: {  	v29 =	vsel vm9, $0x3A, v29;
	vm10 =	vgt.f32 v26, v10;
	v26 =	vld [tilespmem:$0x106F0];
	v9 =	vmax.f32 v7, v56  }
0x349: {  	v29 =	vsel vm10, $0x3B, v29;
	vm11 =	vgt.f32 v28, v12;
	v28 =	vld [tilespmem:$0x10700];
	v11 =	vmax.f32 v9, v57  }
0x34a: {  	v29 =	vsel vm11, $0x3C, v29;
	vm12 =	vgt.f32 v13, v14;
	v14 =	vld [tilespmem:$0x10710];
	v6 =	vmax.f32 v11, v59  }
0x34b: {  	v29 =	vsel vm12, $0x3D, v29;
	vm13 =	vgt.f32 v15, v16;
	v16 =	vld [tilespmem:$0x10720];
	v8 =	vmax.f32 v6, v61  }
0x34c: {  	v29 =	vsel vm13, $0x3E, v29;
	vm14 =	vgt.f32 v17, v18;
	v18 =	vld [tilespmem:$0x10730];
	v10 =	vmax.f32 v8, v63  }
0x34d: {  	v29 =	vsel vm14, $0x3F, v29;
	vm15 =	vgt.f32 v19, v20;
	v20 =	vld [tilespmem:$0x10740];
	v12 =	vmax.f32 v10, v58  }
0x34e: {  	v29 =	vsel vm15, $0x40, v29;
	vm4 =	vgt.f32 v21, v0;
	v21 =	vld [tilespmem:$0x10750];
	v13 =	vmax.f32 v12, v60  }
0x34f: {  	v29 =	vsel vm4, $0x41, v29;
	vm5 =	vgt.f32 v23, v3;
	v23 =	vld [tilespmem:$0x10760];
	v15 =	vmax.f32 v13, v62  }
0x350: {  	v29 =	vsel vm5, $0x42, v29;
	vm6 =	vgt.f32 v25, v4;
	v25 =	vld [tilespmem:$0x10770];
	v17 =	vmax.f32 v15, v24  }
0x351: {  	v29 =	vsel vm6, $0x43, v29;
	vm7 =	vgt.f32 v27, v5;
	v27 =	vld [tilespmem:$0x10780];
	v19 =	vmax.f32 v17, v26  }
0x352: {  	v29 =	vsel vm7, $0x44, v29;
	vm8 =	vgt.f32 v22, v2;
	v22 =	vld [tilespmem:$0x10790];
	v0 =	vmax.f32 v19, v28  }
0x353: {  	v29 =	vsel vm8, $0x45, v29;
	vm9 =	vgt.f32 v56, v7;
	v56 =	vld [tilespmem:$0x107A0];
	v3 =	vmax.f32 v0, v14  }
0x354: {  	v29 =	vsel vm9, $0x46, v29;
	vm10 =	vgt.f32 v57, v9;
	v57 =	vld [tilespmem:$0x107B0];
	v4 =	vmax.f32 v3, v16  }
0x355: {  	v29 =	vsel vm10, $0x47, v29;
	vm11 =	vgt.f32 v59, v11;
	v59 =	vld [tilespmem:$0x107C0];
	v5 =	vmax.f32 v4, v18  }
0x356: {  	v29 =	vsel vm11, $0x48, v29;
	vm12 =	vgt.f32 v61, v6;
	v61 =	vld [tilespmem:$0x107D0];
	v2 =	vmax.f32 v5, v20  }
0x357: {  	v29 =	vsel vm12, $0x49, v29;
	vm13 =	vgt.f32 v63, v8;
	v63 =	vld [tilespmem:$0x107E0];
	v7 =	vmax.f32 v2, v21  }
0x358: {  	v29 =	vsel vm13, $0x4A, v29;
	vm14 =	vgt.f32 v58, v10;
	v58 =	vld [tilespmem:$0x107F0];
	v9 =	vmax.f32 v7, v23  }
0x359: {  	v29 =	vsel vm14, $0x4B, v29;
	vm15 =	vgt.f32 v60, v12;
	v60 =	vld [tilespmem:$0x10800];
	v11 =	vmax.f32 v9, v25  }
0x35a: {  	v29 =	vsel vm15, $0x4C, v29;
	vm4 =	vgt.f32 v62, v13;
	v62 =	vld [tilespmem:$0x10810];
	v6 =	vmax.f32 v11, v27  }
0x35b: {  	v29 =	vsel vm4, $0x4D, v29;
	vm5 =	vgt.f32 v24, v15;
	v24 =	vld [tilespmem:$0x10820];
	v8 =	vmax.f32 v6, v22  }
0x35c: {  	v29 =	vsel vm5, $0x4E, v29;
	vm6 =	vgt.f32 v26, v17;
	v26 =	vld [tilespmem:$0x10830];
	v10 =	vmax.f32 v8, v56  }
0x35d: {  	vm1 =	vgt.f32 v28, v19;
	v19 =	vsel vm6, $0x4F, v29;
	v29 =	vld [tilespmem:$0x1FFF0];
	v12 =	vmax.f32 v10, v57  }
0x35e: {  	vm7 =	vgt.f32 v14, v0;
	v0 =	vsel vm1, $0x50, v19;
	v19 =	vld [tilespmem:$0x1FF50];
	v13 =	vmax.f32 v12, v59  }
0x35f: {  	vm8 =	vgt.f32 v16, v3;
	v16 =	vld [tilespmem:$0x1FF20];
	v15 =	vmax.f32 v13, v61  }
0x360: {  	vm9 =	vgt.f32 v18, v4;
	v18 =	vld [tilespmem:$0x1FF40];
	v17 =	vmax.f32 v15, v63  }
0x361: {  	v0 =	vsel vm7, $0x51, v0;
	vm10 =	vgt.f32 v20, v5;
	v20 =	vld [tilespmem:$0x1FF60];
	v28 =	vmax.f32 v17, v58  }
0x362: {  	v0 =	vsel vm8, $0x52, v0;
	vm11 =	vgt.f32 v21, v2;
	v21 =	vld [tilespmem:$0x1FF70];
	v14 =	vmax.f32 v28, v60  }
0x363: {  	v0 =	vsel vm9, $0x53, v0;
	vm12 =	vgt.f32 v23, v7;
	v23 =	vld [tilespmem:$0x1FF90];
	v3 =	vmax.f32 v14, v62  }
0x364: {  	v0 =	vsel vm10, $0x54, v0;
	vm2 =	vgt.f32 v25, v9;
	v25 =	vld [tilespmem:$0x1FFB0];
	v4 =	vmax.f32 v3, v24  }
0x365: {  	v0 =	vsel vm11, $0x55, v0;
	v9 =	vld [tilespmem:$0x1FEB0];
	v5 =	vmax.f32 v4, v26  }
0x366: {  	v0 =	vsel vm12, $0x56, v0;
	vm13 =	vgt.f32 v27, v11;
	v27 =	vld [tilespmem:$0x1FFD0];
	v2 =	vmul.f32 $3.000000000e+01, v5  }
0x367: {  	v11 =	vld [tilespmem:$0x1FED0];
	v0 =	vsel vm2, $0x57, v0;
	vm15 =	vgt.f32 v22, v6  }
0x368: {  	v22 =	vld [tilespmem:$0x1FF80];
	v0 =	vsel vm13, $0x58, v0;
	v6 =	vimm.s32 $0x0;
	v7 =	vtrunc.f32 v2  }
0x369: {  	vm4 =	vgt.f32 v56, v8;
	v8 =	vld [tilespmem:$0x1FE40];
	vm14 =	vgt.f32 v2, v7;
	v2 =	vcvt.f32.s32 v7  }
0x36a: {  	v0 =	vsel vm15, $0x59, v0;
	vm5 =	vgt.f32 v57, v10;
	v10 =	vld [tilespmem:$0x1FEC0];
	v6 =	vsel vm14, $0x1, v6  }
0x36b: {  	v0 =	vsel vm4, $0x5A, v0;
	vm6 =	vgt.f32 v59, v12;
	v12 =	vld [tilespmem:$0x1FEE0];
	v2 =	vadd.s32 v6, v2  }
0x36c: {  	v0 =	vsel vm5, $0x5B, v0;
	vm8 =	vgt.f32 v61, v13;
	v13 =	vld [tilespmem:$0x1FEF0];
	v2 =	vadd.s32 $0xFFFFFFFF, v2  }
0x36d: {  	v0 =	vsel vm6, $0x5C, v0;
	vm9 =	vgt.f32 v63, v15;
	v15 =	vld [tilespmem:$0x1FF10];
	vm7 =	vgt.s32 v2, $0x0  }
0x36e: {  	v0 =	vsel vm8, $0x5D, v0;
	vm10 =	vgt.f32 v58, v17;
	v17 =	vld [tilespmem:$0x1FF30];
	v2 =	vnsel vm7, $0x0, v2  }
0x36f: {  	s30 =	sshra.s32 s28, $0x2;
	v0 =	vsel vm9, $0x5E, v0;
	vm11 =	vgt.f32 v60, v28;
	v28 =	vld [tilespmem:$0x1FFE0];
	v2 =	vmin.u32 v2, $0x1D  }
0x370: {  	v0 =	vsel vm10, $0x5F, v0;
	v7 =	vld [tilespmem:s30+$0x10100];
	v6 =	vor.u32 v53, v2  }
0x371: {  	vm12 =	vgt.f32 v62, v14;
	v14 =	vld [tilespmem:$0x1FF00];
	v0 =	vsel vm11, $0x60, v0;
	v6 =	vand.u32 v8, v6  }
0x372: {  	vm13 =	vgt.f32 v24, v3;
	v24 =	vld [tilespmem:$0x1FFA0];
	v0 =	vsel vm12, $0x61, v0  }
0x373: {  	v0 =	vsel vm13, $0x62, v0;
	vm14 =	vgt.f32 v26, v4;
	v26 =	vld [tilespmem:$0x1FFC0];
	v8 =	vor.u32 v54, v2  }
0x374: {  	v4 =	vld [tilespmem:$0x1FE60];
	v0 =	vsel vm14, $0x63, v0  }
0x375: {  	vm15 =	veq.s32 v0, v7;
	v7 =	vld [tilespmem:$0x1FE90];
	v0 =	vimm.f32 $1.000000000e+00  }
0x376: {  	p0 =	sne.s32 s28, $0x3C0;
	v2 =	vor.u32 v55, v2;
	[tilespmem:v6+s19+$0x0] =	vst.idx.add.f32.msk $0xffff, v0  }
.Ltmp1:
0x377: {  	v6 =	vld [tilespmem:$0x1FE80];
	(pc) =	sbr.rel @p0 .LBB2_5-.Ltmp1, $4  }
0x378: {  	[tilespmem:v8+s19+$0x0] =	vst.idx.add.f32.msk $0xffff, v5  }
0x379: {  	v3 =	vimm.s32 $0x0;
	v8 =	vld [tilespmem:$0x1FEA0]  }
0x37a: {  	v56 =	vmovc v31;
	v57 =	vmovc v32;
	v59 =	vmov v34;
	v61 =	vmov v36;
	v0 =	vsel vm15, $0x3F800000, v3;
	v5 =	vld [tilespmem:$0x1FE70]  }
0x37b: {  	s28 =	sadd.s32 $0x40, s28;
	s29 =	sadd.s32 $0x800, s29;
	v63 =	vmovc v38;
	v58 =	vmovc v33;
	v60 =	vmov v35;
	v62 =	vmov v37;
	[tilespmem:v2+s19+$0x0] =	vst.idx.add.f32.msk $0xffff, v0;
	v2 =	vmov v30  }
0x37c: {  	s26 =	sadd.s32 $0x1, s26  }
0x37d: {  	p0 =	sne.s32 s26, $0x1F  }
.Ltmp2:
0x37e: {  	_ = 	snop;
	(pc) =	sbr.rel @p0 .LBB2_2-.Ltmp2, $1  }
0x37f: {  	_ =	sdelay $0x3  }
0x380: {  	s25 =	sadd.s32 $0x1, s25  }
0x381: {  	p0 =	sne.s32 s25, s12  }
.Ltmp3:
0x382: {  	_ = 	snop;
	(pc) =	sbr.rel @p0 .LBB2_1-.Ltmp3, $4  }
0x383: {  	[hbm4b:s11+s22] =	stream.strided.scatter [tilespmem:s19], [sflag:$0x5], $0x600, s23, s22, $0x38;
	[tilespmem:$0x10E80] =	vst v63  }
0x384: {  	_ =	swait.ge [sflag:s24], $0x600  }
0x385: {  	[sflag:s24] =	ssyncset.done $0x0  }
0x386: {  	[sflag:s24] =	ssyncadd.s32 $0xFFFFFA00  }
0x387: {  	_ =	sfence.sel $0x180000  }
0x388: {  	[bflag:$0x0] =	sbarrier.arrive $0xFFFF  }
0x389: {  	p0 =	sne.s32 s1, $0x0;
	_ =	strace $0x90000047  }
0x38a: {  	s0 =	sadd.s32 @!p0 $0x100000, s2;
	[bflag:$0x2] =	sbarrier.arrive $0xFFFF  }
0x38b: {  	[sflag:s0] =	ssyncadd.tile.s32 @!p0 $0x1;
	_ =	shalt  }
.Lfunc_end2:
_tile_overlayer_lowered:
.L_overlay_start_2:
0x38c: {  	(tag) =	ssettag $0x2  }
0x38d: {  	s0 =	rddreg [dreg:$0x0];
	s2 =	stileid.u32  }
0x38e: {  	s1 =	rddreg [dreg:$0x1];
	p0 =	sne.s32 s2, $0x0  }
0x38f: {  	s3 =	rddreg [dreg:$0x2];
	[bflag:$0x3] =	sbarrier.arrive $0xFFFF;
	s2 =	simm.s32 @!p0 $0x1C05  }
0x390: {  	[timem:s3], [sflag:s2] =	dma.local @!p0 [hbm:s0], s1  }
0x391: {  	s0 =	simm.s32 @!p0 $0x5  }
0x392: {  	_ =	swait.ge @!p0 [sflag:s0], s1  }
0x393: {  	s1 =	ssub.s32 @!p0 $0x0, s1;
	[sflag:s0] =	ssyncset.done @!p0 $0x0  }
0x394: {  	[sflag:s0] =	ssyncadd.s32 @!p0 s1  }
0x395: {  	[bflag:$0x3] =	sbarrier.arrive $0xFFFF  }
0x396: {  	_ =	shalt  }

</sc_bundles>
